<compile_context>
chip_gen: v7x
topology: tpu7x:2x2x1
jax: 0.10.2.dev20260603
libtpu: 0.0.44.dev20260713+nightly
codegen_flags: <defaults>
</compile_context>

<pallas_src>
import functools

import jax
import jax.numpy as jnp
from jax import lax
from jax.experimental import pallas as pl
from jax.experimental.pallas import tpu as pltpu
from jax.experimental.pallas import tpu_sc as plsc

N_NODES = 10000
N_EDGES = 160000
N_UNARY = 128

NTILES = 16
SPAN = 640
SPAN_LAST = N_NODES - 15 * SPAN
NPAD = NTILES * SPAN
TFLAT = NPAD * 4
EHALF = N_EDGES // 2
EPT = EHALF // NTILES
EC = 200
NCHUNK = EPT // EC
GPC = EC * 4 // 16
NSLICE = 16
SLICE_N = NPAD // NSLICE
PORT_N = SLICE_N // NTILES
PORT_W = PORT_N * 4
DHALF = NSLICE * PORT_W
SENT = 1e30
MASK_HI = -65536


def _build_sc():
    mesh = plsc.VectorSubcoreMesh(core_axis_name="c", subcore_axis_name="s")

    @functools.partial(
        pl.kernel,
        mesh=mesh,
        compiler_params=pltpu.CompilerParams(needs_layout_passes=False),
        out_type=[
            jax.ShapeDtypeStruct((NPAD * 8,), jnp.float32),
            jax.ShapeDtypeStruct((NPAD * 8,), jnp.float32),
            jax.ShapeDtypeStruct((N_EDGES * 4,), jnp.float32),
        ],
        scratch_types=[
            pltpu.VMEM((NPAD * 2,), jnp.int32),
            pltpu.VMEM((TFLAT,), jnp.float32),
            pltpu.VMEM((TFLAT,), jnp.float32),
            pltpu.VMEM((5120,), jnp.float32),
            pltpu.VMEM((2 * DHALF,), jnp.float32),
            pltpu.VMEM((SPAN * 2,), jnp.int32),
            pltpu.VMEM((NTILES * PORT_W,), jnp.float32),
            pltpu.VMEM((EC,), jnp.int32),
            pltpu.VMEM((EC,), jnp.int32),
            pltpu.VMEM((EC,), jnp.float32),
            pltpu.VMEM((EC * 4,), jnp.float32),
            pltpu.VMEM((EC * 4,), jnp.float32),
            pltpu.VMEM((EC,), jnp.int32),
            pltpu.VMEM((EC,), jnp.int32),
            pltpu.VMEM((EC,), jnp.float32),
            pltpu.VMEM((EC * 4,), jnp.float32),
            pltpu.VMEM((EC * 4,), jnp.float32),
            pltpu.VMEM((16,), jnp.float32),
            pltpu.VMEM((16,), jnp.float32),
            pltpu.VMEM_SHARED((NTILES * SPAN * 2,), jnp.int32),
            pltpu.VMEM_SHARED((NTILES * 2 * NTILES * PORT_W,), jnp.float32),
            pltpu.SemaphoreType.DMA,
            pltpu.SemaphoreType.DMA,
            pltpu.SemaphoreType.DMA,
        ],
    )
    def k(u16f, idx1, idx2, ew, binary, wlane, wb16, out_d0, out_d1, out_b,
          u4p, t1, t2, rowc, piece, u4piece, comb,
          i1cA, i2cA, ewcA, bincA, bocA, i1cB, i2cB, ewcB, bincB, bocB,
          wl_v, wb_v, u4_sh, sb, sem, semA, semB):
        core = lax.axis_index("c")
        w = lax.axis_index("s")
        iota = lax.iota(jnp.int32, 16)
        pltpu.sync_copy(wlane, wl_v)
        pltpu.sync_copy(wb16, wb_v)
        wlv = wl_v[...]
        slane = (2 * (iota & 1) - 1).astype(jnp.float32)

        rows_w = jnp.where(w == 15, SPAN_LAST, SPAN)
        row0 = w * SPAN

        def p1_chunk(kk, _):
            base = jnp.minimum(kk * 320, rows_w - 320)
            pltpu.sync_copy(u16f.at[pl.ds((row0 + base) * 16, 5120)], rowc)

            def p1_row(r, _):
                v = rowc[pl.ds(r * 16, 16)]
                vsw = plsc.load_gather(rowc, [r * 16 + (iota ^ 1)])
                arg = slane * (v + vsw)
                sig = 1.0 / (1.0 + jnp.exp(-arg))
                u16 = v + wlv * sig
                u16s = vsw - wlv * (1.0 - sig)
                lo = lax.shift_right_logical(plsc.bitcast(u16, jnp.int32), 16)
                hi = plsc.bitcast(u16s, jnp.int32) & MASK_HI
                plsc.store_scatter(u4piece, [(base + r) * 2 + (iota >> 1)],
                                   lo | hi, mask=(iota & 1) == 0)
                return _

            lax.fori_loop(0, 320, p1_row, 0)
            return _

        lax.fori_loop(0, 2, p1_chunk, 0)
        pltpu.sync_copy(u4piece, u4_sh.at[pl.ds(w * SPAN * 2, SPAN * 2)])

        @pl.when(w == 0)
        def _sent_fill():
            def sfill(g, _):
                piece[pl.ds(g * 16, 16)] = jnp.full((16,), SENT, jnp.float32)
                return _

            lax.fori_loop(0, DHALF // 16, sfill, 0)
            pltpu.sync_copy(piece.at[pl.ds(0, DHALF)], sb.at[pl.ds(0, DHALF)])

        plsc.subcore_barrier()
        pltpu.sync_copy(u4_sh, u4p)

        sent_src = sb.at[pl.ds(0, DHALF)]
        icopies = []
        for i in range(TFLAT // DHALF):
            dst = pl.ds(i * DHALF, DHALF)
            icopies.append(pltpu.async_copy(sent_src, t1.at[dst], sem))
            icopies.append(pltpu.async_copy(sent_src, t2.at[dst], sem))
        for c in icopies:
            c.wait()

        wbv = wb_v[...]
        e_of = iota >> 2
        c_of = iota & 3
        lowhalf = (c_of & 1) == 0
        pair = c_of >> 1
        ebase0 = core * EHALF + w * EPT

        def unpack(ref, i, p):
            word = plsc.load_gather(ref, [i * 2 + p])
            bits = jnp.where(lowhalf, lax.shift_left(word, 16), word & MASK_HI)
            return plsc.bitcast(bits, jnp.float32)

        setA = (i1cA, i2cA, ewcA, bincA, bocA, semA)
        setB = (i1cB, i2cB, ewcB, bincB, bocB, semB)

        def e_copies(st, kk):
            i1c, i2c, ewc, binc, boc, sm = st
            base = ebase0 + kk * EC
            return (
                pltpu.make_async_copy(idx1.at[pl.ds(base, EC)], i1c, sm),
                pltpu.make_async_copy(idx2.at[pl.ds(base, EC)], i2c, sm),
                pltpu.make_async_copy(ew.at[pl.ds(base, EC)], ewc, sm),
            ) + tuple(
                pltpu.make_async_copy(binary.at[pl.ds(c * N_EDGES + base, EC)],
                                      binc.at[pl.ds(c * EC, EC)], sm)
                for c in range(4)
            )

        def e_fire(st, kk):
            for c in e_copies(st, kk):
                c.start()

        def e_drain(st, kk):
            for c in e_copies(st, kk):
                c.wait()

        def e_compute(st, kk):
            i1c, i2c, ewc, binc, boc, sm = st
            base = ebase0 + kk * EC

            def e_group(g, _):
                e = g * 4 + e_of
                i1 = plsc.load_gather(i1c, [e])
                i2 = plsc.load_gather(i2c, [e])
                wv = plsc.load_gather(ewc, [e])
                x4 = unpack(u4p, i1, pair)
                y4 = unpack(u4p, i2, pair)
                bv = plsc.load_gather(binc, [c_of * EC + e])
                m = jnp.maximum(jnp.maximum(-x4, bv), y4)
                ea = jnp.exp(-x4 - m)
                eb = jnp.exp(bv - m)
                ec = jnp.exp(y4 - m)
                r = wbv * wv / (ea + eb + ec)
                plsc.store_scatter(boc, [c_of * EC + e], bv + r * eb)
                plsc.store_scatter(t1, [i1 * 4 + c_of], -r * ea)
                plsc.store_scatter(t2, [i2 * 4 + c_of], r * ec)
                return _

            lax.fori_loop(0, GPC, e_group, 0)
            owrites = [pltpu.async_copy(boc.at[pl.ds(c * EC, EC)],
                                        out_b.at[pl.ds(c * N_EDGES + base, EC)], sm)
                       for c in range(4)]
            for c in owrites:
                c.wait()

        e_fire(setA, 0)

        def e_pair(j, _):
            e_fire(setB, 2 * j + 1)
            e_drain(setA, 2 * j)
            e_compute(setA, 2 * j)
            e_fire(setA, 2 * j + 2)
            e_drain(setB, 2 * j + 1)
            e_compute(setB, 2 * j + 1)
            return _

        lax.fori_loop(0, (NCHUNK - 1) // 2, e_pair, 0)
        e_drain(setA, NCHUNK - 1)
        e_compute(setA, NCHUNK - 1)

        def c_slice(s, _):
            src0 = s * (SLICE_N * 4)
            stage = []
            for o in range(NTILES):
                stage.append(pltpu.async_copy(
                    t1.at[pl.ds(src0 + o * PORT_W, PORT_W)],
                    sb.at[pl.ds(((o * 2 + 0) * NTILES + w) * PORT_W, PORT_W)], sem))
                stage.append(pltpu.async_copy(
                    t2.at[pl.ds(src0 + o * PORT_W, PORT_W)],
                    sb.at[pl.ds(((o * 2 + 1) * NTILES + w) * PORT_W, PORT_W)], sem))
            for c in stage:
                c.wait()
            plsc.subcore_barrier()

            def c_side(side):
                pltpu.sync_copy(sb.at[pl.ds((w * 2 + side) * NTILES * PORT_W,
                                            NTILES * PORT_W)], comb)

                def c_group(g, _):
                    acc = jnp.full((16,), SENT, jnp.float32)
                    for t in range(NTILES):
                        v = comb[pl.ds(t * PORT_W + g * 16, 16)]
                        acc = jnp.where(v == SENT, acc, v)
                    f = g * 16 + iota
                    plsc.store_scatter(
                        piece, [(s * PORT_N + (f >> 2)) * 8 + side * 4 + (f & 3)], acc)
                    return _

                lax.fori_loop(0, PORT_W // 16, c_group, 0)

            c_side(0)
            c_side(1)
            plsc.subcore_barrier()
            return _

        lax.fori_loop(0, NSLICE, c_slice, 0)

        def emit(out_d):
            dcopies = []
            for s in range(NSLICE):
                dcopies.append(pltpu.async_copy(
                    piece.at[pl.ds(s * PORT_N * 8, PORT_N * 8)],
                    out_d.at[pl.ds((s * SLICE_N + w * PORT_N) * 8, PORT_N * 8)], sem))
            for c in dcopies:
                c.wait()

        @pl.when(core == 0)
        def _emit0():
            emit(out_d0)

        @pl.when(core == 1)
        def _emit1():
            emit(out_d1)

    return k


def _tc_assemble():
    def body(u_ref, a_ref, b_ref, wl_ref, o_ref):
        x = u_ref[...]
        v16 = x[:, :16]
        i2 = lax.broadcasted_iota(jnp.int32, (16, 16), 0)
        j2 = lax.broadcasted_iota(jnp.int32, (16, 16), 1)
        perm = (j2 == (i2 ^ 1)).astype(jnp.float32)
        vsw = jnp.dot(v16, perm, preferred_element_type=jnp.float32)
        lane = lax.broadcasted_iota(jnp.int32, (1, 16), 1)
        slane = (2 * (lane & 1) - 1).astype(jnp.float32)
        arg = slane * (v16 + vsw)
        sig = 1.0 / (1.0 + jnp.exp(-arg))
        u16 = v16 + wl_ref[...] * sig

        def pick(a, b):
            d = jnp.where(b == SENT, a, b)
            return jnp.where(d == SENT, 0.0, d)

        a = a_ref[...]
        b = b_ref[...]
        d = pick(a[:, 0:4], b[:, 0:4]) + pick(a[:, 4:8], b[:, 4:8])
        o16 = jnp.concatenate([u16[:, :4] + d, u16[:, 4:]], axis=1)
        o_ref[...] = jnp.concatenate([o16, x[:, 16:]], axis=1)

    blk = 1000
    dspec = pl.BlockSpec((blk, 8), lambda i: (i, 0))
    return pl.pallas_call(
        body,
        grid=(N_NODES // blk,),
        in_specs=[
            pl.BlockSpec((blk, N_UNARY), lambda i: (i, 0)),
            dspec, dspec,
            pl.BlockSpec((1, 16), lambda i: (0, 0)),
        ],
        out_specs=pl.BlockSpec((blk, N_UNARY), lambda i: (i, 0)),
        out_shape=jax.ShapeDtypeStruct((N_NODES, N_UNARY), jnp.float32),
    )


def kernel(unary, binary, edge_index, edge_weight, unary_clause_weights, binary_clause_weights):
    idx1 = edge_index[0].astype(jnp.int32)
    idx2 = edge_index[1].astype(jnp.int32)
    wl = jnp.stack([-unary_clause_weights, unary_clause_weights], axis=1).reshape(16)
    wb16 = jnp.tile(binary_clause_weights, 4)
    u16f = unary[:, :16].reshape(-1)
    out_d0, out_d1, out_b = _build_sc()(u16f, idx1, idx2, edge_weight,
                                        binary.T.reshape(-1), wl, wb16)
    da = out_d0.reshape(NPAD, 8)[:N_NODES]
    db = out_d1.reshape(NPAD, 8)[:N_NODES]
    out_u = _tc_assemble()(unary, da, db, wl.reshape(1, 16))
    return (out_u, out_b.reshape(4, N_EDGES).T)

# --- scband reference (transcript-rebuilt; emitter-appended) ---
"""Pipeline reference for scband-relational-kenn-59717225284038 (READ-ONLY COPY).

The authoritative reference and input builder live on the scoring server;
editing this copy changes nothing except your own understanding.
"""

import jax, jax.numpy as jnp
import numpy as np

N_UNARY = 128
N_BINARY = 4
N_NODES = 10000
N_EDGES = 160000
# unary clauses '_:nP2i,P2i+1' -> (column indices, literal signs); weight learned (init 0.5)
UNARY_CLAUSES = [([2 * i, 2 * i + 1], [-1.0, 1.0]) for i in range(8)]
# binary clauses '_:nXPi,Bi,YPi' over joined columns [XP(0:128) | YP(128:256) | B(256:260)]
BINARY_CLAUSES = [([i, 2 * N_UNARY + i, N_UNARY + i], [-1.0, 1.0, 1.0]) for i in range(N_BINARY)]


def _knowledge_enhancer(x, clauses, weights):
    # KENN KnowledgeEnhancer with GodelBoostConormApprox boost function:
    # for each clause, gather literal columns, flip sign for negated literals,
    # delta = w_c * softmax(signed literals), flip signs back, scatter-add.
    delta = jnp.zeros_like(x)
    for ci, (idx, sg) in enumerate(clauses):
        idx_a = jnp.asarray(idx)
        sg_a = jnp.asarray(sg, dtype=x.dtype)
        sel = x[:, idx_a] * sg_a
        d = weights[ci] * jax.nn.softmax(sel, axis=-1) * sg_a
        delta = delta.at[:, idx_a].add(d)
    return delta


def setup_inputs(seed: int = 0):
    key = jax.random.key(seed)
    k1, k2, k3, k4 = jax.random.split(key, 4)
    unary = jax.random.normal(k1, (N_NODES, N_UNARY), dtype=jnp.float32)
    binary = jax.random.normal(k2, (N_EDGES, N_BINARY), dtype=jnp.float32)
    edge_index = jax.random.randint(k3, (2, N_EDGES), 0, N_NODES)
    edge_weight = jax.random.uniform(k4, (N_EDGES,), dtype=jnp.float32)
    unary_clause_weights = jnp.full((len(UNARY_CLAUSES),), 0.5, dtype=jnp.float32)
    binary_clause_weights = jnp.full((len(BINARY_CLAUSES),), 0.5, dtype=jnp.float32)
    return {'unary': unary, 'binary': binary, 'edge_index': edge_index, 'edge_weight': edge_weight,
            'unary_clause_weights': unary_clause_weights, 'binary_clause_weights': binary_clause_weights}


def reference(unary, binary, edge_index, edge_weight, unary_clause_weights, binary_clause_weights):
    idx1 = edge_index[0]
    idx2 = edge_index[1]
    # unary knowledge enhancement
    u = unary + _knowledge_enhancer(unary, UNARY_CLAUSES, unary_clause_weights)
    # Join: gather endpoint unary rows and concat with binary preactivations
    joined = jnp.concatenate([u[idx1], u[idx2], binary], axis=1)  # [E, 2U+B]
    # binary knowledge enhancement, scaled per-edge by edge_weight
    d = _knowledge_enhancer(joined, BINARY_CLAUSES, binary_clause_weights) * edge_weight[:, None]
    ux = d[:, :N_UNARY]
    uy = d[:, N_UNARY:2 * N_UNARY]
    b = d[:, 2 * N_UNARY:]
    # GroupBy: scatter-overwrite per-edge unary deltas back to node space
    delta_up = jnp.zeros_like(u).at[idx1].set(ux) + jnp.zeros_like(u).at[idx2].set(uy)
    # activation is identity (default lambda x: x)
    return (u + delta_up, binary + b)

if __name__ == "__main__":
    import jax
    _d = setup_inputs()
    print(jax.jit(kernel)(*tuple(_d.values())))

</pallas_src>

<mosaic_0001>
#map = affine_map<(d0, d1) -> (0)>
module attributes {stable_mosaic.version = 14 : i64} {
  func.func @k(%arg0: i32, %arg1: i32, %arg2: memref<160000xf32, #tpu.memory_space<hbm>>, %arg3: memref<160000xi32, #tpu.memory_space<hbm>>, %arg4: memref<160000xi32, #tpu.memory_space<hbm>>, %arg5: memref<160000xf32, #tpu.memory_space<hbm>>, %arg6: memref<640000xf32, #tpu.memory_space<hbm>>, %arg7: memref<16xf32, #tpu.memory_space<hbm>>, %arg8: memref<16xf32, #tpu.memory_space<hbm>>, %arg9: memref<81920xf32, #tpu.memory_space<hbm>>, %arg10: memref<81920xf32, #tpu.memory_space<hbm>>, %arg11: memref<640000xf32, #tpu.memory_space<hbm>>, %arg12: memref<20480xi32, #tpu.memory_space<vmem>>, %arg13: memref<40960xf32, #tpu.memory_space<vmem>>, %arg14: memref<40960xf32, #tpu.memory_space<vmem>>, %arg15: memref<5120xf32, #tpu.memory_space<vmem>>, %arg16: memref<5120xf32, #tpu.memory_space<vmem>>, %arg17: memref<1280xi32, #tpu.memory_space<vmem>>, %arg18: memref<2560xf32, #tpu.memory_space<vmem>>, %arg19: memref<200xi32, #tpu.memory_space<vmem>>, %arg20: memref<200xi32, #tpu.memory_space<vmem>>, %arg21: memref<200xf32, #tpu.memory_space<vmem>>, %arg22: memref<800xf32, #tpu.memory_space<vmem>>, %arg23: memref<800xf32, #tpu.memory_space<vmem>>, %arg24: memref<200xi32, #tpu.memory_space<vmem>>, %arg25: memref<200xi32, #tpu.memory_space<vmem>>, %arg26: memref<200xf32, #tpu.memory_space<vmem>>, %arg27: memref<800xf32, #tpu.memory_space<vmem>>, %arg28: memref<800xf32, #tpu.memory_space<vmem>>, %arg29: memref<16xf32, #tpu.memory_space<vmem>>, %arg30: memref<16xf32, #tpu.memory_space<vmem>>, %arg31: memref<20480xi32, #tpu.memory_space<vmem_shared>>, %arg32: memref<81920xf32, #tpu.memory_space<vmem_shared>>, %arg33: memref<!tpu.dma_semaphore, #tpu.memory_space<semaphore_mem>>, %arg34: memref<!tpu.dma_semaphore, #tpu.memory_space<semaphore_mem>>, %arg35: memref<!tpu.dma_semaphore, #tpu.memory_space<semaphore_mem>>) attributes {dimension_semantics = [#tpu.dimension_semantics<core_parallel>, #tpu.dimension_semantics<subcore_parallel>], iteration_bounds = array<i64: 2, 16>, scalar_prefetch = 0 : i64, scratch_operands = 24 : i64, tpu.core_type = #tpu.core_type<sc_vector_subcore>, window_params = [{transform_indices = #map}, {transform_indices = #map}, {transform_indices = #map}, {transform_indices = #map}, {transform_indices = #map}, {transform_indices = #map}, {transform_indices = #map}, {transform_indices = #map}, {transform_indices = #map}, {transform_indices = #map}]} {
    %iota3A = tpu.iota {dimensions = array<i32: 0>} : vector<16xi32>
    "tpu.region"() ({
      %run_scoped3A = tpu.sem_alloc : memref<!tpu.dma_semaphore, #tpu.memory_space<semaphore_mem>>
      tpu.enqueue_dma source(%arg7 : memref<16xf32, #tpu.memory_space<hbm>>) target(%arg29 : memref<16xf32, #tpu.memory_space<vmem>>) target_semaphore(%run_scoped3A : memref<!tpu.dma_semaphore, #tpu.memory_space<semaphore_mem>>)
      tpu.wait_dma2 semaphore(%run_scoped3A : memref<!tpu.dma_semaphore, #tpu.memory_space<semaphore_mem>>) src(%arg7 : memref<16xf32, #tpu.memory_space<hbm>>) dst(%arg29 : memref<16xf32, #tpu.memory_space<vmem>>)
      tpu.yield
    }) : () -> ()
    "tpu.region"() ({
      %run_scoped3A = tpu.sem_alloc : memref<!tpu.dma_semaphore, #tpu.memory_space<semaphore_mem>>
      tpu.enqueue_dma source(%arg8 : memref<16xf32, #tpu.memory_space<hbm>>) target(%arg30 : memref<16xf32, #tpu.memory_space<vmem>>) target_semaphore(%run_scoped3A : memref<!tpu.dma_semaphore, #tpu.memory_space<semaphore_mem>>)
      tpu.wait_dma2 semaphore(%run_scoped3A : memref<!tpu.dma_semaphore, #tpu.memory_space<semaphore_mem>>) src(%arg8 : memref<16xf32, #tpu.memory_space<hbm>>) dst(%arg30 : memref<16xf32, #tpu.memory_space<vmem>>)
      tpu.yield
    }) : () -> ()
    %get3A = arith.constant 0 : index
    %get3A_0 = tpu.vector_load %arg29[%get3A] {strides = array<i32>} : memref<16xf32, #tpu.memory_space<vmem>>, vector<16xf32>,
    %and3A = arith.constant 1 : i32
    %and3A_1 = vector.broadcast %and3A : i32 to vector<16xi32>
    %and3A_2 = arith.andi %iota3A, %and3A_1 : vector<16xi32>
    %mul3A = arith.constant 2 : i32
    %mul3A_3 = vector.broadcast %mul3A : i32 to vector<16xi32>
    %mul3A_4 = arith.muli %mul3A_3, %and3A_2 : vector<16xi32>
    %sub3A = arith.constant 1 : i32
    %sub3A_5 = vector.broadcast %sub3A : i32 to vector<16xi32>
    %sub3A_6 = arith.subi %mul3A_4, %sub3A_5 : vector<16xi32>
    %convert_element_type3A = arith.sitofp %sub3A_6 : vector<16xi32> to vector<16xf32>
    %eq3A = arith.constant 15 : i32
    %eq3A_7 = arith.cmpi eq, %arg1, %eq3A : i32
    %jit3A = arith.constant 400 : i32
    %jit3A_8 = arith.constant 640 : i32
    %select_n3A = arith.select %eq3A_7, %jit3A, %jit3A_8 : i32
    %mul3A_9 = arith.constant 640 : i32
    %mul3A_10 = arith.muli %arg1, %mul3A_9 : i32
    %scan3A = arith.constant 0 : i32
    %scan3A_11 = arith.constant 0 : i32
    %scan3A_12 = arith.constant 2 : i32
    %scan3A_13 = arith.addi %scan3A_11, %scan3A_12 : i32
    %scan3A_14 = arith.constant 1 : i32
    scf.for %scan3A_720 = %scan3A_11 to %scan3A_13 step %scan3A_14  : i32 {
      %mul3A_721 = arith.constant 320 : i32
      %mul3A_722 = arith.muli %scan3A_720, %mul3A_721 : i32
      %sub3A_723 = arith.constant 320 : i32
      %sub3A_724 = arith.subi %select_n3A, %sub3A_723 : i32
      %min3A = arith.minsi %mul3A_722, %sub3A_724 : i32
      %add3A_725 = arith.addi %mul3A_10, %min3A : i32
      %mul3A_726 = arith.constant 16 : i32
      %mul3A_727 = arith.muli %add3A_725, %mul3A_726 : i32
      "tpu.region"() ({
        %run_scoped3A = tpu.sem_alloc : memref<!tpu.dma_semaphore, #tpu.memory_space<semaphore_mem>>
        %dma_start3A_734 = tpu.memref_slice %arg2[%mul3A_727] : memref<160000xf32, #tpu.memory_space<hbm>> -> memref<5120xf32, #tpu.memory_space<hbm>>
        %dma_start3A_735 = tpu.memref_slice %arg2[%mul3A_727] : memref<160000xf32, #tpu.memory_space<hbm>> -> memref<5120xf32, #tpu.memory_space<hbm>>
        tpu.enqueue_dma source(%dma_start3A_735 : memref<5120xf32, #tpu.memory_space<hbm>>) target(%arg15 : memref<5120xf32, #tpu.memory_space<vmem>>) target_semaphore(%run_scoped3A : memref<!tpu.dma_semaphore, #tpu.memory_space<semaphore_mem>>)
        %dma_wait3A_736 = tpu.memref_slice %arg2[%mul3A_727] : memref<160000xf32, #tpu.memory_space<hbm>> -> memref<5120xf32, #tpu.memory_space<hbm>>
        %dma_wait3A_737 = tpu.memref_slice %arg2[%mul3A_727] : memref<160000xf32, #tpu.memory_space<hbm>> -> memref<5120xf32, #tpu.memory_space<hbm>>
        tpu.wait_dma2 semaphore(%run_scoped3A : memref<!tpu.dma_semaphore, #tpu.memory_space<semaphore_mem>>) src(%dma_wait3A_737 : memref<5120xf32, #tpu.memory_space<hbm>>) dst(%arg15 : memref<5120xf32, #tpu.memory_space<vmem>>)
        tpu.yield
      }) : () -> ()
      %scan3A_728 = arith.constant 0 : i32
      %scan3A_729 = arith.constant 0 : i32
      %scan3A_730 = arith.constant 320 : i32
      %scan3A_731 = arith.addi %scan3A_729, %scan3A_730 : i32
      %scan3A_732 = arith.constant 1 : i32
      scf.for %scan3A_734 = %scan3A_729 to %scan3A_731 step %scan3A_732  : i32 {
        %mul3A_735 = arith.constant 16 : i32
        %mul3A_736 = arith.muli %scan3A_734, %mul3A_735 : i32
        %get3A_737 = arith.index_cast %mul3A_736 : i32 to index
        %get3A_738 = tpu.vector_load %arg15[%get3A_737] {strides = array<i32>} : memref<5120xf32, #tpu.memory_space<vmem>>, vector<16xf32>,
        %mul3A_739 = arith.constant 16 : i32
        %mul3A_740 = arith.muli %scan3A_734, %mul3A_739 : i32
        %xor3A = arith.constant 1 : i32
        %xor3A_741 = vector.broadcast %xor3A : i32 to vector<16xi32>
        %xor3A_742 = arith.xori %iota3A, %xor3A_741 : vector<16xi32>
        %add3A_743 = vector.broadcast %mul3A_740 : i32 to vector<16xi32>
        %add3A_744 = arith.addi %add3A_743, %xor3A_742 : vector<16xi32>
        %gather3A = tpu.vector_load_idx %arg15[%add3A_744] : memref<5120xf32, #tpu.memory_space<vmem>>[vector<16xi32>], vector<16xf32>,
        %add3A_745 = arith.addf %get3A_738, %gather3A : vector<16xf32>
        %mul3A_746 = arith.mulf %convert_element_type3A, %add3A_745 : vector<16xf32>
        %neg3A = arith.constant 0.000000e+00 : f32
        %neg3A_747 = vector.broadcast %neg3A : f32 to vector<16xf32>
        %neg3A_748 = arith.subf %neg3A_747, %mul3A_746 : vector<16xf32>
        %exp3A = math.exp %neg3A_748 : vector<16xf32>
        %add3A_749 = arith.constant 1.000000e+00 : f32
        %add3A_750 = vector.broadcast %add3A_749 : f32 to vector<16xf32>
        %add3A_751 = arith.addf %add3A_750, %exp3A : vector<16xf32>
        %div3A = arith.constant 1.000000e+00 : f32
        %div3A_752 = vector.broadcast %div3A : f32 to vector<16xf32>
        %div3A_753 = arith.divf %div3A_752, %add3A_751 : vector<16xf32>
        %mul3A_754 = arith.mulf %get3A_0, %div3A_753 : vector<16xf32>
        %add3A_755 = arith.addf %get3A_738, %mul3A_754 : vector<16xf32>
        %sub3A_756 = arith.constant 1.000000e+00 : f32
        %sub3A_757 = vector.broadcast %sub3A_756 : f32 to vector<16xf32>
        %sub3A_758 = arith.subf %sub3A_757, %div3A_753 : vector<16xf32>
        %mul3A_759 = arith.mulf %get3A_0, %sub3A_758 : vector<16xf32>
        %sub3A_760 = arith.subf %gather3A, %mul3A_759 : vector<16xf32>
        %bitcast3A = vector.bitcast %add3A_755 : vector<16xf32> to vector<16xi32>
        %shift_right_logical3A = arith.constant 16 : i32
        %shift_right_logical3A_761 = vector.broadcast %shift_right_logical3A : i32 to vector<16xi32>
        %shift_right_logical3A_762 = arith.shrui %bitcast3A, %shift_right_logical3A_761 : vector<16xi32>
        %bitcast3A_763 = vector.bitcast %sub3A_760 : vector<16xf32> to vector<16xi32>
        %and3A_764 = arith.constant -65536 : i32
        %and3A_765 = vector.broadcast %and3A_764 : i32 to vector<16xi32>
        %and3A_766 = arith.andi %bitcast3A_763, %and3A_765 : vector<16xi32>
        %add3A_767 = arith.addi %min3A, %scan3A_734 : i32
        %mul3A_768 = arith.constant 2 : i32
        %mul3A_769 = arith.muli %add3A_767, %mul3A_768 : i32
        %shift_right_arithmetic3A_770 = arith.constant 1 : i32
        %shift_right_arithmetic3A_771 = vector.broadcast %shift_right_arithmetic3A_770 : i32 to vector<16xi32>
        %shift_right_arithmetic3A_772 = arith.shrsi %iota3A, %shift_right_arithmetic3A_771 : vector<16xi32>
        %add3A_773 = vector.broadcast %mul3A_769 : i32 to vector<16xi32>
        %add3A_774 = arith.addi %add3A_773, %shift_right_arithmetic3A_772 : vector<16xi32>
        %or3A = arith.ori %shift_right_logical3A_762, %and3A_766 : vector<16xi32>
        %and3A_775 = arith.constant 1 : i32
        %and3A_776 = vector.broadcast %and3A_775 : i32 to vector<16xi32>
        %and3A_777 = arith.andi %iota3A, %and3A_776 : vector<16xi32>
        %eq3A_778 = arith.constant 0 : i32
        %eq3A_779 = vector.broadcast %eq3A_778 : i32 to vector<16xi32>
        %eq3A_780 = arith.cmpi eq, %and3A_777, %eq3A_779 : vector<16xi32>
        tpu.vector_store_idx %arg17[%add3A_774], %or3A masked %eq3A_780 : memref<1280xi32, #tpu.memory_space<vmem>>[vector<16xi32>], vector<16xi32>, vector<16xi1>
      }
      %scan3A_733 = arith.constant 320 : i32
    }
    %scan3A_15 = arith.constant 2 : i32
    %mul3A_16 = arith.constant 640 : i32
    %mul3A_17 = arith.muli %arg1, %mul3A_16 : i32
    %mul3A_18 = arith.constant 2 : i32
    %mul3A_19 = arith.muli %mul3A_17, %mul3A_18 : i32
    "tpu.region"() ({
      %run_scoped3A = tpu.sem_alloc : memref<!tpu.dma_semaphore, #tpu.memory_space<semaphore_mem>>
      %dma_start3A_720 = tpu.memref_slice %arg31[%mul3A_19] : memref<20480xi32, #tpu.memory_space<vmem_shared>> -> memref<1280xi32, #tpu.memory_space<vmem_shared>>
      %dma_start3A_721 = tpu.memref_slice %arg31[%mul3A_19] : memref<20480xi32, #tpu.memory_space<vmem_shared>> -> memref<1280xi32, #tpu.memory_space<vmem_shared>>
      tpu.enqueue_dma source(%arg17 : memref<1280xi32, #tpu.memory_space<vmem>>) target(%dma_start3A_721 : memref<1280xi32, #tpu.memory_space<vmem_shared>>) target_semaphore(%run_scoped3A : memref<!tpu.dma_semaphore, #tpu.memory_space<semaphore_mem>>)
      %dma_wait3A_722 = tpu.memref_slice %arg31[%mul3A_19] : memref<20480xi32, #tpu.memory_space<vmem_shared>> -> memref<1280xi32, #tpu.memory_space<vmem_shared>>
      %dma_wait3A_723 = tpu.memref_slice %arg31[%mul3A_19] : memref<20480xi32, #tpu.memory_space<vmem_shared>> -> memref<1280xi32, #tpu.memory_space<vmem_shared>>
      tpu.wait_dma2 semaphore(%run_scoped3A : memref<!tpu.dma_semaphore, #tpu.memory_space<semaphore_mem>>) src(%arg17 : memref<1280xi32, #tpu.memory_space<vmem>>) dst(%dma_wait3A_723 : memref<1280xi32, #tpu.memory_space<vmem_shared>>)
      tpu.yield
    }) : () -> ()
    %eq3A_20 = arith.constant 0 : i32
    %eq3A_21 = arith.cmpi eq, %arg1, %eq3A_20 : i32
    %convert_element_type3A_22 = arith.extui %eq3A_21 : i1 to i32
    %cond3A = arith.constant 0 : i32
    %cond3A_23 = arith.cmpi ne, %convert_element_type3A_22, %cond3A : i32
    scf.if %cond3A_23 {
      %scan3A_720 = arith.constant 0 : i32
      %scan3A_721 = arith.constant 0 : i32
      %scan3A_722 = arith.constant 160 : i32
      %scan3A_723 = arith.addi %scan3A_721, %scan3A_722 : i32
      %scan3A_724 = arith.constant 1 : i32
      scf.for %scan3A_726 = %scan3A_721 to %scan3A_723 step %scan3A_724  : i32 {
        %broadcast_in_dim3A = arith.constant 1.000000e+30 : f32
        %broadcast_in_dim3A_727 = vector.broadcast %broadcast_in_dim3A : f32 to vector<16xf32>
        %mul3A_728 = arith.constant 16 : i32
        %mul3A_729 = arith.muli %scan3A_726, %mul3A_728 : i32
        %swap3A = arith.index_cast %mul3A_729 : i32 to index
        %swap3A_730 = tpu.vector_load %arg16[%swap3A] {strides = array<i32>} : memref<5120xf32, #tpu.memory_space<vmem>>, vector<16xf32>,
        tpu.vector_store %arg16[%swap3A], %broadcast_in_dim3A_727 {strides = array<i32>} : memref<5120xf32, #tpu.memory_space<vmem>>, vector<16xf32>,
      }
      %scan3A_725 = arith.constant 160 : i32
      "tpu.region"() ({
        %run_scoped3A = tpu.sem_alloc : memref<!tpu.dma_semaphore, #tpu.memory_space<semaphore_mem>>
        %dma_start3A_726 = arith.constant 0 : i32
        %dma_start3A_727 = tpu.memref_slice %arg16[%dma_start3A_726] : memref<5120xf32, #tpu.memory_space<vmem>> -> memref<2560xf32, #tpu.memory_space<vmem>>
        %dma_start3A_728 = arith.constant 0 : i32
        %dma_start3A_729 = tpu.memref_slice %arg32[%dma_start3A_728] : memref<81920xf32, #tpu.memory_space<vmem_shared>> -> memref<2560xf32, #tpu.memory_space<vmem_shared>>
        %dma_start3A_730 = arith.constant 0 : i32
        %dma_start3A_731 = tpu.memref_slice %arg32[%dma_start3A_730] : memref<81920xf32, #tpu.memory_space<vmem_shared>> -> memref<2560xf32, #tpu.memory_space<vmem_shared>>
        %dma_start3A_732 = arith.constant 0 : i32
        %dma_start3A_733 = tpu.memref_slice %arg16[%dma_start3A_732] : memref<5120xf32, #tpu.memory_space<vmem>> -> memref<2560xf32, #tpu.memory_space<vmem>>
        tpu.enqueue_dma source(%dma_start3A_733 : memref<2560xf32, #tpu.memory_space<vmem>>) target(%dma_start3A_731 : memref<2560xf32, #tpu.memory_space<vmem_shared>>) target_semaphore(%run_scoped3A : memref<!tpu.dma_semaphore, #tpu.memory_space<semaphore_mem>>)
        %dma_wait3A_734 = arith.constant 0 : i32
        %dma_wait3A_735 = tpu.memref_slice %arg16[%dma_wait3A_734] : memref<5120xf32, #tpu.memory_space<vmem>> -> memref<2560xf32, #tpu.memory_space<vmem>>
        %dma_wait3A_736 = arith.constant 0 : i32
        %dma_wait3A_737 = tpu.memref_slice %arg32[%dma_wait3A_736] : memref<81920xf32, #tpu.memory_space<vmem_shared>> -> memref<2560xf32, #tpu.memory_space<vmem_shared>>
        %dma_wait3A_738 = arith.constant 0 : i32
        %dma_wait3A_739 = tpu.memref_slice %arg32[%dma_wait3A_738] : memref<81920xf32, #tpu.memory_space<vmem_shared>> -> memref<2560xf32, #tpu.memory_space<vmem_shared>>
        %dma_wait3A_740 = arith.constant 0 : i32
        %dma_wait3A_741 = tpu.memref_slice %arg16[%dma_wait3A_740] : memref<5120xf32, #tpu.memory_space<vmem>> -> memref<2560xf32, #tpu.memory_space<vmem>>
        tpu.wait_dma2 semaphore(%run_scoped3A : memref<!tpu.dma_semaphore, #tpu.memory_space<semaphore_mem>>) src(%dma_wait3A_741 : memref<2560xf32, #tpu.memory_space<vmem>>) dst(%dma_wait3A_739 : memref<2560xf32, #tpu.memory_space<vmem_shared>>)
        tpu.yield
      }) : () -> ()
    } else {
    }
    %barrier3A = arith.constant 0 : index
    tpu.barrier barrier_id(%barrier3A)
    "tpu.region"() ({
      %run_scoped3A = tpu.sem_alloc : memref<!tpu.dma_semaphore, #tpu.memory_space<semaphore_mem>>
      tpu.enqueue_dma source(%arg31 : memref<20480xi32, #tpu.memory_space<vmem_shared>>) target(%arg12 : memref<20480xi32, #tpu.memory_space<vmem>>) target_semaphore(%run_scoped3A : memref<!tpu.dma_semaphore, #tpu.memory_space<semaphore_mem>>)
      tpu.wait_dma2 semaphore(%run_scoped3A : memref<!tpu.dma_semaphore, #tpu.memory_space<semaphore_mem>>) src(%arg31 : memref<20480xi32, #tpu.memory_space<vmem_shared>>) dst(%arg12 : memref<20480xi32, #tpu.memory_space<vmem>>)
      tpu.yield
    }) : () -> ()
    %dma_start3A = arith.constant 0 : i32
    %dma_start3A_24 = tpu.memref_slice %arg13[%dma_start3A] : memref<40960xf32, #tpu.memory_space<vmem>> -> memref<2560xf32, #tpu.memory_space<vmem>>
    %dma_start3A_25 = arith.constant 0 : i32
    %dma_start3A_26 = tpu.memref_slice %arg32[%dma_start3A_25] : memref<81920xf32, #tpu.memory_space<vmem_shared>> -> memref<2560xf32, #tpu.memory_space<vmem_shared>>
    %dma_start3A_27 = arith.constant 0 : i32
    %dma_start3A_28 = tpu.memref_slice %arg13[%dma_start3A_27] : memref<40960xf32, #tpu.memory_space<vmem>> -> memref<2560xf32, #tpu.memory_space<vmem>>
    %dma_start3A_29 = arith.constant 0 : i32
    %dma_start3A_30 = tpu.memref_slice %arg32[%dma_start3A_29] : memref<81920xf32, #tpu.memory_space<vmem_shared>> -> memref<2560xf32, #tpu.memory_space<vmem_shared>>
    tpu.enqueue_dma source(%dma_start3A_30 : memref<2560xf32, #tpu.memory_space<vmem_shared>>) target(%dma_start3A_28 : memref<2560xf32, #tpu.memory_space<vmem>>) target_semaphore(%arg33 : memref<!tpu.dma_semaphore, #tpu.memory_space<semaphore_mem>>)
    %dma_start3A_31 = arith.constant 0 : i32
    %dma_start3A_32 = tpu.memref_slice %arg14[%dma_start3A_31] : memref<40960xf32, #tpu.memory_space<vmem>> -> memref<2560xf32, #tpu.memory_space<vmem>>
    %dma_start3A_33 = arith.constant 0 : i32
    %dma_start3A_34 = tpu.memref_slice %arg32[%dma_start3A_33] : memref<81920xf32, #tpu.memory_space<vmem_shared>> -> memref<2560xf32, #tpu.memory_space<vmem_shared>>
    %dma_start3A_35 = arith.constant 0 : i32
    %dma_start3A_36 = tpu.memref_slice %arg14[%dma_start3A_35] : memref<40960xf32, #tpu.memory_space<vmem>> -> memref<2560xf32, #tpu.memory_space<vmem>>
    %dma_start3A_37 = arith.constant 0 : i32
    %dma_start3A_38 = tpu.memref_slice %arg32[%dma_start3A_37] : memref<81920xf32, #tpu.memory_space<vmem_shared>> -> memref<2560xf32, #tpu.memory_space<vmem_shared>>
    tpu.enqueue_dma source(%dma_start3A_38 : memref<2560xf32, #tpu.memory_space<vmem_shared>>) target(%dma_start3A_36 : memref<2560xf32, #tpu.memory_space<vmem>>) target_semaphore(%arg33 : memref<!tpu.dma_semaphore, #tpu.memory_space<semaphore_mem>>)
    %dma_start3A_39 = arith.constant 2560 : i32
    %dma_start3A_40 = tpu.memref_slice %arg13[%dma_start3A_39] : memref<40960xf32, #tpu.memory_space<vmem>> -> memref<2560xf32, #tpu.memory_space<vmem>>
    %dma_start3A_41 = arith.constant 0 : i32
    %dma_start3A_42 = tpu.memref_slice %arg32[%dma_start3A_41] : memref<81920xf32, #tpu.memory_space<vmem_shared>> -> memref<2560xf32, #tpu.memory_space<vmem_shared>>
    %dma_start3A_43 = arith.constant 2560 : i32
    %dma_start3A_44 = tpu.memref_slice %arg13[%dma_start3A_43] : memref<40960xf32, #tpu.memory_space<vmem>> -> memref<2560xf32, #tpu.memory_space<vmem>>
    %dma_start3A_45 = arith.constant 0 : i32
    %dma_start3A_46 = tpu.memref_slice %arg32[%dma_start3A_45] : memref<81920xf32, #tpu.memory_space<vmem_shared>> -> memref<2560xf32, #tpu.memory_space<vmem_shared>>
    tpu.enqueue_dma source(%dma_start3A_46 : memref<2560xf32, #tpu.memory_space<vmem_shared>>) target(%dma_start3A_44 : memref<2560xf32, #tpu.memory_space<vmem>>) target_semaphore(%arg33 : memref<!tpu.dma_semaphore, #tpu.memory_space<semaphore_mem>>)
    %dma_start3A_47 = arith.constant 2560 : i32
    %dma_start3A_48 = tpu.memref_slice %arg14[%dma_start3A_47] : memref<40960xf32, #tpu.memory_space<vmem>> -> memref<2560xf32, #tpu.memory_space<vmem>>
    %dma_start3A_49 = arith.constant 0 : i32
    %dma_start3A_50 = tpu.memref_slice %arg32[%dma_start3A_49] : memref<81920xf32, #tpu.memory_space<vmem_shared>> -> memref<2560xf32, #tpu.memory_space<vmem_shared>>
    %dma_start3A_51 = arith.constant 2560 : i32
    %dma_start3A_52 = tpu.memref_slice %arg14[%dma_start3A_51] : memref<40960xf32, #tpu.memory_space<vmem>> -> memref<2560xf32, #tpu.memory_space<vmem>>
    %dma_start3A_53 = arith.constant 0 : i32
    %dma_start3A_54 = tpu.memref_slice %arg32[%dma_start3A_53] : memref<81920xf32, #tpu.memory_space<vmem_shared>> -> memref<2560xf32, #tpu.memory_space<vmem_shared>>
    tpu.enqueue_dma source(%dma_start3A_54 : memref<2560xf32, #tpu.memory_space<vmem_shared>>) target(%dma_start3A_52 : memref<2560xf32, #tpu.memory_space<vmem>>) target_semaphore(%arg33 : memref<!tpu.dma_semaphore, #tpu.memory_space<semaphore_mem>>)
    %dma_start3A_55 = arith.constant 5120 : i32
    %dma_start3A_56 = tpu.memref_slice %arg13[%dma_start3A_55] : memref<40960xf32, #tpu.memory_space<vmem>> -> memref<2560xf32, #tpu.memory_space<vmem>>
    %dma_start3A_57 = arith.constant 0 : i32
    %dma_start3A_58 = tpu.memref_slice %arg32[%dma_start3A_57] : memref<81920xf32, #tpu.memory_space<vmem_shared>> -> memref<2560xf32, #tpu.memory_space<vmem_shared>>
    %dma_start3A_59 = arith.constant 5120 : i32
    %dma_start3A_60 = tpu.memref_slice %arg13[%dma_start3A_59] : memref<40960xf32, #tpu.memory_space<vmem>> -> memref<2560xf32, #tpu.memory_space<vmem>>
    %dma_start3A_61 = arith.constant 0 : i32
    %dma_start3A_62 = tpu.memref_slice %arg32[%dma_start3A_61] : memref<81920xf32, #tpu.memory_space<vmem_shared>> -> memref<2560xf32, #tpu.memory_space<vmem_shared>>
    tpu.enqueue_dma source(%dma_start3A_62 : memref<2560xf32, #tpu.memory_space<vmem_shared>>) target(%dma_start3A_60 : memref<2560xf32, #tpu.memory_space<vmem>>) target_semaphore(%arg33 : memref<!tpu.dma_semaphore, #tpu.memory_space<semaphore_mem>>)
    %dma_start3A_63 = arith.constant 5120 : i32
    %dma_start3A_64 = tpu.memref_slice %arg14[%dma_start3A_63] : memref<40960xf32, #tpu.memory_space<vmem>> -> memref<2560xf32, #tpu.memory_space<vmem>>
    %dma_start3A_65 = arith.constant 0 : i32
    %dma_start3A_66 = tpu.memref_slice %arg32[%dma_start3A_65] : memref<81920xf32, #tpu.memory_space<vmem_shared>> -> memref<2560xf32, #tpu.memory_space<vmem_shared>>
    %dma_start3A_67 = arith.constant 5120 : i32
    %dma_start3A_68 = tpu.memref_slice %arg14[%dma_start3A_67] : memref<40960xf32, #tpu.memory_space<vmem>> -> memref<2560xf32, #tpu.memory_space<vmem>>
    %dma_start3A_69 = arith.constant 0 : i32
    %dma_start3A_70 = tpu.memref_slice %arg32[%dma_start3A_69] : memref<81920xf32, #tpu.memory_space<vmem_shared>> -> memref<2560xf32, #tpu.memory_space<vmem_shared>>
    tpu.enqueue_dma source(%dma_start3A_70 : memref<2560xf32, #tpu.memory_space<vmem_shared>>) target(%dma_start3A_68 : memref<2560xf32, #tpu.memory_space<vmem>>) target_semaphore(%arg33 : memref<!tpu.dma_semaphore, #tpu.memory_space<semaphore_mem>>)
    %dma_start3A_71 = arith.constant 7680 : i32
    %dma_start3A_72 = tpu.memref_slice %arg13[%dma_start3A_71] : memref<40960xf32, #tpu.memory_space<vmem>> -> memref<2560xf32, #tpu.memory_space<vmem>>
    %dma_start3A_73 = arith.constant 0 : i32
    %dma_start3A_74 = tpu.memref_slice %arg32[%dma_start3A_73] : memref<81920xf32, #tpu.memory_space<vmem_shared>> -> memref<2560xf32, #tpu.memory_space<vmem_shared>>
    %dma_start3A_75 = arith.constant 7680 : i32
    %dma_start3A_76 = tpu.memref_slice %arg13[%dma_start3A_75] : memref<40960xf32, #tpu.memory_space<vmem>> -> memref<2560xf32, #tpu.memory_space<vmem>>
    %dma_start3A_77 = arith.constant 0 : i32
    %dma_start3A_78 = tpu.memref_slice %arg32[%dma_start3A_77] : memref<81920xf32, #tpu.memory_space<vmem_shared>> -> memref<2560xf32, #tpu.memory_space<vmem_shared>>
    tpu.enqueue_dma source(%dma_start3A_78 : memref<2560xf32, #tpu.memory_space<vmem_shared>>) target(%dma_start3A_76 : memref<2560xf32, #tpu.memory_space<vmem>>) target_semaphore(%arg33 : memref<!tpu.dma_semaphore, #tpu.memory_space<semaphore_mem>>)
    %dma_start3A_79 = arith.constant 7680 : i32
    %dma_start3A_80 = tpu.memref_slice %arg14[%dma_start3A_79] : memref<40960xf32, #tpu.memory_space<vmem>> -> memref<2560xf32, #tpu.memory_space<vmem>>
    %dma_start3A_81 = arith.constant 0 : i32
    %dma_start3A_82 = tpu.memref_slice %arg32[%dma_start3A_81] : memref<81920xf32, #tpu.memory_space<vmem_shared>> -> memref<2560xf32, #tpu.memory_space<vmem_shared>>
    %dma_start3A_83 = arith.constant 7680 : i32
    %dma_start3A_84 = tpu.memref_slice %arg14[%dma_start3A_83] : memref<40960xf32, #tpu.memory_space<vmem>> -> memref<2560xf32, #tpu.memory_space<vmem>>
    %dma_start3A_85 = arith.constant 0 : i32
    %dma_start3A_86 = tpu.memref_slice %arg32[%dma_start3A_85] : memref<81920xf32, #tpu.memory_space<vmem_shared>> -> memref<2560xf32, #tpu.memory_space<vmem_shared>>
    tpu.enqueue_dma source(%dma_start3A_86 : memref<2560xf32, #tpu.memory_space<vmem_shared>>) target(%dma_start3A_84 : memref<2560xf32, #tpu.memory_space<vmem>>) target_semaphore(%arg33 : memref<!tpu.dma_semaphore, #tpu.memory_space<semaphore_mem>>)
    %dma_start3A_87 = arith.constant 10240 : i32
    %dma_start3A_88 = tpu.memref_slice %arg13[%dma_start3A_87] : memref<40960xf32, #tpu.memory_space<vmem>> -> memref<2560xf32, #tpu.memory_space<vmem>>
    %dma_start3A_89 = arith.constant 0 : i32
    %dma_start3A_90 = tpu.memref_slice %arg32[%dma_start3A_89] : memref<81920xf32, #tpu.memory_space<vmem_shared>> -> memref<2560xf32, #tpu.memory_space<vmem_shared>>
    %dma_start3A_91 = arith.constant 10240 : i32
    %dma_start3A_92 = tpu.memref_slice %arg13[%dma_start3A_91] : memref<40960xf32, #tpu.memory_space<vmem>> -> memref<2560xf32, #tpu.memory_space<vmem>>
    %dma_start3A_93 = arith.constant 0 : i32
    %dma_start3A_94 = tpu.memref_slice %arg32[%dma_start3A_93] : memref<81920xf32, #tpu.memory_space<vmem_shared>> -> memref<2560xf32, #tpu.memory_space<vmem_shared>>
    tpu.enqueue_dma source(%dma_start3A_94 : memref<2560xf32, #tpu.memory_space<vmem_shared>>) target(%dma_start3A_92 : memref<2560xf32, #tpu.memory_space<vmem>>) target_semaphore(%arg33 : memref<!tpu.dma_semaphore, #tpu.memory_space<semaphore_mem>>)
    %dma_start3A_95 = arith.constant 10240 : i32
    %dma_start3A_96 = tpu.memref_slice %arg14[%dma_start3A_95] : memref<40960xf32, #tpu.memory_space<vmem>> -> memref<2560xf32, #tpu.memory_space<vmem>>
    %dma_start3A_97 = arith.constant 0 : i32
    %dma_start3A_98 = tpu.memref_slice %arg32[%dma_start3A_97] : memref<81920xf32, #tpu.memory_space<vmem_shared>> -> memref<2560xf32, #tpu.memory_space<vmem_shared>>
    %dma_start3A_99 = arith.constant 10240 : i32
    %dma_start3A_100 = tpu.memref_slice %arg14[%dma_start3A_99] : memref<40960xf32, #tpu.memory_space<vmem>> -> memref<2560xf32, #tpu.memory_space<vmem>>
    %dma_start3A_101 = arith.constant 0 : i32
    %dma_start3A_102 = tpu.memref_slice %arg32[%dma_start3A_101] : memref<81920xf32, #tpu.memory_space<vmem_shared>> -> memref<2560xf32, #tpu.memory_space<vmem_shared>>
    tpu.enqueue_dma source(%dma_start3A_102 : memref<2560xf32, #tpu.memory_space<vmem_shared>>) target(%dma_start3A_100 : memref<2560xf32, #tpu.memory_space<vmem>>) target_semaphore(%arg33 : memref<!tpu.dma_semaphore, #tpu.memory_space<semaphore_mem>>)
    %dma_start3A_103 = arith.constant 12800 : i32
    %dma_start3A_104 = tpu.memref_slice %arg13[%dma_start3A_103] : memref<40960xf32, #tpu.memory_space<vmem>> -> memref<2560xf32, #tpu.memory_space<vmem>>
    %dma_start3A_105 = arith.constant 0 : i32
    %dma_start3A_106 = tpu.memref_slice %arg32[%dma_start3A_105] : memref<81920xf32, #tpu.memory_space<vmem_shared>> -> memref<2560xf32, #tpu.memory_space<vmem_shared>>
    %dma_start3A_107 = arith.constant 12800 : i32
    %dma_start3A_108 = tpu.memref_slice %arg13[%dma_start3A_107] : memref<40960xf32, #tpu.memory_space<vmem>> -> memref<2560xf32, #tpu.memory_space<vmem>>
    %dma_start3A_109 = arith.constant 0 : i32
    %dma_start3A_110 = tpu.memref_slice %arg32[%dma_start3A_109] : memref<81920xf32, #tpu.memory_space<vmem_shared>> -> memref<2560xf32, #tpu.memory_space<vmem_shared>>
    tpu.enqueue_dma source(%dma_start3A_110 : memref<2560xf32, #tpu.memory_space<vmem_shared>>) target(%dma_start3A_108 : memref<2560xf32, #tpu.memory_space<vmem>>) target_semaphore(%arg33 : memref<!tpu.dma_semaphore, #tpu.memory_space<semaphore_mem>>)
    %dma_start3A_111 = arith.constant 12800 : i32
    %dma_start3A_112 = tpu.memref_slice %arg14[%dma_start3A_111] : memref<40960xf32, #tpu.memory_space<vmem>> -> memref<2560xf32, #tpu.memory_space<vmem>>
    %dma_start3A_113 = arith.constant 0 : i32
    %dma_start3A_114 = tpu.memref_slice %arg32[%dma_start3A_113] : memref<81920xf32, #tpu.memory_space<vmem_shared>> -> memref<2560xf32, #tpu.memory_space<vmem_shared>>
    %dma_start3A_115 = arith.constant 12800 : i32
    %dma_start3A_116 = tpu.memref_slice %arg14[%dma_start3A_115] : memref<40960xf32, #tpu.memory_space<vmem>> -> memref<2560xf32, #tpu.memory_space<vmem>>
    %dma_start3A_117 = arith.constant 0 : i32
    %dma_start3A_118 = tpu.memref_slice %arg32[%dma_start3A_117] : memref<81920xf32, #tpu.memory_space<vmem_shared>> -> memref<2560xf32, #tpu.memory_space<vmem_shared>>
    tpu.enqueue_dma source(%dma_start3A_118 : memref<2560xf32, #tpu.memory_space<vmem_shared>>) target(%dma_start3A_116 : memref<2560xf32, #tpu.memory_space<vmem>>) target_semaphore(%arg33 : memref<!tpu.dma_semaphore, #tpu.memory_space<semaphore_mem>>)
    %dma_start3A_119 = arith.constant 15360 : i32
    %dma_start3A_120 = tpu.memref_slice %arg13[%dma_start3A_119] : memref<40960xf32, #tpu.memory_space<vmem>> -> memref<2560xf32, #tpu.memory_space<vmem>>
    %dma_start3A_121 = arith.constant 0 : i32
    %dma_start3A_122 = tpu.memref_slice %arg32[%dma_start3A_121] : memref<81920xf32, #tpu.memory_space<vmem_shared>> -> memref<2560xf32, #tpu.memory_space<vmem_shared>>
    %dma_start3A_123 = arith.constant 15360 : i32
    %dma_start3A_124 = tpu.memref_slice %arg13[%dma_start3A_123] : memref<40960xf32, #tpu.memory_space<vmem>> -> memref<2560xf32, #tpu.memory_space<vmem>>
    %dma_start3A_125 = arith.constant 0 : i32
    %dma_start3A_126 = tpu.memref_slice %arg32[%dma_start3A_125] : memref<81920xf32, #tpu.memory_space<vmem_shared>> -> memref<2560xf32, #tpu.memory_space<vmem_shared>>
    tpu.enqueue_dma source(%dma_start3A_126 : memref<2560xf32, #tpu.memory_space<vmem_shared>>) target(%dma_start3A_124 : memref<2560xf32, #tpu.memory_space<vmem>>) target_semaphore(%arg33 : memref<!tpu.dma_semaphore, #tpu.memory_space<semaphore_mem>>)
    %dma_start3A_127 = arith.constant 15360 : i32
    %dma_start3A_128 = tpu.memref_slice %arg14[%dma_start3A_127] : memref<40960xf32, #tpu.memory_space<vmem>> -> memref<2560xf32, #tpu.memory_space<vmem>>
    %dma_start3A_129 = arith.constant 0 : i32
    %dma_start3A_130 = tpu.memref_slice %arg32[%dma_start3A_129] : memref<81920xf32, #tpu.memory_space<vmem_shared>> -> memref<2560xf32, #tpu.memory_space<vmem_shared>>
    %dma_start3A_131 = arith.constant 15360 : i32
    %dma_start3A_132 = tpu.memref_slice %arg14[%dma_start3A_131] : memref<40960xf32, #tpu.memory_space<vmem>> -> memref<2560xf32, #tpu.memory_space<vmem>>
    %dma_start3A_133 = arith.constant 0 : i32
    %dma_start3A_134 = tpu.memref_slice %arg32[%dma_start3A_133] : memref<81920xf32, #tpu.memory_space<vmem_shared>> -> memref<2560xf32, #tpu.memory_space<vmem_shared>>
    tpu.enqueue_dma source(%dma_start3A_134 : memref<2560xf32, #tpu.memory_space<vmem_shared>>) target(%dma_start3A_132 : memref<2560xf32, #tpu.memory_space<vmem>>) target_semaphore(%arg33 : memref<!tpu.dma_semaphore, #tpu.memory_space<semaphore_mem>>)
    %dma_start3A_135 = arith.constant 17920 : i32
    %dma_start3A_136 = tpu.memref_slice %arg13[%dma_start3A_135] : memref<40960xf32, #tpu.memory_space<vmem>> -> memref<2560xf32, #tpu.memory_space<vmem>>
    %dma_start3A_137 = arith.constant 0 : i32
    %dma_start3A_138 = tpu.memref_slice %arg32[%dma_start3A_137] : memref<81920xf32, #tpu.memory_space<vmem_shared>> -> memref<2560xf32, #tpu.memory_space<vmem_shared>>
    %dma_start3A_139 = arith.constant 17920 : i32
    %dma_start3A_140 = tpu.memref_slice %arg13[%dma_start3A_139] : memref<40960xf32, #tpu.memory_space<vmem>> -> memref<2560xf32, #tpu.memory_space<vmem>>
    %dma_start3A_141 = arith.constant 0 : i32
    %dma_start3A_142 = tpu.memref_slice %arg32[%dma_start3A_141] : memref<81920xf32, #tpu.memory_space<vmem_shared>> -> memref<2560xf32, #tpu.memory_space<vmem_shared>>
    tpu.enqueue_dma source(%dma_start3A_142 : memref<2560xf32, #tpu.memory_space<vmem_shared>>) target(%dma_start3A_140 : memref<2560xf32, #tpu.memory_space<vmem>>) target_semaphore(%arg33 : memref<!tpu.dma_semaphore, #tpu.memory_space<semaphore_mem>>)
    %dma_start3A_143 = arith.constant 17920 : i32
    %dma_start3A_144 = tpu.memref_slice %arg14[%dma_start3A_143] : memref<40960xf32, #tpu.memory_space<vmem>> -> memref<2560xf32, #tpu.memory_space<vmem>>
    %dma_start3A_145 = arith.constant 0 : i32
    %dma_start3A_146 = tpu.memref_slice %arg32[%dma_start3A_145] : memref<81920xf32, #tpu.memory_space<vmem_shared>> -> memref<2560xf32, #tpu.memory_space<vmem_shared>>
    %dma_start3A_147 = arith.constant 17920 : i32
    %dma_start3A_148 = tpu.memref_slice %arg14[%dma_start3A_147] : memref<40960xf32, #tpu.memory_space<vmem>> -> memref<2560xf32, #tpu.memory_space<vmem>>
    %dma_start3A_149 = arith.constant 0 : i32
    %dma_start3A_150 = tpu.memref_slice %arg32[%dma_start3A_149] : memref<81920xf32, #tpu.memory_space<vmem_shared>> -> memref<2560xf32, #tpu.memory_space<vmem_shared>>
    tpu.enqueue_dma source(%dma_start3A_150 : memref<2560xf32, #tpu.memory_space<vmem_shared>>) target(%dma_start3A_148 : memref<2560xf32, #tpu.memory_space<vmem>>) target_semaphore(%arg33 : memref<!tpu.dma_semaphore, #tpu.memory_space<semaphore_mem>>)
    %dma_start3A_151 = arith.constant 20480 : i32
    %dma_start3A_152 = tpu.memref_slice %arg13[%dma_start3A_151] : memref<40960xf32, #tpu.memory_space<vmem>> -> memref<2560xf32, #tpu.memory_space<vmem>>
    %dma_start3A_153 = arith.constant 0 : i32
    %dma_start3A_154 = tpu.memref_slice %arg32[%dma_start3A_153] : memref<81920xf32, #tpu.memory_space<vmem_shared>> -> memref<2560xf32, #tpu.memory_space<vmem_shared>>
    %dma_start3A_155 = arith.constant 20480 : i32
    %dma_start3A_156 = tpu.memref_slice %arg13[%dma_start3A_155] : memref<40960xf32, #tpu.memory_space<vmem>> -> memref<2560xf32, #tpu.memory_space<vmem>>
    %dma_start3A_157 = arith.constant 0 : i32
    %dma_start3A_158 = tpu.memref_slice %arg32[%dma_start3A_157] : memref<81920xf32, #tpu.memory_space<vmem_shared>> -> memref<2560xf32, #tpu.memory_space<vmem_shared>>
    tpu.enqueue_dma source(%dma_start3A_158 : memref<2560xf32, #tpu.memory_space<vmem_shared>>) target(%dma_start3A_156 : memref<2560xf32, #tpu.memory_space<vmem>>) target_semaphore(%arg33 : memref<!tpu.dma_semaphore, #tpu.memory_space<semaphore_mem>>)
    %dma_start3A_159 = arith.constant 20480 : i32
    %dma_start3A_160 = tpu.memref_slice %arg14[%dma_start3A_159] : memref<40960xf32, #tpu.memory_space<vmem>> -> memref<2560xf32, #tpu.memory_space<vmem>>
    %dma_start3A_161 = arith.constant 0 : i32
    %dma_start3A_162 = tpu.memref_slice %arg32[%dma_start3A_161] : memref<81920xf32, #tpu.memory_space<vmem_shared>> -> memref<2560xf32, #tpu.memory_space<vmem_shared>>
    %dma_start3A_163 = arith.constant 20480 : i32
    %dma_start3A_164 = tpu.memref_slice %arg14[%dma_start3A_163] : memref<40960xf32, #tpu.memory_space<vmem>> -> memref<2560xf32, #tpu.memory_space<vmem>>
    %dma_start3A_165 = arith.constant 0 : i32
    %dma_start3A_166 = tpu.memref_slice %arg32[%dma_start3A_165] : memref<81920xf32, #tpu.memory_space<vmem_shared>> -> memref<2560xf32, #tpu.memory_space<vmem_shared>>
    tpu.enqueue_dma source(%dma_start3A_166 : memref<2560xf32, #tpu.memory_space<vmem_shared>>) target(%dma_start3A_164 : memref<2560xf32, #tpu.memory_space<vmem>>) target_semaphore(%arg33 : memref<!tpu.dma_semaphore, #tpu.memory_space<semaphore_mem>>)
    %dma_start3A_167 = arith.constant 23040 : i32
    %dma_start3A_168 = tpu.memref_slice %arg13[%dma_start3A_167] : memref<40960xf32, #tpu.memory_space<vmem>> -> memref<2560xf32, #tpu.memory_space<vmem>>
    %dma_start3A_169 = arith.constant 0 : i32
    %dma_start3A_170 = tpu.memref_slice %arg32[%dma_start3A_169] : memref<81920xf32, #tpu.memory_space<vmem_shared>> -> memref<2560xf32, #tpu.memory_space<vmem_shared>>
    %dma_start3A_171 = arith.constant 23040 : i32
    %dma_start3A_172 = tpu.memref_slice %arg13[%dma_start3A_171] : memref<40960xf32, #tpu.memory_space<vmem>> -> memref<2560xf32, #tpu.memory_space<vmem>>
    %dma_start3A_173 = arith.constant 0 : i32
    %dma_start3A_174 = tpu.memref_slice %arg32[%dma_start3A_173] : memref<81920xf32, #tpu.memory_space<vmem_shared>> -> memref<2560xf32, #tpu.memory_space<vmem_shared>>
    tpu.enqueue_dma source(%dma_start3A_174 : memref<2560xf32, #tpu.memory_space<vmem_shared>>) target(%dma_start3A_172 : memref<2560xf32, #tpu.memory_space<vmem>>) target_semaphore(%arg33 : memref<!tpu.dma_semaphore, #tpu.memory_space<semaphore_mem>>)
    %dma_start3A_175 = arith.constant 23040 : i32
    %dma_start3A_176 = tpu.memref_slice %arg14[%dma_start3A_175] : memref<40960xf32, #tpu.memory_space<vmem>> -> memref<2560xf32, #tpu.memory_space<vmem>>
    %dma_start3A_177 = arith.constant 0 : i32
    %dma_start3A_178 = tpu.memref_slice %arg32[%dma_start3A_177] : memref<81920xf32, #tpu.memory_space<vmem_shared>> -> memref<2560xf32, #tpu.memory_space<vmem_shared>>
    %dma_start3A_179 = arith.constant 23040 : i32
    %dma_start3A_180 = tpu.memref_slice %arg14[%dma_start3A_179] : memref<40960xf32, #tpu.memory_space<vmem>> -> memref<2560xf32, #tpu.memory_space<vmem>>
    %dma_start3A_181 = arith.constant 0 : i32
    %dma_start3A_182 = tpu.memref_slice %arg32[%dma_start3A_181] : memref<81920xf32, #tpu.memory_space<vmem_shared>> -> memref<2560xf32, #tpu.memory_space<vmem_shared>>
    tpu.enqueue_dma source(%dma_start3A_182 : memref<2560xf32, #tpu.memory_space<vmem_shared>>) target(%dma_start3A_180 : memref<2560xf32, #tpu.memory_space<vmem>>) target_semaphore(%arg33 : memref<!tpu.dma_semaphore, #tpu.memory_space<semaphore_mem>>)
    %dma_start3A_183 = arith.constant 25600 : i32
    %dma_start3A_184 = tpu.memref_slice %arg13[%dma_start3A_183] : memref<40960xf32, #tpu.memory_space<vmem>> -> memref<2560xf32, #tpu.memory_space<vmem>>
    %dma_start3A_185 = arith.constant 0 : i32
    %dma_start3A_186 = tpu.memref_slice %arg32[%dma_start3A_185] : memref<81920xf32, #tpu.memory_space<vmem_shared>> -> memref<2560xf32, #tpu.memory_space<vmem_shared>>
    %dma_start3A_187 = arith.constant 25600 : i32
    %dma_start3A_188 = tpu.memref_slice %arg13[%dma_start3A_187] : memref<40960xf32, #tpu.memory_space<vmem>> -> memref<2560xf32, #tpu.memory_space<vmem>>
    %dma_start3A_189 = arith.constant 0 : i32
    %dma_start3A_190 = tpu.memref_slice %arg32[%dma_start3A_189] : memref<81920xf32, #tpu.memory_space<vmem_shared>> -> memref<2560xf32, #tpu.memory_space<vmem_shared>>
    tpu.enqueue_dma source(%dma_start3A_190 : memref<2560xf32, #tpu.memory_space<vmem_shared>>) target(%dma_start3A_188 : memref<2560xf32, #tpu.memory_space<vmem>>) target_semaphore(%arg33 : memref<!tpu.dma_semaphore, #tpu.memory_space<semaphore_mem>>)
    %dma_start3A_191 = arith.constant 25600 : i32
    %dma_start3A_192 = tpu.memref_slice %arg14[%dma_start3A_191] : memref<40960xf32, #tpu.memory_space<vmem>> -> memref<2560xf32, #tpu.memory_space<vmem>>
    %dma_start3A_193 = arith.constant 0 : i32
    %dma_start3A_194 = tpu.memref_slice %arg32[%dma_start3A_193] : memref<81920xf32, #tpu.memory_space<vmem_shared>> -> memref<2560xf32, #tpu.memory_space<vmem_shared>>
    %dma_start3A_195 = arith.constant 25600 : i32
    %dma_start3A_196 = tpu.memref_slice %arg14[%dma_start3A_195] : memref<40960xf32, #tpu.memory_space<vmem>> -> memref<2560xf32, #tpu.memory_space<vmem>>
    %dma_start3A_197 = arith.constant 0 : i32
    %dma_start3A_198 = tpu.memref_slice %arg32[%dma_start3A_197] : memref<81920xf32, #tpu.memory_space<vmem_shared>> -> memref<2560xf32, #tpu.memory_space<vmem_shared>>
    tpu.enqueue_dma source(%dma_start3A_198 : memref<2560xf32, #tpu.memory_space<vmem_shared>>) target(%dma_start3A_196 : memref<2560xf32, #tpu.memory_space<vmem>>) target_semaphore(%arg33 : memref<!tpu.dma_semaphore, #tpu.memory_space<semaphore_mem>>)
    %dma_start3A_199 = arith.constant 28160 : i32
    %dma_start3A_200 = tpu.memref_slice %arg13[%dma_start3A_199] : memref<40960xf32, #tpu.memory_space<vmem>> -> memref<2560xf32, #tpu.memory_space<vmem>>
    %dma_start3A_201 = arith.constant 0 : i32
    %dma_start3A_202 = tpu.memref_slice %arg32[%dma_start3A_201] : memref<81920xf32, #tpu.memory_space<vmem_shared>> -> memref<2560xf32, #tpu.memory_space<vmem_shared>>
    %dma_start3A_203 = arith.constant 28160 : i32
    %dma_start3A_204 = tpu.memref_slice %arg13[%dma_start3A_203] : memref<40960xf32, #tpu.memory_space<vmem>> -> memref<2560xf32, #tpu.memory_space<vmem>>
    %dma_start3A_205 = arith.constant 0 : i32
    %dma_start3A_206 = tpu.memref_slice %arg32[%dma_start3A_205] : memref<81920xf32, #tpu.memory_space<vmem_shared>> -> memref<2560xf32, #tpu.memory_space<vmem_shared>>
    tpu.enqueue_dma source(%dma_start3A_206 : memref<2560xf32, #tpu.memory_space<vmem_shared>>) target(%dma_start3A_204 : memref<2560xf32, #tpu.memory_space<vmem>>) target_semaphore(%arg33 : memref<!tpu.dma_semaphore, #tpu.memory_space<semaphore_mem>>)
    %dma_start3A_207 = arith.constant 28160 : i32
    %dma_start3A_208 = tpu.memref_slice %arg14[%dma_start3A_207] : memref<40960xf32, #tpu.memory_space<vmem>> -> memref<2560xf32, #tpu.memory_space<vmem>>
    %dma_start3A_209 = arith.constant 0 : i32
    %dma_start3A_210 = tpu.memref_slice %arg32[%dma_start3A_209] : memref<81920xf32, #tpu.memory_space<vmem_shared>> -> memref<2560xf32, #tpu.memory_space<vmem_shared>>
    %dma_start3A_211 = arith.constant 28160 : i32
    %dma_start3A_212 = tpu.memref_slice %arg14[%dma_start3A_211] : memref<40960xf32, #tpu.memory_space<vmem>> -> memref<2560xf32, #tpu.memory_space<vmem>>
    %dma_start3A_213 = arith.constant 0 : i32
    %dma_start3A_214 = tpu.memref_slice %arg32[%dma_start3A_213] : memref<81920xf32, #tpu.memory_space<vmem_shared>> -> memref<2560xf32, #tpu.memory_space<vmem_shared>>
    tpu.enqueue_dma source(%dma_start3A_214 : memref<2560xf32, #tpu.memory_space<vmem_shared>>) target(%dma_start3A_212 : memref<2560xf32, #tpu.memory_space<vmem>>) target_semaphore(%arg33 : memref<!tpu.dma_semaphore, #tpu.memory_space<semaphore_mem>>)
    %dma_start3A_215 = arith.constant 30720 : i32
    %dma_start3A_216 = tpu.memref_slice %arg13[%dma_start3A_215] : memref<40960xf32, #tpu.memory_space<vmem>> -> memref<2560xf32, #tpu.memory_space<vmem>>
    %dma_start3A_217 = arith.constant 0 : i32
    %dma_start3A_218 = tpu.memref_slice %arg32[%dma_start3A_217] : memref<81920xf32, #tpu.memory_space<vmem_shared>> -> memref<2560xf32, #tpu.memory_space<vmem_shared>>
    %dma_start3A_219 = arith.constant 30720 : i32
    %dma_start3A_220 = tpu.memref_slice %arg13[%dma_start3A_219] : memref<40960xf32, #tpu.memory_space<vmem>> -> memref<2560xf32, #tpu.memory_space<vmem>>
    %dma_start3A_221 = arith.constant 0 : i32
    %dma_start3A_222 = tpu.memref_slice %arg32[%dma_start3A_221] : memref<81920xf32, #tpu.memory_space<vmem_shared>> -> memref<2560xf32, #tpu.memory_space<vmem_shared>>
    tpu.enqueue_dma source(%dma_start3A_222 : memref<2560xf32, #tpu.memory_space<vmem_shared>>) target(%dma_start3A_220 : memref<2560xf32, #tpu.memory_space<vmem>>) target_semaphore(%arg33 : memref<!tpu.dma_semaphore, #tpu.memory_space<semaphore_mem>>)
    %dma_start3A_223 = arith.constant 30720 : i32
    %dma_start3A_224 = tpu.memref_slice %arg14[%dma_start3A_223] : memref<40960xf32, #tpu.memory_space<vmem>> -> memref<2560xf32, #tpu.memory_space<vmem>>
    %dma_start3A_225 = arith.constant 0 : i32
    %dma_start3A_226 = tpu.memref_slice %arg32[%dma_start3A_225] : memref<81920xf32, #tpu.memory_space<vmem_shared>> -> memref<2560xf32, #tpu.memory_space<vmem_shared>>
    %dma_start3A_227 = arith.constant 30720 : i32
    %dma_start3A_228 = tpu.memref_slice %arg14[%dma_start3A_227] : memref<40960xf32, #tpu.memory_space<vmem>> -> memref<2560xf32, #tpu.memory_space<vmem>>
    %dma_start3A_229 = arith.constant 0 : i32
    %dma_start3A_230 = tpu.memref_slice %arg32[%dma_start3A_229] : memref<81920xf32, #tpu.memory_space<vmem_shared>> -> memref<2560xf32, #tpu.memory_space<vmem_shared>>
    tpu.enqueue_dma source(%dma_start3A_230 : memref<2560xf32, #tpu.memory_space<vmem_shared>>) target(%dma_start3A_228 : memref<2560xf32, #tpu.memory_space<vmem>>) target_semaphore(%arg33 : memref<!tpu.dma_semaphore, #tpu.memory_space<semaphore_mem>>)
    %dma_start3A_231 = arith.constant 33280 : i32
    %dma_start3A_232 = tpu.memref_slice %arg13[%dma_start3A_231] : memref<40960xf32, #tpu.memory_space<vmem>> -> memref<2560xf32, #tpu.memory_space<vmem>>
    %dma_start3A_233 = arith.constant 0 : i32
    %dma_start3A_234 = tpu.memref_slice %arg32[%dma_start3A_233] : memref<81920xf32, #tpu.memory_space<vmem_shared>> -> memref<2560xf32, #tpu.memory_space<vmem_shared>>
    %dma_start3A_235 = arith.constant 33280 : i32
    %dma_start3A_236 = tpu.memref_slice %arg13[%dma_start3A_235] : memref<40960xf32, #tpu.memory_space<vmem>> -> memref<2560xf32, #tpu.memory_space<vmem>>
    %dma_start3A_237 = arith.constant 0 : i32
    %dma_start3A_238 = tpu.memref_slice %arg32[%dma_start3A_237] : memref<81920xf32, #tpu.memory_space<vmem_shared>> -> memref<2560xf32, #tpu.memory_space<vmem_shared>>
    tpu.enqueue_dma source(%dma_start3A_238 : memref<2560xf32, #tpu.memory_space<vmem_shared>>) target(%dma_start3A_236 : memref<2560xf32, #tpu.memory_space<vmem>>) target_semaphore(%arg33 : memref<!tpu.dma_semaphore, #tpu.memory_space<semaphore_mem>>)
    %dma_start3A_239 = arith.constant 33280 : i32
    %dma_start3A_240 = tpu.memref_slice %arg14[%dma_start3A_239] : memref<40960xf32, #tpu.memory_space<vmem>> -> memref<2560xf32, #tpu.memory_space<vmem>>
    %dma_start3A_241 = arith.constant 0 : i32
    %dma_start3A_242 = tpu.memref_slice %arg32[%dma_start3A_241] : memref<81920xf32, #tpu.memory_space<vmem_shared>> -> memref<2560xf32, #tpu.memory_space<vmem_shared>>
    %dma_start3A_243 = arith.constant 33280 : i32
    %dma_start3A_244 = tpu.memref_slice %arg14[%dma_start3A_243] : memref<40960xf32, #tpu.memory_space<vmem>> -> memref<2560xf32, #tpu.memory_space<vmem>>
    %dma_start3A_245 = arith.constant 0 : i32
    %dma_start3A_246 = tpu.memref_slice %arg32[%dma_start3A_245] : memref<81920xf32, #tpu.memory_space<vmem_shared>> -> memref<2560xf32, #tpu.memory_space<vmem_shared>>
    tpu.enqueue_dma source(%dma_start3A_246 : memref<2560xf32, #tpu.memory_space<vmem_shared>>) target(%dma_start3A_244 : memref<2560xf32, #tpu.memory_space<vmem>>) target_semaphore(%arg33 : memref<!tpu.dma_semaphore, #tpu.memory_space<semaphore_mem>>)
    %dma_start3A_247 = arith.constant 35840 : i32
    %dma_start3A_248 = tpu.memref_slice %arg13[%dma_start3A_247] : memref<40960xf32, #tpu.memory_space<vmem>> -> memref<2560xf32, #tpu.memory_space<vmem>>
    %dma_start3A_249 = arith.constant 0 : i32
    %dma_start3A_250 = tpu.memref_slice %arg32[%dma_start3A_249] : memref<81920xf32, #tpu.memory_space<vmem_shared>> -> memref<2560xf32, #tpu.memory_space<vmem_shared>>
    %dma_start3A_251 = arith.constant 35840 : i32
    %dma_start3A_252 = tpu.memref_slice %arg13[%dma_start3A_251] : memref<40960xf32, #tpu.memory_space<vmem>> -> memref<2560xf32, #tpu.memory_space<vmem>>
    %dma_start3A_253 = arith.constant 0 : i32
    %dma_start3A_254 = tpu.memref_slice %arg32[%dma_start3A_253] : memref<81920xf32, #tpu.memory_space<vmem_shared>> -> memref<2560xf32, #tpu.memory_space<vmem_shared>>
    tpu.enqueue_dma source(%dma_start3A_254 : memref<2560xf32, #tpu.memory_space<vmem_shared>>) target(%dma_start3A_252 : memref<2560xf32, #tpu.memory_space<vmem>>) target_semaphore(%arg33 : memref<!tpu.dma_semaphore, #tpu.memory_space<semaphore_mem>>)
    %dma_start3A_255 = arith.constant 35840 : i32
    %dma_start3A_256 = tpu.memref_slice %arg14[%dma_start3A_255] : memref<40960xf32, #tpu.memory_space<vmem>> -> memref<2560xf32, #tpu.memory_space<vmem>>
    %dma_start3A_257 = arith.constant 0 : i32
    %dma_start3A_258 = tpu.memref_slice %arg32[%dma_start3A_257] : memref<81920xf32, #tpu.memory_space<vmem_shared>> -> memref<2560xf32, #tpu.memory_space<vmem_shared>>
    %dma_start3A_259 = arith.constant 35840 : i32
    %dma_start3A_260 = tpu.memref_slice %arg14[%dma_start3A_259] : memref<40960xf32, #tpu.memory_space<vmem>> -> memref<2560xf32, #tpu.memory_space<vmem>>
    %dma_start3A_261 = arith.constant 0 : i32
    %dma_start3A_262 = tpu.memref_slice %arg32[%dma_start3A_261] : memref<81920xf32, #tpu.memory_space<vmem_shared>> -> memref<2560xf32, #tpu.memory_space<vmem_shared>>
    tpu.enqueue_dma source(%dma_start3A_262 : memref<2560xf32, #tpu.memory_space<vmem_shared>>) target(%dma_start3A_260 : memref<2560xf32, #tpu.memory_space<vmem>>) target_semaphore(%arg33 : memref<!tpu.dma_semaphore, #tpu.memory_space<semaphore_mem>>)
    %dma_start3A_263 = arith.constant 38400 : i32
    %dma_start3A_264 = tpu.memref_slice %arg13[%dma_start3A_263] : memref<40960xf32, #tpu.memory_space<vmem>> -> memref<2560xf32, #tpu.memory_space<vmem>>
    %dma_start3A_265 = arith.constant 0 : i32
    %dma_start3A_266 = tpu.memref_slice %arg32[%dma_start3A_265] : memref<81920xf32, #tpu.memory_space<vmem_shared>> -> memref<2560xf32, #tpu.memory_space<vmem_shared>>
    %dma_start3A_267 = arith.constant 38400 : i32
    %dma_start3A_268 = tpu.memref_slice %arg13[%dma_start3A_267] : memref<40960xf32, #tpu.memory_space<vmem>> -> memref<2560xf32, #tpu.memory_space<vmem>>
    %dma_start3A_269 = arith.constant 0 : i32
    %dma_start3A_270 = tpu.memref_slice %arg32[%dma_start3A_269] : memref<81920xf32, #tpu.memory_space<vmem_shared>> -> memref<2560xf32, #tpu.memory_space<vmem_shared>>
    tpu.enqueue_dma source(%dma_start3A_270 : memref<2560xf32, #tpu.memory_space<vmem_shared>>) target(%dma_start3A_268 : memref<2560xf32, #tpu.memory_space<vmem>>) target_semaphore(%arg33 : memref<!tpu.dma_semaphore, #tpu.memory_space<semaphore_mem>>)
    %dma_start3A_271 = arith.constant 38400 : i32
    %dma_start3A_272 = tpu.memref_slice %arg14[%dma_start3A_271] : memref<40960xf32, #tpu.memory_space<vmem>> -> memref<2560xf32, #tpu.memory_space<vmem>>
    %dma_start3A_273 = arith.constant 0 : i32
    %dma_start3A_274 = tpu.memref_slice %arg32[%dma_start3A_273] : memref<81920xf32, #tpu.memory_space<vmem_shared>> -> memref<2560xf32, #tpu.memory_space<vmem_shared>>
    %dma_start3A_275 = arith.constant 38400 : i32
    %dma_start3A_276 = tpu.memref_slice %arg14[%dma_start3A_275] : memref<40960xf32, #tpu.memory_space<vmem>> -> memref<2560xf32, #tpu.memory_space<vmem>>
    %dma_start3A_277 = arith.constant 0 : i32
    %dma_start3A_278 = tpu.memref_slice %arg32[%dma_start3A_277] : memref<81920xf32, #tpu.memory_space<vmem_shared>> -> memref<2560xf32, #tpu.memory_space<vmem_shared>>
    tpu.enqueue_dma source(%dma_start3A_278 : memref<2560xf32, #tpu.memory_space<vmem_shared>>) target(%dma_start3A_276 : memref<2560xf32, #tpu.memory_space<vmem>>) target_semaphore(%arg33 : memref<!tpu.dma_semaphore, #tpu.memory_space<semaphore_mem>>)
    %dma_wait3A = arith.constant 0 : i32
    %dma_wait3A_279 = tpu.memref_slice %arg13[%dma_wait3A] : memref<40960xf32, #tpu.memory_space<vmem>> -> memref<2560xf32, #tpu.memory_space<vmem>>
    %dma_wait3A_280 = arith.constant 0 : i32
    %dma_wait3A_281 = tpu.memref_slice %arg32[%dma_wait3A_280] : memref<81920xf32, #tpu.memory_space<vmem_shared>> -> memref<2560xf32, #tpu.memory_space<vmem_shared>>
    %dma_wait3A_282 = arith.constant 0 : i32
    %dma_wait3A_283 = tpu.memref_slice %arg13[%dma_wait3A_282] : memref<40960xf32, #tpu.memory_space<vmem>> -> memref<2560xf32, #tpu.memory_space<vmem>>
    %dma_wait3A_284 = arith.constant 0 : i32
    %dma_wait3A_285 = tpu.memref_slice %arg32[%dma_wait3A_284] : memref<81920xf32, #tpu.memory_space<vmem_shared>> -> memref<2560xf32, #tpu.memory_space<vmem_shared>>
    tpu.wait_dma2 semaphore(%arg33 : memref<!tpu.dma_semaphore, #tpu.memory_space<semaphore_mem>>) src(%dma_wait3A_285 : memref<2560xf32, #tpu.memory_space<vmem_shared>>) dst(%dma_wait3A_283 : memref<2560xf32, #tpu.memory_space<vmem>>)
    %dma_wait3A_286 = arith.constant 0 : i32
    %dma_wait3A_287 = tpu.memref_slice %arg14[%dma_wait3A_286] : memref<40960xf32, #tpu.memory_space<vmem>> -> memref<2560xf32, #tpu.memory_space<vmem>>
    %dma_wait3A_288 = arith.constant 0 : i32
    %dma_wait3A_289 = tpu.memref_slice %arg32[%dma_wait3A_288] : memref<81920xf32, #tpu.memory_space<vmem_shared>> -> memref<2560xf32, #tpu.memory_space<vmem_shared>>
    %dma_wait3A_290 = arith.constant 0 : i32
    %dma_wait3A_291 = tpu.memref_slice %arg14[%dma_wait3A_290] : memref<40960xf32, #tpu.memory_space<vmem>> -> memref<2560xf32, #tpu.memory_space<vmem>>
    %dma_wait3A_292 = arith.constant 0 : i32
    %dma_wait3A_293 = tpu.memref_slice %arg32[%dma_wait3A_292] : memref<81920xf32, #tpu.memory_space<vmem_shared>> -> memref<2560xf32, #tpu.memory_space<vmem_shared>>
    tpu.wait_dma2 semaphore(%arg33 : memref<!tpu.dma_semaphore, #tpu.memory_space<semaphore_mem>>) src(%dma_wait3A_293 : memref<2560xf32, #tpu.memory_space<vmem_shared>>) dst(%dma_wait3A_291 : memref<2560xf32, #tpu.memory_space<vmem>>)
    %dma_wait3A_294 = arith.constant 2560 : i32
    %dma_wait3A_295 = tpu.memref_slice %arg13[%dma_wait3A_294] : memref<40960xf32, #tpu.memory_space<vmem>> -> memref<2560xf32, #tpu.memory_space<vmem>>
    %dma_wait3A_296 = arith.constant 0 : i32
    %dma_wait3A_297 = tpu.memref_slice %arg32[%dma_wait3A_296] : memref<81920xf32, #tpu.memory_space<vmem_shared>> -> memref<2560xf32, #tpu.memory_space<vmem_shared>>
    %dma_wait3A_298 = arith.constant 2560 : i32
    %dma_wait3A_299 = tpu.memref_slice %arg13[%dma_wait3A_298] : memref<40960xf32, #tpu.memory_space<vmem>> -> memref<2560xf32, #tpu.memory_space<vmem>>
    %dma_wait3A_300 = arith.constant 0 : i32
    %dma_wait3A_301 = tpu.memref_slice %arg32[%dma_wait3A_300] : memref<81920xf32, #tpu.memory_space<vmem_shared>> -> memref<2560xf32, #tpu.memory_space<vmem_shared>>
    tpu.wait_dma2 semaphore(%arg33 : memref<!tpu.dma_semaphore, #tpu.memory_space<semaphore_mem>>) src(%dma_wait3A_301 : memref<2560xf32, #tpu.memory_space<vmem_shared>>) dst(%dma_wait3A_299 : memref<2560xf32, #tpu.memory_space<vmem>>)
    %dma_wait3A_302 = arith.constant 2560 : i32
    %dma_wait3A_303 = tpu.memref_slice %arg14[%dma_wait3A_302] : memref<40960xf32, #tpu.memory_space<vmem>> -> memref<2560xf32, #tpu.memory_space<vmem>>
    %dma_wait3A_304 = arith.constant 0 : i32
    %dma_wait3A_305 = tpu.memref_slice %arg32[%dma_wait3A_304] : memref<81920xf32, #tpu.memory_space<vmem_shared>> -> memref<2560xf32, #tpu.memory_space<vmem_shared>>
    %dma_wait3A_306 = arith.constant 2560 : i32
    %dma_wait3A_307 = tpu.memref_slice %arg14[%dma_wait3A_306] : memref<40960xf32, #tpu.memory_space<vmem>> -> memref<2560xf32, #tpu.memory_space<vmem>>
    %dma_wait3A_308 = arith.constant 0 : i32
    %dma_wait3A_309 = tpu.memref_slice %arg32[%dma_wait3A_308] : memref<81920xf32, #tpu.memory_space<vmem_shared>> -> memref<2560xf32, #tpu.memory_space<vmem_shared>>
    tpu.wait_dma2 semaphore(%arg33 : memref<!tpu.dma_semaphore, #tpu.memory_space<semaphore_mem>>) src(%dma_wait3A_309 : memref<2560xf32, #tpu.memory_space<vmem_shared>>) dst(%dma_wait3A_307 : memref<2560xf32, #tpu.memory_space<vmem>>)
    %dma_wait3A_310 = arith.constant 5120 : i32
    %dma_wait3A_311 = tpu.memref_slice %arg13[%dma_wait3A_310] : memref<40960xf32, #tpu.memory_space<vmem>> -> memref<2560xf32, #tpu.memory_space<vmem>>
    %dma_wait3A_312 = arith.constant 0 : i32
    %dma_wait3A_313 = tpu.memref_slice %arg32[%dma_wait3A_312] : memref<81920xf32, #tpu.memory_space<vmem_shared>> -> memref<2560xf32, #tpu.memory_space<vmem_shared>>
    %dma_wait3A_314 = arith.constant 5120 : i32
    %dma_wait3A_315 = tpu.memref_slice %arg13[%dma_wait3A_314] : memref<40960xf32, #tpu.memory_space<vmem>> -> memref<2560xf32, #tpu.memory_space<vmem>>
    %dma_wait3A_316 = arith.constant 0 : i32
    %dma_wait3A_317 = tpu.memref_slice %arg32[%dma_wait3A_316] : memref<81920xf32, #tpu.memory_space<vmem_shared>> -> memref<2560xf32, #tpu.memory_space<vmem_shared>>
    tpu.wait_dma2 semaphore(%arg33 : memref<!tpu.dma_semaphore, #tpu.memory_space<semaphore_mem>>) src(%dma_wait3A_317 : memref<2560xf32, #tpu.memory_space<vmem_shared>>) dst(%dma_wait3A_315 : memref<2560xf32, #tpu.memory_space<vmem>>)
    %dma_wait3A_318 = arith.constant 5120 : i32
    %dma_wait3A_319 = tpu.memref_slice %arg14[%dma_wait3A_318] : memref<40960xf32, #tpu.memory_space<vmem>> -> memref<2560xf32, #tpu.memory_space<vmem>>
    %dma_wait3A_320 = arith.constant 0 : i32
    %dma_wait3A_321 = tpu.memref_slice %arg32[%dma_wait3A_320] : memref<81920xf32, #tpu.memory_space<vmem_shared>> -> memref<2560xf32, #tpu.memory_space<vmem_shared>>
    %dma_wait3A_322 = arith.constant 5120 : i32
    %dma_wait3A_323 = tpu.memref_slice %arg14[%dma_wait3A_322] : memref<40960xf32, #tpu.memory_space<vmem>> -> memref<2560xf32, #tpu.memory_space<vmem>>
    %dma_wait3A_324 = arith.constant 0 : i32
    %dma_wait3A_325 = tpu.memref_slice %arg32[%dma_wait3A_324] : memref<81920xf32, #tpu.memory_space<vmem_shared>> -> memref<2560xf32, #tpu.memory_space<vmem_shared>>
    tpu.wait_dma2 semaphore(%arg33 : memref<!tpu.dma_semaphore, #tpu.memory_space<semaphore_mem>>) src(%dma_wait3A_325 : memref<2560xf32, #tpu.memory_space<vmem_shared>>) dst(%dma_wait3A_323 : memref<2560xf32, #tpu.memory_space<vmem>>)
    %dma_wait3A_326 = arith.constant 7680 : i32
    %dma_wait3A_327 = tpu.memref_slice %arg13[%dma_wait3A_326] : memref<40960xf32, #tpu.memory_space<vmem>> -> memref<2560xf32, #tpu.memory_space<vmem>>
    %dma_wait3A_328 = arith.constant 0 : i32
    %dma_wait3A_329 = tpu.memref_slice %arg32[%dma_wait3A_328] : memref<81920xf32, #tpu.memory_space<vmem_shared>> -> memref<2560xf32, #tpu.memory_space<vmem_shared>>
    %dma_wait3A_330 = arith.constant 7680 : i32
    %dma_wait3A_331 = tpu.memref_slice %arg13[%dma_wait3A_330] : memref<40960xf32, #tpu.memory_space<vmem>> -> memref<2560xf32, #tpu.memory_space<vmem>>
    %dma_wait3A_332 = arith.constant 0 : i32
    %dma_wait3A_333 = tpu.memref_slice %arg32[%dma_wait3A_332] : memref<81920xf32, #tpu.memory_space<vmem_shared>> -> memref<2560xf32, #tpu.memory_space<vmem_shared>>
    tpu.wait_dma2 semaphore(%arg33 : memref<!tpu.dma_semaphore, #tpu.memory_space<semaphore_mem>>) src(%dma_wait3A_333 : memref<2560xf32, #tpu.memory_space<vmem_shared>>) dst(%dma_wait3A_331 : memref<2560xf32, #tpu.memory_space<vmem>>)
    %dma_wait3A_334 = arith.constant 7680 : i32
    %dma_wait3A_335 = tpu.memref_slice %arg14[%dma_wait3A_334] : memref<40960xf32, #tpu.memory_space<vmem>> -> memref<2560xf32, #tpu.memory_space<vmem>>
    %dma_wait3A_336 = arith.constant 0 : i32
    %dma_wait3A_337 = tpu.memref_slice %arg32[%dma_wait3A_336] : memref<81920xf32, #tpu.memory_space<vmem_shared>> -> memref<2560xf32, #tpu.memory_space<vmem_shared>>
    %dma_wait3A_338 = arith.constant 7680 : i32
    %dma_wait3A_339 = tpu.memref_slice %arg14[%dma_wait3A_338] : memref<40960xf32, #tpu.memory_space<vmem>> -> memref<2560xf32, #tpu.memory_space<vmem>>
    %dma_wait3A_340 = arith.constant 0 : i32
    %dma_wait3A_341 = tpu.memref_slice %arg32[%dma_wait3A_340] : memref<81920xf32, #tpu.memory_space<vmem_shared>> -> memref<2560xf32, #tpu.memory_space<vmem_shared>>
    tpu.wait_dma2 semaphore(%arg33 : memref<!tpu.dma_semaphore, #tpu.memory_space<semaphore_mem>>) src(%dma_wait3A_341 : memref<2560xf32, #tpu.memory_space<vmem_shared>>) dst(%dma_wait3A_339 : memref<2560xf32, #tpu.memory_space<vmem>>)
    %dma_wait3A_342 = arith.constant 10240 : i32
    %dma_wait3A_343 = tpu.memref_slice %arg13[%dma_wait3A_342] : memref<40960xf32, #tpu.memory_space<vmem>> -> memref<2560xf32, #tpu.memory_space<vmem>>
    %dma_wait3A_344 = arith.constant 0 : i32
    %dma_wait3A_345 = tpu.memref_slice %arg32[%dma_wait3A_344] : memref<81920xf32, #tpu.memory_space<vmem_shared>> -> memref<2560xf32, #tpu.memory_space<vmem_shared>>
    %dma_wait3A_346 = arith.constant 10240 : i32
    %dma_wait3A_347 = tpu.memref_slice %arg13[%dma_wait3A_346] : memref<40960xf32, #tpu.memory_space<vmem>> -> memref<2560xf32, #tpu.memory_space<vmem>>
    %dma_wait3A_348 = arith.constant 0 : i32
    %dma_wait3A_349 = tpu.memref_slice %arg32[%dma_wait3A_348] : memref<81920xf32, #tpu.memory_space<vmem_shared>> -> memref<2560xf32, #tpu.memory_space<vmem_shared>>
    tpu.wait_dma2 semaphore(%arg33 : memref<!tpu.dma_semaphore, #tpu.memory_space<semaphore_mem>>) src(%dma_wait3A_349 : memref<2560xf32, #tpu.memory_space<vmem_shared>>) dst(%dma_wait3A_347 : memref<2560xf32, #tpu.memory_space<vmem>>)
    %dma_wait3A_350 = arith.constant 10240 : i32
    %dma_wait3A_351 = tpu.memref_slice %arg14[%dma_wait3A_350] : memref<40960xf32, #tpu.memory_space<vmem>> -> memref<2560xf32, #tpu.memory_space<vmem>>
    %dma_wait3A_352 = arith.constant 0 : i32
    %dma_wait3A_353 = tpu.memref_slice %arg32[%dma_wait3A_352] : memref<81920xf32, #tpu.memory_space<vmem_shared>> -> memref<2560xf32, #tpu.memory_space<vmem_shared>>
    %dma_wait3A_354 = arith.constant 10240 : i32
    %dma_wait3A_355 = tpu.memref_slice %arg14[%dma_wait3A_354] : memref<40960xf32, #tpu.memory_space<vmem>> -> memref<2560xf32, #tpu.memory_space<vmem>>
    %dma_wait3A_356 = arith.constant 0 : i32
    %dma_wait3A_357 = tpu.memref_slice %arg32[%dma_wait3A_356] : memref<81920xf32, #tpu.memory_space<vmem_shared>> -> memref<2560xf32, #tpu.memory_space<vmem_shared>>
    tpu.wait_dma2 semaphore(%arg33 : memref<!tpu.dma_semaphore, #tpu.memory_space<semaphore_mem>>) src(%dma_wait3A_357 : memref<2560xf32, #tpu.memory_space<vmem_shared>>) dst(%dma_wait3A_355 : memref<2560xf32, #tpu.memory_space<vmem>>)
    %dma_wait3A_358 = arith.constant 12800 : i32
    %dma_wait3A_359 = tpu.memref_slice %arg13[%dma_wait3A_358] : memref<40960xf32, #tpu.memory_space<vmem>> -> memref<2560xf32, #tpu.memory_space<vmem>>
    %dma_wait3A_360 = arith.constant 0 : i32
    %dma_wait3A_361 = tpu.memref_slice %arg32[%dma_wait3A_360] : memref<81920xf32, #tpu.memory_space<vmem_shared>> -> memref<2560xf32, #tpu.memory_space<vmem_shared>>
    %dma_wait3A_362 = arith.constant 12800 : i32
    %dma_wait3A_363 = tpu.memref_slice %arg13[%dma_wait3A_362] : memref<40960xf32, #tpu.memory_space<vmem>> -> memref<2560xf32, #tpu.memory_space<vmem>>
    %dma_wait3A_364 = arith.constant 0 : i32
    %dma_wait3A_365 = tpu.memref_slice %arg32[%dma_wait3A_364] : memref<81920xf32, #tpu.memory_space<vmem_shared>> -> memref<2560xf32, #tpu.memory_space<vmem_shared>>
    tpu.wait_dma2 semaphore(%arg33 : memref<!tpu.dma_semaphore, #tpu.memory_space<semaphore_mem>>) src(%dma_wait3A_365 : memref<2560xf32, #tpu.memory_space<vmem_shared>>) dst(%dma_wait3A_363 : memref<2560xf32, #tpu.memory_space<vmem>>)
    %dma_wait3A_366 = arith.constant 12800 : i32
    %dma_wait3A_367 = tpu.memref_slice %arg14[%dma_wait3A_366] : memref<40960xf32, #tpu.memory_space<vmem>> -> memref<2560xf32, #tpu.memory_space<vmem>>
    %dma_wait3A_368 = arith.constant 0 : i32
    %dma_wait3A_369 = tpu.memref_slice %arg32[%dma_wait3A_368] : memref<81920xf32, #tpu.memory_space<vmem_shared>> -> memref<2560xf32, #tpu.memory_space<vmem_shared>>
    %dma_wait3A_370 = arith.constant 12800 : i32
    %dma_wait3A_371 = tpu.memref_slice %arg14[%dma_wait3A_370] : memref<40960xf32, #tpu.memory_space<vmem>> -> memref<2560xf32, #tpu.memory_space<vmem>>
    %dma_wait3A_372 = arith.constant 0 : i32
    %dma_wait3A_373 = tpu.memref_slice %arg32[%dma_wait3A_372] : memref<81920xf32, #tpu.memory_space<vmem_shared>> -> memref<2560xf32, #tpu.memory_space<vmem_shared>>
    tpu.wait_dma2 semaphore(%arg33 : memref<!tpu.dma_semaphore, #tpu.memory_space<semaphore_mem>>) src(%dma_wait3A_373 : memref<2560xf32, #tpu.memory_space<vmem_shared>>) dst(%dma_wait3A_371 : memref<2560xf32, #tpu.memory_space<vmem>>)
    %dma_wait3A_374 = arith.constant 15360 : i32
    %dma_wait3A_375 = tpu.memref_slice %arg13[%dma_wait3A_374] : memref<40960xf32, #tpu.memory_space<vmem>> -> memref<2560xf32, #tpu.memory_space<vmem>>
    %dma_wait3A_376 = arith.constant 0 : i32
    %dma_wait3A_377 = tpu.memref_slice %arg32[%dma_wait3A_376] : memref<81920xf32, #tpu.memory_space<vmem_shared>> -> memref<2560xf32, #tpu.memory_space<vmem_shared>>
    %dma_wait3A_378 = arith.constant 15360 : i32
    %dma_wait3A_379 = tpu.memref_slice %arg13[%dma_wait3A_378] : memref<40960xf32, #tpu.memory_space<vmem>> -> memref<2560xf32, #tpu.memory_space<vmem>>
    %dma_wait3A_380 = arith.constant 0 : i32
    %dma_wait3A_381 = tpu.memref_slice %arg32[%dma_wait3A_380] : memref<81920xf32, #tpu.memory_space<vmem_shared>> -> memref<2560xf32, #tpu.memory_space<vmem_shared>>
    tpu.wait_dma2 semaphore(%arg33 : memref<!tpu.dma_semaphore, #tpu.memory_space<semaphore_mem>>) src(%dma_wait3A_381 : memref<2560xf32, #tpu.memory_space<vmem_shared>>) dst(%dma_wait3A_379 : memref<2560xf32, #tpu.memory_space<vmem>>)
    %dma_wait3A_382 = arith.constant 15360 : i32
    %dma_wait3A_383 = tpu.memref_slice %arg14[%dma_wait3A_382] : memref<40960xf32, #tpu.memory_space<vmem>> -> memref<2560xf32, #tpu.memory_space<vmem>>
    %dma_wait3A_384 = arith.constant 0 : i32
    %dma_wait3A_385 = tpu.memref_slice %arg32[%dma_wait3A_384] : memref<81920xf32, #tpu.memory_space<vmem_shared>> -> memref<2560xf32, #tpu.memory_space<vmem_shared>>
    %dma_wait3A_386 = arith.constant 15360 : i32
    %dma_wait3A_387 = tpu.memref_slice %arg14[%dma_wait3A_386] : memref<40960xf32, #tpu.memory_space<vmem>> -> memref<2560xf32, #tpu.memory_space<vmem>>
    %dma_wait3A_388 = arith.constant 0 : i32
    %dma_wait3A_389 = tpu.memref_slice %arg32[%dma_wait3A_388] : memref<81920xf32, #tpu.memory_space<vmem_shared>> -> memref<2560xf32, #tpu.memory_space<vmem_shared>>
    tpu.wait_dma2 semaphore(%arg33 : memref<!tpu.dma_semaphore, #tpu.memory_space<semaphore_mem>>) src(%dma_wait3A_389 : memref<2560xf32, #tpu.memory_space<vmem_shared>>) dst(%dma_wait3A_387 : memref<2560xf32, #tpu.memory_space<vmem>>)
    %dma_wait3A_390 = arith.constant 17920 : i32
    %dma_wait3A_391 = tpu.memref_slice %arg13[%dma_wait3A_390] : memref<40960xf32, #tpu.memory_space<vmem>> -> memref<2560xf32, #tpu.memory_space<vmem>>
    %dma_wait3A_392 = arith.constant 0 : i32
    %dma_wait3A_393 = tpu.memref_slice %arg32[%dma_wait3A_392] : memref<81920xf32, #tpu.memory_space<vmem_shared>> -> memref<2560xf32, #tpu.memory_space<vmem_shared>>
    %dma_wait3A_394 = arith.constant 17920 : i32
    %dma_wait3A_395 = tpu.memref_slice %arg13[%dma_wait3A_394] : memref<40960xf32, #tpu.memory_space<vmem>> -> memref<2560xf32, #tpu.memory_space<vmem>>
    %dma_wait3A_396 = arith.constant 0 : i32
    %dma_wait3A_397 = tpu.memref_slice %arg32[%dma_wait3A_396] : memref<81920xf32, #tpu.memory_space<vmem_shared>> -> memref<2560xf32, #tpu.memory_space<vmem_shared>>
    tpu.wait_dma2 semaphore(%arg33 : memref<!tpu.dma_semaphore, #tpu.memory_space<semaphore_mem>>) src(%dma_wait3A_397 : memref<2560xf32, #tpu.memory_space<vmem_shared>>) dst(%dma_wait3A_395 : memref<2560xf32, #tpu.memory_space<vmem>>)
    %dma_wait3A_398 = arith.constant 17920 : i32
    %dma_wait3A_399 = tpu.memref_slice %arg14[%dma_wait3A_398] : memref<40960xf32, #tpu.memory_space<vmem>> -> memref<2560xf32, #tpu.memory_space<vmem>>
    %dma_wait3A_400 = arith.constant 0 : i32
    %dma_wait3A_401 = tpu.memref_slice %arg32[%dma_wait3A_400] : memref<81920xf32, #tpu.memory_space<vmem_shared>> -> memref<2560xf32, #tpu.memory_space<vmem_shared>>
    %dma_wait3A_402 = arith.constant 17920 : i32
    %dma_wait3A_403 = tpu.memref_slice %arg14[%dma_wait3A_402] : memref<40960xf32, #tpu.memory_space<vmem>> -> memref<2560xf32, #tpu.memory_space<vmem>>
    %dma_wait3A_404 = arith.constant 0 : i32
    %dma_wait3A_405 = tpu.memref_slice %arg32[%dma_wait3A_404] : memref<81920xf32, #tpu.memory_space<vmem_shared>> -> memref<2560xf32, #tpu.memory_space<vmem_shared>>
    tpu.wait_dma2 semaphore(%arg33 : memref<!tpu.dma_semaphore, #tpu.memory_space<semaphore_mem>>) src(%dma_wait3A_405 : memref<2560xf32, #tpu.memory_space<vmem_shared>>) dst(%dma_wait3A_403 : memref<2560xf32, #tpu.memory_space<vmem>>)
    %dma_wait3A_406 = arith.constant 20480 : i32
    %dma_wait3A_407 = tpu.memref_slice %arg13[%dma_wait3A_406] : memref<40960xf32, #tpu.memory_space<vmem>> -> memref<2560xf32, #tpu.memory_space<vmem>>
    %dma_wait3A_408 = arith.constant 0 : i32
    %dma_wait3A_409 = tpu.memref_slice %arg32[%dma_wait3A_408] : memref<81920xf32, #tpu.memory_space<vmem_shared>> -> memref<2560xf32, #tpu.memory_space<vmem_shared>>
    %dma_wait3A_410 = arith.constant 20480 : i32
    %dma_wait3A_411 = tpu.memref_slice %arg13[%dma_wait3A_410] : memref<40960xf32, #tpu.memory_space<vmem>> -> memref<2560xf32, #tpu.memory_space<vmem>>
    %dma_wait3A_412 = arith.constant 0 : i32
    %dma_wait3A_413 = tpu.memref_slice %arg32[%dma_wait3A_412] : memref<81920xf32, #tpu.memory_space<vmem_shared>> -> memref<2560xf32, #tpu.memory_space<vmem_shared>>
    tpu.wait_dma2 semaphore(%arg33 : memref<!tpu.dma_semaphore, #tpu.memory_space<semaphore_mem>>) src(%dma_wait3A_413 : memref<2560xf32, #tpu.memory_space<vmem_shared>>) dst(%dma_wait3A_411 : memref<2560xf32, #tpu.memory_space<vmem>>)
    %dma_wait3A_414 = arith.constant 20480 : i32
    %dma_wait3A_415 = tpu.memref_slice %arg14[%dma_wait3A_414] : memref<40960xf32, #tpu.memory_space<vmem>> -> memref<2560xf32, #tpu.memory_space<vmem>>
    %dma_wait3A_416 = arith.constant 0 : i32
    %dma_wait3A_417 = tpu.memref_slice %arg32[%dma_wait3A_416] : memref<81920xf32, #tpu.memory_space<vmem_shared>> -> memref<2560xf32, #tpu.memory_space<vmem_shared>>
    %dma_wait3A_418 = arith.constant 20480 : i32
    %dma_wait3A_419 = tpu.memref_slice %arg14[%dma_wait3A_418] : memref<40960xf32, #tpu.memory_space<vmem>> -> memref<2560xf32, #tpu.memory_space<vmem>>
    %dma_wait3A_420 = arith.constant 0 : i32
    %dma_wait3A_421 = tpu.memref_slice %arg32[%dma_wait3A_420] : memref<81920xf32, #tpu.memory_space<vmem_shared>> -> memref<2560xf32, #tpu.memory_space<vmem_shared>>
    tpu.wait_dma2 semaphore(%arg33 : memref<!tpu.dma_semaphore, #tpu.memory_space<semaphore_mem>>) src(%dma_wait3A_421 : memref<2560xf32, #tpu.memory_space<vmem_shared>>) dst(%dma_wait3A_419 : memref<2560xf32, #tpu.memory_space<vmem>>)
    %dma_wait3A_422 = arith.constant 23040 : i32
    %dma_wait3A_423 = tpu.memref_slice %arg13[%dma_wait3A_422] : memref<40960xf32, #tpu.memory_space<vmem>> -> memref<2560xf32, #tpu.memory_space<vmem>>
    %dma_wait3A_424 = arith.constant 0 : i32
    %dma_wait3A_425 = tpu.memref_slice %arg32[%dma_wait3A_424] : memref<81920xf32, #tpu.memory_space<vmem_shared>> -> memref<2560xf32, #tpu.memory_space<vmem_shared>>
    %dma_wait3A_426 = arith.constant 23040 : i32
    %dma_wait3A_427 = tpu.memref_slice %arg13[%dma_wait3A_426] : memref<40960xf32, #tpu.memory_space<vmem>> -> memref<2560xf32, #tpu.memory_space<vmem>>
    %dma_wait3A_428 = arith.constant 0 : i32
    %dma_wait3A_429 = tpu.memref_slice %arg32[%dma_wait3A_428] : memref<81920xf32, #tpu.memory_space<vmem_shared>> -> memref<2560xf32, #tpu.memory_space<vmem_shared>>
    tpu.wait_dma2 semaphore(%arg33 : memref<!tpu.dma_semaphore, #tpu.memory_space<semaphore_mem>>) src(%dma_wait3A_429 : memref<2560xf32, #tpu.memory_space<vmem_shared>>) dst(%dma_wait3A_427 : memref<2560xf32, #tpu.memory_space<vmem>>)
    %dma_wait3A_430 = arith.constant 23040 : i32
    %dma_wait3A_431 = tpu.memref_slice %arg14[%dma_wait3A_430] : memref<40960xf32, #tpu.memory_space<vmem>> -> memref<2560xf32, #tpu.memory_space<vmem>>
    %dma_wait3A_432 = arith.constant 0 : i32
    %dma_wait3A_433 = tpu.memref_slice %arg32[%dma_wait3A_432] : memref<81920xf32, #tpu.memory_space<vmem_shared>> -> memref<2560xf32, #tpu.memory_space<vmem_shared>>
    %dma_wait3A_434 = arith.constant 23040 : i32
    %dma_wait3A_435 = tpu.memref_slice %arg14[%dma_wait3A_434] : memref<40960xf32, #tpu.memory_space<vmem>> -> memref<2560xf32, #tpu.memory_space<vmem>>
    %dma_wait3A_436 = arith.constant 0 : i32
    %dma_wait3A_437 = tpu.memref_slice %arg32[%dma_wait3A_436] : memref<81920xf32, #tpu.memory_space<vmem_shared>> -> memref<2560xf32, #tpu.memory_space<vmem_shared>>
    tpu.wait_dma2 semaphore(%arg33 : memref<!tpu.dma_semaphore, #tpu.memory_space<semaphore_mem>>) src(%dma_wait3A_437 : memref<2560xf32, #tpu.memory_space<vmem_shared>>) dst(%dma_wait3A_435 : memref<2560xf32, #tpu.memory_space<vmem>>)
    %dma_wait3A_438 = arith.constant 25600 : i32
    %dma_wait3A_439 = tpu.memref_slice %arg13[%dma_wait3A_438] : memref<40960xf32, #tpu.memory_space<vmem>> -> memref<2560xf32, #tpu.memory_space<vmem>>
    %dma_wait3A_440 = arith.constant 0 : i32
    %dma_wait3A_441 = tpu.memref_slice %arg32[%dma_wait3A_440] : memref<81920xf32, #tpu.memory_space<vmem_shared>> -> memref<2560xf32, #tpu.memory_space<vmem_shared>>
    %dma_wait3A_442 = arith.constant 25600 : i32
    %dma_wait3A_443 = tpu.memref_slice %arg13[%dma_wait3A_442] : memref<40960xf32, #tpu.memory_space<vmem>> -> memref<2560xf32, #tpu.memory_space<vmem>>
    %dma_wait3A_444 = arith.constant 0 : i32
    %dma_wait3A_445 = tpu.memref_slice %arg32[%dma_wait3A_444] : memref<81920xf32, #tpu.memory_space<vmem_shared>> -> memref<2560xf32, #tpu.memory_space<vmem_shared>>
    tpu.wait_dma2 semaphore(%arg33 : memref<!tpu.dma_semaphore, #tpu.memory_space<semaphore_mem>>) src(%dma_wait3A_445 : memref<2560xf32, #tpu.memory_space<vmem_shared>>) dst(%dma_wait3A_443 : memref<2560xf32, #tpu.memory_space<vmem>>)
    %dma_wait3A_446 = arith.constant 25600 : i32
    %dma_wait3A_447 = tpu.memref_slice %arg14[%dma_wait3A_446] : memref<40960xf32, #tpu.memory_space<vmem>> -> memref<2560xf32, #tpu.memory_space<vmem>>
    %dma_wait3A_448 = arith.constant 0 : i32
    %dma_wait3A_449 = tpu.memref_slice %arg32[%dma_wait3A_448] : memref<81920xf32, #tpu.memory_space<vmem_shared>> -> memref<2560xf32, #tpu.memory_space<vmem_shared>>
    %dma_wait3A_450 = arith.constant 25600 : i32
    %dma_wait3A_451 = tpu.memref_slice %arg14[%dma_wait3A_450] : memref<40960xf32, #tpu.memory_space<vmem>> -> memref<2560xf32, #tpu.memory_space<vmem>>
    %dma_wait3A_452 = arith.constant 0 : i32
    %dma_wait3A_453 = tpu.memref_slice %arg32[%dma_wait3A_452] : memref<81920xf32, #tpu.memory_space<vmem_shared>> -> memref<2560xf32, #tpu.memory_space<vmem_shared>>
    tpu.wait_dma2 semaphore(%arg33 : memref<!tpu.dma_semaphore, #tpu.memory_space<semaphore_mem>>) src(%dma_wait3A_453 : memref<2560xf32, #tpu.memory_space<vmem_shared>>) dst(%dma_wait3A_451 : memref<2560xf32, #tpu.memory_space<vmem>>)
    %dma_wait3A_454 = arith.constant 28160 : i32
    %dma_wait3A_455 = tpu.memref_slice %arg13[%dma_wait3A_454] : memref<40960xf32, #tpu.memory_space<vmem>> -> memref<2560xf32, #tpu.memory_space<vmem>>
    %dma_wait3A_456 = arith.constant 0 : i32
    %dma_wait3A_457 = tpu.memref_slice %arg32[%dma_wait3A_456] : memref<81920xf32, #tpu.memory_space<vmem_shared>> -> memref<2560xf32, #tpu.memory_space<vmem_shared>>
    %dma_wait3A_458 = arith.constant 28160 : i32
    %dma_wait3A_459 = tpu.memref_slice %arg13[%dma_wait3A_458] : memref<40960xf32, #tpu.memory_space<vmem>> -> memref<2560xf32, #tpu.memory_space<vmem>>
    %dma_wait3A_460 = arith.constant 0 : i32
    %dma_wait3A_461 = tpu.memref_slice %arg32[%dma_wait3A_460] : memref<81920xf32, #tpu.memory_space<vmem_shared>> -> memref<2560xf32, #tpu.memory_space<vmem_shared>>
    tpu.wait_dma2 semaphore(%arg33 : memref<!tpu.dma_semaphore, #tpu.memory_space<semaphore_mem>>) src(%dma_wait3A_461 : memref<2560xf32, #tpu.memory_space<vmem_shared>>) dst(%dma_wait3A_459 : memref<2560xf32, #tpu.memory_space<vmem>>)
    %dma_wait3A_462 = arith.constant 28160 : i32
    %dma_wait3A_463 = tpu.memref_slice %arg14[%dma_wait3A_462] : memref<40960xf32, #tpu.memory_space<vmem>> -> memref<2560xf32, #tpu.memory_space<vmem>>
    %dma_wait3A_464 = arith.constant 0 : i32
    %dma_wait3A_465 = tpu.memref_slice %arg32[%dma_wait3A_464] : memref<81920xf32, #tpu.memory_space<vmem_shared>> -> memref<2560xf32, #tpu.memory_space<vmem_shared>>
    %dma_wait3A_466 = arith.constant 28160 : i32
    %dma_wait3A_467 = tpu.memref_slice %arg14[%dma_wait3A_466] : memref<40960xf32, #tpu.memory_space<vmem>> -> memref<2560xf32, #tpu.memory_space<vmem>>
    %dma_wait3A_468 = arith.constant 0 : i32
    %dma_wait3A_469 = tpu.memref_slice %arg32[%dma_wait3A_468] : memref<81920xf32, #tpu.memory_space<vmem_shared>> -> memref<2560xf32, #tpu.memory_space<vmem_shared>>
    tpu.wait_dma2 semaphore(%arg33 : memref<!tpu.dma_semaphore, #tpu.memory_space<semaphore_mem>>) src(%dma_wait3A_469 : memref<2560xf32, #tpu.memory_space<vmem_shared>>) dst(%dma_wait3A_467 : memref<2560xf32, #tpu.memory_space<vmem>>)
    %dma_wait3A_470 = arith.constant 30720 : i32
    %dma_wait3A_471 = tpu.memref_slice %arg13[%dma_wait3A_470] : memref<40960xf32, #tpu.memory_space<vmem>> -> memref<2560xf32, #tpu.memory_space<vmem>>
    %dma_wait3A_472 = arith.constant 0 : i32
    %dma_wait3A_473 = tpu.memref_slice %arg32[%dma_wait3A_472] : memref<81920xf32, #tpu.memory_space<vmem_shared>> -> memref<2560xf32, #tpu.memory_space<vmem_shared>>
    %dma_wait3A_474 = arith.constant 30720 : i32
    %dma_wait3A_475 = tpu.memref_slice %arg13[%dma_wait3A_474] : memref<40960xf32, #tpu.memory_space<vmem>> -> memref<2560xf32, #tpu.memory_space<vmem>>
    %dma_wait3A_476 = arith.constant 0 : i32
    %dma_wait3A_477 = tpu.memref_slice %arg32[%dma_wait3A_476] : memref<81920xf32, #tpu.memory_space<vmem_shared>> -> memref<2560xf32, #tpu.memory_space<vmem_shared>>
    tpu.wait_dma2 semaphore(%arg33 : memref<!tpu.dma_semaphore, #tpu.memory_space<semaphore_mem>>) src(%dma_wait3A_477 : memref<2560xf32, #tpu.memory_space<vmem_shared>>) dst(%dma_wait3A_475 : memref<2560xf32, #tpu.memory_space<vmem>>)
    %dma_wait3A_478 = arith.constant 30720 : i32
    %dma_wait3A_479 = tpu.memref_slice %arg14[%dma_wait3A_478] : memref<40960xf32, #tpu.memory_space<vmem>> -> memref<2560xf32, #tpu.memory_space<vmem>>
    %dma_wait3A_480 = arith.constant 0 : i32
    %dma_wait3A_481 = tpu.memref_slice %arg32[%dma_wait3A_480] : memref<81920xf32, #tpu.memory_space<vmem_shared>> -> memref<2560xf32, #tpu.memory_space<vmem_shared>>
    %dma_wait3A_482 = arith.constant 30720 : i32
    %dma_wait3A_483 = tpu.memref_slice %arg14[%dma_wait3A_482] : memref<40960xf32, #tpu.memory_space<vmem>> -> memref<2560xf32, #tpu.memory_space<vmem>>
    %dma_wait3A_484 = arith.constant 0 : i32
    %dma_wait3A_485 = tpu.memref_slice %arg32[%dma_wait3A_484] : memref<81920xf32, #tpu.memory_space<vmem_shared>> -> memref<2560xf32, #tpu.memory_space<vmem_shared>>
    tpu.wait_dma2 semaphore(%arg33 : memref<!tpu.dma_semaphore, #tpu.memory_space<semaphore_mem>>) src(%dma_wait3A_485 : memref<2560xf32, #tpu.memory_space<vmem_shared>>) dst(%dma_wait3A_483 : memref<2560xf32, #tpu.memory_space<vmem>>)
    %dma_wait3A_486 = arith.constant 33280 : i32
    %dma_wait3A_487 = tpu.memref_slice %arg13[%dma_wait3A_486] : memref<40960xf32, #tpu.memory_space<vmem>> -> memref<2560xf32, #tpu.memory_space<vmem>>
    %dma_wait3A_488 = arith.constant 0 : i32
    %dma_wait3A_489 = tpu.memref_slice %arg32[%dma_wait3A_488] : memref<81920xf32, #tpu.memory_space<vmem_shared>> -> memref<2560xf32, #tpu.memory_space<vmem_shared>>
    %dma_wait3A_490 = arith.constant 33280 : i32
    %dma_wait3A_491 = tpu.memref_slice %arg13[%dma_wait3A_490] : memref<40960xf32, #tpu.memory_space<vmem>> -> memref<2560xf32, #tpu.memory_space<vmem>>
    %dma_wait3A_492 = arith.constant 0 : i32
    %dma_wait3A_493 = tpu.memref_slice %arg32[%dma_wait3A_492] : memref<81920xf32, #tpu.memory_space<vmem_shared>> -> memref<2560xf32, #tpu.memory_space<vmem_shared>>
    tpu.wait_dma2 semaphore(%arg33 : memref<!tpu.dma_semaphore, #tpu.memory_space<semaphore_mem>>) src(%dma_wait3A_493 : memref<2560xf32, #tpu.memory_space<vmem_shared>>) dst(%dma_wait3A_491 : memref<2560xf32, #tpu.memory_space<vmem>>)
    %dma_wait3A_494 = arith.constant 33280 : i32
    %dma_wait3A_495 = tpu.memref_slice %arg14[%dma_wait3A_494] : memref<40960xf32, #tpu.memory_space<vmem>> -> memref<2560xf32, #tpu.memory_space<vmem>>
    %dma_wait3A_496 = arith.constant 0 : i32
    %dma_wait3A_497 = tpu.memref_slice %arg32[%dma_wait3A_496] : memref<81920xf32, #tpu.memory_space<vmem_shared>> -> memref<2560xf32, #tpu.memory_space<vmem_shared>>
    %dma_wait3A_498 = arith.constant 33280 : i32
    %dma_wait3A_499 = tpu.memref_slice %arg14[%dma_wait3A_498] : memref<40960xf32, #tpu.memory_space<vmem>> -> memref<2560xf32, #tpu.memory_space<vmem>>
    %dma_wait3A_500 = arith.constant 0 : i32
    %dma_wait3A_501 = tpu.memref_slice %arg32[%dma_wait3A_500] : memref<81920xf32, #tpu.memory_space<vmem_shared>> -> memref<2560xf32, #tpu.memory_space<vmem_shared>>
    tpu.wait_dma2 semaphore(%arg33 : memref<!tpu.dma_semaphore, #tpu.memory_space<semaphore_mem>>) src(%dma_wait3A_501 : memref<2560xf32, #tpu.memory_space<vmem_shared>>) dst(%dma_wait3A_499 : memref<2560xf32, #tpu.memory_space<vmem>>)
    %dma_wait3A_502 = arith.constant 35840 : i32
    %dma_wait3A_503 = tpu.memref_slice %arg13[%dma_wait3A_502] : memref<40960xf32, #tpu.memory_space<vmem>> -> memref<2560xf32, #tpu.memory_space<vmem>>
    %dma_wait3A_504 = arith.constant 0 : i32
    %dma_wait3A_505 = tpu.memref_slice %arg32[%dma_wait3A_504] : memref<81920xf32, #tpu.memory_space<vmem_shared>> -> memref<2560xf32, #tpu.memory_space<vmem_shared>>
    %dma_wait3A_506 = arith.constant 35840 : i32
    %dma_wait3A_507 = tpu.memref_slice %arg13[%dma_wait3A_506] : memref<40960xf32, #tpu.memory_space<vmem>> -> memref<2560xf32, #tpu.memory_space<vmem>>
    %dma_wait3A_508 = arith.constant 0 : i32
    %dma_wait3A_509 = tpu.memref_slice %arg32[%dma_wait3A_508] : memref<81920xf32, #tpu.memory_space<vmem_shared>> -> memref<2560xf32, #tpu.memory_space<vmem_shared>>
    tpu.wait_dma2 semaphore(%arg33 : memref<!tpu.dma_semaphore, #tpu.memory_space<semaphore_mem>>) src(%dma_wait3A_509 : memref<2560xf32, #tpu.memory_space<vmem_shared>>) dst(%dma_wait3A_507 : memref<2560xf32, #tpu.memory_space<vmem>>)
    %dma_wait3A_510 = arith.constant 35840 : i32
    %dma_wait3A_511 = tpu.memref_slice %arg14[%dma_wait3A_510] : memref<40960xf32, #tpu.memory_space<vmem>> -> memref<2560xf32, #tpu.memory_space<vmem>>
    %dma_wait3A_512 = arith.constant 0 : i32
    %dma_wait3A_513 = tpu.memref_slice %arg32[%dma_wait3A_512] : memref<81920xf32, #tpu.memory_space<vmem_shared>> -> memref<2560xf32, #tpu.memory_space<vmem_shared>>
    %dma_wait3A_514 = arith.constant 35840 : i32
    %dma_wait3A_515 = tpu.memref_slice %arg14[%dma_wait3A_514] : memref<40960xf32, #tpu.memory_space<vmem>> -> memref<2560xf32, #tpu.memory_space<vmem>>
    %dma_wait3A_516 = arith.constant 0 : i32
    %dma_wait3A_517 = tpu.memref_slice %arg32[%dma_wait3A_516] : memref<81920xf32, #tpu.memory_space<vmem_shared>> -> memref<2560xf32, #tpu.memory_space<vmem_shared>>
    tpu.wait_dma2 semaphore(%arg33 : memref<!tpu.dma_semaphore, #tpu.memory_space<semaphore_mem>>) src(%dma_wait3A_517 : memref<2560xf32, #tpu.memory_space<vmem_shared>>) dst(%dma_wait3A_515 : memref<2560xf32, #tpu.memory_space<vmem>>)
    %dma_wait3A_518 = arith.constant 38400 : i32
    %dma_wait3A_519 = tpu.memref_slice %arg13[%dma_wait3A_518] : memref<40960xf32, #tpu.memory_space<vmem>> -> memref<2560xf32, #tpu.memory_space<vmem>>
    %dma_wait3A_520 = arith.constant 0 : i32
    %dma_wait3A_521 = tpu.memref_slice %arg32[%dma_wait3A_520] : memref<81920xf32, #tpu.memory_space<vmem_shared>> -> memref<2560xf32, #tpu.memory_space<vmem_shared>>
    %dma_wait3A_522 = arith.constant 38400 : i32
    %dma_wait3A_523 = tpu.memref_slice %arg13[%dma_wait3A_522] : memref<40960xf32, #tpu.memory_space<vmem>> -> memref<2560xf32, #tpu.memory_space<vmem>>
    %dma_wait3A_524 = arith.constant 0 : i32
    %dma_wait3A_525 = tpu.memref_slice %arg32[%dma_wait3A_524] : memref<81920xf32, #tpu.memory_space<vmem_shared>> -> memref<2560xf32, #tpu.memory_space<vmem_shared>>
    tpu.wait_dma2 semaphore(%arg33 : memref<!tpu.dma_semaphore, #tpu.memory_space<semaphore_mem>>) src(%dma_wait3A_525 : memref<2560xf32, #tpu.memory_space<vmem_shared>>) dst(%dma_wait3A_523 : memref<2560xf32, #tpu.memory_space<vmem>>)
    %dma_wait3A_526 = arith.constant 38400 : i32
    %dma_wait3A_527 = tpu.memref_slice %arg14[%dma_wait3A_526] : memref<40960xf32, #tpu.memory_space<vmem>> -> memref<2560xf32, #tpu.memory_space<vmem>>
    %dma_wait3A_528 = arith.constant 0 : i32
    %dma_wait3A_529 = tpu.memref_slice %arg32[%dma_wait3A_528] : memref<81920xf32, #tpu.memory_space<vmem_shared>> -> memref<2560xf32, #tpu.memory_space<vmem_shared>>
    %dma_wait3A_530 = arith.constant 38400 : i32
    %dma_wait3A_531 = tpu.memref_slice %arg14[%dma_wait3A_530] : memref<40960xf32, #tpu.memory_space<vmem>> -> memref<2560xf32, #tpu.memory_space<vmem>>
    %dma_wait3A_532 = arith.constant 0 : i32
    %dma_wait3A_533 = tpu.memref_slice %arg32[%dma_wait3A_532] : memref<81920xf32, #tpu.memory_space<vmem_shared>> -> memref<2560xf32, #tpu.memory_space<vmem_shared>>
    tpu.wait_dma2 semaphore(%arg33 : memref<!tpu.dma_semaphore, #tpu.memory_space<semaphore_mem>>) src(%dma_wait3A_533 : memref<2560xf32, #tpu.memory_space<vmem_shared>>) dst(%dma_wait3A_531 : memref<2560xf32, #tpu.memory_space<vmem>>)
    %get3A_534 = arith.constant 0 : index
    %get3A_535 = tpu.vector_load %arg30[%get3A_534] {strides = array<i32>} : memref<16xf32, #tpu.memory_space<vmem>>, vector<16xf32>,
    %shift_right_arithmetic3A = arith.constant 2 : i32
    %shift_right_arithmetic3A_536 = vector.broadcast %shift_right_arithmetic3A : i32 to vector<16xi32>
    %shift_right_arithmetic3A_537 = arith.shrsi %iota3A, %shift_right_arithmetic3A_536 : vector<16xi32>
    %and3A_538 = arith.constant 3 : i32
    %and3A_539 = vector.broadcast %and3A_538 : i32 to vector<16xi32>
    %and3A_540 = arith.andi %iota3A, %and3A_539 : vector<16xi32>
    %and3A_541 = arith.constant 1 : i32
    %and3A_542 = vector.broadcast %and3A_541 : i32 to vector<16xi32>
    %and3A_543 = arith.andi %and3A_540, %and3A_542 : vector<16xi32>
    %eq3A_544 = arith.constant 0 : i32
    %eq3A_545 = vector.broadcast %eq3A_544 : i32 to vector<16xi32>
    %eq3A_546 = arith.cmpi eq, %and3A_543, %eq3A_545 : vector<16xi32>
    %shift_right_arithmetic3A_547 = arith.constant 1 : i32
    %shift_right_arithmetic3A_548 = vector.broadcast %shift_right_arithmetic3A_547 : i32 to vector<16xi32>
    %shift_right_arithmetic3A_549 = arith.shrsi %and3A_540, %shift_right_arithmetic3A_548 : vector<16xi32>
    %mul3A_550 = arith.constant 80000 : i32
    %mul3A_551 = arith.muli %arg0, %mul3A_550 : i32
    %mul3A_552 = arith.constant 5000 : i32
    %mul3A_553 = arith.muli %arg1, %mul3A_552 : i32
    %add3A = arith.addi %mul3A_551, %mul3A_553 : i32
    %add3A_554 = arith.constant 0 : i32
    %add3A_555 = arith.addi %add3A, %add3A_554 : i32
    %add3A_556 = arith.constant 0 : i32
    %add3A_557 = arith.addi %add3A_556, %add3A_555 : i32
    %add3A_558 = arith.constant 160000 : i32
    %add3A_559 = arith.addi %add3A_558, %add3A_555 : i32
    %add3A_560 = arith.constant 320000 : i32
    %add3A_561 = arith.addi %add3A_560, %add3A_555 : i32
    %add3A_562 = arith.constant 480000 : i32
    %add3A_563 = arith.addi %add3A_562, %add3A_555 : i32
    %dma_start3A_564 = tpu.memref_slice %arg3[%add3A_555] : memref<160000xi32, #tpu.memory_space<hbm>> -> memref<200xi32, #tpu.memory_space<hbm>>
    %dma_start3A_565 = tpu.memref_slice %arg3[%add3A_555] : memref<160000xi32, #tpu.memory_space<hbm>> -> memref<200xi32, #tpu.memory_space<hbm>>
    tpu.enqueue_dma source(%dma_start3A_565 : memref<200xi32, #tpu.memory_space<hbm>>) target(%arg19 : memref<200xi32, #tpu.memory_space<vmem>>) target_semaphore(%arg34 : memref<!tpu.dma_semaphore, #tpu.memory_space<semaphore_mem>>)
    %dma_start3A_566 = tpu.memref_slice %arg4[%add3A_555] : memref<160000xi32, #tpu.memory_space<hbm>> -> memref<200xi32, #tpu.memory_space<hbm>>
    %dma_start3A_567 = tpu.memref_slice %arg4[%add3A_555] : memref<160000xi32, #tpu.memory_space<hbm>> -> memref<200xi32, #tpu.memory_space<hbm>>
    tpu.enqueue_dma source(%dma_start3A_567 : memref<200xi32, #tpu.memory_space<hbm>>) target(%arg20 : memref<200xi32, #tpu.memory_space<vmem>>) target_semaphore(%arg34 : memref<!tpu.dma_semaphore, #tpu.memory_space<semaphore_mem>>)
    %dma_start3A_568 = tpu.memref_slice %arg5[%add3A_555] : memref<160000xf32, #tpu.memory_space<hbm>> -> memref<200xf32, #tpu.memory_space<hbm>>
    %dma_start3A_569 = tpu.memref_slice %arg5[%add3A_555] : memref<160000xf32, #tpu.memory_space<hbm>> -> memref<200xf32, #tpu.memory_space<hbm>>
    tpu.enqueue_dma source(%dma_start3A_569 : memref<200xf32, #tpu.memory_space<hbm>>) target(%arg21 : memref<200xf32, #tpu.memory_space<vmem>>) target_semaphore(%arg34 : memref<!tpu.dma_semaphore, #tpu.memory_space<semaphore_mem>>)
    %dma_start3A_570 = arith.constant 0 : i32
    %dma_start3A_571 = tpu.memref_slice %arg22[%dma_start3A_570] : memref<800xf32, #tpu.memory_space<vmem>> -> memref<200xf32, #tpu.memory_space<vmem>>
    %dma_start3A_572 = tpu.memref_slice %arg6[%add3A_557] : memref<640000xf32, #tpu.memory_space<hbm>> -> memref<200xf32, #tpu.memory_space<hbm>>
    %dma_start3A_573 = arith.constant 0 : i32
    %dma_start3A_574 = tpu.memref_slice %arg22[%dma_start3A_573] : memref<800xf32, #tpu.memory_space<vmem>> -> memref<200xf32, #tpu.memory_space<vmem>>
    %dma_start3A_575 = tpu.memref_slice %arg6[%add3A_557] : memref<640000xf32, #tpu.memory_space<hbm>> -> memref<200xf32, #tpu.memory_space<hbm>>
    tpu.enqueue_dma source(%dma_start3A_575 : memref<200xf32, #tpu.memory_space<hbm>>) target(%dma_start3A_574 : memref<200xf32, #tpu.memory_space<vmem>>) target_semaphore(%arg34 : memref<!tpu.dma_semaphore, #tpu.memory_space<semaphore_mem>>)
    %dma_start3A_576 = arith.constant 200 : i32
    %dma_start3A_577 = tpu.memref_slice %arg22[%dma_start3A_576] : memref<800xf32, #tpu.memory_space<vmem>> -> memref<200xf32, #tpu.memory_space<vmem>>
    %dma_start3A_578 = tpu.memref_slice %arg6[%add3A_559] : memref<640000xf32, #tpu.memory_space<hbm>> -> memref<200xf32, #tpu.memory_space<hbm>>
    %dma_start3A_579 = arith.constant 200 : i32
    %dma_start3A_580 = tpu.memref_slice %arg22[%dma_start3A_579] : memref<800xf32, #tpu.memory_space<vmem>> -> memref<200xf32, #tpu.memory_space<vmem>>
    %dma_start3A_581 = tpu.memref_slice %arg6[%add3A_559] : memref<640000xf32, #tpu.memory_space<hbm>> -> memref<200xf32, #tpu.memory_space<hbm>>
    tpu.enqueue_dma source(%dma_start3A_581 : memref<200xf32, #tpu.memory_space<hbm>>) target(%dma_start3A_580 : memref<200xf32, #tpu.memory_space<vmem>>) target_semaphore(%arg34 : memref<!tpu.dma_semaphore, #tpu.memory_space<semaphore_mem>>)
    %dma_start3A_582 = arith.constant 400 : i32
    %dma_start3A_583 = tpu.memref_slice %arg22[%dma_start3A_582] : memref<800xf32, #tpu.memory_space<vmem>> -> memref<200xf32, #tpu.memory_space<vmem>>
    %dma_start3A_584 = tpu.memref_slice %arg6[%add3A_561] : memref<640000xf32, #tpu.memory_space<hbm>> -> memref<200xf32, #tpu.memory_space<hbm>>
    %dma_start3A_585 = arith.constant 400 : i32
    %dma_start3A_586 = tpu.memref_slice %arg22[%dma_start3A_585] : memref<800xf32, #tpu.memory_space<vmem>> -> memref<200xf32, #tpu.memory_space<vmem>>
    %dma_start3A_587 = tpu.memref_slice %arg6[%add3A_561] : memref<640000xf32, #tpu.memory_space<hbm>> -> memref<200xf32, #tpu.memory_space<hbm>>
    tpu.enqueue_dma source(%dma_start3A_587 : memref<200xf32, #tpu.memory_space<hbm>>) target(%dma_start3A_586 : memref<200xf32, #tpu.memory_space<vmem>>) target_semaphore(%arg34 : memref<!tpu.dma_semaphore, #tpu.memory_space<semaphore_mem>>)
    %dma_start3A_588 = arith.constant 600 : i32
    %dma_start3A_589 = tpu.memref_slice %arg22[%dma_start3A_588] : memref<800xf32, #tpu.memory_space<vmem>> -> memref<200xf32, #tpu.memory_space<vmem>>
    %dma_start3A_590 = tpu.memref_slice %arg6[%add3A_563] : memref<640000xf32, #tpu.memory_space<hbm>> -> memref<200xf32, #tpu.memory_space<hbm>>
    %dma_start3A_591 = arith.constant 600 : i32
    %dma_start3A_592 = tpu.memref_slice %arg22[%dma_start3A_591] : memref<800xf32, #tpu.memory_space<vmem>> -> memref<200xf32, #tpu.memory_space<vmem>>
    %dma_start3A_593 = tpu.memref_slice %arg6[%add3A_563] : memref<640000xf32, #tpu.memory_space<hbm>> -> memref<200xf32, #tpu.memory_space<hbm>>
    tpu.enqueue_dma source(%dma_start3A_593 : memref<200xf32, #tpu.memory_space<hbm>>) target(%dma_start3A_592 : memref<200xf32, #tpu.memory_space<vmem>>) target_semaphore(%arg34 : memref<!tpu.dma_semaphore, #tpu.memory_space<semaphore_mem>>)
    %scan3A_594 = arith.constant 0 : i32
    %scan3A_595 = arith.constant 0 : i32
    %scan3A_596 = arith.constant 12 : i32
    %scan3A_597 = arith.addi %scan3A_595, %scan3A_596 : i32
    %scan3A_598 = arith.constant 1 : i32
    scf.for %scan3A_720 = %scan3A_595 to %scan3A_597 step %scan3A_598  : i32 {
      %mul3A_721 = arith.constant 2 : i32
      %mul3A_722 = arith.muli %mul3A_721, %scan3A_720 : i32
      %add3A_723 = arith.constant 1 : i32
      %add3A_724 = arith.addi %mul3A_722, %add3A_723 : i32
      %mul3A_725 = arith.constant 200 : i32
      %mul3A_726 = arith.muli %add3A_724, %mul3A_725 : i32
      %add3A_727 = arith.addi %add3A, %mul3A_726 : i32
      %add3A_728 = arith.constant 0 : i32
      %add3A_729 = arith.addi %add3A_728, %add3A_727 : i32
      %add3A_730 = arith.constant 160000 : i32
      %add3A_731 = arith.addi %add3A_730, %add3A_727 : i32
      %add3A_732 = arith.constant 320000 : i32
      %add3A_733 = arith.addi %add3A_732, %add3A_727 : i32
      %add3A_734 = arith.constant 480000 : i32
      %add3A_735 = arith.addi %add3A_734, %add3A_727 : i32
      %dma_start3A_736 = tpu.memref_slice %arg3[%add3A_727] : memref<160000xi32, #tpu.memory_space<hbm>> -> memref<200xi32, #tpu.memory_space<hbm>>
      %dma_start3A_737 = tpu.memref_slice %arg3[%add3A_727] : memref<160000xi32, #tpu.memory_space<hbm>> -> memref<200xi32, #tpu.memory_space<hbm>>
      tpu.enqueue_dma source(%dma_start3A_737 : memref<200xi32, #tpu.memory_space<hbm>>) target(%arg24 : memref<200xi32, #tpu.memory_space<vmem>>) target_semaphore(%arg35 : memref<!tpu.dma_semaphore, #tpu.memory_space<semaphore_mem>>)
      %dma_start3A_738 = tpu.memref_slice %arg4[%add3A_727] : memref<160000xi32, #tpu.memory_space<hbm>> -> memref<200xi32, #tpu.memory_space<hbm>>
      %dma_start3A_739 = tpu.memref_slice %arg4[%add3A_727] : memref<160000xi32, #tpu.memory_space<hbm>> -> memref<200xi32, #tpu.memory_space<hbm>>
      tpu.enqueue_dma source(%dma_start3A_739 : memref<200xi32, #tpu.memory_space<hbm>>) target(%arg25 : memref<200xi32, #tpu.memory_space<vmem>>) target_semaphore(%arg35 : memref<!tpu.dma_semaphore, #tpu.memory_space<semaphore_mem>>)
      %dma_start3A_740 = tpu.memref_slice %arg5[%add3A_727] : memref<160000xf32, #tpu.memory_space<hbm>> -> memref<200xf32, #tpu.memory_space<hbm>>
      %dma_start3A_741 = tpu.memref_slice %arg5[%add3A_727] : memref<160000xf32, #tpu.memory_space<hbm>> -> memref<200xf32, #tpu.memory_space<hbm>>
      tpu.enqueue_dma source(%dma_start3A_741 : memref<200xf32, #tpu.memory_space<hbm>>) target(%arg26 : memref<200xf32, #tpu.memory_space<vmem>>) target_semaphore(%arg35 : memref<!tpu.dma_semaphore, #tpu.memory_space<semaphore_mem>>)
      %dma_start3A_742 = arith.constant 0 : i32
      %dma_start3A_743 = tpu.memref_slice %arg27[%dma_start3A_742] : memref<800xf32, #tpu.memory_space<vmem>> -> memref<200xf32, #tpu.memory_space<vmem>>
      %dma_start3A_744 = tpu.memref_slice %arg6[%add3A_729] : memref<640000xf32, #tpu.memory_space<hbm>> -> memref<200xf32, #tpu.memory_space<hbm>>
      %dma_start3A_745 = arith.constant 0 : i32
      %dma_start3A_746 = tpu.memref_slice %arg27[%dma_start3A_745] : memref<800xf32, #tpu.memory_space<vmem>> -> memref<200xf32, #tpu.memory_space<vmem>>
      %dma_start3A_747 = tpu.memref_slice %arg6[%add3A_729] : memref<640000xf32, #tpu.memory_space<hbm>> -> memref<200xf32, #tpu.memory_space<hbm>>
      tpu.enqueue_dma source(%dma_start3A_747 : memref<200xf32, #tpu.memory_space<hbm>>) target(%dma_start3A_746 : memref<200xf32, #tpu.memory_space<vmem>>) target_semaphore(%arg35 : memref<!tpu.dma_semaphore, #tpu.memory_space<semaphore_mem>>)
      %dma_start3A_748 = arith.constant 200 : i32
      %dma_start3A_749 = tpu.memref_slice %arg27[%dma_start3A_748] : memref<800xf32, #tpu.memory_space<vmem>> -> memref<200xf32, #tpu.memory_space<vmem>>
      %dma_start3A_750 = tpu.memref_slice %arg6[%add3A_731] : memref<640000xf32, #tpu.memory_space<hbm>> -> memref<200xf32, #tpu.memory_space<hbm>>
      %dma_start3A_751 = arith.constant 200 : i32
      %dma_start3A_752 = tpu.memref_slice %arg27[%dma_start3A_751] : memref<800xf32, #tpu.memory_space<vmem>> -> memref<200xf32, #tpu.memory_space<vmem>>
      %dma_start3A_753 = tpu.memref_slice %arg6[%add3A_731] : memref<640000xf32, #tpu.memory_space<hbm>> -> memref<200xf32, #tpu.memory_space<hbm>>
      tpu.enqueue_dma source(%dma_start3A_753 : memref<200xf32, #tpu.memory_space<hbm>>) target(%dma_start3A_752 : memref<200xf32, #tpu.memory_space<vmem>>) target_semaphore(%arg35 : memref<!tpu.dma_semaphore, #tpu.memory_space<semaphore_mem>>)
      %dma_start3A_754 = arith.constant 400 : i32
      %dma_start3A_755 = tpu.memref_slice %arg27[%dma_start3A_754] : memref<800xf32, #tpu.memory_space<vmem>> -> memref<200xf32, #tpu.memory_space<vmem>>
      %dma_start3A_756 = tpu.memref_slice %arg6[%add3A_733] : memref<640000xf32, #tpu.memory_space<hbm>> -> memref<200xf32, #tpu.memory_space<hbm>>
      %dma_start3A_757 = arith.constant 400 : i32
      %dma_start3A_758 = tpu.memref_slice %arg27[%dma_start3A_757] : memref<800xf32, #tpu.memory_space<vmem>> -> memref<200xf32, #tpu.memory_space<vmem>>
      %dma_start3A_759 = tpu.memref_slice %arg6[%add3A_733] : memref<640000xf32, #tpu.memory_space<hbm>> -> memref<200xf32, #tpu.memory_space<hbm>>
      tpu.enqueue_dma source(%dma_start3A_759 : memref<200xf32, #tpu.memory_space<hbm>>) target(%dma_start3A_758 : memref<200xf32, #tpu.memory_space<vmem>>) target_semaphore(%arg35 : memref<!tpu.dma_semaphore, #tpu.memory_space<semaphore_mem>>)
      %dma_start3A_760 = arith.constant 600 : i32
      %dma_start3A_761 = tpu.memref_slice %arg27[%dma_start3A_760] : memref<800xf32, #tpu.memory_space<vmem>> -> memref<200xf32, #tpu.memory_space<vmem>>
      %dma_start3A_762 = tpu.memref_slice %arg6[%add3A_735] : memref<640000xf32, #tpu.memory_space<hbm>> -> memref<200xf32, #tpu.memory_space<hbm>>
      %dma_start3A_763 = arith.constant 600 : i32
      %dma_start3A_764 = tpu.memref_slice %arg27[%dma_start3A_763] : memref<800xf32, #tpu.memory_space<vmem>> -> memref<200xf32, #tpu.memory_space<vmem>>
      %dma_start3A_765 = tpu.memref_slice %arg6[%add3A_735] : memref<640000xf32, #tpu.memory_space<hbm>> -> memref<200xf32, #tpu.memory_space<hbm>>
      tpu.enqueue_dma source(%dma_start3A_765 : memref<200xf32, #tpu.memory_space<hbm>>) target(%dma_start3A_764 : memref<200xf32, #tpu.memory_space<vmem>>) target_semaphore(%arg35 : memref<!tpu.dma_semaphore, #tpu.memory_space<semaphore_mem>>)
      %mul3A_766 = arith.constant 2 : i32
      %mul3A_767 = arith.muli %mul3A_766, %scan3A_720 : i32
      %mul3A_768 = arith.constant 200 : i32
      %mul3A_769 = arith.muli %mul3A_767, %mul3A_768 : i32
      %add3A_770 = arith.addi %add3A, %mul3A_769 : i32
      %add3A_771 = arith.constant 0 : i32
      %add3A_772 = arith.addi %add3A_771, %add3A_770 : i32
      %add3A_773 = arith.constant 160000 : i32
      %add3A_774 = arith.addi %add3A_773, %add3A_770 : i32
      %add3A_775 = arith.constant 320000 : i32
      %add3A_776 = arith.addi %add3A_775, %add3A_770 : i32
      %add3A_777 = arith.constant 480000 : i32
      %add3A_778 = arith.addi %add3A_777, %add3A_770 : i32
      %dma_wait3A_779 = tpu.memref_slice %arg3[%add3A_770] : memref<160000xi32, #tpu.memory_space<hbm>> -> memref<200xi32, #tpu.memory_space<hbm>>
      %dma_wait3A_780 = tpu.memref_slice %arg3[%add3A_770] : memref<160000xi32, #tpu.memory_space<hbm>> -> memref<200xi32, #tpu.memory_space<hbm>>
      tpu.wait_dma2 semaphore(%arg34 : memref<!tpu.dma_semaphore, #tpu.memory_space<semaphore_mem>>) src(%dma_wait3A_780 : memref<200xi32, #tpu.memory_space<hbm>>) dst(%arg19 : memref<200xi32, #tpu.memory_space<vmem>>)
      %dma_wait3A_781 = tpu.memref_slice %arg4[%add3A_770] : memref<160000xi32, #tpu.memory_space<hbm>> -> memref<200xi32, #tpu.memory_space<hbm>>
      %dma_wait3A_782 = tpu.memref_slice %arg4[%add3A_770] : memref<160000xi32, #tpu.memory_space<hbm>> -> memref<200xi32, #tpu.memory_space<hbm>>
      tpu.wait_dma2 semaphore(%arg34 : memref<!tpu.dma_semaphore, #tpu.memory_space<semaphore_mem>>) src(%dma_wait3A_782 : memref<200xi32, #tpu.memory_space<hbm>>) dst(%arg20 : memref<200xi32, #tpu.memory_space<vmem>>)
      %dma_wait3A_783 = tpu.memref_slice %arg5[%add3A_770] : memref<160000xf32, #tpu.memory_space<hbm>> -> memref<200xf32, #tpu.memory_space<hbm>>
      %dma_wait3A_784 = tpu.memref_slice %arg5[%add3A_770] : memref<160000xf32, #tpu.memory_space<hbm>> -> memref<200xf32, #tpu.memory_space<hbm>>
      tpu.wait_dma2 semaphore(%arg34 : memref<!tpu.dma_semaphore, #tpu.memory_space<semaphore_mem>>) src(%dma_wait3A_784 : memref<200xf32, #tpu.memory_space<hbm>>) dst(%arg21 : memref<200xf32, #tpu.memory_space<vmem>>)
      %dma_wait3A_785 = arith.constant 0 : i32
      %dma_wait3A_786 = tpu.memref_slice %arg22[%dma_wait3A_785] : memref<800xf32, #tpu.memory_space<vmem>> -> memref<200xf32, #tpu.memory_space<vmem>>
      %dma_wait3A_787 = tpu.memref_slice %arg6[%add3A_772] : memref<640000xf32, #tpu.memory_space<hbm>> -> memref<200xf32, #tpu.memory_space<hbm>>
      %dma_wait3A_788 = arith.constant 0 : i32
      %dma_wait3A_789 = tpu.memref_slice %arg22[%dma_wait3A_788] : memref<800xf32, #tpu.memory_space<vmem>> -> memref<200xf32, #tpu.memory_space<vmem>>
      %dma_wait3A_790 = tpu.memref_slice %arg6[%add3A_772] : memref<640000xf32, #tpu.memory_space<hbm>> -> memref<200xf32, #tpu.memory_space<hbm>>
      tpu.wait_dma2 semaphore(%arg34 : memref<!tpu.dma_semaphore, #tpu.memory_space<semaphore_mem>>) src(%dma_wait3A_790 : memref<200xf32, #tpu.memory_space<hbm>>) dst(%dma_wait3A_789 : memref<200xf32, #tpu.memory_space<vmem>>)
      %dma_wait3A_791 = arith.constant 200 : i32
      %dma_wait3A_792 = tpu.memref_slice %arg22[%dma_wait3A_791] : memref<800xf32, #tpu.memory_space<vmem>> -> memref<200xf32, #tpu.memory_space<vmem>>
      %dma_wait3A_793 = tpu.memref_slice %arg6[%add3A_774] : memref<640000xf32, #tpu.memory_space<hbm>> -> memref<200xf32, #tpu.memory_space<hbm>>
      %dma_wait3A_794 = arith.constant 200 : i32
      %dma_wait3A_795 = tpu.memref_slice %arg22[%dma_wait3A_794] : memref<800xf32, #tpu.memory_space<vmem>> -> memref<200xf32, #tpu.memory_space<vmem>>
      %dma_wait3A_796 = tpu.memref_slice %arg6[%add3A_774] : memref<640000xf32, #tpu.memory_space<hbm>> -> memref<200xf32, #tpu.memory_space<hbm>>
      tpu.wait_dma2 semaphore(%arg34 : memref<!tpu.dma_semaphore, #tpu.memory_space<semaphore_mem>>) src(%dma_wait3A_796 : memref<200xf32, #tpu.memory_space<hbm>>) dst(%dma_wait3A_795 : memref<200xf32, #tpu.memory_space<vmem>>)
      %dma_wait3A_797 = arith.constant 400 : i32
      %dma_wait3A_798 = tpu.memref_slice %arg22[%dma_wait3A_797] : memref<800xf32, #tpu.memory_space<vmem>> -> memref<200xf32, #tpu.memory_space<vmem>>
      %dma_wait3A_799 = tpu.memref_slice %arg6[%add3A_776] : memref<640000xf32, #tpu.memory_space<hbm>> -> memref<200xf32, #tpu.memory_space<hbm>>
      %dma_wait3A_800 = arith.constant 400 : i32
      %dma_wait3A_801 = tpu.memref_slice %arg22[%dma_wait3A_800] : memref<800xf32, #tpu.memory_space<vmem>> -> memref<200xf32, #tpu.memory_space<vmem>>
      %dma_wait3A_802 = tpu.memref_slice %arg6[%add3A_776] : memref<640000xf32, #tpu.memory_space<hbm>> -> memref<200xf32, #tpu.memory_space<hbm>>
      tpu.wait_dma2 semaphore(%arg34 : memref<!tpu.dma_semaphore, #tpu.memory_space<semaphore_mem>>) src(%dma_wait3A_802 : memref<200xf32, #tpu.memory_space<hbm>>) dst(%dma_wait3A_801 : memref<200xf32, #tpu.memory_space<vmem>>)
      %dma_wait3A_803 = arith.constant 600 : i32
      %dma_wait3A_804 = tpu.memref_slice %arg22[%dma_wait3A_803] : memref<800xf32, #tpu.memory_space<vmem>> -> memref<200xf32, #tpu.memory_space<vmem>>
      %dma_wait3A_805 = tpu.memref_slice %arg6[%add3A_778] : memref<640000xf32, #tpu.memory_space<hbm>> -> memref<200xf32, #tpu.memory_space<hbm>>
      %dma_wait3A_806 = arith.constant 600 : i32
      %dma_wait3A_807 = tpu.memref_slice %arg22[%dma_wait3A_806] : memref<800xf32, #tpu.memory_space<vmem>> -> memref<200xf32, #tpu.memory_space<vmem>>
      %dma_wait3A_808 = tpu.memref_slice %arg6[%add3A_778] : memref<640000xf32, #tpu.memory_space<hbm>> -> memref<200xf32, #tpu.memory_space<hbm>>
      tpu.wait_dma2 semaphore(%arg34 : memref<!tpu.dma_semaphore, #tpu.memory_space<semaphore_mem>>) src(%dma_wait3A_808 : memref<200xf32, #tpu.memory_space<hbm>>) dst(%dma_wait3A_807 : memref<200xf32, #tpu.memory_space<vmem>>)
      %mul3A_809 = arith.constant 2 : i32
      %mul3A_810 = arith.muli %mul3A_809, %scan3A_720 : i32
      %mul3A_811 = arith.constant 200 : i32
      %mul3A_812 = arith.muli %mul3A_810, %mul3A_811 : i32
      %add3A_813 = arith.addi %add3A, %mul3A_812 : i32
      %scan3A_814 = arith.constant 0 : i32
      %scan3A_815 = arith.constant 0 : i32
      %scan3A_816 = arith.constant 50 : i32
      %scan3A_817 = arith.addi %scan3A_815, %scan3A_816 : i32
      %scan3A_818 = arith.constant 1 : i32
      scf.for %scan3A_1035 = %scan3A_815 to %scan3A_817 step %scan3A_818  : i32 {
        %mul3A_1036 = arith.constant 4 : i32
        %mul3A_1037 = arith.muli %scan3A_1035, %mul3A_1036 : i32
        %add3A_1038 = vector.broadcast %mul3A_1037 : i32 to vector<16xi32>
        %add3A_1039 = arith.addi %add3A_1038, %shift_right_arithmetic3A_537 : vector<16xi32>
        %gather3A = tpu.vector_load_idx %arg19[%add3A_1039] : memref<200xi32, #tpu.memory_space<vmem>>[vector<16xi32>], vector<16xi32>,
        %gather3A_1040 = tpu.vector_load_idx %arg20[%add3A_1039] : memref<200xi32, #tpu.memory_space<vmem>>[vector<16xi32>], vector<16xi32>,
        %gather3A_1041 = tpu.vector_load_idx %arg21[%add3A_1039] : memref<200xf32, #tpu.memory_space<vmem>>[vector<16xi32>], vector<16xf32>,
        %mul3A_1042 = arith.constant 2 : i32
        %mul3A_1043 = vector.broadcast %mul3A_1042 : i32 to vector<16xi32>
        %mul3A_1044 = arith.muli %gather3A, %mul3A_1043 : vector<16xi32>
        %add3A_1045 = arith.addi %mul3A_1044, %shift_right_arithmetic3A_549 : vector<16xi32>
        %gather3A_1046 = tpu.vector_load_idx %arg12[%add3A_1045] : memref<20480xi32, #tpu.memory_space<vmem>>[vector<16xi32>], vector<16xi32>,
        %shift_left3A = arith.constant 16 : i32
        %shift_left3A_1047 = vector.broadcast %shift_left3A : i32 to vector<16xi32>
        %shift_left3A_1048 = arith.shli %gather3A_1046, %shift_left3A_1047 : vector<16xi32>
        %and3A_1049 = arith.constant -65536 : i32
        %and3A_1050 = vector.broadcast %and3A_1049 : i32 to vector<16xi32>
        %and3A_1051 = arith.andi %gather3A_1046, %and3A_1050 : vector<16xi32>
        %select_n3A_1052 = arith.select %eq3A_546, %shift_left3A_1048, %and3A_1051 : vector<16xi1>, vector<16xi32>
        %bitcast3A = vector.bitcast %select_n3A_1052 : vector<16xi32> to vector<16xf32>
        %mul3A_1053 = arith.constant 2 : i32
        %mul3A_1054 = vector.broadcast %mul3A_1053 : i32 to vector<16xi32>
        %mul3A_1055 = arith.muli %gather3A_1040, %mul3A_1054 : vector<16xi32>
        %add3A_1056 = arith.addi %mul3A_1055, %shift_right_arithmetic3A_549 : vector<16xi32>
        %gather3A_1057 = tpu.vector_load_idx %arg12[%add3A_1056] : memref<20480xi32, #tpu.memory_space<vmem>>[vector<16xi32>], vector<16xi32>,
        %shift_left3A_1058 = arith.constant 16 : i32
        %shift_left3A_1059 = vector.broadcast %shift_left3A_1058 : i32 to vector<16xi32>
        %shift_left3A_1060 = arith.shli %gather3A_1057, %shift_left3A_1059 : vector<16xi32>
        %and3A_1061 = arith.constant -65536 : i32
        %and3A_1062 = vector.broadcast %and3A_1061 : i32 to vector<16xi32>
        %and3A_1063 = arith.andi %gather3A_1057, %and3A_1062 : vector<16xi32>
        %select_n3A_1064 = arith.select %eq3A_546, %shift_left3A_1060, %and3A_1063 : vector<16xi1>, vector<16xi32>
        %bitcast3A_1065 = vector.bitcast %select_n3A_1064 : vector<16xi32> to vector<16xf32>
        %mul3A_1066 = arith.constant 200 : i32
        %mul3A_1067 = vector.broadcast %mul3A_1066 : i32 to vector<16xi32>
        %mul3A_1068 = arith.muli %and3A_540, %mul3A_1067 : vector<16xi32>
        %add3A_1069 = arith.addi %mul3A_1068, %add3A_1039 : vector<16xi32>
        %gather3A_1070 = tpu.vector_load_idx %arg22[%add3A_1069] : memref<800xf32, #tpu.memory_space<vmem>>[vector<16xi32>], vector<16xf32>,
        %neg3A = arith.constant 0.000000e+00 : f32
        %neg3A_1071 = vector.broadcast %neg3A : f32 to vector<16xf32>
        %neg3A_1072 = arith.subf %neg3A_1071, %bitcast3A : vector<16xf32>
        %max3A = arith.maximumf %neg3A_1072, %gather3A_1070 : vector<16xf32>
        %max3A_1073 = arith.maximumf %max3A, %bitcast3A_1065 : vector<16xf32>
        %neg3A_1074 = arith.constant 0.000000e+00 : f32
        %neg3A_1075 = vector.broadcast %neg3A_1074 : f32 to vector<16xf32>
        %neg3A_1076 = arith.subf %neg3A_1075, %bitcast3A : vector<16xf32>
        %sub3A_1077 = arith.subf %neg3A_1076, %max3A_1073 : vector<16xf32>
        %exp3A = math.exp %sub3A_1077 : vector<16xf32>
        %sub3A_1078 = arith.subf %gather3A_1070, %max3A_1073 : vector<16xf32>
        %exp3A_1079 = math.exp %sub3A_1078 : vector<16xf32>
        %sub3A_1080 = arith.subf %bitcast3A_1065, %max3A_1073 : vector<16xf32>
        %exp3A_1081 = math.exp %sub3A_1080 : vector<16xf32>
        %mul3A_1082 = arith.mulf %get3A_535, %gather3A_1041 : vector<16xf32>
        %add3A_1083 = arith.addf %exp3A, %exp3A_1079 : vector<16xf32>
        %add3A_1084 = arith.addf %add3A_1083, %exp3A_1081 : vector<16xf32>
        %div3A = arith.divf %mul3A_1082, %add3A_1084 : vector<16xf32>
        %mul3A_1085 = arith.constant 200 : i32
        %mul3A_1086 = vector.broadcast %mul3A_1085 : i32 to vector<16xi32>
        %mul3A_1087 = arith.muli %and3A_540, %mul3A_1086 : vector<16xi32>
        %add3A_1088 = arith.addi %mul3A_1087, %add3A_1039 : vector<16xi32>
        %mul3A_1089 = arith.mulf %div3A, %exp3A_1079 : vector<16xf32>
        %add3A_1090 = arith.addf %gather3A_1070, %mul3A_1089 : vector<16xf32>
        tpu.vector_store_idx %arg23[%add3A_1088], %add3A_1090 : memref<800xf32, #tpu.memory_space<vmem>>[vector<16xi32>], vector<16xf32>,
        %mul3A_1091 = arith.constant 4 : i32
        %mul3A_1092 = vector.broadcast %mul3A_1091 : i32 to vector<16xi32>
        %mul3A_1093 = arith.muli %gather3A, %mul3A_1092 : vector<16xi32>
        %add3A_1094 = arith.addi %mul3A_1093, %and3A_540 : vector<16xi32>
        %neg3A_1095 = arith.constant 0.000000e+00 : f32
        %neg3A_1096 = vector.broadcast %neg3A_1095 : f32 to vector<16xf32>
        %neg3A_1097 = arith.subf %neg3A_1096, %div3A : vector<16xf32>
        %mul3A_1098 = arith.mulf %neg3A_1097, %exp3A : vector<16xf32>
        tpu.vector_store_idx %arg13[%add3A_1094], %mul3A_1098 : memref<40960xf32, #tpu.memory_space<vmem>>[vector<16xi32>], vector<16xf32>,
        %mul3A_1099 = arith.constant 4 : i32
        %mul3A_1100 = vector.broadcast %mul3A_1099 : i32 to vector<16xi32>
        %mul3A_1101 = arith.muli %gather3A_1040, %mul3A_1100 : vector<16xi32>
        %add3A_1102 = arith.addi %mul3A_1101, %and3A_540 : vector<16xi32>
        %mul3A_1103 = arith.mulf %div3A, %exp3A_1081 : vector<16xf32>
        tpu.vector_store_idx %arg14[%add3A_1102], %mul3A_1103 : memref<40960xf32, #tpu.memory_space<vmem>>[vector<16xi32>], vector<16xf32>,
      }
      %scan3A_819 = arith.constant 50 : i32
      %add3A_820 = arith.constant 0 : i32
      %add3A_821 = arith.addi %add3A_820, %add3A_813 : i32
      %dma_start3A_822 = arith.constant 0 : i32
      %dma_start3A_823 = tpu.memref_slice %arg23[%dma_start3A_822] : memref<800xf32, #tpu.memory_space<vmem>> -> memref<200xf32, #tpu.memory_space<vmem>>
      %dma_start3A_824 = tpu.memref_slice %arg11[%add3A_821] : memref<640000xf32, #tpu.memory_space<hbm>> -> memref<200xf32, #tpu.memory_space<hbm>>
      %dma_start3A_825 = tpu.memref_slice %arg11[%add3A_821] : memref<640000xf32, #tpu.memory_space<hbm>> -> memref<200xf32, #tpu.memory_space<hbm>>
      %dma_start3A_826 = arith.constant 0 : i32
      %dma_start3A_827 = tpu.memref_slice %arg23[%dma_start3A_826] : memref<800xf32, #tpu.memory_space<vmem>> -> memref<200xf32, #tpu.memory_space<vmem>>
      tpu.enqueue_dma source(%dma_start3A_827 : memref<200xf32, #tpu.memory_space<vmem>>) target(%dma_start3A_825 : memref<200xf32, #tpu.memory_space<hbm>>) target_semaphore(%arg34 : memref<!tpu.dma_semaphore, #tpu.memory_space<semaphore_mem>>)
      %add3A_828 = arith.constant 160000 : i32
      %add3A_829 = arith.addi %add3A_828, %add3A_813 : i32
      %dma_start3A_830 = arith.constant 200 : i32
      %dma_start3A_831 = tpu.memref_slice %arg23[%dma_start3A_830] : memref<800xf32, #tpu.memory_space<vmem>> -> memref<200xf32, #tpu.memory_space<vmem>>
      %dma_start3A_832 = tpu.memref_slice %arg11[%add3A_829] : memref<640000xf32, #tpu.memory_space<hbm>> -> memref<200xf32, #tpu.memory_space<hbm>>
      %dma_start3A_833 = tpu.memref_slice %arg11[%add3A_829] : memref<640000xf32, #tpu.memory_space<hbm>> -> memref<200xf32, #tpu.memory_space<hbm>>
      %dma_start3A_834 = arith.constant 200 : i32
      %dma_start3A_835 = tpu.memref_slice %arg23[%dma_start3A_834] : memref<800xf32, #tpu.memory_space<vmem>> -> memref<200xf32, #tpu.memory_space<vmem>>
      tpu.enqueue_dma source(%dma_start3A_835 : memref<200xf32, #tpu.memory_space<vmem>>) target(%dma_start3A_833 : memref<200xf32, #tpu.memory_space<hbm>>) target_semaphore(%arg34 : memref<!tpu.dma_semaphore, #tpu.memory_space<semaphore_mem>>)
      %add3A_836 = arith.constant 320000 : i32
      %add3A_837 = arith.addi %add3A_836, %add3A_813 : i32
      %dma_start3A_838 = arith.constant 400 : i32
      %dma_start3A_839 = tpu.memref_slice %arg23[%dma_start3A_838] : memref<800xf32, #tpu.memory_space<vmem>> -> memref<200xf32, #tpu.memory_space<vmem>>
      %dma_start3A_840 = tpu.memref_slice %arg11[%add3A_837] : memref<640000xf32, #tpu.memory_space<hbm>> -> memref<200xf32, #tpu.memory_space<hbm>>
      %dma_start3A_841 = tpu.memref_slice %arg11[%add3A_837] : memref<640000xf32, #tpu.memory_space<hbm>> -> memref<200xf32, #tpu.memory_space<hbm>>
      %dma_start3A_842 = arith.constant 400 : i32
      %dma_start3A_843 = tpu.memref_slice %arg23[%dma_start3A_842] : memref<800xf32, #tpu.memory_space<vmem>> -> memref<200xf32, #tpu.memory_space<vmem>>
      tpu.enqueue_dma source(%dma_start3A_843 : memref<200xf32, #tpu.memory_space<vmem>>) target(%dma_start3A_841 : memref<200xf32, #tpu.memory_space<hbm>>) target_semaphore(%arg34 : memref<!tpu.dma_semaphore, #tpu.memory_space<semaphore_mem>>)
      %add3A_844 = arith.constant 480000 : i32
      %add3A_845 = arith.addi %add3A_844, %add3A_813 : i32
      %dma_start3A_846 = arith.constant 600 : i32
      %dma_start3A_847 = tpu.memref_slice %arg23[%dma_start3A_846] : memref<800xf32, #tpu.memory_space<vmem>> -> memref<200xf32, #tpu.memory_space<vmem>>
      %dma_start3A_848 = tpu.memref_slice %arg11[%add3A_845] : memref<640000xf32, #tpu.memory_space<hbm>> -> memref<200xf32, #tpu.memory_space<hbm>>
      %dma_start3A_849 = tpu.memref_slice %arg11[%add3A_845] : memref<640000xf32, #tpu.memory_space<hbm>> -> memref<200xf32, #tpu.memory_space<hbm>>
      %dma_start3A_850 = arith.constant 600 : i32
      %dma_start3A_851 = tpu.memref_slice %arg23[%dma_start3A_850] : memref<800xf32, #tpu.memory_space<vmem>> -> memref<200xf32, #tpu.memory_space<vmem>>
      tpu.enqueue_dma source(%dma_start3A_851 : memref<200xf32, #tpu.memory_space<vmem>>) target(%dma_start3A_849 : memref<200xf32, #tpu.memory_space<hbm>>) target_semaphore(%arg34 : memref<!tpu.dma_semaphore, #tpu.memory_space<semaphore_mem>>)
      %dma_wait3A_852 = arith.constant 0 : i32
      %dma_wait3A_853 = tpu.memref_slice %arg23[%dma_wait3A_852] : memref<800xf32, #tpu.memory_space<vmem>> -> memref<200xf32, #tpu.memory_space<vmem>>
      %dma_wait3A_854 = tpu.memref_slice %arg11[%add3A_821] : memref<640000xf32, #tpu.memory_space<hbm>> -> memref<200xf32, #tpu.memory_space<hbm>>
      %dma_wait3A_855 = tpu.memref_slice %arg11[%add3A_821] : memref<640000xf32, #tpu.memory_space<hbm>> -> memref<200xf32, #tpu.memory_space<hbm>>
      %dma_wait3A_856 = arith.constant 0 : i32
      %dma_wait3A_857 = tpu.memref_slice %arg23[%dma_wait3A_856] : memref<800xf32, #tpu.memory_space<vmem>> -> memref<200xf32, #tpu.memory_space<vmem>>
      tpu.wait_dma2 semaphore(%arg34 : memref<!tpu.dma_semaphore, #tpu.memory_space<semaphore_mem>>) src(%dma_wait3A_857 : memref<200xf32, #tpu.memory_space<vmem>>) dst(%dma_wait3A_855 : memref<200xf32, #tpu.memory_space<hbm>>)
      %dma_wait3A_858 = arith.constant 200 : i32
      %dma_wait3A_859 = tpu.memref_slice %arg23[%dma_wait3A_858] : memref<800xf32, #tpu.memory_space<vmem>> -> memref<200xf32, #tpu.memory_space<vmem>>
      %dma_wait3A_860 = tpu.memref_slice %arg11[%add3A_829] : memref<640000xf32, #tpu.memory_space<hbm>> -> memref<200xf32, #tpu.memory_space<hbm>>
      %dma_wait3A_861 = tpu.memref_slice %arg11[%add3A_829] : memref<640000xf32, #tpu.memory_space<hbm>> -> memref<200xf32, #tpu.memory_space<hbm>>
      %dma_wait3A_862 = arith.constant 200 : i32
      %dma_wait3A_863 = tpu.memref_slice %arg23[%dma_wait3A_862] : memref<800xf32, #tpu.memory_space<vmem>> -> memref<200xf32, #tpu.memory_space<vmem>>
      tpu.wait_dma2 semaphore(%arg34 : memref<!tpu.dma_semaphore, #tpu.memory_space<semaphore_mem>>) src(%dma_wait3A_863 : memref<200xf32, #tpu.memory_space<vmem>>) dst(%dma_wait3A_861 : memref<200xf32, #tpu.memory_space<hbm>>)
      %dma_wait3A_864 = arith.constant 400 : i32
      %dma_wait3A_865 = tpu.memref_slice %arg23[%dma_wait3A_864] : memref<800xf32, #tpu.memory_space<vmem>> -> memref<200xf32, #tpu.memory_space<vmem>>
      %dma_wait3A_866 = tpu.memref_slice %arg11[%add3A_837] : memref<640000xf32, #tpu.memory_space<hbm>> -> memref<200xf32, #tpu.memory_space<hbm>>
      %dma_wait3A_867 = tpu.memref_slice %arg11[%add3A_837] : memref<640000xf32, #tpu.memory_space<hbm>> -> memref<200xf32, #tpu.memory_space<hbm>>
      %dma_wait3A_868 = arith.constant 400 : i32
      %dma_wait3A_869 = tpu.memref_slice %arg23[%dma_wait3A_868] : memref<800xf32, #tpu.memory_space<vmem>> -> memref<200xf32, #tpu.memory_space<vmem>>
      tpu.wait_dma2 semaphore(%arg34 : memref<!tpu.dma_semaphore, #tpu.memory_space<semaphore_mem>>) src(%dma_wait3A_869 : memref<200xf32, #tpu.memory_space<vmem>>) dst(%dma_wait3A_867 : memref<200xf32, #tpu.memory_space<hbm>>)
      %dma_wait3A_870 = arith.constant 600 : i32
      %dma_wait3A_871 = tpu.memref_slice %arg23[%dma_wait3A_870] : memref<800xf32, #tpu.memory_space<vmem>> -> memref<200xf32, #tpu.memory_space<vmem>>
      %dma_wait3A_872 = tpu.memref_slice %arg11[%add3A_845] : memref<640000xf32, #tpu.memory_space<hbm>> -> memref<200xf32, #tpu.memory_space<hbm>>
      %dma_wait3A_873 = tpu.memref_slice %arg11[%add3A_845] : memref<640000xf32, #tpu.memory_space<hbm>> -> memref<200xf32, #tpu.memory_space<hbm>>
      %dma_wait3A_874 = arith.constant 600 : i32
      %dma_wait3A_875 = tpu.memref_slice %arg23[%dma_wait3A_874] : memref<800xf32, #tpu.memory_space<vmem>> -> memref<200xf32, #tpu.memory_space<vmem>>
      tpu.wait_dma2 semaphore(%arg34 : memref<!tpu.dma_semaphore, #tpu.memory_space<semaphore_mem>>) src(%dma_wait3A_875 : memref<200xf32, #tpu.memory_space<vmem>>) dst(%dma_wait3A_873 : memref<200xf32, #tpu.memory_space<hbm>>)
      %mul3A_876 = arith.constant 2 : i32
      %mul3A_877 = arith.muli %mul3A_876, %scan3A_720 : i32
      %add3A_878 = arith.constant 2 : i32
      %add3A_879 = arith.addi %mul3A_877, %add3A_878 : i32
      %mul3A_880 = arith.constant 200 : i32
      %mul3A_881 = arith.muli %add3A_879, %mul3A_880 : i32
      %add3A_882 = arith.addi %add3A, %mul3A_881 : i32
      %add3A_883 = arith.constant 0 : i32
      %add3A_884 = arith.addi %add3A_883, %add3A_882 : i32
      %add3A_885 = arith.constant 160000 : i32
      %add3A_886 = arith.addi %add3A_885, %add3A_882 : i32
      %add3A_887 = arith.constant 320000 : i32
      %add3A_888 = arith.addi %add3A_887, %add3A_882 : i32
      %add3A_889 = arith.constant 480000 : i32
      %add3A_890 = arith.addi %add3A_889, %add3A_882 : i32
      %dma_start3A_891 = tpu.memref_slice %arg3[%add3A_882] : memref<160000xi32, #tpu.memory_space<hbm>> -> memref<200xi32, #tpu.memory_space<hbm>>
      %dma_start3A_892 = tpu.memref_slice %arg3[%add3A_882] : memref<160000xi32, #tpu.memory_space<hbm>> -> memref<200xi32, #tpu.memory_space<hbm>>
      tpu.enqueue_dma source(%dma_start3A_892 : memref<200xi32, #tpu.memory_space<hbm>>) target(%arg19 : memref<200xi32, #tpu.memory_space<vmem>>) target_semaphore(%arg34 : memref<!tpu.dma_semaphore, #tpu.memory_space<semaphore_mem>>)
      %dma_start3A_893 = tpu.memref_slice %arg4[%add3A_882] : memref<160000xi32, #tpu.memory_space<hbm>> -> memref<200xi32, #tpu.memory_space<hbm>>
      %dma_start3A_894 = tpu.memref_slice %arg4[%add3A_882] : memref<160000xi32, #tpu.memory_space<hbm>> -> memref<200xi32, #tpu.memory_space<hbm>>
      tpu.enqueue_dma source(%dma_start3A_894 : memref<200xi32, #tpu.memory_space<hbm>>) target(%arg20 : memref<200xi32, #tpu.memory_space<vmem>>) target_semaphore(%arg34 : memref<!tpu.dma_semaphore, #tpu.memory_space<semaphore_mem>>)
      %dma_start3A_895 = tpu.memref_slice %arg5[%add3A_882] : memref<160000xf32, #tpu.memory_space<hbm>> -> memref<200xf32, #tpu.memory_space<hbm>>
      %dma_start3A_896 = tpu.memref_slice %arg5[%add3A_882] : memref<160000xf32, #tpu.memory_space<hbm>> -> memref<200xf32, #tpu.memory_space<hbm>>
      tpu.enqueue_dma source(%dma_start3A_896 : memref<200xf32, #tpu.memory_space<hbm>>) target(%arg21 : memref<200xf32, #tpu.memory_space<vmem>>) target_semaphore(%arg34 : memref<!tpu.dma_semaphore, #tpu.memory_space<semaphore_mem>>)
      %dma_start3A_897 = arith.constant 0 : i32
      %dma_start3A_898 = tpu.memref_slice %arg22[%dma_start3A_897] : memref<800xf32, #tpu.memory_space<vmem>> -> memref<200xf32, #tpu.memory_space<vmem>>
      %dma_start3A_899 = tpu.memref_slice %arg6[%add3A_884] : memref<640000xf32, #tpu.memory_space<hbm>> -> memref<200xf32, #tpu.memory_space<hbm>>
      %dma_start3A_900 = arith.constant 0 : i32
      %dma_start3A_901 = tpu.memref_slice %arg22[%dma_start3A_900] : memref<800xf32, #tpu.memory_space<vmem>> -> memref<200xf32, #tpu.memory_space<vmem>>
      %dma_start3A_902 = tpu.memref_slice %arg6[%add3A_884] : memref<640000xf32, #tpu.memory_space<hbm>> -> memref<200xf32, #tpu.memory_space<hbm>>
      tpu.enqueue_dma source(%dma_start3A_902 : memref<200xf32, #tpu.memory_space<hbm>>) target(%dma_start3A_901 : memref<200xf32, #tpu.memory_space<vmem>>) target_semaphore(%arg34 : memref<!tpu.dma_semaphore, #tpu.memory_space<semaphore_mem>>)
      %dma_start3A_903 = arith.constant 200 : i32
      %dma_start3A_904 = tpu.memref_slice %arg22[%dma_start3A_903] : memref<800xf32, #tpu.memory_space<vmem>> -> memref<200xf32, #tpu.memory_space<vmem>>
      %dma_start3A_905 = tpu.memref_slice %arg6[%add3A_886] : memref<640000xf32, #tpu.memory_space<hbm>> -> memref<200xf32, #tpu.memory_space<hbm>>
      %dma_start3A_906 = arith.constant 200 : i32
      %dma_start3A_907 = tpu.memref_slice %arg22[%dma_start3A_906] : memref<800xf32, #tpu.memory_space<vmem>> -> memref<200xf32, #tpu.memory_space<vmem>>
      %dma_start3A_908 = tpu.memref_slice %arg6[%add3A_886] : memref<640000xf32, #tpu.memory_space<hbm>> -> memref<200xf32, #tpu.memory_space<hbm>>
      tpu.enqueue_dma source(%dma_start3A_908 : memref<200xf32, #tpu.memory_space<hbm>>) target(%dma_start3A_907 : memref<200xf32, #tpu.memory_space<vmem>>) target_semaphore(%arg34 : memref<!tpu.dma_semaphore, #tpu.memory_space<semaphore_mem>>)
      %dma_start3A_909 = arith.constant 400 : i32
      %dma_start3A_910 = tpu.memref_slice %arg22[%dma_start3A_909] : memref<800xf32, #tpu.memory_space<vmem>> -> memref<200xf32, #tpu.memory_space<vmem>>
      %dma_start3A_911 = tpu.memref_slice %arg6[%add3A_888] : memref<640000xf32, #tpu.memory_space<hbm>> -> memref<200xf32, #tpu.memory_space<hbm>>
      %dma_start3A_912 = arith.constant 400 : i32
      %dma_start3A_913 = tpu.memref_slice %arg22[%dma_start3A_912] : memref<800xf32, #tpu.memory_space<vmem>> -> memref<200xf32, #tpu.memory_space<vmem>>
      %dma_start3A_914 = tpu.memref_slice %arg6[%add3A_888] : memref<640000xf32, #tpu.memory_space<hbm>> -> memref<200xf32, #tpu.memory_space<hbm>>
      tpu.enqueue_dma source(%dma_start3A_914 : memref<200xf32, #tpu.memory_space<hbm>>) target(%dma_start3A_913 : memref<200xf32, #tpu.memory_space<vmem>>) target_semaphore(%arg34 : memref<!tpu.dma_semaphore, #tpu.memory_space<semaphore_mem>>)
      %dma_start3A_915 = arith.constant 600 : i32
      %dma_start3A_916 = tpu.memref_slice %arg22[%dma_start3A_915] : memref<800xf32, #tpu.memory_space<vmem>> -> memref<200xf32, #tpu.memory_space<vmem>>
      %dma_start3A_917 = tpu.memref_slice %arg6[%add3A_890] : memref<640000xf32, #tpu.memory_space<hbm>> -> memref<200xf32, #tpu.memory_space<hbm>>
      %dma_start3A_918 = arith.constant 600 : i32
      %dma_start3A_919 = tpu.memref_slice %arg22[%dma_start3A_918] : memref<800xf32, #tpu.memory_space<vmem>> -> memref<200xf32, #tpu.memory_space<vmem>>
      %dma_start3A_920 = tpu.memref_slice %arg6[%add3A_890] : memref<640000xf32, #tpu.memory_space<hbm>> -> memref<200xf32, #tpu.memory_space<hbm>>
      tpu.enqueue_dma source(%dma_start3A_920 : memref<200xf32, #tpu.memory_space<hbm>>) target(%dma_start3A_919 : memref<200xf32, #tpu.memory_space<vmem>>) target_semaphore(%arg34 : memref<!tpu.dma_semaphore, #tpu.memory_space<semaphore_mem>>)
      %mul3A_921 = arith.constant 2 : i32
      %mul3A_922 = arith.muli %mul3A_921, %scan3A_720 : i32
      %add3A_923 = arith.constant 1 : i32
      %add3A_924 = arith.addi %mul3A_922, %add3A_923 : i32
      %mul3A_925 = arith.constant 200 : i32
      %mul3A_926 = arith.muli %add3A_924, %mul3A_925 : i32
      %add3A_927 = arith.addi %add3A, %mul3A_926 : i32
      %add3A_928 = arith.constant 0 : i32
      %add3A_929 = arith.addi %add3A_928, %add3A_927 : i32
      %add3A_930 = arith.constant 160000 : i32
      %add3A_931 = arith.addi %add3A_930, %add3A_927 : i32
      %add3A_932 = arith.constant 320000 : i32
      %add3A_933 = arith.addi %add3A_932, %add3A_927 : i32
      %add3A_934 = arith.constant 480000 : i32
      %add3A_935 = arith.addi %add3A_934, %add3A_927 : i32
      %dma_wait3A_936 = tpu.memref_slice %arg3[%add3A_927] : memref<160000xi32, #tpu.memory_space<hbm>> -> memref<200xi32, #tpu.memory_space<hbm>>
      %dma_wait3A_937 = tpu.memref_slice %arg3[%add3A_927] : memref<160000xi32, #tpu.memory_space<hbm>> -> memref<200xi32, #tpu.memory_space<hbm>>
      tpu.wait_dma2 semaphore(%arg35 : memref<!tpu.dma_semaphore, #tpu.memory_space<semaphore_mem>>) src(%dma_wait3A_937 : memref<200xi32, #tpu.memory_space<hbm>>) dst(%arg24 : memref<200xi32, #tpu.memory_space<vmem>>)
      %dma_wait3A_938 = tpu.memref_slice %arg4[%add3A_927] : memref<160000xi32, #tpu.memory_space<hbm>> -> memref<200xi32, #tpu.memory_space<hbm>>
      %dma_wait3A_939 = tpu.memref_slice %arg4[%add3A_927] : memref<160000xi32, #tpu.memory_space<hbm>> -> memref<200xi32, #tpu.memory_space<hbm>>
      tpu.wait_dma2 semaphore(%arg35 : memref<!tpu.dma_semaphore, #tpu.memory_space<semaphore_mem>>) src(%dma_wait3A_939 : memref<200xi32, #tpu.memory_space<hbm>>) dst(%arg25 : memref<200xi32, #tpu.memory_space<vmem>>)
      %dma_wait3A_940 = tpu.memref_slice %arg5[%add3A_927] : memref<160000xf32, #tpu.memory_space<hbm>> -> memref<200xf32, #tpu.memory_space<hbm>>
      %dma_wait3A_941 = tpu.memref_slice %arg5[%add3A_927] : memref<160000xf32, #tpu.memory_space<hbm>> -> memref<200xf32, #tpu.memory_space<hbm>>
      tpu.wait_dma2 semaphore(%arg35 : memref<!tpu.dma_semaphore, #tpu.memory_space<semaphore_mem>>) src(%dma_wait3A_941 : memref<200xf32, #tpu.memory_space<hbm>>) dst(%arg26 : memref<200xf32, #tpu.memory_space<vmem>>)
      %dma_wait3A_942 = arith.constant 0 : i32
      %dma_wait3A_943 = tpu.memref_slice %arg27[%dma_wait3A_942] : memref<800xf32, #tpu.memory_space<vmem>> -> memref<200xf32, #tpu.memory_space<vmem>>
      %dma_wait3A_944 = tpu.memref_slice %arg6[%add3A_929] : memref<640000xf32, #tpu.memory_space<hbm>> -> memref<200xf32, #tpu.memory_space<hbm>>
      %dma_wait3A_945 = arith.constant 0 : i32
      %dma_wait3A_946 = tpu.memref_slice %arg27[%dma_wait3A_945] : memref<800xf32, #tpu.memory_space<vmem>> -> memref<200xf32, #tpu.memory_space<vmem>>
      %dma_wait3A_947 = tpu.memref_slice %arg6[%add3A_929] : memref<640000xf32, #tpu.memory_space<hbm>> -> memref<200xf32, #tpu.memory_space<hbm>>
      tpu.wait_dma2 semaphore(%arg35 : memref<!tpu.dma_semaphore, #tpu.memory_space<semaphore_mem>>) src(%dma_wait3A_947 : memref<200xf32, #tpu.memory_space<hbm>>) dst(%dma_wait3A_946 : memref<200xf32, #tpu.memory_space<vmem>>)
      %dma_wait3A_948 = arith.constant 200 : i32
      %dma_wait3A_949 = tpu.memref_slice %arg27[%dma_wait3A_948] : memref<800xf32, #tpu.memory_space<vmem>> -> memref<200xf32, #tpu.memory_space<vmem>>
      %dma_wait3A_950 = tpu.memref_slice %arg6[%add3A_931] : memref<640000xf32, #tpu.memory_space<hbm>> -> memref<200xf32, #tpu.memory_space<hbm>>
      %dma_wait3A_951 = arith.constant 200 : i32
      %dma_wait3A_952 = tpu.memref_slice %arg27[%dma_wait3A_951] : memref<800xf32, #tpu.memory_space<vmem>> -> memref<200xf32, #tpu.memory_space<vmem>>
      %dma_wait3A_953 = tpu.memref_slice %arg6[%add3A_931] : memref<640000xf32, #tpu.memory_space<hbm>> -> memref<200xf32, #tpu.memory_space<hbm>>
      tpu.wait_dma2 semaphore(%arg35 : memref<!tpu.dma_semaphore, #tpu.memory_space<semaphore_mem>>) src(%dma_wait3A_953 : memref<200xf32, #tpu.memory_space<hbm>>) dst(%dma_wait3A_952 : memref<200xf32, #tpu.memory_space<vmem>>)
      %dma_wait3A_954 = arith.constant 400 : i32
      %dma_wait3A_955 = tpu.memref_slice %arg27[%dma_wait3A_954] : memref<800xf32, #tpu.memory_space<vmem>> -> memref<200xf32, #tpu.memory_space<vmem>>
      %dma_wait3A_956 = tpu.memref_slice %arg6[%add3A_933] : memref<640000xf32, #tpu.memory_space<hbm>> -> memref<200xf32, #tpu.memory_space<hbm>>
      %dma_wait3A_957 = arith.constant 400 : i32
      %dma_wait3A_958 = tpu.memref_slice %arg27[%dma_wait3A_957] : memref<800xf32, #tpu.memory_space<vmem>> -> memref<200xf32, #tpu.memory_space<vmem>>
      %dma_wait3A_959 = tpu.memref_slice %arg6[%add3A_933] : memref<640000xf32, #tpu.memory_space<hbm>> -> memref<200xf32, #tpu.memory_space<hbm>>
      tpu.wait_dma2 semaphore(%arg35 : memref<!tpu.dma_semaphore, #tpu.memory_space<semaphore_mem>>) src(%dma_wait3A_959 : memref<200xf32, #tpu.memory_space<hbm>>) dst(%dma_wait3A_958 : memref<200xf32, #tpu.memory_space<vmem>>)
      %dma_wait3A_960 = arith.constant 600 : i32
      %dma_wait3A_961 = tpu.memref_slice %arg27[%dma_wait3A_960] : memref<800xf32, #tpu.memory_space<vmem>> -> memref<200xf32, #tpu.memory_space<vmem>>
      %dma_wait3A_962 = tpu.memref_slice %arg6[%add3A_935] : memref<640000xf32, #tpu.memory_space<hbm>> -> memref<200xf32, #tpu.memory_space<hbm>>
      %dma_wait3A_963 = arith.constant 600 : i32
      %dma_wait3A_964 = tpu.memref_slice %arg27[%dma_wait3A_963] : memref<800xf32, #tpu.memory_space<vmem>> -> memref<200xf32, #tpu.memory_space<vmem>>
      %dma_wait3A_965 = tpu.memref_slice %arg6[%add3A_935] : memref<640000xf32, #tpu.memory_space<hbm>> -> memref<200xf32, #tpu.memory_space<hbm>>
      tpu.wait_dma2 semaphore(%arg35 : memref<!tpu.dma_semaphore, #tpu.memory_space<semaphore_mem>>) src(%dma_wait3A_965 : memref<200xf32, #tpu.memory_space<hbm>>) dst(%dma_wait3A_964 : memref<200xf32, #tpu.memory_space<vmem>>)
      %mul3A_966 = arith.constant 2 : i32
      %mul3A_967 = arith.muli %mul3A_966, %scan3A_720 : i32
      %add3A_968 = arith.constant 1 : i32
      %add3A_969 = arith.addi %mul3A_967, %add3A_968 : i32
      %mul3A_970 = arith.constant 200 : i32
      %mul3A_971 = arith.muli %add3A_969, %mul3A_970 : i32
      %add3A_972 = arith.addi %add3A, %mul3A_971 : i32
      %scan3A_973 = arith.constant 0 : i32
      %scan3A_974 = arith.constant 0 : i32
      %scan3A_975 = arith.constant 50 : i32
      %scan3A_976 = arith.addi %scan3A_974, %scan3A_975 : i32
      %scan3A_977 = arith.constant 1 : i32
      scf.for %scan3A_1035 = %scan3A_974 to %scan3A_976 step %scan3A_977  : i32 {
        %mul3A_1036 = arith.constant 4 : i32
        %mul3A_1037 = arith.muli %scan3A_1035, %mul3A_1036 : i32
        %add3A_1038 = vector.broadcast %mul3A_1037 : i32 to vector<16xi32>
        %add3A_1039 = arith.addi %add3A_1038, %shift_right_arithmetic3A_537 : vector<16xi32>
        %gather3A = tpu.vector_load_idx %arg24[%add3A_1039] : memref<200xi32, #tpu.memory_space<vmem>>[vector<16xi32>], vector<16xi32>,
        %gather3A_1040 = tpu.vector_load_idx %arg25[%add3A_1039] : memref<200xi32, #tpu.memory_space<vmem>>[vector<16xi32>], vector<16xi32>,
        %gather3A_1041 = tpu.vector_load_idx %arg26[%add3A_1039] : memref<200xf32, #tpu.memory_space<vmem>>[vector<16xi32>], vector<16xf32>,
        %mul3A_1042 = arith.constant 2 : i32
        %mul3A_1043 = vector.broadcast %mul3A_1042 : i32 to vector<16xi32>
        %mul3A_1044 = arith.muli %gather3A, %mul3A_1043 : vector<16xi32>
        %add3A_1045 = arith.addi %mul3A_1044, %shift_right_arithmetic3A_549 : vector<16xi32>
        %gather3A_1046 = tpu.vector_load_idx %arg12[%add3A_1045] : memref<20480xi32, #tpu.memory_space<vmem>>[vector<16xi32>], vector<16xi32>,
        %shift_left3A = arith.constant 16 : i32
        %shift_left3A_1047 = vector.broadcast %shift_left3A : i32 to vector<16xi32>
        %shift_left3A_1048 = arith.shli %gather3A_1046, %shift_left3A_1047 : vector<16xi32>
        %and3A_1049 = arith.constant -65536 : i32
        %and3A_1050 = vector.broadcast %and3A_1049 : i32 to vector<16xi32>
        %and3A_1051 = arith.andi %gather3A_1046, %and3A_1050 : vector<16xi32>
        %select_n3A_1052 = arith.select %eq3A_546, %shift_left3A_1048, %and3A_1051 : vector<16xi1>, vector<16xi32>
        %bitcast3A = vector.bitcast %select_n3A_1052 : vector<16xi32> to vector<16xf32>
        %mul3A_1053 = arith.constant 2 : i32
        %mul3A_1054 = vector.broadcast %mul3A_1053 : i32 to vector<16xi32>
        %mul3A_1055 = arith.muli %gather3A_1040, %mul3A_1054 : vector<16xi32>
        %add3A_1056 = arith.addi %mul3A_1055, %shift_right_arithmetic3A_549 : vector<16xi32>
        %gather3A_1057 = tpu.vector_load_idx %arg12[%add3A_1056] : memref<20480xi32, #tpu.memory_space<vmem>>[vector<16xi32>], vector<16xi32>,
        %shift_left3A_1058 = arith.constant 16 : i32
        %shift_left3A_1059 = vector.broadcast %shift_left3A_1058 : i32 to vector<16xi32>
        %shift_left3A_1060 = arith.shli %gather3A_1057, %shift_left3A_1059 : vector<16xi32>
        %and3A_1061 = arith.constant -65536 : i32
        %and3A_1062 = vector.broadcast %and3A_1061 : i32 to vector<16xi32>
        %and3A_1063 = arith.andi %gather3A_1057, %and3A_1062 : vector<16xi32>
        %select_n3A_1064 = arith.select %eq3A_546, %shift_left3A_1060, %and3A_1063 : vector<16xi1>, vector<16xi32>
        %bitcast3A_1065 = vector.bitcast %select_n3A_1064 : vector<16xi32> to vector<16xf32>
        %mul3A_1066 = arith.constant 200 : i32
        %mul3A_1067 = vector.broadcast %mul3A_1066 : i32 to vector<16xi32>
        %mul3A_1068 = arith.muli %and3A_540, %mul3A_1067 : vector<16xi32>
        %add3A_1069 = arith.addi %mul3A_1068, %add3A_1039 : vector<16xi32>
        %gather3A_1070 = tpu.vector_load_idx %arg27[%add3A_1069] : memref<800xf32, #tpu.memory_space<vmem>>[vector<16xi32>], vector<16xf32>,
        %neg3A = arith.constant 0.000000e+00 : f32
        %neg3A_1071 = vector.broadcast %neg3A : f32 to vector<16xf32>
        %neg3A_1072 = arith.subf %neg3A_1071, %bitcast3A : vector<16xf32>
        %max3A = arith.maximumf %neg3A_1072, %gather3A_1070 : vector<16xf32>
        %max3A_1073 = arith.maximumf %max3A, %bitcast3A_1065 : vector<16xf32>
        %neg3A_1074 = arith.constant 0.000000e+00 : f32
        %neg3A_1075 = vector.broadcast %neg3A_1074 : f32 to vector<16xf32>
        %neg3A_1076 = arith.subf %neg3A_1075, %bitcast3A : vector<16xf32>
        %sub3A_1077 = arith.subf %neg3A_1076, %max3A_1073 : vector<16xf32>
        %exp3A = math.exp %sub3A_1077 : vector<16xf32>
        %sub3A_1078 = arith.subf %gather3A_1070, %max3A_1073 : vector<16xf32>
        %exp3A_1079 = math.exp %sub3A_1078 : vector<16xf32>
        %sub3A_1080 = arith.subf %bitcast3A_1065, %max3A_1073 : vector<16xf32>
        %exp3A_1081 = math.exp %sub3A_1080 : vector<16xf32>
        %mul3A_1082 = arith.mulf %get3A_535, %gather3A_1041 : vector<16xf32>
        %add3A_1083 = arith.addf %exp3A, %exp3A_1079 : vector<16xf32>
        %add3A_1084 = arith.addf %add3A_1083, %exp3A_1081 : vector<16xf32>
        %div3A = arith.divf %mul3A_1082, %add3A_1084 : vector<16xf32>
        %mul3A_1085 = arith.constant 200 : i32
        %mul3A_1086 = vector.broadcast %mul3A_1085 : i32 to vector<16xi32>
        %mul3A_1087 = arith.muli %and3A_540, %mul3A_1086 : vector<16xi32>
        %add3A_1088 = arith.addi %mul3A_1087, %add3A_1039 : vector<16xi32>
        %mul3A_1089 = arith.mulf %div3A, %exp3A_1079 : vector<16xf32>
        %add3A_1090 = arith.addf %gather3A_1070, %mul3A_1089 : vector<16xf32>
        tpu.vector_store_idx %arg28[%add3A_1088], %add3A_1090 : memref<800xf32, #tpu.memory_space<vmem>>[vector<16xi32>], vector<16xf32>,
        %mul3A_1091 = arith.constant 4 : i32
        %mul3A_1092 = vector.broadcast %mul3A_1091 : i32 to vector<16xi32>
        %mul3A_1093 = arith.muli %gather3A, %mul3A_1092 : vector<16xi32>
        %add3A_1094 = arith.addi %mul3A_1093, %and3A_540 : vector<16xi32>
        %neg3A_1095 = arith.constant 0.000000e+00 : f32
        %neg3A_1096 = vector.broadcast %neg3A_1095 : f32 to vector<16xf32>
        %neg3A_1097 = arith.subf %neg3A_1096, %div3A : vector<16xf32>
        %mul3A_1098 = arith.mulf %neg3A_1097, %exp3A : vector<16xf32>
        tpu.vector_store_idx %arg13[%add3A_1094], %mul3A_1098 : memref<40960xf32, #tpu.memory_space<vmem>>[vector<16xi32>], vector<16xf32>,
        %mul3A_1099 = arith.constant 4 : i32
        %mul3A_1100 = vector.broadcast %mul3A_1099 : i32 to vector<16xi32>
        %mul3A_1101 = arith.muli %gather3A_1040, %mul3A_1100 : vector<16xi32>
        %add3A_1102 = arith.addi %mul3A_1101, %and3A_540 : vector<16xi32>
        %mul3A_1103 = arith.mulf %div3A, %exp3A_1081 : vector<16xf32>
        tpu.vector_store_idx %arg14[%add3A_1102], %mul3A_1103 : memref<40960xf32, #tpu.memory_space<vmem>>[vector<16xi32>], vector<16xf32>,
      }
      %scan3A_978 = arith.constant 50 : i32
      %add3A_979 = arith.constant 0 : i32
      %add3A_980 = arith.addi %add3A_979, %add3A_972 : i32
      %dma_start3A_981 = arith.constant 0 : i32
      %dma_start3A_982 = tpu.memref_slice %arg28[%dma_start3A_981] : memref<800xf32, #tpu.memory_space<vmem>> -> memref<200xf32, #tpu.memory_space<vmem>>
      %dma_start3A_983 = tpu.memref_slice %arg11[%add3A_980] : memref<640000xf32, #tpu.memory_space<hbm>> -> memref<200xf32, #tpu.memory_space<hbm>>
      %dma_start3A_984 = tpu.memref_slice %arg11[%add3A_980] : memref<640000xf32, #tpu.memory_space<hbm>> -> memref<200xf32, #tpu.memory_space<hbm>>
      %dma_start3A_985 = arith.constant 0 : i32
      %dma_start3A_986 = tpu.memref_slice %arg28[%dma_start3A_985] : memref<800xf32, #tpu.memory_space<vmem>> -> memref<200xf32, #tpu.memory_space<vmem>>
      tpu.enqueue_dma source(%dma_start3A_986 : memref<200xf32, #tpu.memory_space<vmem>>) target(%dma_start3A_984 : memref<200xf32, #tpu.memory_space<hbm>>) target_semaphore(%arg35 : memref<!tpu.dma_semaphore, #tpu.memory_space<semaphore_mem>>)
      %add3A_987 = arith.constant 160000 : i32
      %add3A_988 = arith.addi %add3A_987, %add3A_972 : i32
      %dma_start3A_989 = arith.constant 200 : i32
      %dma_start3A_990 = tpu.memref_slice %arg28[%dma_start3A_989] : memref<800xf32, #tpu.memory_space<vmem>> -> memref<200xf32, #tpu.memory_space<vmem>>
      %dma_start3A_991 = tpu.memref_slice %arg11[%add3A_988] : memref<640000xf32, #tpu.memory_space<hbm>> -> memref<200xf32, #tpu.memory_space<hbm>>
      %dma_start3A_992 = tpu.memref_slice %arg11[%add3A_988] : memref<640000xf32, #tpu.memory_space<hbm>> -> memref<200xf32, #tpu.memory_space<hbm>>
      %dma_start3A_993 = arith.constant 200 : i32
      %dma_start3A_994 = tpu.memref_slice %arg28[%dma_start3A_993] : memref<800xf32, #tpu.memory_space<vmem>> -> memref<200xf32, #tpu.memory_space<vmem>>
      tpu.enqueue_dma source(%dma_start3A_994 : memref<200xf32, #tpu.memory_space<vmem>>) target(%dma_start3A_992 : memref<200xf32, #tpu.memory_space<hbm>>) target_semaphore(%arg35 : memref<!tpu.dma_semaphore, #tpu.memory_space<semaphore_mem>>)
      %add3A_995 = arith.constant 320000 : i32
      %add3A_996 = arith.addi %add3A_995, %add3A_972 : i32
      %dma_start3A_997 = arith.constant 400 : i32
      %dma_start3A_998 = tpu.memref_slice %arg28[%dma_start3A_997] : memref<800xf32, #tpu.memory_space<vmem>> -> memref<200xf32, #tpu.memory_space<vmem>>
      %dma_start3A_999 = tpu.memref_slice %arg11[%add3A_996] : memref<640000xf32, #tpu.memory_space<hbm>> -> memref<200xf32, #tpu.memory_space<hbm>>
      %dma_start3A_1000 = tpu.memref_slice %arg11[%add3A_996] : memref<640000xf32, #tpu.memory_space<hbm>> -> memref<200xf32, #tpu.memory_space<hbm>>
      %dma_start3A_1001 = arith.constant 400 : i32
      %dma_start3A_1002 = tpu.memref_slice %arg28[%dma_start3A_1001] : memref<800xf32, #tpu.memory_space<vmem>> -> memref<200xf32, #tpu.memory_space<vmem>>
      tpu.enqueue_dma source(%dma_start3A_1002 : memref<200xf32, #tpu.memory_space<vmem>>) target(%dma_start3A_1000 : memref<200xf32, #tpu.memory_space<hbm>>) target_semaphore(%arg35 : memref<!tpu.dma_semaphore, #tpu.memory_space<semaphore_mem>>)
      %add3A_1003 = arith.constant 480000 : i32
      %add3A_1004 = arith.addi %add3A_1003, %add3A_972 : i32
      %dma_start3A_1005 = arith.constant 600 : i32
      %dma_start3A_1006 = tpu.memref_slice %arg28[%dma_start3A_1005] : memref<800xf32, #tpu.memory_space<vmem>> -> memref<200xf32, #tpu.memory_space<vmem>>
      %dma_start3A_1007 = tpu.memref_slice %arg11[%add3A_1004] : memref<640000xf32, #tpu.memory_space<hbm>> -> memref<200xf32, #tpu.memory_space<hbm>>
      %dma_start3A_1008 = tpu.memref_slice %arg11[%add3A_1004] : memref<640000xf32, #tpu.memory_space<hbm>> -> memref<200xf32, #tpu.memory_space<hbm>>
      %dma_start3A_1009 = arith.constant 600 : i32
      %dma_start3A_1010 = tpu.memref_slice %arg28[%dma_start3A_1009] : memref<800xf32, #tpu.memory_space<vmem>> -> memref<200xf32, #tpu.memory_space<vmem>>
      tpu.enqueue_dma source(%dma_start3A_1010 : memref<200xf32, #tpu.memory_space<vmem>>) target(%dma_start3A_1008 : memref<200xf32, #tpu.memory_space<hbm>>) target_semaphore(%arg35 : memref<!tpu.dma_semaphore, #tpu.memory_space<semaphore_mem>>)
      %dma_wait3A_1011 = arith.constant 0 : i32
      %dma_wait3A_1012 = tpu.memref_slice %arg28[%dma_wait3A_1011] : memref<800xf32, #tpu.memory_space<vmem>> -> memref<200xf32, #tpu.memory_space<vmem>>
      %dma_wait3A_1013 = tpu.memref_slice %arg11[%add3A_980] : memref<640000xf32, #tpu.memory_space<hbm>> -> memref<200xf32, #tpu.memory_space<hbm>>
      %dma_wait3A_1014 = tpu.memref_slice %arg11[%add3A_980] : memref<640000xf32, #tpu.memory_space<hbm>> -> memref<200xf32, #tpu.memory_space<hbm>>
      %dma_wait3A_1015 = arith.constant 0 : i32
      %dma_wait3A_1016 = tpu.memref_slice %arg28[%dma_wait3A_1015] : memref<800xf32, #tpu.memory_space<vmem>> -> memref<200xf32, #tpu.memory_space<vmem>>
      tpu.wait_dma2 semaphore(%arg35 : memref<!tpu.dma_semaphore, #tpu.memory_space<semaphore_mem>>) src(%dma_wait3A_1016 : memref<200xf32, #tpu.memory_space<vmem>>) dst(%dma_wait3A_1014 : memref<200xf32, #tpu.memory_space<hbm>>)
      %dma_wait3A_1017 = arith.constant 200 : i32
      %dma_wait3A_1018 = tpu.memref_slice %arg28[%dma_wait3A_1017] : memref<800xf32, #tpu.memory_space<vmem>> -> memref<200xf32, #tpu.memory_space<vmem>>
      %dma_wait3A_1019 = tpu.memref_slice %arg11[%add3A_988] : memref<640000xf32, #tpu.memory_space<hbm>> -> memref<200xf32, #tpu.memory_space<hbm>>
      %dma_wait3A_1020 = tpu.memref_slice %arg11[%add3A_988] : memref<640000xf32, #tpu.memory_space<hbm>> -> memref<200xf32, #tpu.memory_space<hbm>>
      %dma_wait3A_1021 = arith.constant 200 : i32
      %dma_wait3A_1022 = tpu.memref_slice %arg28[%dma_wait3A_1021] : memref<800xf32, #tpu.memory_space<vmem>> -> memref<200xf32, #tpu.memory_space<vmem>>
      tpu.wait_dma2 semaphore(%arg35 : memref<!tpu.dma_semaphore, #tpu.memory_space<semaphore_mem>>) src(%dma_wait3A_1022 : memref<200xf32, #tpu.memory_space<vmem>>) dst(%dma_wait3A_1020 : memref<200xf32, #tpu.memory_space<hbm>>)
      %dma_wait3A_1023 = arith.constant 400 : i32
      %dma_wait3A_1024 = tpu.memref_slice %arg28[%dma_wait3A_1023] : memref<800xf32, #tpu.memory_space<vmem>> -> memref<200xf32, #tpu.memory_space<vmem>>
      %dma_wait3A_1025 = tpu.memref_slice %arg11[%add3A_996] : memref<640000xf32, #tpu.memory_space<hbm>> -> memref<200xf32, #tpu.memory_space<hbm>>
      %dma_wait3A_1026 = tpu.memref_slice %arg11[%add3A_996] : memref<640000xf32, #tpu.memory_space<hbm>> -> memref<200xf32, #tpu.memory_space<hbm>>
      %dma_wait3A_1027 = arith.constant 400 : i32
      %dma_wait3A_1028 = tpu.memref_slice %arg28[%dma_wait3A_1027] : memref<800xf32, #tpu.memory_space<vmem>> -> memref<200xf32, #tpu.memory_space<vmem>>
      tpu.wait_dma2 semaphore(%arg35 : memref<!tpu.dma_semaphore, #tpu.memory_space<semaphore_mem>>) src(%dma_wait3A_1028 : memref<200xf32, #tpu.memory_space<vmem>>) dst(%dma_wait3A_1026 : memref<200xf32, #tpu.memory_space<hbm>>)
      %dma_wait3A_1029 = arith.constant 600 : i32
      %dma_wait3A_1030 = tpu.memref_slice %arg28[%dma_wait3A_1029] : memref<800xf32, #tpu.memory_space<vmem>> -> memref<200xf32, #tpu.memory_space<vmem>>
      %dma_wait3A_1031 = tpu.memref_slice %arg11[%add3A_1004] : memref<640000xf32, #tpu.memory_space<hbm>> -> memref<200xf32, #tpu.memory_space<hbm>>
      %dma_wait3A_1032 = tpu.memref_slice %arg11[%add3A_1004] : memref<640000xf32, #tpu.memory_space<hbm>> -> memref<200xf32, #tpu.memory_space<hbm>>
      %dma_wait3A_1033 = arith.constant 600 : i32
      %dma_wait3A_1034 = tpu.memref_slice %arg28[%dma_wait3A_1033] : memref<800xf32, #tpu.memory_space<vmem>> -> memref<200xf32, #tpu.memory_space<vmem>>
      tpu.wait_dma2 semaphore(%arg35 : memref<!tpu.dma_semaphore, #tpu.memory_space<semaphore_mem>>) src(%dma_wait3A_1034 : memref<200xf32, #tpu.memory_space<vmem>>) dst(%dma_wait3A_1032 : memref<200xf32, #tpu.memory_space<hbm>>)
    }
    %scan3A_599 = arith.constant 12 : i32
    %add3A_600 = arith.constant 4800 : i32
    %add3A_601 = arith.addi %add3A, %add3A_600 : i32
    %add3A_602 = arith.constant 0 : i32
    %add3A_603 = arith.addi %add3A_602, %add3A_601 : i32
    %add3A_604 = arith.constant 160000 : i32
    %add3A_605 = arith.addi %add3A_604, %add3A_601 : i32
    %add3A_606 = arith.constant 320000 : i32
    %add3A_607 = arith.addi %add3A_606, %add3A_601 : i32
    %add3A_608 = arith.constant 480000 : i32
    %add3A_609 = arith.addi %add3A_608, %add3A_601 : i32
    %dma_wait3A_610 = tpu.memref_slice %arg3[%add3A_601] : memref<160000xi32, #tpu.memory_space<hbm>> -> memref<200xi32, #tpu.memory_space<hbm>>
    %dma_wait3A_611 = tpu.memref_slice %arg3[%add3A_601] : memref<160000xi32, #tpu.memory_space<hbm>> -> memref<200xi32, #tpu.memory_space<hbm>>
    tpu.wait_dma2 semaphore(%arg34 : memref<!tpu.dma_semaphore, #tpu.memory_space<semaphore_mem>>) src(%dma_wait3A_611 : memref<200xi32, #tpu.memory_space<hbm>>) dst(%arg19 : memref<200xi32, #tpu.memory_space<vmem>>)
    %dma_wait3A_612 = tpu.memref_slice %arg4[%add3A_601] : memref<160000xi32, #tpu.memory_space<hbm>> -> memref<200xi32, #tpu.memory_space<hbm>>
    %dma_wait3A_613 = tpu.memref_slice %arg4[%add3A_601] : memref<160000xi32, #tpu.memory_space<hbm>> -> memref<200xi32, #tpu.memory_space<hbm>>
    tpu.wait_dma2 semaphore(%arg34 : memref<!tpu.dma_semaphore, #tpu.memory_space<semaphore_mem>>) src(%dma_wait3A_613 : memref<200xi32, #tpu.memory_space<hbm>>) dst(%arg20 : memref<200xi32, #tpu.memory_space<vmem>>)
    %dma_wait3A_614 = tpu.memref_slice %arg5[%add3A_601] : memref<160000xf32, #tpu.memory_space<hbm>> -> memref<200xf32, #tpu.memory_space<hbm>>
    %dma_wait3A_615 = tpu.memref_slice %arg5[%add3A_601] : memref<160000xf32, #tpu.memory_space<hbm>> -> memref<200xf32, #tpu.memory_space<hbm>>
    tpu.wait_dma2 semaphore(%arg34 : memref<!tpu.dma_semaphore, #tpu.memory_space<semaphore_mem>>) src(%dma_wait3A_615 : memref<200xf32, #tpu.memory_space<hbm>>) dst(%arg21 : memref<200xf32, #tpu.memory_space<vmem>>)
    %dma_wait3A_616 = arith.constant 0 : i32
    %dma_wait3A_617 = tpu.memref_slice %arg22[%dma_wait3A_616] : memref<800xf32, #tpu.memory_space<vmem>> -> memref<200xf32, #tpu.memory_space<vmem>>
    %dma_wait3A_618 = tpu.memref_slice %arg6[%add3A_603] : memref<640000xf32, #tpu.memory_space<hbm>> -> memref<200xf32, #tpu.memory_space<hbm>>
    %dma_wait3A_619 = arith.constant 0 : i32
    %dma_wait3A_620 = tpu.memref_slice %arg22[%dma_wait3A_619] : memref<800xf32, #tpu.memory_space<vmem>> -> memref<200xf32, #tpu.memory_space<vmem>>
    %dma_wait3A_621 = tpu.memref_slice %arg6[%add3A_603] : memref<640000xf32, #tpu.memory_space<hbm>> -> memref<200xf32, #tpu.memory_space<hbm>>
    tpu.wait_dma2 semaphore(%arg34 : memref<!tpu.dma_semaphore, #tpu.memory_space<semaphore_mem>>) src(%dma_wait3A_621 : memref<200xf32, #tpu.memory_space<hbm>>) dst(%dma_wait3A_620 : memref<200xf32, #tpu.memory_space<vmem>>)
    %dma_wait3A_622 = arith.constant 200 : i32
    %dma_wait3A_623 = tpu.memref_slice %arg22[%dma_wait3A_622] : memref<800xf32, #tpu.memory_space<vmem>> -> memref<200xf32, #tpu.memory_space<vmem>>
    %dma_wait3A_624 = tpu.memref_slice %arg6[%add3A_605] : memref<640000xf32, #tpu.memory_space<hbm>> -> memref<200xf32, #tpu.memory_space<hbm>>
    %dma_wait3A_625 = arith.constant 200 : i32
    %dma_wait3A_626 = tpu.memref_slice %arg22[%dma_wait3A_625] : memref<800xf32, #tpu.memory_space<vmem>> -> memref<200xf32, #tpu.memory_space<vmem>>
    %dma_wait3A_627 = tpu.memref_slice %arg6[%add3A_605] : memref<640000xf32, #tpu.memory_space<hbm>> -> memref<200xf32, #tpu.memory_space<hbm>>
    tpu.wait_dma2 semaphore(%arg34 : memref<!tpu.dma_semaphore, #tpu.memory_space<semaphore_mem>>) src(%dma_wait3A_627 : memref<200xf32, #tpu.memory_space<hbm>>) dst(%dma_wait3A_626 : memref<200xf32, #tpu.memory_space<vmem>>)
    %dma_wait3A_628 = arith.constant 400 : i32
    %dma_wait3A_629 = tpu.memref_slice %arg22[%dma_wait3A_628] : memref<800xf32, #tpu.memory_space<vmem>> -> memref<200xf32, #tpu.memory_space<vmem>>
    %dma_wait3A_630 = tpu.memref_slice %arg6[%add3A_607] : memref<640000xf32, #tpu.memory_space<hbm>> -> memref<200xf32, #tpu.memory_space<hbm>>
    %dma_wait3A_631 = arith.constant 400 : i32
    %dma_wait3A_632 = tpu.memref_slice %arg22[%dma_wait3A_631] : memref<800xf32, #tpu.memory_space<vmem>> -> memref<200xf32, #tpu.memory_space<vmem>>
    %dma_wait3A_633 = tpu.memref_slice %arg6[%add3A_607] : memref<640000xf32, #tpu.memory_space<hbm>> -> memref<200xf32, #tpu.memory_space<hbm>>
    tpu.wait_dma2 semaphore(%arg34 : memref<!tpu.dma_semaphore, #tpu.memory_space<semaphore_mem>>) src(%dma_wait3A_633 : memref<200xf32, #tpu.memory_space<hbm>>) dst(%dma_wait3A_632 : memref<200xf32, #tpu.memory_space<vmem>>)
    %dma_wait3A_634 = arith.constant 600 : i32
    %dma_wait3A_635 = tpu.memref_slice %arg22[%dma_wait3A_634] : memref<800xf32, #tpu.memory_space<vmem>> -> memref<200xf32, #tpu.memory_space<vmem>>
    %dma_wait3A_636 = tpu.memref_slice %arg6[%add3A_609] : memref<640000xf32, #tpu.memory_space<hbm>> -> memref<200xf32, #tpu.memory_space<hbm>>
    %dma_wait3A_637 = arith.constant 600 : i32
    %dma_wait3A_638 = tpu.memref_slice %arg22[%dma_wait3A_637] : memref<800xf32, #tpu.memory_space<vmem>> -> memref<200xf32, #tpu.memory_space<vmem>>
    %dma_wait3A_639 = tpu.memref_slice %arg6[%add3A_609] : memref<640000xf32, #tpu.memory_space<hbm>> -> memref<200xf32, #tpu.memory_space<hbm>>
    tpu.wait_dma2 semaphore(%arg34 : memref<!tpu.dma_semaphore, #tpu.memory_space<semaphore_mem>>) src(%dma_wait3A_639 : memref<200xf32, #tpu.memory_space<hbm>>) dst(%dma_wait3A_638 : memref<200xf32, #tpu.memory_space<vmem>>)
    %add3A_640 = arith.constant 4800 : i32
    %add3A_641 = arith.addi %add3A, %add3A_640 : i32
    %scan3A_642 = arith.constant 0 : i32
    %scan3A_643 = arith.constant 0 : i32
    %scan3A_644 = arith.constant 50 : i32
    %scan3A_645 = arith.addi %scan3A_643, %scan3A_644 : i32
    %scan3A_646 = arith.constant 1 : i32
    scf.for %scan3A_720 = %scan3A_643 to %scan3A_645 step %scan3A_646  : i32 {
      %mul3A_721 = arith.constant 4 : i32
      %mul3A_722 = arith.muli %scan3A_720, %mul3A_721 : i32
      %add3A_723 = vector.broadcast %mul3A_722 : i32 to vector<16xi32>
      %add3A_724 = arith.addi %add3A_723, %shift_right_arithmetic3A_537 : vector<16xi32>
      %gather3A = tpu.vector_load_idx %arg19[%add3A_724] : memref<200xi32, #tpu.memory_space<vmem>>[vector<16xi32>], vector<16xi32>,
      %gather3A_725 = tpu.vector_load_idx %arg20[%add3A_724] : memref<200xi32, #tpu.memory_space<vmem>>[vector<16xi32>], vector<16xi32>,
      %gather3A_726 = tpu.vector_load_idx %arg21[%add3A_724] : memref<200xf32, #tpu.memory_space<vmem>>[vector<16xi32>], vector<16xf32>,
      %mul3A_727 = arith.constant 2 : i32
      %mul3A_728 = vector.broadcast %mul3A_727 : i32 to vector<16xi32>
      %mul3A_729 = arith.muli %gather3A, %mul3A_728 : vector<16xi32>
      %add3A_730 = arith.addi %mul3A_729, %shift_right_arithmetic3A_549 : vector<16xi32>
      %gather3A_731 = tpu.vector_load_idx %arg12[%add3A_730] : memref<20480xi32, #tpu.memory_space<vmem>>[vector<16xi32>], vector<16xi32>,
      %shift_left3A = arith.constant 16 : i32
      %shift_left3A_732 = vector.broadcast %shift_left3A : i32 to vector<16xi32>
      %shift_left3A_733 = arith.shli %gather3A_731, %shift_left3A_732 : vector<16xi32>
      %and3A_734 = arith.constant -65536 : i32
      %and3A_735 = vector.broadcast %and3A_734 : i32 to vector<16xi32>
      %and3A_736 = arith.andi %gather3A_731, %and3A_735 : vector<16xi32>
      %select_n3A_737 = arith.select %eq3A_546, %shift_left3A_733, %and3A_736 : vector<16xi1>, vector<16xi32>
      %bitcast3A = vector.bitcast %select_n3A_737 : vector<16xi32> to vector<16xf32>
      %mul3A_738 = arith.constant 2 : i32
      %mul3A_739 = vector.broadcast %mul3A_738 : i32 to vector<16xi32>
      %mul3A_740 = arith.muli %gather3A_725, %mul3A_739 : vector<16xi32>
      %add3A_741 = arith.addi %mul3A_740, %shift_right_arithmetic3A_549 : vector<16xi32>
      %gather3A_742 = tpu.vector_load_idx %arg12[%add3A_741] : memref<20480xi32, #tpu.memory_space<vmem>>[vector<16xi32>], vector<16xi32>,
      %shift_left3A_743 = arith.constant 16 : i32
      %shift_left3A_744 = vector.broadcast %shift_left3A_743 : i32 to vector<16xi32>
      %shift_left3A_745 = arith.shli %gather3A_742, %shift_left3A_744 : vector<16xi32>
      %and3A_746 = arith.constant -65536 : i32
      %and3A_747 = vector.broadcast %and3A_746 : i32 to vector<16xi32>
      %and3A_748 = arith.andi %gather3A_742, %and3A_747 : vector<16xi32>
      %select_n3A_749 = arith.select %eq3A_546, %shift_left3A_745, %and3A_748 : vector<16xi1>, vector<16xi32>
      %bitcast3A_750 = vector.bitcast %select_n3A_749 : vector<16xi32> to vector<16xf32>
      %mul3A_751 = arith.constant 200 : i32
      %mul3A_752 = vector.broadcast %mul3A_751 : i32 to vector<16xi32>
      %mul3A_753 = arith.muli %and3A_540, %mul3A_752 : vector<16xi32>
      %add3A_754 = arith.addi %mul3A_753, %add3A_724 : vector<16xi32>
      %gather3A_755 = tpu.vector_load_idx %arg22[%add3A_754] : memref<800xf32, #tpu.memory_space<vmem>>[vector<16xi32>], vector<16xf32>,
      %neg3A = arith.constant 0.000000e+00 : f32
      %neg3A_756 = vector.broadcast %neg3A : f32 to vector<16xf32>
      %neg3A_757 = arith.subf %neg3A_756, %bitcast3A : vector<16xf32>
      %max3A = arith.maximumf %neg3A_757, %gather3A_755 : vector<16xf32>
      %max3A_758 = arith.maximumf %max3A, %bitcast3A_750 : vector<16xf32>
      %neg3A_759 = arith.constant 0.000000e+00 : f32
      %neg3A_760 = vector.broadcast %neg3A_759 : f32 to vector<16xf32>
      %neg3A_761 = arith.subf %neg3A_760, %bitcast3A : vector<16xf32>
      %sub3A_762 = arith.subf %neg3A_761, %max3A_758 : vector<16xf32>
      %exp3A = math.exp %sub3A_762 : vector<16xf32>
      %sub3A_763 = arith.subf %gather3A_755, %max3A_758 : vector<16xf32>
      %exp3A_764 = math.exp %sub3A_763 : vector<16xf32>
      %sub3A_765 = arith.subf %bitcast3A_750, %max3A_758 : vector<16xf32>
      %exp3A_766 = math.exp %sub3A_765 : vector<16xf32>
      %mul3A_767 = arith.mulf %get3A_535, %gather3A_726 : vector<16xf32>
      %add3A_768 = arith.addf %exp3A, %exp3A_764 : vector<16xf32>
      %add3A_769 = arith.addf %add3A_768, %exp3A_766 : vector<16xf32>
      %div3A = arith.divf %mul3A_767, %add3A_769 : vector<16xf32>
      %mul3A_770 = arith.constant 200 : i32
      %mul3A_771 = vector.broadcast %mul3A_770 : i32 to vector<16xi32>
      %mul3A_772 = arith.muli %and3A_540, %mul3A_771 : vector<16xi32>
      %add3A_773 = arith.addi %mul3A_772, %add3A_724 : vector<16xi32>
      %mul3A_774 = arith.mulf %div3A, %exp3A_764 : vector<16xf32>
      %add3A_775 = arith.addf %gather3A_755, %mul3A_774 : vector<16xf32>
      tpu.vector_store_idx %arg23[%add3A_773], %add3A_775 : memref<800xf32, #tpu.memory_space<vmem>>[vector<16xi32>], vector<16xf32>,
      %mul3A_776 = arith.constant 4 : i32
      %mul3A_777 = vector.broadcast %mul3A_776 : i32 to vector<16xi32>
      %mul3A_778 = arith.muli %gather3A, %mul3A_777 : vector<16xi32>
      %add3A_779 = arith.addi %mul3A_778, %and3A_540 : vector<16xi32>
      %neg3A_780 = arith.constant 0.000000e+00 : f32
      %neg3A_781 = vector.broadcast %neg3A_780 : f32 to vector<16xf32>
      %neg3A_782 = arith.subf %neg3A_781, %div3A : vector<16xf32>
      %mul3A_783 = arith.mulf %neg3A_782, %exp3A : vector<16xf32>
      tpu.vector_store_idx %arg13[%add3A_779], %mul3A_783 : memref<40960xf32, #tpu.memory_space<vmem>>[vector<16xi32>], vector<16xf32>,
      %mul3A_784 = arith.constant 4 : i32
      %mul3A_785 = vector.broadcast %mul3A_784 : i32 to vector<16xi32>
      %mul3A_786 = arith.muli %gather3A_725, %mul3A_785 : vector<16xi32>
      %add3A_787 = arith.addi %mul3A_786, %and3A_540 : vector<16xi32>
      %mul3A_788 = arith.mulf %div3A, %exp3A_766 : vector<16xf32>
      tpu.vector_store_idx %arg14[%add3A_787], %mul3A_788 : memref<40960xf32, #tpu.memory_space<vmem>>[vector<16xi32>], vector<16xf32>,
    }
    %scan3A_647 = arith.constant 50 : i32
    %add3A_648 = arith.constant 0 : i32
    %add3A_649 = arith.addi %add3A_648, %add3A_641 : i32
    %dma_start3A_650 = arith.constant 0 : i32
    %dma_start3A_651 = tpu.memref_slice %arg23[%dma_start3A_650] : memref<800xf32, #tpu.memory_space<vmem>> -> memref<200xf32, #tpu.memory_space<vmem>>
    %dma_start3A_652 = tpu.memref_slice %arg11[%add3A_649] : memref<640000xf32, #tpu.memory_space<hbm>> -> memref<200xf32, #tpu.memory_space<hbm>>
    %dma_start3A_653 = tpu.memref_slice %arg11[%add3A_649] : memref<640000xf32, #tpu.memory_space<hbm>> -> memref<200xf32, #tpu.memory_space<hbm>>
    %dma_start3A_654 = arith.constant 0 : i32
    %dma_start3A_655 = tpu.memref_slice %arg23[%dma_start3A_654] : memref<800xf32, #tpu.memory_space<vmem>> -> memref<200xf32, #tpu.memory_space<vmem>>
    tpu.enqueue_dma source(%dma_start3A_655 : memref<200xf32, #tpu.memory_space<vmem>>) target(%dma_start3A_653 : memref<200xf32, #tpu.memory_space<hbm>>) target_semaphore(%arg34 : memref<!tpu.dma_semaphore, #tpu.memory_space<semaphore_mem>>)
    %add3A_656 = arith.constant 160000 : i32
    %add3A_657 = arith.addi %add3A_656, %add3A_641 : i32
    %dma_start3A_658 = arith.constant 200 : i32
    %dma_start3A_659 = tpu.memref_slice %arg23[%dma_start3A_658] : memref<800xf32, #tpu.memory_space<vmem>> -> memref<200xf32, #tpu.memory_space<vmem>>
    %dma_start3A_660 = tpu.memref_slice %arg11[%add3A_657] : memref<640000xf32, #tpu.memory_space<hbm>> -> memref<200xf32, #tpu.memory_space<hbm>>
    %dma_start3A_661 = tpu.memref_slice %arg11[%add3A_657] : memref<640000xf32, #tpu.memory_space<hbm>> -> memref<200xf32, #tpu.memory_space<hbm>>
    %dma_start3A_662 = arith.constant 200 : i32
    %dma_start3A_663 = tpu.memref_slice %arg23[%dma_start3A_662] : memref<800xf32, #tpu.memory_space<vmem>> -> memref<200xf32, #tpu.memory_space<vmem>>
    tpu.enqueue_dma source(%dma_start3A_663 : memref<200xf32, #tpu.memory_space<vmem>>) target(%dma_start3A_661 : memref<200xf32, #tpu.memory_space<hbm>>) target_semaphore(%arg34 : memref<!tpu.dma_semaphore, #tpu.memory_space<semaphore_mem>>)
    %add3A_664 = arith.constant 320000 : i32
    %add3A_665 = arith.addi %add3A_664, %add3A_641 : i32
    %dma_start3A_666 = arith.constant 400 : i32
    %dma_start3A_667 = tpu.memref_slice %arg23[%dma_start3A_666] : memref<800xf32, #tpu.memory_space<vmem>> -> memref<200xf32, #tpu.memory_space<vmem>>
    %dma_start3A_668 = tpu.memref_slice %arg11[%add3A_665] : memref<640000xf32, #tpu.memory_space<hbm>> -> memref<200xf32, #tpu.memory_space<hbm>>
    %dma_start3A_669 = tpu.memref_slice %arg11[%add3A_665] : memref<640000xf32, #tpu.memory_space<hbm>> -> memref<200xf32, #tpu.memory_space<hbm>>
    %dma_start3A_670 = arith.constant 400 : i32
    %dma_start3A_671 = tpu.memref_slice %arg23[%dma_start3A_670] : memref<800xf32, #tpu.memory_space<vmem>> -> memref<200xf32, #tpu.memory_space<vmem>>
    tpu.enqueue_dma source(%dma_start3A_671 : memref<200xf32, #tpu.memory_space<vmem>>) target(%dma_start3A_669 : memref<200xf32, #tpu.memory_space<hbm>>) target_semaphore(%arg34 : memref<!tpu.dma_semaphore, #tpu.memory_space<semaphore_mem>>)
    %add3A_672 = arith.constant 480000 : i32
    %add3A_673 = arith.addi %add3A_672, %add3A_641 : i32
    %dma_start3A_674 = arith.constant 600 : i32
    %dma_start3A_675 = tpu.memref_slice %arg23[%dma_start3A_674] : memref<800xf32, #tpu.memory_space<vmem>> -> memref<200xf32, #tpu.memory_space<vmem>>
    %dma_start3A_676 = tpu.memref_slice %arg11[%add3A_673] : memref<640000xf32, #tpu.memory_space<hbm>> -> memref<200xf32, #tpu.memory_space<hbm>>
    %dma_start3A_677 = tpu.memref_slice %arg11[%add3A_673] : memref<640000xf32, #tpu.memory_space<hbm>> -> memref<200xf32, #tpu.memory_space<hbm>>
    %dma_start3A_678 = arith.constant 600 : i32
    %dma_start3A_679 = tpu.memref_slice %arg23[%dma_start3A_678] : memref<800xf32, #tpu.memory_space<vmem>> -> memref<200xf32, #tpu.memory_space<vmem>>
    tpu.enqueue_dma source(%dma_start3A_679 : memref<200xf32, #tpu.memory_space<vmem>>) target(%dma_start3A_677 : memref<200xf32, #tpu.memory_space<hbm>>) target_semaphore(%arg34 : memref<!tpu.dma_semaphore, #tpu.memory_space<semaphore_mem>>)
    %dma_wait3A_680 = arith.constant 0 : i32
    %dma_wait3A_681 = tpu.memref_slice %arg23[%dma_wait3A_680] : memref<800xf32, #tpu.memory_space<vmem>> -> memref<200xf32, #tpu.memory_space<vmem>>
    %dma_wait3A_682 = tpu.memref_slice %arg11[%add3A_649] : memref<640000xf32, #tpu.memory_space<hbm>> -> memref<200xf32, #tpu.memory_space<hbm>>
    %dma_wait3A_683 = tpu.memref_slice %arg11[%add3A_649] : memref<640000xf32, #tpu.memory_space<hbm>> -> memref<200xf32, #tpu.memory_space<hbm>>
    %dma_wait3A_684 = arith.constant 0 : i32
    %dma_wait3A_685 = tpu.memref_slice %arg23[%dma_wait3A_684] : memref<800xf32, #tpu.memory_space<vmem>> -> memref<200xf32, #tpu.memory_space<vmem>>
    tpu.wait_dma2 semaphore(%arg34 : memref<!tpu.dma_semaphore, #tpu.memory_space<semaphore_mem>>) src(%dma_wait3A_685 : memref<200xf32, #tpu.memory_space<vmem>>) dst(%dma_wait3A_683 : memref<200xf32, #tpu.memory_space<hbm>>)
    %dma_wait3A_686 = arith.constant 200 : i32
    %dma_wait3A_687 = tpu.memref_slice %arg23[%dma_wait3A_686] : memref<800xf32, #tpu.memory_space<vmem>> -> memref<200xf32, #tpu.memory_space<vmem>>
    %dma_wait3A_688 = tpu.memref_slice %arg11[%add3A_657] : memref<640000xf32, #tpu.memory_space<hbm>> -> memref<200xf32, #tpu.memory_space<hbm>>
    %dma_wait3A_689 = tpu.memref_slice %arg11[%add3A_657] : memref<640000xf32, #tpu.memory_space<hbm>> -> memref<200xf32, #tpu.memory_space<hbm>>
    %dma_wait3A_690 = arith.constant 200 : i32
    %dma_wait3A_691 = tpu.memref_slice %arg23[%dma_wait3A_690] : memref<800xf32, #tpu.memory_space<vmem>> -> memref<200xf32, #tpu.memory_space<vmem>>
    tpu.wait_dma2 semaphore(%arg34 : memref<!tpu.dma_semaphore, #tpu.memory_space<semaphore_mem>>) src(%dma_wait3A_691 : memref<200xf32, #tpu.memory_space<vmem>>) dst(%dma_wait3A_689 : memref<200xf32, #tpu.memory_space<hbm>>)
    %dma_wait3A_692 = arith.constant 400 : i32
    %dma_wait3A_693 = tpu.memref_slice %arg23[%dma_wait3A_692] : memref<800xf32, #tpu.memory_space<vmem>> -> memref<200xf32, #tpu.memory_space<vmem>>
    %dma_wait3A_694 = tpu.memref_slice %arg11[%add3A_665] : memref<640000xf32, #tpu.memory_space<hbm>> -> memref<200xf32, #tpu.memory_space<hbm>>
    %dma_wait3A_695 = tpu.memref_slice %arg11[%add3A_665] : memref<640000xf32, #tpu.memory_space<hbm>> -> memref<200xf32, #tpu.memory_space<hbm>>
    %dma_wait3A_696 = arith.constant 400 : i32
    %dma_wait3A_697 = tpu.memref_slice %arg23[%dma_wait3A_696] : memref<800xf32, #tpu.memory_space<vmem>> -> memref<200xf32, #tpu.memory_space<vmem>>
    tpu.wait_dma2 semaphore(%arg34 : memref<!tpu.dma_semaphore, #tpu.memory_space<semaphore_mem>>) src(%dma_wait3A_697 : memref<200xf32, #tpu.memory_space<vmem>>) dst(%dma_wait3A_695 : memref<200xf32, #tpu.memory_space<hbm>>)
    %dma_wait3A_698 = arith.constant 600 : i32
    %dma_wait3A_699 = tpu.memref_slice %arg23[%dma_wait3A_698] : memref<800xf32, #tpu.memory_space<vmem>> -> memref<200xf32, #tpu.memory_space<vmem>>
    %dma_wait3A_700 = tpu.memref_slice %arg11[%add3A_673] : memref<640000xf32, #tpu.memory_space<hbm>> -> memref<200xf32, #tpu.memory_space<hbm>>
    %dma_wait3A_701 = tpu.memref_slice %arg11[%add3A_673] : memref<640000xf32, #tpu.memory_space<hbm>> -> memref<200xf32, #tpu.memory_space<hbm>>
    %dma_wait3A_702 = arith.constant 600 : i32
    %dma_wait3A_703 = tpu.memref_slice %arg23[%dma_wait3A_702] : memref<800xf32, #tpu.memory_space<vmem>> -> memref<200xf32, #tpu.memory_space<vmem>>
    tpu.wait_dma2 semaphore(%arg34 : memref<!tpu.dma_semaphore, #tpu.memory_space<semaphore_mem>>) src(%dma_wait3A_703 : memref<200xf32, #tpu.memory_space<vmem>>) dst(%dma_wait3A_701 : memref<200xf32, #tpu.memory_space<hbm>>)
    %scan3A_704 = arith.constant 0 : i32
    %scan3A_705 = arith.constant 0 : i32
    %scan3A_706 = arith.constant 16 : i32
    %scan3A_707 = arith.addi %scan3A_705, %scan3A_706 : i32
    %scan3A_708 = arith.constant 1 : i32
    scf.for %scan3A_720 = %scan3A_705 to %scan3A_707 step %scan3A_708  : i32 {
      %mul3A_721 = arith.constant 2560 : i32
      %mul3A_722 = arith.muli %scan3A_720, %mul3A_721 : i32
      %add3A_723 = arith.constant 0 : i32
      %add3A_724 = arith.addi %mul3A_722, %add3A_723 : i32
      %add3A_725 = arith.constant 0 : i32
      %add3A_726 = arith.addi %add3A_725, %arg1 : i32
      %mul3A_727 = arith.constant 160 : i32
      %mul3A_728 = arith.muli %add3A_726, %mul3A_727 : i32
      %dma_start3A_729 = tpu.memref_slice %arg13[%add3A_724] : memref<40960xf32, #tpu.memory_space<vmem>> -> memref<160xf32, #tpu.memory_space<vmem>>
      %dma_start3A_730 = tpu.memref_slice %arg32[%mul3A_728] : memref<81920xf32, #tpu.memory_space<vmem_shared>> -> memref<160xf32, #tpu.memory_space<vmem_shared>>
      %dma_start3A_731 = tpu.memref_slice %arg32[%mul3A_728] : memref<81920xf32, #tpu.memory_space<vmem_shared>> -> memref<160xf32, #tpu.memory_space<vmem_shared>>
      %dma_start3A_732 = tpu.memref_slice %arg13[%add3A_724] : memref<40960xf32, #tpu.memory_space<vmem>> -> memref<160xf32, #tpu.memory_space<vmem>>
      tpu.enqueue_dma source(%dma_start3A_732 : memref<160xf32, #tpu.memory_space<vmem>>) target(%dma_start3A_731 : memref<160xf32, #tpu.memory_space<vmem_shared>>) target_semaphore(%arg33 : memref<!tpu.dma_semaphore, #tpu.memory_space<semaphore_mem>>)
      %add3A_733 = arith.constant 0 : i32
      %add3A_734 = arith.addi %mul3A_722, %add3A_733 : i32
      %add3A_735 = arith.constant 16 : i32
      %add3A_736 = arith.addi %add3A_735, %arg1 : i32
      %mul3A_737 = arith.constant 160 : i32
      %mul3A_738 = arith.muli %add3A_736, %mul3A_737 : i32
      %dma_start3A_739 = tpu.memref_slice %arg14[%add3A_734] : memref<40960xf32, #tpu.memory_space<vmem>> -> memref<160xf32, #tpu.memory_space<vmem>>
      %dma_start3A_740 = tpu.memref_slice %arg32[%mul3A_738] : memref<81920xf32, #tpu.memory_space<vmem_shared>> -> memref<160xf32, #tpu.memory_space<vmem_shared>>
      %dma_start3A_741 = tpu.memref_slice %arg32[%mul3A_738] : memref<81920xf32, #tpu.memory_space<vmem_shared>> -> memref<160xf32, #tpu.memory_space<vmem_shared>>
      %dma_start3A_742 = tpu.memref_slice %arg14[%add3A_734] : memref<40960xf32, #tpu.memory_space<vmem>> -> memref<160xf32, #tpu.memory_space<vmem>>
      tpu.enqueue_dma source(%dma_start3A_742 : memref<160xf32, #tpu.memory_space<vmem>>) target(%dma_start3A_741 : memref<160xf32, #tpu.memory_space<vmem_shared>>) target_semaphore(%arg33 : memref<!tpu.dma_semaphore, #tpu.memory_space<semaphore_mem>>)
      %add3A_743 = arith.constant 160 : i32
      %add3A_744 = arith.addi %mul3A_722, %add3A_743 : i32
      %add3A_745 = arith.constant 32 : i32
      %add3A_746 = arith.addi %add3A_745, %arg1 : i32
      %mul3A_747 = arith.constant 160 : i32
      %mul3A_748 = arith.muli %add3A_746, %mul3A_747 : i32
      %dma_start3A_749 = tpu.memref_slice %arg13[%add3A_744] : memref<40960xf32, #tpu.memory_space<vmem>> -> memref<160xf32, #tpu.memory_space<vmem>>
      %dma_start3A_750 = tpu.memref_slice %arg32[%mul3A_748] : memref<81920xf32, #tpu.memory_space<vmem_shared>> -> memref<160xf32, #tpu.memory_space<vmem_shared>>
      %dma_start3A_751 = tpu.memref_slice %arg32[%mul3A_748] : memref<81920xf32, #tpu.memory_space<vmem_shared>> -> memref<160xf32, #tpu.memory_space<vmem_shared>>
      %dma_start3A_752 = tpu.memref_slice %arg13[%add3A_744] : memref<40960xf32, #tpu.memory_space<vmem>> -> memref<160xf32, #tpu.memory_space<vmem>>
      tpu.enqueue_dma source(%dma_start3A_752 : memref<160xf32, #tpu.memory_space<vmem>>) target(%dma_start3A_751 : memref<160xf32, #tpu.memory_space<vmem_shared>>) target_semaphore(%arg33 : memref<!tpu.dma_semaphore, #tpu.memory_space<semaphore_mem>>)
      %add3A_753 = arith.constant 160 : i32
      %add3A_754 = arith.addi %mul3A_722, %add3A_753 : i32
      %add3A_755 = arith.constant 48 : i32
      %add3A_756 = arith.addi %add3A_755, %arg1 : i32
      %mul3A_757 = arith.constant 160 : i32
      %mul3A_758 = arith.muli %add3A_756, %mul3A_757 : i32
      %dma_start3A_759 = tpu.memref_slice %arg14[%add3A_754] : memref<40960xf32, #tpu.memory_space<vmem>> -> memref<160xf32, #tpu.memory_space<vmem>>
      %dma_start3A_760 = tpu.memref_slice %arg32[%mul3A_758] : memref<81920xf32, #tpu.memory_space<vmem_shared>> -> memref<160xf32, #tpu.memory_space<vmem_shared>>
      %dma_start3A_761 = tpu.memref_slice %arg32[%mul3A_758] : memref<81920xf32, #tpu.memory_space<vmem_shared>> -> memref<160xf32, #tpu.memory_space<vmem_shared>>
      %dma_start3A_762 = tpu.memref_slice %arg14[%add3A_754] : memref<40960xf32, #tpu.memory_space<vmem>> -> memref<160xf32, #tpu.memory_space<vmem>>
      tpu.enqueue_dma source(%dma_start3A_762 : memref<160xf32, #tpu.memory_space<vmem>>) target(%dma_start3A_761 : memref<160xf32, #tpu.memory_space<vmem_shared>>) target_semaphore(%arg33 : memref<!tpu.dma_semaphore, #tpu.memory_space<semaphore_mem>>)
      %add3A_763 = arith.constant 320 : i32
      %add3A_764 = arith.addi %mul3A_722, %add3A_763 : i32
      %add3A_765 = arith.constant 64 : i32
      %add3A_766 = arith.addi %add3A_765, %arg1 : i32
      %mul3A_767 = arith.constant 160 : i32
      %mul3A_768 = arith.muli %add3A_766, %mul3A_767 : i32
      %dma_start3A_769 = tpu.memref_slice %arg13[%add3A_764] : memref<40960xf32, #tpu.memory_space<vmem>> -> memref<160xf32, #tpu.memory_space<vmem>>
      %dma_start3A_770 = tpu.memref_slice %arg32[%mul3A_768] : memref<81920xf32, #tpu.memory_space<vmem_shared>> -> memref<160xf32, #tpu.memory_space<vmem_shared>>
      %dma_start3A_771 = tpu.memref_slice %arg32[%mul3A_768] : memref<81920xf32, #tpu.memory_space<vmem_shared>> -> memref<160xf32, #tpu.memory_space<vmem_shared>>
      %dma_start3A_772 = tpu.memref_slice %arg13[%add3A_764] : memref<40960xf32, #tpu.memory_space<vmem>> -> memref<160xf32, #tpu.memory_space<vmem>>
      tpu.enqueue_dma source(%dma_start3A_772 : memref<160xf32, #tpu.memory_space<vmem>>) target(%dma_start3A_771 : memref<160xf32, #tpu.memory_space<vmem_shared>>) target_semaphore(%arg33 : memref<!tpu.dma_semaphore, #tpu.memory_space<semaphore_mem>>)
      %add3A_773 = arith.constant 320 : i32
      %add3A_774 = arith.addi %mul3A_722, %add3A_773 : i32
      %add3A_775 = arith.constant 80 : i32
      %add3A_776 = arith.addi %add3A_775, %arg1 : i32
      %mul3A_777 = arith.constant 160 : i32
      %mul3A_778 = arith.muli %add3A_776, %mul3A_777 : i32
      %dma_start3A_779 = tpu.memref_slice %arg14[%add3A_774] : memref<40960xf32, #tpu.memory_space<vmem>> -> memref<160xf32, #tpu.memory_space<vmem>>
      %dma_start3A_780 = tpu.memref_slice %arg32[%mul3A_778] : memref<81920xf32, #tpu.memory_space<vmem_shared>> -> memref<160xf32, #tpu.memory_space<vmem_shared>>
      %dma_start3A_781 = tpu.memref_slice %arg32[%mul3A_778] : memref<81920xf32, #tpu.memory_space<vmem_shared>> -> memref<160xf32, #tpu.memory_space<vmem_shared>>
      %dma_start3A_782 = tpu.memref_slice %arg14[%add3A_774] : memref<40960xf32, #tpu.memory_space<vmem>> -> memref<160xf32, #tpu.memory_space<vmem>>
      tpu.enqueue_dma source(%dma_start3A_782 : memref<160xf32, #tpu.memory_space<vmem>>) target(%dma_start3A_781 : memref<160xf32, #tpu.memory_space<vmem_shared>>) target_semaphore(%arg33 : memref<!tpu.dma_semaphore, #tpu.memory_space<semaphore_mem>>)
      %add3A_783 = arith.constant 480 : i32
      %add3A_784 = arith.addi %mul3A_722, %add3A_783 : i32
      %add3A_785 = arith.constant 96 : i32
      %add3A_786 = arith.addi %add3A_785, %arg1 : i32
      %mul3A_787 = arith.constant 160 : i32
      %mul3A_788 = arith.muli %add3A_786, %mul3A_787 : i32
      %dma_start3A_789 = tpu.memref_slice %arg13[%add3A_784] : memref<40960xf32, #tpu.memory_space<vmem>> -> memref<160xf32, #tpu.memory_space<vmem>>
      %dma_start3A_790 = tpu.memref_slice %arg32[%mul3A_788] : memref<81920xf32, #tpu.memory_space<vmem_shared>> -> memref<160xf32, #tpu.memory_space<vmem_shared>>
      %dma_start3A_791 = tpu.memref_slice %arg32[%mul3A_788] : memref<81920xf32, #tpu.memory_space<vmem_shared>> -> memref<160xf32, #tpu.memory_space<vmem_shared>>
      %dma_start3A_792 = tpu.memref_slice %arg13[%add3A_784] : memref<40960xf32, #tpu.memory_space<vmem>> -> memref<160xf32, #tpu.memory_space<vmem>>
      tpu.enqueue_dma source(%dma_start3A_792 : memref<160xf32, #tpu.memory_space<vmem>>) target(%dma_start3A_791 : memref<160xf32, #tpu.memory_space<vmem_shared>>) target_semaphore(%arg33 : memref<!tpu.dma_semaphore, #tpu.memory_space<semaphore_mem>>)
      %add3A_793 = arith.constant 480 : i32
      %add3A_794 = arith.addi %mul3A_722, %add3A_793 : i32
      %add3A_795 = arith.constant 112 : i32
      %add3A_796 = arith.addi %add3A_795, %arg1 : i32
      %mul3A_797 = arith.constant 160 : i32
      %mul3A_798 = arith.muli %add3A_796, %mul3A_797 : i32
      %dma_start3A_799 = tpu.memref_slice %arg14[%add3A_794] : memref<40960xf32, #tpu.memory_space<vmem>> -> memref<160xf32, #tpu.memory_space<vmem>>
      %dma_start3A_800 = tpu.memref_slice %arg32[%mul3A_798] : memref<81920xf32, #tpu.memory_space<vmem_shared>> -> memref<160xf32, #tpu.memory_space<vmem_shared>>
      %dma_start3A_801 = tpu.memref_slice %arg32[%mul3A_798] : memref<81920xf32, #tpu.memory_space<vmem_shared>> -> memref<160xf32, #tpu.memory_space<vmem_shared>>
      %dma_start3A_802 = tpu.memref_slice %arg14[%add3A_794] : memref<40960xf32, #tpu.memory_space<vmem>> -> memref<160xf32, #tpu.memory_space<vmem>>
      tpu.enqueue_dma source(%dma_start3A_802 : memref<160xf32, #tpu.memory_space<vmem>>) target(%dma_start3A_801 : memref<160xf32, #tpu.memory_space<vmem_shared>>) target_semaphore(%arg33 : memref<!tpu.dma_semaphore, #tpu.memory_space<semaphore_mem>>)
      %add3A_803 = arith.constant 640 : i32
      %add3A_804 = arith.addi %mul3A_722, %add3A_803 : i32
      %add3A_805 = arith.constant 128 : i32
      %add3A_806 = arith.addi %add3A_805, %arg1 : i32
      %mul3A_807 = arith.constant 160 : i32
      %mul3A_808 = arith.muli %add3A_806, %mul3A_807 : i32
      %dma_start3A_809 = tpu.memref_slice %arg13[%add3A_804] : memref<40960xf32, #tpu.memory_space<vmem>> -> memref<160xf32, #tpu.memory_space<vmem>>
      %dma_start3A_810 = tpu.memref_slice %arg32[%mul3A_808] : memref<81920xf32, #tpu.memory_space<vmem_shared>> -> memref<160xf32, #tpu.memory_space<vmem_shared>>
      %dma_start3A_811 = tpu.memref_slice %arg32[%mul3A_808] : memref<81920xf32, #tpu.memory_space<vmem_shared>> -> memref<160xf32, #tpu.memory_space<vmem_shared>>
      %dma_start3A_812 = tpu.memref_slice %arg13[%add3A_804] : memref<40960xf32, #tpu.memory_space<vmem>> -> memref<160xf32, #tpu.memory_space<vmem>>
      tpu.enqueue_dma source(%dma_start3A_812 : memref<160xf32, #tpu.memory_space<vmem>>) target(%dma_start3A_811 : memref<160xf32, #tpu.memory_space<vmem_shared>>) target_semaphore(%arg33 : memref<!tpu.dma_semaphore, #tpu.memory_space<semaphore_mem>>)
      %add3A_813 = arith.constant 640 : i32
      %add3A_814 = arith.addi %mul3A_722, %add3A_813 : i32
      %add3A_815 = arith.constant 144 : i32
      %add3A_816 = arith.addi %add3A_815, %arg1 : i32
      %mul3A_817 = arith.constant 160 : i32
      %mul3A_818 = arith.muli %add3A_816, %mul3A_817 : i32
      %dma_start3A_819 = tpu.memref_slice %arg14[%add3A_814] : memref<40960xf32, #tpu.memory_space<vmem>> -> memref<160xf32, #tpu.memory_space<vmem>>
      %dma_start3A_820 = tpu.memref_slice %arg32[%mul3A_818] : memref<81920xf32, #tpu.memory_space<vmem_shared>> -> memref<160xf32, #tpu.memory_space<vmem_shared>>
      %dma_start3A_821 = tpu.memref_slice %arg32[%mul3A_818] : memref<81920xf32, #tpu.memory_space<vmem_shared>> -> memref<160xf32, #tpu.memory_space<vmem_shared>>
      %dma_start3A_822 = tpu.memref_slice %arg14[%add3A_814] : memref<40960xf32, #tpu.memory_space<vmem>> -> memref<160xf32, #tpu.memory_space<vmem>>
      tpu.enqueue_dma source(%dma_start3A_822 : memref<160xf32, #tpu.memory_space<vmem>>) target(%dma_start3A_821 : memref<160xf32, #tpu.memory_space<vmem_shared>>) target_semaphore(%arg33 : memref<!tpu.dma_semaphore, #tpu.memory_space<semaphore_mem>>)
      %add3A_823 = arith.constant 800 : i32
      %add3A_824 = arith.addi %mul3A_722, %add3A_823 : i32
      %add3A_825 = arith.constant 160 : i32
      %add3A_826 = arith.addi %add3A_825, %arg1 : i32
      %mul3A_827 = arith.constant 160 : i32
      %mul3A_828 = arith.muli %add3A_826, %mul3A_827 : i32
      %dma_start3A_829 = tpu.memref_slice %arg13[%add3A_824] : memref<40960xf32, #tpu.memory_space<vmem>> -> memref<160xf32, #tpu.memory_space<vmem>>
      %dma_start3A_830 = tpu.memref_slice %arg32[%mul3A_828] : memref<81920xf32, #tpu.memory_space<vmem_shared>> -> memref<160xf32, #tpu.memory_space<vmem_shared>>
      %dma_start3A_831 = tpu.memref_slice %arg32[%mul3A_828] : memref<81920xf32, #tpu.memory_space<vmem_shared>> -> memref<160xf32, #tpu.memory_space<vmem_shared>>
      %dma_start3A_832 = tpu.memref_slice %arg13[%add3A_824] : memref<40960xf32, #tpu.memory_space<vmem>> -> memref<160xf32, #tpu.memory_space<vmem>>
      tpu.enqueue_dma source(%dma_start3A_832 : memref<160xf32, #tpu.memory_space<vmem>>) target(%dma_start3A_831 : memref<160xf32, #tpu.memory_space<vmem_shared>>) target_semaphore(%arg33 : memref<!tpu.dma_semaphore, #tpu.memory_space<semaphore_mem>>)
      %add3A_833 = arith.constant 800 : i32
      %add3A_834 = arith.addi %mul3A_722, %add3A_833 : i32
      %add3A_835 = arith.constant 176 : i32
      %add3A_836 = arith.addi %add3A_835, %arg1 : i32
      %mul3A_837 = arith.constant 160 : i32
      %mul3A_838 = arith.muli %add3A_836, %mul3A_837 : i32
      %dma_start3A_839 = tpu.memref_slice %arg14[%add3A_834] : memref<40960xf32, #tpu.memory_space<vmem>> -> memref<160xf32, #tpu.memory_space<vmem>>
      %dma_start3A_840 = tpu.memref_slice %arg32[%mul3A_838] : memref<81920xf32, #tpu.memory_space<vmem_shared>> -> memref<160xf32, #tpu.memory_space<vmem_shared>>
      %dma_start3A_841 = tpu.memref_slice %arg32[%mul3A_838] : memref<81920xf32, #tpu.memory_space<vmem_shared>> -> memref<160xf32, #tpu.memory_space<vmem_shared>>
      %dma_start3A_842 = tpu.memref_slice %arg14[%add3A_834] : memref<40960xf32, #tpu.memory_space<vmem>> -> memref<160xf32, #tpu.memory_space<vmem>>
      tpu.enqueue_dma source(%dma_start3A_842 : memref<160xf32, #tpu.memory_space<vmem>>) target(%dma_start3A_841 : memref<160xf32, #tpu.memory_space<vmem_shared>>) target_semaphore(%arg33 : memref<!tpu.dma_semaphore, #tpu.memory_space<semaphore_mem>>)
      %add3A_843 = arith.constant 960 : i32
      %add3A_844 = arith.addi %mul3A_722, %add3A_843 : i32
      %add3A_845 = arith.constant 192 : i32
      %add3A_846 = arith.addi %add3A_845, %arg1 : i32
      %mul3A_847 = arith.constant 160 : i32
      %mul3A_848 = arith.muli %add3A_846, %mul3A_847 : i32
      %dma_start3A_849 = tpu.memref_slice %arg13[%add3A_844] : memref<40960xf32, #tpu.memory_space<vmem>> -> memref<160xf32, #tpu.memory_space<vmem>>
      %dma_start3A_850 = tpu.memref_slice %arg32[%mul3A_848] : memref<81920xf32, #tpu.memory_space<vmem_shared>> -> memref<160xf32, #tpu.memory_space<vmem_shared>>
      %dma_start3A_851 = tpu.memref_slice %arg32[%mul3A_848] : memref<81920xf32, #tpu.memory_space<vmem_shared>> -> memref<160xf32, #tpu.memory_space<vmem_shared>>
      %dma_start3A_852 = tpu.memref_slice %arg13[%add3A_844] : memref<40960xf32, #tpu.memory_space<vmem>> -> memref<160xf32, #tpu.memory_space<vmem>>
      tpu.enqueue_dma source(%dma_start3A_852 : memref<160xf32, #tpu.memory_space<vmem>>) target(%dma_start3A_851 : memref<160xf32, #tpu.memory_space<vmem_shared>>) target_semaphore(%arg33 : memref<!tpu.dma_semaphore, #tpu.memory_space<semaphore_mem>>)
      %add3A_853 = arith.constant 960 : i32
      %add3A_854 = arith.addi %mul3A_722, %add3A_853 : i32
      %add3A_855 = arith.constant 208 : i32
      %add3A_856 = arith.addi %add3A_855, %arg1 : i32
      %mul3A_857 = arith.constant 160 : i32
      %mul3A_858 = arith.muli %add3A_856, %mul3A_857 : i32
      %dma_start3A_859 = tpu.memref_slice %arg14[%add3A_854] : memref<40960xf32, #tpu.memory_space<vmem>> -> memref<160xf32, #tpu.memory_space<vmem>>
      %dma_start3A_860 = tpu.memref_slice %arg32[%mul3A_858] : memref<81920xf32, #tpu.memory_space<vmem_shared>> -> memref<160xf32, #tpu.memory_space<vmem_shared>>
      %dma_start3A_861 = tpu.memref_slice %arg32[%mul3A_858] : memref<81920xf32, #tpu.memory_space<vmem_shared>> -> memref<160xf32, #tpu.memory_space<vmem_shared>>
      %dma_start3A_862 = tpu.memref_slice %arg14[%add3A_854] : memref<40960xf32, #tpu.memory_space<vmem>> -> memref<160xf32, #tpu.memory_space<vmem>>
      tpu.enqueue_dma source(%dma_start3A_862 : memref<160xf32, #tpu.memory_space<vmem>>) target(%dma_start3A_861 : memref<160xf32, #tpu.memory_space<vmem_shared>>) target_semaphore(%arg33 : memref<!tpu.dma_semaphore, #tpu.memory_space<semaphore_mem>>)
      %add3A_863 = arith.constant 1120 : i32
      %add3A_864 = arith.addi %mul3A_722, %add3A_863 : i32
      %add3A_865 = arith.constant 224 : i32
      %add3A_866 = arith.addi %add3A_865, %arg1 : i32
      %mul3A_867 = arith.constant 160 : i32
      %mul3A_868 = arith.muli %add3A_866, %mul3A_867 : i32
      %dma_start3A_869 = tpu.memref_slice %arg13[%add3A_864] : memref<40960xf32, #tpu.memory_space<vmem>> -> memref<160xf32, #tpu.memory_space<vmem>>
      %dma_start3A_870 = tpu.memref_slice %arg32[%mul3A_868] : memref<81920xf32, #tpu.memory_space<vmem_shared>> -> memref<160xf32, #tpu.memory_space<vmem_shared>>
      %dma_start3A_871 = tpu.memref_slice %arg32[%mul3A_868] : memref<81920xf32, #tpu.memory_space<vmem_shared>> -> memref<160xf32, #tpu.memory_space<vmem_shared>>
      %dma_start3A_872 = tpu.memref_slice %arg13[%add3A_864] : memref<40960xf32, #tpu.memory_space<vmem>> -> memref<160xf32, #tpu.memory_space<vmem>>
      tpu.enqueue_dma source(%dma_start3A_872 : memref<160xf32, #tpu.memory_space<vmem>>) target(%dma_start3A_871 : memref<160xf32, #tpu.memory_space<vmem_shared>>) target_semaphore(%arg33 : memref<!tpu.dma_semaphore, #tpu.memory_space<semaphore_mem>>)
      %add3A_873 = arith.constant 1120 : i32
      %add3A_874 = arith.addi %mul3A_722, %add3A_873 : i32
      %add3A_875 = arith.constant 240 : i32
      %add3A_876 = arith.addi %add3A_875, %arg1 : i32
      %mul3A_877 = arith.constant 160 : i32
      %mul3A_878 = arith.muli %add3A_876, %mul3A_877 : i32
      %dma_start3A_879 = tpu.memref_slice %arg14[%add3A_874] : memref<40960xf32, #tpu.memory_space<vmem>> -> memref<160xf32, #tpu.memory_space<vmem>>
      %dma_start3A_880 = tpu.memref_slice %arg32[%mul3A_878] : memref<81920xf32, #tpu.memory_space<vmem_shared>> -> memref<160xf32, #tpu.memory_space<vmem_shared>>
      %dma_start3A_881 = tpu.memref_slice %arg32[%mul3A_878] : memref<81920xf32, #tpu.memory_space<vmem_shared>> -> memref<160xf32, #tpu.memory_space<vmem_shared>>
      %dma_start3A_882 = tpu.memref_slice %arg14[%add3A_874] : memref<40960xf32, #tpu.memory_space<vmem>> -> memref<160xf32, #tpu.memory_space<vmem>>
      tpu.enqueue_dma source(%dma_start3A_882 : memref<160xf32, #tpu.memory_space<vmem>>) target(%dma_start3A_881 : memref<160xf32, #tpu.memory_space<vmem_shared>>) target_semaphore(%arg33 : memref<!tpu.dma_semaphore, #tpu.memory_space<semaphore_mem>>)
      %add3A_883 = arith.constant 1280 : i32
      %add3A_884 = arith.addi %mul3A_722, %add3A_883 : i32
      %add3A_885 = arith.constant 256 : i32
      %add3A_886 = arith.addi %add3A_885, %arg1 : i32
      %mul3A_887 = arith.constant 160 : i32
      %mul3A_888 = arith.muli %add3A_886, %mul3A_887 : i32
      %dma_start3A_889 = tpu.memref_slice %arg13[%add3A_884] : memref<40960xf32, #tpu.memory_space<vmem>> -> memref<160xf32, #tpu.memory_space<vmem>>
      %dma_start3A_890 = tpu.memref_slice %arg32[%mul3A_888] : memref<81920xf32, #tpu.memory_space<vmem_shared>> -> memref<160xf32, #tpu.memory_space<vmem_shared>>
      %dma_start3A_891 = tpu.memref_slice %arg32[%mul3A_888] : memref<81920xf32, #tpu.memory_space<vmem_shared>> -> memref<160xf32, #tpu.memory_space<vmem_shared>>
      %dma_start3A_892 = tpu.memref_slice %arg13[%add3A_884] : memref<40960xf32, #tpu.memory_space<vmem>> -> memref<160xf32, #tpu.memory_space<vmem>>
      tpu.enqueue_dma source(%dma_start3A_892 : memref<160xf32, #tpu.memory_space<vmem>>) target(%dma_start3A_891 : memref<160xf32, #tpu.memory_space<vmem_shared>>) target_semaphore(%arg33 : memref<!tpu.dma_semaphore, #tpu.memory_space<semaphore_mem>>)
      %add3A_893 = arith.constant 1280 : i32
      %add3A_894 = arith.addi %mul3A_722, %add3A_893 : i32
      %add3A_895 = arith.constant 272 : i32
      %add3A_896 = arith.addi %add3A_895, %arg1 : i32
      %mul3A_897 = arith.constant 160 : i32
      %mul3A_898 = arith.muli %add3A_896, %mul3A_897 : i32
      %dma_start3A_899 = tpu.memref_slice %arg14[%add3A_894] : memref<40960xf32, #tpu.memory_space<vmem>> -> memref<160xf32, #tpu.memory_space<vmem>>
      %dma_start3A_900 = tpu.memref_slice %arg32[%mul3A_898] : memref<81920xf32, #tpu.memory_space<vmem_shared>> -> memref<160xf32, #tpu.memory_space<vmem_shared>>
      %dma_start3A_901 = tpu.memref_slice %arg32[%mul3A_898] : memref<81920xf32, #tpu.memory_space<vmem_shared>> -> memref<160xf32, #tpu.memory_space<vmem_shared>>
      %dma_start3A_902 = tpu.memref_slice %arg14[%add3A_894] : memref<40960xf32, #tpu.memory_space<vmem>> -> memref<160xf32, #tpu.memory_space<vmem>>
      tpu.enqueue_dma source(%dma_start3A_902 : memref<160xf32, #tpu.memory_space<vmem>>) target(%dma_start3A_901 : memref<160xf32, #tpu.memory_space<vmem_shared>>) target_semaphore(%arg33 : memref<!tpu.dma_semaphore, #tpu.memory_space<semaphore_mem>>)
      %add3A_903 = arith.constant 1440 : i32
      %add3A_904 = arith.addi %mul3A_722, %add3A_903 : i32
      %add3A_905 = arith.constant 288 : i32
      %add3A_906 = arith.addi %add3A_905, %arg1 : i32
      %mul3A_907 = arith.constant 160 : i32
      %mul3A_908 = arith.muli %add3A_906, %mul3A_907 : i32
      %dma_start3A_909 = tpu.memref_slice %arg13[%add3A_904] : memref<40960xf32, #tpu.memory_space<vmem>> -> memref<160xf32, #tpu.memory_space<vmem>>
      %dma_start3A_910 = tpu.memref_slice %arg32[%mul3A_908] : memref<81920xf32, #tpu.memory_space<vmem_shared>> -> memref<160xf32, #tpu.memory_space<vmem_shared>>
      %dma_start3A_911 = tpu.memref_slice %arg32[%mul3A_908] : memref<81920xf32, #tpu.memory_space<vmem_shared>> -> memref<160xf32, #tpu.memory_space<vmem_shared>>
      %dma_start3A_912 = tpu.memref_slice %arg13[%add3A_904] : memref<40960xf32, #tpu.memory_space<vmem>> -> memref<160xf32, #tpu.memory_space<vmem>>
      tpu.enqueue_dma source(%dma_start3A_912 : memref<160xf32, #tpu.memory_space<vmem>>) target(%dma_start3A_911 : memref<160xf32, #tpu.memory_space<vmem_shared>>) target_semaphore(%arg33 : memref<!tpu.dma_semaphore, #tpu.memory_space<semaphore_mem>>)
      %add3A_913 = arith.constant 1440 : i32
      %add3A_914 = arith.addi %mul3A_722, %add3A_913 : i32
      %add3A_915 = arith.constant 304 : i32
      %add3A_916 = arith.addi %add3A_915, %arg1 : i32
      %mul3A_917 = arith.constant 160 : i32
      %mul3A_918 = arith.muli %add3A_916, %mul3A_917 : i32
      %dma_start3A_919 = tpu.memref_slice %arg14[%add3A_914] : memref<40960xf32, #tpu.memory_space<vmem>> -> memref<160xf32, #tpu.memory_space<vmem>>
      %dma_start3A_920 = tpu.memref_slice %arg32[%mul3A_918] : memref<81920xf32, #tpu.memory_space<vmem_shared>> -> memref<160xf32, #tpu.memory_space<vmem_shared>>
      %dma_start3A_921 = tpu.memref_slice %arg32[%mul3A_918] : memref<81920xf32, #tpu.memory_space<vmem_shared>> -> memref<160xf32, #tpu.memory_space<vmem_shared>>
      %dma_start3A_922 = tpu.memref_slice %arg14[%add3A_914] : memref<40960xf32, #tpu.memory_space<vmem>> -> memref<160xf32, #tpu.memory_space<vmem>>
      tpu.enqueue_dma source(%dma_start3A_922 : memref<160xf32, #tpu.memory_space<vmem>>) target(%dma_start3A_921 : memref<160xf32, #tpu.memory_space<vmem_shared>>) target_semaphore(%arg33 : memref<!tpu.dma_semaphore, #tpu.memory_space<semaphore_mem>>)
      %add3A_923 = arith.constant 1600 : i32
      %add3A_924 = arith.addi %mul3A_722, %add3A_923 : i32
      %add3A_925 = arith.constant 320 : i32
      %add3A_926 = arith.addi %add3A_925, %arg1 : i32
      %mul3A_927 = arith.constant 160 : i32
      %mul3A_928 = arith.muli %add3A_926, %mul3A_927 : i32
      %dma_start3A_929 = tpu.memref_slice %arg13[%add3A_924] : memref<40960xf32, #tpu.memory_space<vmem>> -> memref<160xf32, #tpu.memory_space<vmem>>
      %dma_start3A_930 = tpu.memref_slice %arg32[%mul3A_928] : memref<81920xf32, #tpu.memory_space<vmem_shared>> -> memref<160xf32, #tpu.memory_space<vmem_shared>>
      %dma_start3A_931 = tpu.memref_slice %arg32[%mul3A_928] : memref<81920xf32, #tpu.memory_space<vmem_shared>> -> memref<160xf32, #tpu.memory_space<vmem_shared>>
      %dma_start3A_932 = tpu.memref_slice %arg13[%add3A_924] : memref<40960xf32, #tpu.memory_space<vmem>> -> memref<160xf32, #tpu.memory_space<vmem>>
      tpu.enqueue_dma source(%dma_start3A_932 : memref<160xf32, #tpu.memory_space<vmem>>) target(%dma_start3A_931 : memref<160xf32, #tpu.memory_space<vmem_shared>>) target_semaphore(%arg33 : memref<!tpu.dma_semaphore, #tpu.memory_space<semaphore_mem>>)
      %add3A_933 = arith.constant 1600 : i32
      %add3A_934 = arith.addi %mul3A_722, %add3A_933 : i32
      %add3A_935 = arith.constant 336 : i32
      %add3A_936 = arith.addi %add3A_935, %arg1 : i32
      %mul3A_937 = arith.constant 160 : i32
      %mul3A_938 = arith.muli %add3A_936, %mul3A_937 : i32
      %dma_start3A_939 = tpu.memref_slice %arg14[%add3A_934] : memref<40960xf32, #tpu.memory_space<vmem>> -> memref<160xf32, #tpu.memory_space<vmem>>
      %dma_start3A_940 = tpu.memref_slice %arg32[%mul3A_938] : memref<81920xf32, #tpu.memory_space<vmem_shared>> -> memref<160xf32, #tpu.memory_space<vmem_shared>>
      %dma_start3A_941 = tpu.memref_slice %arg32[%mul3A_938] : memref<81920xf32, #tpu.memory_space<vmem_shared>> -> memref<160xf32, #tpu.memory_space<vmem_shared>>
      %dma_start3A_942 = tpu.memref_slice %arg14[%add3A_934] : memref<40960xf32, #tpu.memory_space<vmem>> -> memref<160xf32, #tpu.memory_space<vmem>>
      tpu.enqueue_dma source(%dma_start3A_942 : memref<160xf32, #tpu.memory_space<vmem>>) target(%dma_start3A_941 : memref<160xf32, #tpu.memory_space<vmem_shared>>) target_semaphore(%arg33 : memref<!tpu.dma_semaphore, #tpu.memory_space<semaphore_mem>>)
      %add3A_943 = arith.constant 1760 : i32
      %add3A_944 = arith.addi %mul3A_722, %add3A_943 : i32
      %add3A_945 = arith.constant 352 : i32
      %add3A_946 = arith.addi %add3A_945, %arg1 : i32
      %mul3A_947 = arith.constant 160 : i32
      %mul3A_948 = arith.muli %add3A_946, %mul3A_947 : i32
      %dma_start3A_949 = tpu.memref_slice %arg13[%add3A_944] : memref<40960xf32, #tpu.memory_space<vmem>> -> memref<160xf32, #tpu.memory_space<vmem>>
      %dma_start3A_950 = tpu.memref_slice %arg32[%mul3A_948] : memref<81920xf32, #tpu.memory_space<vmem_shared>> -> memref<160xf32, #tpu.memory_space<vmem_shared>>
      %dma_start3A_951 = tpu.memref_slice %arg32[%mul3A_948] : memref<81920xf32, #tpu.memory_space<vmem_shared>> -> memref<160xf32, #tpu.memory_space<vmem_shared>>
      %dma_start3A_952 = tpu.memref_slice %arg13[%add3A_944] : memref<40960xf32, #tpu.memory_space<vmem>> -> memref<160xf32, #tpu.memory_space<vmem>>
      tpu.enqueue_dma source(%dma_start3A_952 : memref<160xf32, #tpu.memory_space<vmem>>) target(%dma_start3A_951 : memref<160xf32, #tpu.memory_space<vmem_shared>>) target_semaphore(%arg33 : memref<!tpu.dma_semaphore, #tpu.memory_space<semaphore_mem>>)
      %add3A_953 = arith.constant 1760 : i32
      %add3A_954 = arith.addi %mul3A_722, %add3A_953 : i32
      %add3A_955 = arith.constant 368 : i32
      %add3A_956 = arith.addi %add3A_955, %arg1 : i32
      %mul3A_957 = arith.constant 160 : i32
      %mul3A_958 = arith.muli %add3A_956, %mul3A_957 : i32
      %dma_start3A_959 = tpu.memref_slice %arg14[%add3A_954] : memref<40960xf32, #tpu.memory_space<vmem>> -> memref<160xf32, #tpu.memory_space<vmem>>
      %dma_start3A_960 = tpu.memref_slice %arg32[%mul3A_958] : memref<81920xf32, #tpu.memory_space<vmem_shared>> -> memref<160xf32, #tpu.memory_space<vmem_shared>>
      %dma_start3A_961 = tpu.memref_slice %arg32[%mul3A_958] : memref<81920xf32, #tpu.memory_space<vmem_shared>> -> memref<160xf32, #tpu.memory_space<vmem_shared>>
      %dma_start3A_962 = tpu.memref_slice %arg14[%add3A_954] : memref<40960xf32, #tpu.memory_space<vmem>> -> memref<160xf32, #tpu.memory_space<vmem>>
      tpu.enqueue_dma source(%dma_start3A_962 : memref<160xf32, #tpu.memory_space<vmem>>) target(%dma_start3A_961 : memref<160xf32, #tpu.memory_space<vmem_shared>>) target_semaphore(%arg33 : memref<!tpu.dma_semaphore, #tpu.memory_space<semaphore_mem>>)
      %add3A_963 = arith.constant 1920 : i32
      %add3A_964 = arith.addi %mul3A_722, %add3A_963 : i32
      %add3A_965 = arith.constant 384 : i32
      %add3A_966 = arith.addi %add3A_965, %arg1 : i32
      %mul3A_967 = arith.constant 160 : i32
      %mul3A_968 = arith.muli %add3A_966, %mul3A_967 : i32
      %dma_start3A_969 = tpu.memref_slice %arg13[%add3A_964] : memref<40960xf32, #tpu.memory_space<vmem>> -> memref<160xf32, #tpu.memory_space<vmem>>
      %dma_start3A_970 = tpu.memref_slice %arg32[%mul3A_968] : memref<81920xf32, #tpu.memory_space<vmem_shared>> -> memref<160xf32, #tpu.memory_space<vmem_shared>>
      %dma_start3A_971 = tpu.memref_slice %arg32[%mul3A_968] : memref<81920xf32, #tpu.memory_space<vmem_shared>> -> memref<160xf32, #tpu.memory_space<vmem_shared>>
      %dma_start3A_972 = tpu.memref_slice %arg13[%add3A_964] : memref<40960xf32, #tpu.memory_space<vmem>> -> memref<160xf32, #tpu.memory_space<vmem>>
      tpu.enqueue_dma source(%dma_start3A_972 : memref<160xf32, #tpu.memory_space<vmem>>) target(%dma_start3A_971 : memref<160xf32, #tpu.memory_space<vmem_shared>>) target_semaphore(%arg33 : memref<!tpu.dma_semaphore, #tpu.memory_space<semaphore_mem>>)
      %add3A_973 = arith.constant 1920 : i32
      %add3A_974 = arith.addi %mul3A_722, %add3A_973 : i32
      %add3A_975 = arith.constant 400 : i32
      %add3A_976 = arith.addi %add3A_975, %arg1 : i32
      %mul3A_977 = arith.constant 160 : i32
      %mul3A_978 = arith.muli %add3A_976, %mul3A_977 : i32
      %dma_start3A_979 = tpu.memref_slice %arg14[%add3A_974] : memref<40960xf32, #tpu.memory_space<vmem>> -> memref<160xf32, #tpu.memory_space<vmem>>
      %dma_start3A_980 = tpu.memref_slice %arg32[%mul3A_978] : memref<81920xf32, #tpu.memory_space<vmem_shared>> -> memref<160xf32, #tpu.memory_space<vmem_shared>>
      %dma_start3A_981 = tpu.memref_slice %arg32[%mul3A_978] : memref<81920xf32, #tpu.memory_space<vmem_shared>> -> memref<160xf32, #tpu.memory_space<vmem_shared>>
      %dma_start3A_982 = tpu.memref_slice %arg14[%add3A_974] : memref<40960xf32, #tpu.memory_space<vmem>> -> memref<160xf32, #tpu.memory_space<vmem>>
      tpu.enqueue_dma source(%dma_start3A_982 : memref<160xf32, #tpu.memory_space<vmem>>) target(%dma_start3A_981 : memref<160xf32, #tpu.memory_space<vmem_shared>>) target_semaphore(%arg33 : memref<!tpu.dma_semaphore, #tpu.memory_space<semaphore_mem>>)
      %add3A_983 = arith.constant 2080 : i32
      %add3A_984 = arith.addi %mul3A_722, %add3A_983 : i32
      %add3A_985 = arith.constant 416 : i32
      %add3A_986 = arith.addi %add3A_985, %arg1 : i32
      %mul3A_987 = arith.constant 160 : i32
      %mul3A_988 = arith.muli %add3A_986, %mul3A_987 : i32
      %dma_start3A_989 = tpu.memref_slice %arg13[%add3A_984] : memref<40960xf32, #tpu.memory_space<vmem>> -> memref<160xf32, #tpu.memory_space<vmem>>
      %dma_start3A_990 = tpu.memref_slice %arg32[%mul3A_988] : memref<81920xf32, #tpu.memory_space<vmem_shared>> -> memref<160xf32, #tpu.memory_space<vmem_shared>>
      %dma_start3A_991 = tpu.memref_slice %arg32[%mul3A_988] : memref<81920xf32, #tpu.memory_space<vmem_shared>> -> memref<160xf32, #tpu.memory_space<vmem_shared>>
      %dma_start3A_992 = tpu.memref_slice %arg13[%add3A_984] : memref<40960xf32, #tpu.memory_space<vmem>> -> memref<160xf32, #tpu.memory_space<vmem>>
      tpu.enqueue_dma source(%dma_start3A_992 : memref<160xf32, #tpu.memory_space<vmem>>) target(%dma_start3A_991 : memref<160xf32, #tpu.memory_space<vmem_shared>>) target_semaphore(%arg33 : memref<!tpu.dma_semaphore, #tpu.memory_space<semaphore_mem>>)
      %add3A_993 = arith.constant 2080 : i32
      %add3A_994 = arith.addi %mul3A_722, %add3A_993 : i32
      %add3A_995 = arith.constant 432 : i32
      %add3A_996 = arith.addi %add3A_995, %arg1 : i32
      %mul3A_997 = arith.constant 160 : i32
      %mul3A_998 = arith.muli %add3A_996, %mul3A_997 : i32
      %dma_start3A_999 = tpu.memref_slice %arg14[%add3A_994] : memref<40960xf32, #tpu.memory_space<vmem>> -> memref<160xf32, #tpu.memory_space<vmem>>
      %dma_start3A_1000 = tpu.memref_slice %arg32[%mul3A_998] : memref<81920xf32, #tpu.memory_space<vmem_shared>> -> memref<160xf32, #tpu.memory_space<vmem_shared>>
      %dma_start3A_1001 = tpu.memref_slice %arg32[%mul3A_998] : memref<81920xf32, #tpu.memory_space<vmem_shared>> -> memref<160xf32, #tpu.memory_space<vmem_shared>>
      %dma_start3A_1002 = tpu.memref_slice %arg14[%add3A_994] : memref<40960xf32, #tpu.memory_space<vmem>> -> memref<160xf32, #tpu.memory_space<vmem>>
      tpu.enqueue_dma source(%dma_start3A_1002 : memref<160xf32, #tpu.memory_space<vmem>>) target(%dma_start3A_1001 : memref<160xf32, #tpu.memory_space<vmem_shared>>) target_semaphore(%arg33 : memref<!tpu.dma_semaphore, #tpu.memory_space<semaphore_mem>>)
      %add3A_1003 = arith.constant 2240 : i32
      %add3A_1004 = arith.addi %mul3A_722, %add3A_1003 : i32
      %add3A_1005 = arith.constant 448 : i32
      %add3A_1006 = arith.addi %add3A_1005, %arg1 : i32
      %mul3A_1007 = arith.constant 160 : i32
      %mul3A_1008 = arith.muli %add3A_1006, %mul3A_1007 : i32
      %dma_start3A_1009 = tpu.memref_slice %arg13[%add3A_1004] : memref<40960xf32, #tpu.memory_space<vmem>> -> memref<160xf32, #tpu.memory_space<vmem>>
      %dma_start3A_1010 = tpu.memref_slice %arg32[%mul3A_1008] : memref<81920xf32, #tpu.memory_space<vmem_shared>> -> memref<160xf32, #tpu.memory_space<vmem_shared>>
      %dma_start3A_1011 = tpu.memref_slice %arg32[%mul3A_1008] : memref<81920xf32, #tpu.memory_space<vmem_shared>> -> memref<160xf32, #tpu.memory_space<vmem_shared>>
      %dma_start3A_1012 = tpu.memref_slice %arg13[%add3A_1004] : memref<40960xf32, #tpu.memory_space<vmem>> -> memref<160xf32, #tpu.memory_space<vmem>>
      tpu.enqueue_dma source(%dma_start3A_1012 : memref<160xf32, #tpu.memory_space<vmem>>) target(%dma_start3A_1011 : memref<160xf32, #tpu.memory_space<vmem_shared>>) target_semaphore(%arg33 : memref<!tpu.dma_semaphore, #tpu.memory_space<semaphore_mem>>)
      %add3A_1013 = arith.constant 2240 : i32
      %add3A_1014 = arith.addi %mul3A_722, %add3A_1013 : i32
      %add3A_1015 = arith.constant 464 : i32
      %add3A_1016 = arith.addi %add3A_1015, %arg1 : i32
      %mul3A_1017 = arith.constant 160 : i32
      %mul3A_1018 = arith.muli %add3A_1016, %mul3A_1017 : i32
      %dma_start3A_1019 = tpu.memref_slice %arg14[%add3A_1014] : memref<40960xf32, #tpu.memory_space<vmem>> -> memref<160xf32, #tpu.memory_space<vmem>>
      %dma_start3A_1020 = tpu.memref_slice %arg32[%mul3A_1018] : memref<81920xf32, #tpu.memory_space<vmem_shared>> -> memref<160xf32, #tpu.memory_space<vmem_shared>>
      %dma_start3A_1021 = tpu.memref_slice %arg32[%mul3A_1018] : memref<81920xf32, #tpu.memory_space<vmem_shared>> -> memref<160xf32, #tpu.memory_space<vmem_shared>>
      %dma_start3A_1022 = tpu.memref_slice %arg14[%add3A_1014] : memref<40960xf32, #tpu.memory_space<vmem>> -> memref<160xf32, #tpu.memory_space<vmem>>
      tpu.enqueue_dma source(%dma_start3A_1022 : memref<160xf32, #tpu.memory_space<vmem>>) target(%dma_start3A_1021 : memref<160xf32, #tpu.memory_space<vmem_shared>>) target_semaphore(%arg33 : memref<!tpu.dma_semaphore, #tpu.memory_space<semaphore_mem>>)
      %add3A_1023 = arith.constant 2400 : i32
      %add3A_1024 = arith.addi %mul3A_722, %add3A_1023 : i32
      %add3A_1025 = arith.constant 480 : i32
      %add3A_1026 = arith.addi %add3A_1025, %arg1 : i32
      %mul3A_1027 = arith.constant 160 : i32
      %mul3A_1028 = arith.muli %add3A_1026, %mul3A_1027 : i32
      %dma_start3A_1029 = tpu.memref_slice %arg13[%add3A_1024] : memref<40960xf32, #tpu.memory_space<vmem>> -> memref<160xf32, #tpu.memory_space<vmem>>
      %dma_start3A_1030 = tpu.memref_slice %arg32[%mul3A_1028] : memref<81920xf32, #tpu.memory_space<vmem_shared>> -> memref<160xf32, #tpu.memory_space<vmem_shared>>
      %dma_start3A_1031 = tpu.memref_slice %arg32[%mul3A_1028] : memref<81920xf32, #tpu.memory_space<vmem_shared>> -> memref<160xf32, #tpu.memory_space<vmem_shared>>
      %dma_start3A_1032 = tpu.memref_slice %arg13[%add3A_1024] : memref<40960xf32, #tpu.memory_space<vmem>> -> memref<160xf32, #tpu.memory_space<vmem>>
      tpu.enqueue_dma source(%dma_start3A_1032 : memref<160xf32, #tpu.memory_space<vmem>>) target(%dma_start3A_1031 : memref<160xf32, #tpu.memory_space<vmem_shared>>) target_semaphore(%arg33 : memref<!tpu.dma_semaphore, #tpu.memory_space<semaphore_mem>>)
      %add3A_1033 = arith.constant 2400 : i32
      %add3A_1034 = arith.addi %mul3A_722, %add3A_1033 : i32
      %add3A_1035 = arith.constant 496 : i32
      %add3A_1036 = arith.addi %add3A_1035, %arg1 : i32
      %mul3A_1037 = arith.constant 160 : i32
      %mul3A_1038 = arith.muli %add3A_1036, %mul3A_1037 : i32
      %dma_start3A_1039 = tpu.memref_slice %arg14[%add3A_1034] : memref<40960xf32, #tpu.memory_space<vmem>> -> memref<160xf32, #tpu.memory_space<vmem>>
      %dma_start3A_1040 = tpu.memref_slice %arg32[%mul3A_1038] : memref<81920xf32, #tpu.memory_space<vmem_shared>> -> memref<160xf32, #tpu.memory_space<vmem_shared>>
      %dma_start3A_1041 = tpu.memref_slice %arg32[%mul3A_1038] : memref<81920xf32, #tpu.memory_space<vmem_shared>> -> memref<160xf32, #tpu.memory_space<vmem_shared>>
      %dma_start3A_1042 = tpu.memref_slice %arg14[%add3A_1034] : memref<40960xf32, #tpu.memory_space<vmem>> -> memref<160xf32, #tpu.memory_space<vmem>>
      tpu.enqueue_dma source(%dma_start3A_1042 : memref<160xf32, #tpu.memory_space<vmem>>) target(%dma_start3A_1041 : memref<160xf32, #tpu.memory_space<vmem_shared>>) target_semaphore(%arg33 : memref<!tpu.dma_semaphore, #tpu.memory_space<semaphore_mem>>)
      %dma_wait3A_1043 = tpu.memref_slice %arg13[%add3A_724] : memref<40960xf32, #tpu.memory_space<vmem>> -> memref<160xf32, #tpu.memory_space<vmem>>
      %dma_wait3A_1044 = tpu.memref_slice %arg32[%mul3A_728] : memref<81920xf32, #tpu.memory_space<vmem_shared>> -> memref<160xf32, #tpu.memory_space<vmem_shared>>
      %dma_wait3A_1045 = tpu.memref_slice %arg32[%mul3A_728] : memref<81920xf32, #tpu.memory_space<vmem_shared>> -> memref<160xf32, #tpu.memory_space<vmem_shared>>
      %dma_wait3A_1046 = tpu.memref_slice %arg13[%add3A_724] : memref<40960xf32, #tpu.memory_space<vmem>> -> memref<160xf32, #tpu.memory_space<vmem>>
      tpu.wait_dma2 semaphore(%arg33 : memref<!tpu.dma_semaphore, #tpu.memory_space<semaphore_mem>>) src(%dma_wait3A_1046 : memref<160xf32, #tpu.memory_space<vmem>>) dst(%dma_wait3A_1045 : memref<160xf32, #tpu.memory_space<vmem_shared>>)
      %dma_wait3A_1047 = tpu.memref_slice %arg14[%add3A_734] : memref<40960xf32, #tpu.memory_space<vmem>> -> memref<160xf32, #tpu.memory_space<vmem>>
      %dma_wait3A_1048 = tpu.memref_slice %arg32[%mul3A_738] : memref<81920xf32, #tpu.memory_space<vmem_shared>> -> memref<160xf32, #tpu.memory_space<vmem_shared>>
      %dma_wait3A_1049 = tpu.memref_slice %arg32[%mul3A_738] : memref<81920xf32, #tpu.memory_space<vmem_shared>> -> memref<160xf32, #tpu.memory_space<vmem_shared>>
      %dma_wait3A_1050 = tpu.memref_slice %arg14[%add3A_734] : memref<40960xf32, #tpu.memory_space<vmem>> -> memref<160xf32, #tpu.memory_space<vmem>>
      tpu.wait_dma2 semaphore(%arg33 : memref<!tpu.dma_semaphore, #tpu.memory_space<semaphore_mem>>) src(%dma_wait3A_1050 : memref<160xf32, #tpu.memory_space<vmem>>) dst(%dma_wait3A_1049 : memref<160xf32, #tpu.memory_space<vmem_shared>>)
      %dma_wait3A_1051 = tpu.memref_slice %arg13[%add3A_744] : memref<40960xf32, #tpu.memory_space<vmem>> -> memref<160xf32, #tpu.memory_space<vmem>>
      %dma_wait3A_1052 = tpu.memref_slice %arg32[%mul3A_748] : memref<81920xf32, #tpu.memory_space<vmem_shared>> -> memref<160xf32, #tpu.memory_space<vmem_shared>>
      %dma_wait3A_1053 = tpu.memref_slice %arg32[%mul3A_748] : memref<81920xf32, #tpu.memory_space<vmem_shared>> -> memref<160xf32, #tpu.memory_space<vmem_shared>>
      %dma_wait3A_1054 = tpu.memref_slice %arg13[%add3A_744] : memref<40960xf32, #tpu.memory_space<vmem>> -> memref<160xf32, #tpu.memory_space<vmem>>
      tpu.wait_dma2 semaphore(%arg33 : memref<!tpu.dma_semaphore, #tpu.memory_space<semaphore_mem>>) src(%dma_wait3A_1054 : memref<160xf32, #tpu.memory_space<vmem>>) dst(%dma_wait3A_1053 : memref<160xf32, #tpu.memory_space<vmem_shared>>)
      %dma_wait3A_1055 = tpu.memref_slice %arg14[%add3A_754] : memref<40960xf32, #tpu.memory_space<vmem>> -> memref<160xf32, #tpu.memory_space<vmem>>
      %dma_wait3A_1056 = tpu.memref_slice %arg32[%mul3A_758] : memref<81920xf32, #tpu.memory_space<vmem_shared>> -> memref<160xf32, #tpu.memory_space<vmem_shared>>
      %dma_wait3A_1057 = tpu.memref_slice %arg32[%mul3A_758] : memref<81920xf32, #tpu.memory_space<vmem_shared>> -> memref<160xf32, #tpu.memory_space<vmem_shared>>
      %dma_wait3A_1058 = tpu.memref_slice %arg14[%add3A_754] : memref<40960xf32, #tpu.memory_space<vmem>> -> memref<160xf32, #tpu.memory_space<vmem>>
      tpu.wait_dma2 semaphore(%arg33 : memref<!tpu.dma_semaphore, #tpu.memory_space<semaphore_mem>>) src(%dma_wait3A_1058 : memref<160xf32, #tpu.memory_space<vmem>>) dst(%dma_wait3A_1057 : memref<160xf32, #tpu.memory_space<vmem_shared>>)
      %dma_wait3A_1059 = tpu.memref_slice %arg13[%add3A_764] : memref<40960xf32, #tpu.memory_space<vmem>> -> memref<160xf32, #tpu.memory_space<vmem>>
      %dma_wait3A_1060 = tpu.memref_slice %arg32[%mul3A_768] : memref<81920xf32, #tpu.memory_space<vmem_shared>> -> memref<160xf32, #tpu.memory_space<vmem_shared>>
      %dma_wait3A_1061 = tpu.memref_slice %arg32[%mul3A_768] : memref<81920xf32, #tpu.memory_space<vmem_shared>> -> memref<160xf32, #tpu.memory_space<vmem_shared>>
      %dma_wait3A_1062 = tpu.memref_slice %arg13[%add3A_764] : memref<40960xf32, #tpu.memory_space<vmem>> -> memref<160xf32, #tpu.memory_space<vmem>>
      tpu.wait_dma2 semaphore(%arg33 : memref<!tpu.dma_semaphore, #tpu.memory_space<semaphore_mem>>) src(%dma_wait3A_1062 : memref<160xf32, #tpu.memory_space<vmem>>) dst(%dma_wait3A_1061 : memref<160xf32, #tpu.memory_space<vmem_shared>>)
      %dma_wait3A_1063 = tpu.memref_slice %arg14[%add3A_774] : memref<40960xf32, #tpu.memory_space<vmem>> -> memref<160xf32, #tpu.memory_space<vmem>>
      %dma_wait3A_1064 = tpu.memref_slice %arg32[%mul3A_778] : memref<81920xf32, #tpu.memory_space<vmem_shared>> -> memref<160xf32, #tpu.memory_space<vmem_shared>>
      %dma_wait3A_1065 = tpu.memref_slice %arg32[%mul3A_778] : memref<81920xf32, #tpu.memory_space<vmem_shared>> -> memref<160xf32, #tpu.memory_space<vmem_shared>>
      %dma_wait3A_1066 = tpu.memref_slice %arg14[%add3A_774] : memref<40960xf32, #tpu.memory_space<vmem>> -> memref<160xf32, #tpu.memory_space<vmem>>
      tpu.wait_dma2 semaphore(%arg33 : memref<!tpu.dma_semaphore, #tpu.memory_space<semaphore_mem>>) src(%dma_wait3A_1066 : memref<160xf32, #tpu.memory_space<vmem>>) dst(%dma_wait3A_1065 : memref<160xf32, #tpu.memory_space<vmem_shared>>)
      %dma_wait3A_1067 = tpu.memref_slice %arg13[%add3A_784] : memref<40960xf32, #tpu.memory_space<vmem>> -> memref<160xf32, #tpu.memory_space<vmem>>
      %dma_wait3A_1068 = tpu.memref_slice %arg32[%mul3A_788] : memref<81920xf32, #tpu.memory_space<vmem_shared>> -> memref<160xf32, #tpu.memory_space<vmem_shared>>
      %dma_wait3A_1069 = tpu.memref_slice %arg32[%mul3A_788] : memref<81920xf32, #tpu.memory_space<vmem_shared>> -> memref<160xf32, #tpu.memory_space<vmem_shared>>
      %dma_wait3A_1070 = tpu.memref_slice %arg13[%add3A_784] : memref<40960xf32, #tpu.memory_space<vmem>> -> memref<160xf32, #tpu.memory_space<vmem>>
      tpu.wait_dma2 semaphore(%arg33 : memref<!tpu.dma_semaphore, #tpu.memory_space<semaphore_mem>>) src(%dma_wait3A_1070 : memref<160xf32, #tpu.memory_space<vmem>>) dst(%dma_wait3A_1069 : memref<160xf32, #tpu.memory_space<vmem_shared>>)
      %dma_wait3A_1071 = tpu.memref_slice %arg14[%add3A_794] : memref<40960xf32, #tpu.memory_space<vmem>> -> memref<160xf32, #tpu.memory_space<vmem>>
      %dma_wait3A_1072 = tpu.memref_slice %arg32[%mul3A_798] : memref<81920xf32, #tpu.memory_space<vmem_shared>> -> memref<160xf32, #tpu.memory_space<vmem_shared>>
      %dma_wait3A_1073 = tpu.memref_slice %arg32[%mul3A_798] : memref<81920xf32, #tpu.memory_space<vmem_shared>> -> memref<160xf32, #tpu.memory_space<vmem_shared>>
      %dma_wait3A_1074 = tpu.memref_slice %arg14[%add3A_794] : memref<40960xf32, #tpu.memory_space<vmem>> -> memref<160xf32, #tpu.memory_space<vmem>>
      tpu.wait_dma2 semaphore(%arg33 : memref<!tpu.dma_semaphore, #tpu.memory_space<semaphore_mem>>) src(%dma_wait3A_1074 : memref<160xf32, #tpu.memory_space<vmem>>) dst(%dma_wait3A_1073 : memref<160xf32, #tpu.memory_space<vmem_shared>>)
      %dma_wait3A_1075 = tpu.memref_slice %arg13[%add3A_804] : memref<40960xf32, #tpu.memory_space<vmem>> -> memref<160xf32, #tpu.memory_space<vmem>>
      %dma_wait3A_1076 = tpu.memref_slice %arg32[%mul3A_808] : memref<81920xf32, #tpu.memory_space<vmem_shared>> -> memref<160xf32, #tpu.memory_space<vmem_shared>>
      %dma_wait3A_1077 = tpu.memref_slice %arg32[%mul3A_808] : memref<81920xf32, #tpu.memory_space<vmem_shared>> -> memref<160xf32, #tpu.memory_space<vmem_shared>>
      %dma_wait3A_1078 = tpu.memref_slice %arg13[%add3A_804] : memref<40960xf32, #tpu.memory_space<vmem>> -> memref<160xf32, #tpu.memory_space<vmem>>
      tpu.wait_dma2 semaphore(%arg33 : memref<!tpu.dma_semaphore, #tpu.memory_space<semaphore_mem>>) src(%dma_wait3A_1078 : memref<160xf32, #tpu.memory_space<vmem>>) dst(%dma_wait3A_1077 : memref<160xf32, #tpu.memory_space<vmem_shared>>)
      %dma_wait3A_1079 = tpu.memref_slice %arg14[%add3A_814] : memref<40960xf32, #tpu.memory_space<vmem>> -> memref<160xf32, #tpu.memory_space<vmem>>
      %dma_wait3A_1080 = tpu.memref_slice %arg32[%mul3A_818] : memref<81920xf32, #tpu.memory_space<vmem_shared>> -> memref<160xf32, #tpu.memory_space<vmem_shared>>
      %dma_wait3A_1081 = tpu.memref_slice %arg32[%mul3A_818] : memref<81920xf32, #tpu.memory_space<vmem_shared>> -> memref<160xf32, #tpu.memory_space<vmem_shared>>
      %dma_wait3A_1082 = tpu.memref_slice %arg14[%add3A_814] : memref<40960xf32, #tpu.memory_space<vmem>> -> memref<160xf32, #tpu.memory_space<vmem>>
      tpu.wait_dma2 semaphore(%arg33 : memref<!tpu.dma_semaphore, #tpu.memory_space<semaphore_mem>>) src(%dma_wait3A_1082 : memref<160xf32, #tpu.memory_space<vmem>>) dst(%dma_wait3A_1081 : memref<160xf32, #tpu.memory_space<vmem_shared>>)
      %dma_wait3A_1083 = tpu.memref_slice %arg13[%add3A_824] : memref<40960xf32, #tpu.memory_space<vmem>> -> memref<160xf32, #tpu.memory_space<vmem>>
      %dma_wait3A_1084 = tpu.memref_slice %arg32[%mul3A_828] : memref<81920xf32, #tpu.memory_space<vmem_shared>> -> memref<160xf32, #tpu.memory_space<vmem_shared>>
      %dma_wait3A_1085 = tpu.memref_slice %arg32[%mul3A_828] : memref<81920xf32, #tpu.memory_space<vmem_shared>> -> memref<160xf32, #tpu.memory_space<vmem_shared>>
      %dma_wait3A_1086 = tpu.memref_slice %arg13[%add3A_824] : memref<40960xf32, #tpu.memory_space<vmem>> -> memref<160xf32, #tpu.memory_space<vmem>>
      tpu.wait_dma2 semaphore(%arg33 : memref<!tpu.dma_semaphore, #tpu.memory_space<semaphore_mem>>) src(%dma_wait3A_1086 : memref<160xf32, #tpu.memory_space<vmem>>) dst(%dma_wait3A_1085 : memref<160xf32, #tpu.memory_space<vmem_shared>>)
      %dma_wait3A_1087 = tpu.memref_slice %arg14[%add3A_834] : memref<40960xf32, #tpu.memory_space<vmem>> -> memref<160xf32, #tpu.memory_space<vmem>>
      %dma_wait3A_1088 = tpu.memref_slice %arg32[%mul3A_838] : memref<81920xf32, #tpu.memory_space<vmem_shared>> -> memref<160xf32, #tpu.memory_space<vmem_shared>>
      %dma_wait3A_1089 = tpu.memref_slice %arg32[%mul3A_838] : memref<81920xf32, #tpu.memory_space<vmem_shared>> -> memref<160xf32, #tpu.memory_space<vmem_shared>>
      %dma_wait3A_1090 = tpu.memref_slice %arg14[%add3A_834] : memref<40960xf32, #tpu.memory_space<vmem>> -> memref<160xf32, #tpu.memory_space<vmem>>
      tpu.wait_dma2 semaphore(%arg33 : memref<!tpu.dma_semaphore, #tpu.memory_space<semaphore_mem>>) src(%dma_wait3A_1090 : memref<160xf32, #tpu.memory_space<vmem>>) dst(%dma_wait3A_1089 : memref<160xf32, #tpu.memory_space<vmem_shared>>)
      %dma_wait3A_1091 = tpu.memref_slice %arg13[%add3A_844] : memref<40960xf32, #tpu.memory_space<vmem>> -> memref<160xf32, #tpu.memory_space<vmem>>
      %dma_wait3A_1092 = tpu.memref_slice %arg32[%mul3A_848] : memref<81920xf32, #tpu.memory_space<vmem_shared>> -> memref<160xf32, #tpu.memory_space<vmem_shared>>
      %dma_wait3A_1093 = tpu.memref_slice %arg32[%mul3A_848] : memref<81920xf32, #tpu.memory_space<vmem_shared>> -> memref<160xf32, #tpu.memory_space<vmem_shared>>
      %dma_wait3A_1094 = tpu.memref_slice %arg13[%add3A_844] : memref<40960xf32, #tpu.memory_space<vmem>> -> memref<160xf32, #tpu.memory_space<vmem>>
      tpu.wait_dma2 semaphore(%arg33 : memref<!tpu.dma_semaphore, #tpu.memory_space<semaphore_mem>>) src(%dma_wait3A_1094 : memref<160xf32, #tpu.memory_space<vmem>>) dst(%dma_wait3A_1093 : memref<160xf32, #tpu.memory_space<vmem_shared>>)
      %dma_wait3A_1095 = tpu.memref_slice %arg14[%add3A_854] : memref<40960xf32, #tpu.memory_space<vmem>> -> memref<160xf32, #tpu.memory_space<vmem>>
      %dma_wait3A_1096 = tpu.memref_slice %arg32[%mul3A_858] : memref<81920xf32, #tpu.memory_space<vmem_shared>> -> memref<160xf32, #tpu.memory_space<vmem_shared>>
      %dma_wait3A_1097 = tpu.memref_slice %arg32[%mul3A_858] : memref<81920xf32, #tpu.memory_space<vmem_shared>> -> memref<160xf32, #tpu.memory_space<vmem_shared>>
      %dma_wait3A_1098 = tpu.memref_slice %arg14[%add3A_854] : memref<40960xf32, #tpu.memory_space<vmem>> -> memref<160xf32, #tpu.memory_space<vmem>>
      tpu.wait_dma2 semaphore(%arg33 : memref<!tpu.dma_semaphore, #tpu.memory_space<semaphore_mem>>) src(%dma_wait3A_1098 : memref<160xf32, #tpu.memory_space<vmem>>) dst(%dma_wait3A_1097 : memref<160xf32, #tpu.memory_space<vmem_shared>>)
      %dma_wait3A_1099 = tpu.memref_slice %arg13[%add3A_864] : memref<40960xf32, #tpu.memory_space<vmem>> -> memref<160xf32, #tpu.memory_space<vmem>>
      %dma_wait3A_1100 = tpu.memref_slice %arg32[%mul3A_868] : memref<81920xf32, #tpu.memory_space<vmem_shared>> -> memref<160xf32, #tpu.memory_space<vmem_shared>>
      %dma_wait3A_1101 = tpu.memref_slice %arg32[%mul3A_868] : memref<81920xf32, #tpu.memory_space<vmem_shared>> -> memref<160xf32, #tpu.memory_space<vmem_shared>>
      %dma_wait3A_1102 = tpu.memref_slice %arg13[%add3A_864] : memref<40960xf32, #tpu.memory_space<vmem>> -> memref<160xf32, #tpu.memory_space<vmem>>
      tpu.wait_dma2 semaphore(%arg33 : memref<!tpu.dma_semaphore, #tpu.memory_space<semaphore_mem>>) src(%dma_wait3A_1102 : memref<160xf32, #tpu.memory_space<vmem>>) dst(%dma_wait3A_1101 : memref<160xf32, #tpu.memory_space<vmem_shared>>)
      %dma_wait3A_1103 = tpu.memref_slice %arg14[%add3A_874] : memref<40960xf32, #tpu.memory_space<vmem>> -> memref<160xf32, #tpu.memory_space<vmem>>
      %dma_wait3A_1104 = tpu.memref_slice %arg32[%mul3A_878] : memref<81920xf32, #tpu.memory_space<vmem_shared>> -> memref<160xf32, #tpu.memory_space<vmem_shared>>
      %dma_wait3A_1105 = tpu.memref_slice %arg32[%mul3A_878] : memref<81920xf32, #tpu.memory_space<vmem_shared>> -> memref<160xf32, #tpu.memory_space<vmem_shared>>
      %dma_wait3A_1106 = tpu.memref_slice %arg14[%add3A_874] : memref<40960xf32, #tpu.memory_space<vmem>> -> memref<160xf32, #tpu.memory_space<vmem>>
      tpu.wait_dma2 semaphore(%arg33 : memref<!tpu.dma_semaphore, #tpu.memory_space<semaphore_mem>>) src(%dma_wait3A_1106 : memref<160xf32, #tpu.memory_space<vmem>>) dst(%dma_wait3A_1105 : memref<160xf32, #tpu.memory_space<vmem_shared>>)
      %dma_wait3A_1107 = tpu.memref_slice %arg13[%add3A_884] : memref<40960xf32, #tpu.memory_space<vmem>> -> memref<160xf32, #tpu.memory_space<vmem>>
      %dma_wait3A_1108 = tpu.memref_slice %arg32[%mul3A_888] : memref<81920xf32, #tpu.memory_space<vmem_shared>> -> memref<160xf32, #tpu.memory_space<vmem_shared>>
      %dma_wait3A_1109 = tpu.memref_slice %arg32[%mul3A_888] : memref<81920xf32, #tpu.memory_space<vmem_shared>> -> memref<160xf32, #tpu.memory_space<vmem_shared>>
      %dma_wait3A_1110 = tpu.memref_slice %arg13[%add3A_884] : memref<40960xf32, #tpu.memory_space<vmem>> -> memref<160xf32, #tpu.memory_space<vmem>>
      tpu.wait_dma2 semaphore(%arg33 : memref<!tpu.dma_semaphore, #tpu.memory_space<semaphore_mem>>) src(%dma_wait3A_1110 : memref<160xf32, #tpu.memory_space<vmem>>) dst(%dma_wait3A_1109 : memref<160xf32, #tpu.memory_space<vmem_shared>>)
      %dma_wait3A_1111 = tpu.memref_slice %arg14[%add3A_894] : memref<40960xf32, #tpu.memory_space<vmem>> -> memref<160xf32, #tpu.memory_space<vmem>>
      %dma_wait3A_1112 = tpu.memref_slice %arg32[%mul3A_898] : memref<81920xf32, #tpu.memory_space<vmem_shared>> -> memref<160xf32, #tpu.memory_space<vmem_shared>>
      %dma_wait3A_1113 = tpu.memref_slice %arg32[%mul3A_898] : memref<81920xf32, #tpu.memory_space<vmem_shared>> -> memref<160xf32, #tpu.memory_space<vmem_shared>>
      %dma_wait3A_1114 = tpu.memref_slice %arg14[%add3A_894] : memref<40960xf32, #tpu.memory_space<vmem>> -> memref<160xf32, #tpu.memory_space<vmem>>
      tpu.wait_dma2 semaphore(%arg33 : memref<!tpu.dma_semaphore, #tpu.memory_space<semaphore_mem>>) src(%dma_wait3A_1114 : memref<160xf32, #tpu.memory_space<vmem>>) dst(%dma_wait3A_1113 : memref<160xf32, #tpu.memory_space<vmem_shared>>)
      %dma_wait3A_1115 = tpu.memref_slice %arg13[%add3A_904] : memref<40960xf32, #tpu.memory_space<vmem>> -> memref<160xf32, #tpu.memory_space<vmem>>
      %dma_wait3A_1116 = tpu.memref_slice %arg32[%mul3A_908] : memref<81920xf32, #tpu.memory_space<vmem_shared>> -> memref<160xf32, #tpu.memory_space<vmem_shared>>
      %dma_wait3A_1117 = tpu.memref_slice %arg32[%mul3A_908] : memref<81920xf32, #tpu.memory_space<vmem_shared>> -> memref<160xf32, #tpu.memory_space<vmem_shared>>
      %dma_wait3A_1118 = tpu.memref_slice %arg13[%add3A_904] : memref<40960xf32, #tpu.memory_space<vmem>> -> memref<160xf32, #tpu.memory_space<vmem>>
      tpu.wait_dma2 semaphore(%arg33 : memref<!tpu.dma_semaphore, #tpu.memory_space<semaphore_mem>>) src(%dma_wait3A_1118 : memref<160xf32, #tpu.memory_space<vmem>>) dst(%dma_wait3A_1117 : memref<160xf32, #tpu.memory_space<vmem_shared>>)
      %dma_wait3A_1119 = tpu.memref_slice %arg14[%add3A_914] : memref<40960xf32, #tpu.memory_space<vmem>> -> memref<160xf32, #tpu.memory_space<vmem>>
      %dma_wait3A_1120 = tpu.memref_slice %arg32[%mul3A_918] : memref<81920xf32, #tpu.memory_space<vmem_shared>> -> memref<160xf32, #tpu.memory_space<vmem_shared>>
      %dma_wait3A_1121 = tpu.memref_slice %arg32[%mul3A_918] : memref<81920xf32, #tpu.memory_space<vmem_shared>> -> memref<160xf32, #tpu.memory_space<vmem_shared>>
      %dma_wait3A_1122 = tpu.memref_slice %arg14[%add3A_914] : memref<40960xf32, #tpu.memory_space<vmem>> -> memref<160xf32, #tpu.memory_space<vmem>>
      tpu.wait_dma2 semaphore(%arg33 : memref<!tpu.dma_semaphore, #tpu.memory_space<semaphore_mem>>) src(%dma_wait3A_1122 : memref<160xf32, #tpu.memory_space<vmem>>) dst(%dma_wait3A_1121 : memref<160xf32, #tpu.memory_space<vmem_shared>>)
      %dma_wait3A_1123 = tpu.memref_slice %arg13[%add3A_924] : memref<40960xf32, #tpu.memory_space<vmem>> -> memref<160xf32, #tpu.memory_space<vmem>>
      %dma_wait3A_1124 = tpu.memref_slice %arg32[%mul3A_928] : memref<81920xf32, #tpu.memory_space<vmem_shared>> -> memref<160xf32, #tpu.memory_space<vmem_shared>>
      %dma_wait3A_1125 = tpu.memref_slice %arg32[%mul3A_928] : memref<81920xf32, #tpu.memory_space<vmem_shared>> -> memref<160xf32, #tpu.memory_space<vmem_shared>>
      %dma_wait3A_1126 = tpu.memref_slice %arg13[%add3A_924] : memref<40960xf32, #tpu.memory_space<vmem>> -> memref<160xf32, #tpu.memory_space<vmem>>
      tpu.wait_dma2 semaphore(%arg33 : memref<!tpu.dma_semaphore, #tpu.memory_space<semaphore_mem>>) src(%dma_wait3A_1126 : memref<160xf32, #tpu.memory_space<vmem>>) dst(%dma_wait3A_1125 : memref<160xf32, #tpu.memory_space<vmem_shared>>)
      %dma_wait3A_1127 = tpu.memref_slice %arg14[%add3A_934] : memref<40960xf32, #tpu.memory_space<vmem>> -> memref<160xf32, #tpu.memory_space<vmem>>
      %dma_wait3A_1128 = tpu.memref_slice %arg32[%mul3A_938] : memref<81920xf32, #tpu.memory_space<vmem_shared>> -> memref<160xf32, #tpu.memory_space<vmem_shared>>
      %dma_wait3A_1129 = tpu.memref_slice %arg32[%mul3A_938] : memref<81920xf32, #tpu.memory_space<vmem_shared>> -> memref<160xf32, #tpu.memory_space<vmem_shared>>
      %dma_wait3A_1130 = tpu.memref_slice %arg14[%add3A_934] : memref<40960xf32, #tpu.memory_space<vmem>> -> memref<160xf32, #tpu.memory_space<vmem>>
      tpu.wait_dma2 semaphore(%arg33 : memref<!tpu.dma_semaphore, #tpu.memory_space<semaphore_mem>>) src(%dma_wait3A_1130 : memref<160xf32, #tpu.memory_space<vmem>>) dst(%dma_wait3A_1129 : memref<160xf32, #tpu.memory_space<vmem_shared>>)
      %dma_wait3A_1131 = tpu.memref_slice %arg13[%add3A_944] : memref<40960xf32, #tpu.memory_space<vmem>> -> memref<160xf32, #tpu.memory_space<vmem>>
      %dma_wait3A_1132 = tpu.memref_slice %arg32[%mul3A_948] : memref<81920xf32, #tpu.memory_space<vmem_shared>> -> memref<160xf32, #tpu.memory_space<vmem_shared>>
      %dma_wait3A_1133 = tpu.memref_slice %arg32[%mul3A_948] : memref<81920xf32, #tpu.memory_space<vmem_shared>> -> memref<160xf32, #tpu.memory_space<vmem_shared>>
      %dma_wait3A_1134 = tpu.memref_slice %arg13[%add3A_944] : memref<40960xf32, #tpu.memory_space<vmem>> -> memref<160xf32, #tpu.memory_space<vmem>>
      tpu.wait_dma2 semaphore(%arg33 : memref<!tpu.dma_semaphore, #tpu.memory_space<semaphore_mem>>) src(%dma_wait3A_1134 : memref<160xf32, #tpu.memory_space<vmem>>) dst(%dma_wait3A_1133 : memref<160xf32, #tpu.memory_space<vmem_shared>>)
      %dma_wait3A_1135 = tpu.memref_slice %arg14[%add3A_954] : memref<40960xf32, #tpu.memory_space<vmem>> -> memref<160xf32, #tpu.memory_space<vmem>>
      %dma_wait3A_1136 = tpu.memref_slice %arg32[%mul3A_958] : memref<81920xf32, #tpu.memory_space<vmem_shared>> -> memref<160xf32, #tpu.memory_space<vmem_shared>>
      %dma_wait3A_1137 = tpu.memref_slice %arg32[%mul3A_958] : memref<81920xf32, #tpu.memory_space<vmem_shared>> -> memref<160xf32, #tpu.memory_space<vmem_shared>>
      %dma_wait3A_1138 = tpu.memref_slice %arg14[%add3A_954] : memref<40960xf32, #tpu.memory_space<vmem>> -> memref<160xf32, #tpu.memory_space<vmem>>
      tpu.wait_dma2 semaphore(%arg33 : memref<!tpu.dma_semaphore, #tpu.memory_space<semaphore_mem>>) src(%dma_wait3A_1138 : memref<160xf32, #tpu.memory_space<vmem>>) dst(%dma_wait3A_1137 : memref<160xf32, #tpu.memory_space<vmem_shared>>)
      %dma_wait3A_1139 = tpu.memref_slice %arg13[%add3A_964] : memref<40960xf32, #tpu.memory_space<vmem>> -> memref<160xf32, #tpu.memory_space<vmem>>
      %dma_wait3A_1140 = tpu.memref_slice %arg32[%mul3A_968] : memref<81920xf32, #tpu.memory_space<vmem_shared>> -> memref<160xf32, #tpu.memory_space<vmem_shared>>
      %dma_wait3A_1141 = tpu.memref_slice %arg32[%mul3A_968] : memref<81920xf32, #tpu.memory_space<vmem_shared>> -> memref<160xf32, #tpu.memory_space<vmem_shared>>
      %dma_wait3A_1142 = tpu.memref_slice %arg13[%add3A_964] : memref<40960xf32, #tpu.memory_space<vmem>> -> memref<160xf32, #tpu.memory_space<vmem>>
      tpu.wait_dma2 semaphore(%arg33 : memref<!tpu.dma_semaphore, #tpu.memory_space<semaphore_mem>>) src(%dma_wait3A_1142 : memref<160xf32, #tpu.memory_space<vmem>>) dst(%dma_wait3A_1141 : memref<160xf32, #tpu.memory_space<vmem_shared>>)
      %dma_wait3A_1143 = tpu.memref_slice %arg14[%add3A_974] : memref<40960xf32, #tpu.memory_space<vmem>> -> memref<160xf32, #tpu.memory_space<vmem>>
      %dma_wait3A_1144 = tpu.memref_slice %arg32[%mul3A_978] : memref<81920xf32, #tpu.memory_space<vmem_shared>> -> memref<160xf32, #tpu.memory_space<vmem_shared>>
      %dma_wait3A_1145 = tpu.memref_slice %arg32[%mul3A_978] : memref<81920xf32, #tpu.memory_space<vmem_shared>> -> memref<160xf32, #tpu.memory_space<vmem_shared>>
      %dma_wait3A_1146 = tpu.memref_slice %arg14[%add3A_974] : memref<40960xf32, #tpu.memory_space<vmem>> -> memref<160xf32, #tpu.memory_space<vmem>>
      tpu.wait_dma2 semaphore(%arg33 : memref<!tpu.dma_semaphore, #tpu.memory_space<semaphore_mem>>) src(%dma_wait3A_1146 : memref<160xf32, #tpu.memory_space<vmem>>) dst(%dma_wait3A_1145 : memref<160xf32, #tpu.memory_space<vmem_shared>>)
      %dma_wait3A_1147 = tpu.memref_slice %arg13[%add3A_984] : memref<40960xf32, #tpu.memory_space<vmem>> -> memref<160xf32, #tpu.memory_space<vmem>>
      %dma_wait3A_1148 = tpu.memref_slice %arg32[%mul3A_988] : memref<81920xf32, #tpu.memory_space<vmem_shared>> -> memref<160xf32, #tpu.memory_space<vmem_shared>>
      %dma_wait3A_1149 = tpu.memref_slice %arg32[%mul3A_988] : memref<81920xf32, #tpu.memory_space<vmem_shared>> -> memref<160xf32, #tpu.memory_space<vmem_shared>>
      %dma_wait3A_1150 = tpu.memref_slice %arg13[%add3A_984] : memref<40960xf32, #tpu.memory_space<vmem>> -> memref<160xf32, #tpu.memory_space<vmem>>
      tpu.wait_dma2 semaphore(%arg33 : memref<!tpu.dma_semaphore, #tpu.memory_space<semaphore_mem>>) src(%dma_wait3A_1150 : memref<160xf32, #tpu.memory_space<vmem>>) dst(%dma_wait3A_1149 : memref<160xf32, #tpu.memory_space<vmem_shared>>)
      %dma_wait3A_1151 = tpu.memref_slice %arg14[%add3A_994] : memref<40960xf32, #tpu.memory_space<vmem>> -> memref<160xf32, #tpu.memory_space<vmem>>
      %dma_wait3A_1152 = tpu.memref_slice %arg32[%mul3A_998] : memref<81920xf32, #tpu.memory_space<vmem_shared>> -> memref<160xf32, #tpu.memory_space<vmem_shared>>
      %dma_wait3A_1153 = tpu.memref_slice %arg32[%mul3A_998] : memref<81920xf32, #tpu.memory_space<vmem_shared>> -> memref<160xf32, #tpu.memory_space<vmem_shared>>
      %dma_wait3A_1154 = tpu.memref_slice %arg14[%add3A_994] : memref<40960xf32, #tpu.memory_space<vmem>> -> memref<160xf32, #tpu.memory_space<vmem>>
      tpu.wait_dma2 semaphore(%arg33 : memref<!tpu.dma_semaphore, #tpu.memory_space<semaphore_mem>>) src(%dma_wait3A_1154 : memref<160xf32, #tpu.memory_space<vmem>>) dst(%dma_wait3A_1153 : memref<160xf32, #tpu.memory_space<vmem_shared>>)
      %dma_wait3A_1155 = tpu.memref_slice %arg13[%add3A_1004] : memref<40960xf32, #tpu.memory_space<vmem>> -> memref<160xf32, #tpu.memory_space<vmem>>
      %dma_wait3A_1156 = tpu.memref_slice %arg32[%mul3A_1008] : memref<81920xf32, #tpu.memory_space<vmem_shared>> -> memref<160xf32, #tpu.memory_space<vmem_shared>>
      %dma_wait3A_1157 = tpu.memref_slice %arg32[%mul3A_1008] : memref<81920xf32, #tpu.memory_space<vmem_shared>> -> memref<160xf32, #tpu.memory_space<vmem_shared>>
      %dma_wait3A_1158 = tpu.memref_slice %arg13[%add3A_1004] : memref<40960xf32, #tpu.memory_space<vmem>> -> memref<160xf32, #tpu.memory_space<vmem>>
      tpu.wait_dma2 semaphore(%arg33 : memref<!tpu.dma_semaphore, #tpu.memory_space<semaphore_mem>>) src(%dma_wait3A_1158 : memref<160xf32, #tpu.memory_space<vmem>>) dst(%dma_wait3A_1157 : memref<160xf32, #tpu.memory_space<vmem_shared>>)
      %dma_wait3A_1159 = tpu.memref_slice %arg14[%add3A_1014] : memref<40960xf32, #tpu.memory_space<vmem>> -> memref<160xf32, #tpu.memory_space<vmem>>
      %dma_wait3A_1160 = tpu.memref_slice %arg32[%mul3A_1018] : memref<81920xf32, #tpu.memory_space<vmem_shared>> -> memref<160xf32, #tpu.memory_space<vmem_shared>>
      %dma_wait3A_1161 = tpu.memref_slice %arg32[%mul3A_1018] : memref<81920xf32, #tpu.memory_space<vmem_shared>> -> memref<160xf32, #tpu.memory_space<vmem_shared>>
      %dma_wait3A_1162 = tpu.memref_slice %arg14[%add3A_1014] : memref<40960xf32, #tpu.memory_space<vmem>> -> memref<160xf32, #tpu.memory_space<vmem>>
      tpu.wait_dma2 semaphore(%arg33 : memref<!tpu.dma_semaphore, #tpu.memory_space<semaphore_mem>>) src(%dma_wait3A_1162 : memref<160xf32, #tpu.memory_space<vmem>>) dst(%dma_wait3A_1161 : memref<160xf32, #tpu.memory_space<vmem_shared>>)
      %dma_wait3A_1163 = tpu.memref_slice %arg13[%add3A_1024] : memref<40960xf32, #tpu.memory_space<vmem>> -> memref<160xf32, #tpu.memory_space<vmem>>
      %dma_wait3A_1164 = tpu.memref_slice %arg32[%mul3A_1028] : memref<81920xf32, #tpu.memory_space<vmem_shared>> -> memref<160xf32, #tpu.memory_space<vmem_shared>>
      %dma_wait3A_1165 = tpu.memref_slice %arg32[%mul3A_1028] : memref<81920xf32, #tpu.memory_space<vmem_shared>> -> memref<160xf32, #tpu.memory_space<vmem_shared>>
      %dma_wait3A_1166 = tpu.memref_slice %arg13[%add3A_1024] : memref<40960xf32, #tpu.memory_space<vmem>> -> memref<160xf32, #tpu.memory_space<vmem>>
      tpu.wait_dma2 semaphore(%arg33 : memref<!tpu.dma_semaphore, #tpu.memory_space<semaphore_mem>>) src(%dma_wait3A_1166 : memref<160xf32, #tpu.memory_space<vmem>>) dst(%dma_wait3A_1165 : memref<160xf32, #tpu.memory_space<vmem_shared>>)
      %dma_wait3A_1167 = tpu.memref_slice %arg14[%add3A_1034] : memref<40960xf32, #tpu.memory_space<vmem>> -> memref<160xf32, #tpu.memory_space<vmem>>
      %dma_wait3A_1168 = tpu.memref_slice %arg32[%mul3A_1038] : memref<81920xf32, #tpu.memory_space<vmem_shared>> -> memref<160xf32, #tpu.memory_space<vmem_shared>>
      %dma_wait3A_1169 = tpu.memref_slice %arg32[%mul3A_1038] : memref<81920xf32, #tpu.memory_space<vmem_shared>> -> memref<160xf32, #tpu.memory_space<vmem_shared>>
      %dma_wait3A_1170 = tpu.memref_slice %arg14[%add3A_1034] : memref<40960xf32, #tpu.memory_space<vmem>> -> memref<160xf32, #tpu.memory_space<vmem>>
      tpu.wait_dma2 semaphore(%arg33 : memref<!tpu.dma_semaphore, #tpu.memory_space<semaphore_mem>>) src(%dma_wait3A_1170 : memref<160xf32, #tpu.memory_space<vmem>>) dst(%dma_wait3A_1169 : memref<160xf32, #tpu.memory_space<vmem_shared>>)
      %barrier3A_1171 = arith.constant 0 : index
      tpu.barrier barrier_id(%barrier3A_1171)
      %mul3A_1172 = arith.constant 2 : i32
      %mul3A_1173 = arith.muli %arg1, %mul3A_1172 : i32
      %add3A_1174 = arith.constant 0 : i32
      %add3A_1175 = arith.addi %mul3A_1173, %add3A_1174 : i32
      %mul3A_1176 = arith.constant 16 : i32
      %mul3A_1177 = arith.muli %add3A_1175, %mul3A_1176 : i32
      %mul3A_1178 = arith.constant 160 : i32
      %mul3A_1179 = arith.muli %mul3A_1177, %mul3A_1178 : i32
      "tpu.region"() ({
        %run_scoped3A = tpu.sem_alloc : memref<!tpu.dma_semaphore, #tpu.memory_space<semaphore_mem>>
        %dma_start3A_1201 = tpu.memref_slice %arg32[%mul3A_1179] : memref<81920xf32, #tpu.memory_space<vmem_shared>> -> memref<2560xf32, #tpu.memory_space<vmem_shared>>
        %dma_start3A_1202 = tpu.memref_slice %arg32[%mul3A_1179] : memref<81920xf32, #tpu.memory_space<vmem_shared>> -> memref<2560xf32, #tpu.memory_space<vmem_shared>>
        tpu.enqueue_dma source(%dma_start3A_1202 : memref<2560xf32, #tpu.memory_space<vmem_shared>>) target(%arg18 : memref<2560xf32, #tpu.memory_space<vmem>>) target_semaphore(%run_scoped3A : memref<!tpu.dma_semaphore, #tpu.memory_space<semaphore_mem>>)
        %dma_wait3A_1203 = tpu.memref_slice %arg32[%mul3A_1179] : memref<81920xf32, #tpu.memory_space<vmem_shared>> -> memref<2560xf32, #tpu.memory_space<vmem_shared>>
        %dma_wait3A_1204 = tpu.memref_slice %arg32[%mul3A_1179] : memref<81920xf32, #tpu.memory_space<vmem_shared>> -> memref<2560xf32, #tpu.memory_space<vmem_shared>>
        tpu.wait_dma2 semaphore(%run_scoped3A : memref<!tpu.dma_semaphore, #tpu.memory_space<semaphore_mem>>) src(%dma_wait3A_1204 : memref<2560xf32, #tpu.memory_space<vmem_shared>>) dst(%arg18 : memref<2560xf32, #tpu.memory_space<vmem>>)
        tpu.yield
      }) : () -> ()
      %scan3A_1180 = arith.constant 0 : i32
      %scan3A_1181 = arith.constant 0 : i32
      %scan3A_1182 = arith.constant 10 : i32
      %scan3A_1183 = arith.addi %scan3A_1181, %scan3A_1182 : i32
      %scan3A_1184 = arith.constant 1 : i32
      scf.for %scan3A_1201 = %scan3A_1181 to %scan3A_1183 step %scan3A_1184  : i32 {
        %broadcast_in_dim3A = arith.constant 1.000000e+30 : f32
        %broadcast_in_dim3A_1202 = vector.broadcast %broadcast_in_dim3A : f32 to vector<16xf32>
        %mul3A_1203 = arith.constant 16 : i32
        %mul3A_1204 = arith.muli %scan3A_1201, %mul3A_1203 : i32
        %add3A_1205 = arith.constant 0 : i32
        %add3A_1206 = arith.addi %add3A_1205, %mul3A_1204 : i32
        %get3A_1207 = arith.index_cast %add3A_1206 : i32 to index
        %get3A_1208 = tpu.vector_load %arg18[%get3A_1207] {strides = array<i32>} : memref<2560xf32, #tpu.memory_space<vmem>>, vector<16xf32>,
        %eq3A_1209 = arith.constant 1.000000e+30 : f32
        %eq3A_1210 = vector.broadcast %eq3A_1209 : f32 to vector<16xf32>
        %eq3A_1211 = arith.cmpf oeq, %get3A_1208, %eq3A_1210 : vector<16xf32>
        %select_n3A_1212 = arith.select %eq3A_1211, %broadcast_in_dim3A_1202, %get3A_1208 : vector<16xi1>, vector<16xf32>
        %mul3A_1213 = arith.constant 16 : i32
        %mul3A_1214 = arith.muli %scan3A_1201, %mul3A_1213 : i32
        %add3A_1215 = arith.constant 160 : i32
        %add3A_1216 = arith.addi %add3A_1215, %mul3A_1214 : i32
        %get3A_1217 = arith.index_cast %add3A_1216 : i32 to index
        %get3A_1218 = tpu.vector_load %arg18[%get3A_1217] {strides = array<i32>} : memref<2560xf32, #tpu.memory_space<vmem>>, vector<16xf32>,
        %eq3A_1219 = arith.constant 1.000000e+30 : f32
        %eq3A_1220 = vector.broadcast %eq3A_1219 : f32 to vector<16xf32>
        %eq3A_1221 = arith.cmpf oeq, %get3A_1218, %eq3A_1220 : vector<16xf32>
        %select_n3A_1222 = arith.select %eq3A_1221, %select_n3A_1212, %get3A_1218 : vector<16xi1>, vector<16xf32>
        %mul3A_1223 = arith.constant 16 : i32
        %mul3A_1224 = arith.muli %scan3A_1201, %mul3A_1223 : i32
        %add3A_1225 = arith.constant 320 : i32
        %add3A_1226 = arith.addi %add3A_1225, %mul3A_1224 : i32
        %get3A_1227 = arith.index_cast %add3A_1226 : i32 to index
        %get3A_1228 = tpu.vector_load %arg18[%get3A_1227] {strides = array<i32>} : memref<2560xf32, #tpu.memory_space<vmem>>, vector<16xf32>,
        %eq3A_1229 = arith.constant 1.000000e+30 : f32
        %eq3A_1230 = vector.broadcast %eq3A_1229 : f32 to vector<16xf32>
        %eq3A_1231 = arith.cmpf oeq, %get3A_1228, %eq3A_1230 : vector<16xf32>
        %select_n3A_1232 = arith.select %eq3A_1231, %select_n3A_1222, %get3A_1228 : vector<16xi1>, vector<16xf32>
        %mul3A_1233 = arith.constant 16 : i32
        %mul3A_1234 = arith.muli %scan3A_1201, %mul3A_1233 : i32
        %add3A_1235 = arith.constant 480 : i32
        %add3A_1236 = arith.addi %add3A_1235, %mul3A_1234 : i32
        %get3A_1237 = arith.index_cast %add3A_1236 : i32 to index
        %get3A_1238 = tpu.vector_load %arg18[%get3A_1237] {strides = array<i32>} : memref<2560xf32, #tpu.memory_space<vmem>>, vector<16xf32>,
        %eq3A_1239 = arith.constant 1.000000e+30 : f32
        %eq3A_1240 = vector.broadcast %eq3A_1239 : f32 to vector<16xf32>
        %eq3A_1241 = arith.cmpf oeq, %get3A_1238, %eq3A_1240 : vector<16xf32>
        %select_n3A_1242 = arith.select %eq3A_1241, %select_n3A_1232, %get3A_1238 : vector<16xi1>, vector<16xf32>
        %mul3A_1243 = arith.constant 16 : i32
        %mul3A_1244 = arith.muli %scan3A_1201, %mul3A_1243 : i32
        %add3A_1245 = arith.constant 640 : i32
        %add3A_1246 = arith.addi %add3A_1245, %mul3A_1244 : i32
        %get3A_1247 = arith.index_cast %add3A_1246 : i32 to index
        %get3A_1248 = tpu.vector_load %arg18[%get3A_1247] {strides = array<i32>} : memref<2560xf32, #tpu.memory_space<vmem>>, vector<16xf32>,
        %eq3A_1249 = arith.constant 1.000000e+30 : f32
        %eq3A_1250 = vector.broadcast %eq3A_1249 : f32 to vector<16xf32>
        %eq3A_1251 = arith.cmpf oeq, %get3A_1248, %eq3A_1250 : vector<16xf32>
        %select_n3A_1252 = arith.select %eq3A_1251, %select_n3A_1242, %get3A_1248 : vector<16xi1>, vector<16xf32>
        %mul3A_1253 = arith.constant 16 : i32
        %mul3A_1254 = arith.muli %scan3A_1201, %mul3A_1253 : i32
        %add3A_1255 = arith.constant 800 : i32
        %add3A_1256 = arith.addi %add3A_1255, %mul3A_1254 : i32
        %get3A_1257 = arith.index_cast %add3A_1256 : i32 to index
        %get3A_1258 = tpu.vector_load %arg18[%get3A_1257] {strides = array<i32>} : memref<2560xf32, #tpu.memory_space<vmem>>, vector<16xf32>,
        %eq3A_1259 = arith.constant 1.000000e+30 : f32
        %eq3A_1260 = vector.broadcast %eq3A_1259 : f32 to vector<16xf32>
        %eq3A_1261 = arith.cmpf oeq, %get3A_1258, %eq3A_1260 : vector<16xf32>
        %select_n3A_1262 = arith.select %eq3A_1261, %select_n3A_1252, %get3A_1258 : vector<16xi1>, vector<16xf32>
        %mul3A_1263 = arith.constant 16 : i32
        %mul3A_1264 = arith.muli %scan3A_1201, %mul3A_1263 : i32
        %add3A_1265 = arith.constant 960 : i32
        %add3A_1266 = arith.addi %add3A_1265, %mul3A_1264 : i32
        %get3A_1267 = arith.index_cast %add3A_1266 : i32 to index
        %get3A_1268 = tpu.vector_load %arg18[%get3A_1267] {strides = array<i32>} : memref<2560xf32, #tpu.memory_space<vmem>>, vector<16xf32>,
        %eq3A_1269 = arith.constant 1.000000e+30 : f32
        %eq3A_1270 = vector.broadcast %eq3A_1269 : f32 to vector<16xf32>
        %eq3A_1271 = arith.cmpf oeq, %get3A_1268, %eq3A_1270 : vector<16xf32>
        %select_n3A_1272 = arith.select %eq3A_1271, %select_n3A_1262, %get3A_1268 : vector<16xi1>, vector<16xf32>
        %mul3A_1273 = arith.constant 16 : i32
        %mul3A_1274 = arith.muli %scan3A_1201, %mul3A_1273 : i32
        %add3A_1275 = arith.constant 1120 : i32
        %add3A_1276 = arith.addi %add3A_1275, %mul3A_1274 : i32
        %get3A_1277 = arith.index_cast %add3A_1276 : i32 to index
        %get3A_1278 = tpu.vector_load %arg18[%get3A_1277] {strides = array<i32>} : memref<2560xf32, #tpu.memory_space<vmem>>, vector<16xf32>,
        %eq3A_1279 = arith.constant 1.000000e+30 : f32
        %eq3A_1280 = vector.broadcast %eq3A_1279 : f32 to vector<16xf32>
        %eq3A_1281 = arith.cmpf oeq, %get3A_1278, %eq3A_1280 : vector<16xf32>
        %select_n3A_1282 = arith.select %eq3A_1281, %select_n3A_1272, %get3A_1278 : vector<16xi1>, vector<16xf32>
        %mul3A_1283 = arith.constant 16 : i32
        %mul3A_1284 = arith.muli %scan3A_1201, %mul3A_1283 : i32
        %add3A_1285 = arith.constant 1280 : i32
        %add3A_1286 = arith.addi %add3A_1285, %mul3A_1284 : i32
        %get3A_1287 = arith.index_cast %add3A_1286 : i32 to index
        %get3A_1288 = tpu.vector_load %arg18[%get3A_1287] {strides = array<i32>} : memref<2560xf32, #tpu.memory_space<vmem>>, vector<16xf32>,
        %eq3A_1289 = arith.constant 1.000000e+30 : f32
        %eq3A_1290 = vector.broadcast %eq3A_1289 : f32 to vector<16xf32>
        %eq3A_1291 = arith.cmpf oeq, %get3A_1288, %eq3A_1290 : vector<16xf32>
        %select_n3A_1292 = arith.select %eq3A_1291, %select_n3A_1282, %get3A_1288 : vector<16xi1>, vector<16xf32>
        %mul3A_1293 = arith.constant 16 : i32
        %mul3A_1294 = arith.muli %scan3A_1201, %mul3A_1293 : i32
        %add3A_1295 = arith.constant 1440 : i32
        %add3A_1296 = arith.addi %add3A_1295, %mul3A_1294 : i32
        %get3A_1297 = arith.index_cast %add3A_1296 : i32 to index
        %get3A_1298 = tpu.vector_load %arg18[%get3A_1297] {strides = array<i32>} : memref<2560xf32, #tpu.memory_space<vmem>>, vector<16xf32>,
        %eq3A_1299 = arith.constant 1.000000e+30 : f32
        %eq3A_1300 = vector.broadcast %eq3A_1299 : f32 to vector<16xf32>
        %eq3A_1301 = arith.cmpf oeq, %get3A_1298, %eq3A_1300 : vector<16xf32>
        %select_n3A_1302 = arith.select %eq3A_1301, %select_n3A_1292, %get3A_1298 : vector<16xi1>, vector<16xf32>
        %mul3A_1303 = arith.constant 16 : i32
        %mul3A_1304 = arith.muli %scan3A_1201, %mul3A_1303 : i32
        %add3A_1305 = arith.constant 1600 : i32
        %add3A_1306 = arith.addi %add3A_1305, %mul3A_1304 : i32
        %get3A_1307 = arith.index_cast %add3A_1306 : i32 to index
        %get3A_1308 = tpu.vector_load %arg18[%get3A_1307] {strides = array<i32>} : memref<2560xf32, #tpu.memory_space<vmem>>, vector<16xf32>,
        %eq3A_1309 = arith.constant 1.000000e+30 : f32
        %eq3A_1310 = vector.broadcast %eq3A_1309 : f32 to vector<16xf32>
        %eq3A_1311 = arith.cmpf oeq, %get3A_1308, %eq3A_1310 : vector<16xf32>
        %select_n3A_1312 = arith.select %eq3A_1311, %select_n3A_1302, %get3A_1308 : vector<16xi1>, vector<16xf32>
        %mul3A_1313 = arith.constant 16 : i32
        %mul3A_1314 = arith.muli %scan3A_1201, %mul3A_1313 : i32
        %add3A_1315 = arith.constant 1760 : i32
        %add3A_1316 = arith.addi %add3A_1315, %mul3A_1314 : i32
        %get3A_1317 = arith.index_cast %add3A_1316 : i32 to index
        %get3A_1318 = tpu.vector_load %arg18[%get3A_1317] {strides = array<i32>} : memref<2560xf32, #tpu.memory_space<vmem>>, vector<16xf32>,
        %eq3A_1319 = arith.constant 1.000000e+30 : f32
        %eq3A_1320 = vector.broadcast %eq3A_1319 : f32 to vector<16xf32>
        %eq3A_1321 = arith.cmpf oeq, %get3A_1318, %eq3A_1320 : vector<16xf32>
        %select_n3A_1322 = arith.select %eq3A_1321, %select_n3A_1312, %get3A_1318 : vector<16xi1>, vector<16xf32>
        %mul3A_1323 = arith.constant 16 : i32
        %mul3A_1324 = arith.muli %scan3A_1201, %mul3A_1323 : i32
        %add3A_1325 = arith.constant 1920 : i32
        %add3A_1326 = arith.addi %add3A_1325, %mul3A_1324 : i32
        %get3A_1327 = arith.index_cast %add3A_1326 : i32 to index
        %get3A_1328 = tpu.vector_load %arg18[%get3A_1327] {strides = array<i32>} : memref<2560xf32, #tpu.memory_space<vmem>>, vector<16xf32>,
        %eq3A_1329 = arith.constant 1.000000e+30 : f32
        %eq3A_1330 = vector.broadcast %eq3A_1329 : f32 to vector<16xf32>
        %eq3A_1331 = arith.cmpf oeq, %get3A_1328, %eq3A_1330 : vector<16xf32>
        %select_n3A_1332 = arith.select %eq3A_1331, %select_n3A_1322, %get3A_1328 : vector<16xi1>, vector<16xf32>
        %mul3A_1333 = arith.constant 16 : i32
        %mul3A_1334 = arith.muli %scan3A_1201, %mul3A_1333 : i32
        %add3A_1335 = arith.constant 2080 : i32
        %add3A_1336 = arith.addi %add3A_1335, %mul3A_1334 : i32
        %get3A_1337 = arith.index_cast %add3A_1336 : i32 to index
        %get3A_1338 = tpu.vector_load %arg18[%get3A_1337] {strides = array<i32>} : memref<2560xf32, #tpu.memory_space<vmem>>, vector<16xf32>,
        %eq3A_1339 = arith.constant 1.000000e+30 : f32
        %eq3A_1340 = vector.broadcast %eq3A_1339 : f32 to vector<16xf32>
        %eq3A_1341 = arith.cmpf oeq, %get3A_1338, %eq3A_1340 : vector<16xf32>
        %select_n3A_1342 = arith.select %eq3A_1341, %select_n3A_1332, %get3A_1338 : vector<16xi1>, vector<16xf32>
        %mul3A_1343 = arith.constant 16 : i32
        %mul3A_1344 = arith.muli %scan3A_1201, %mul3A_1343 : i32
        %add3A_1345 = arith.constant 2240 : i32
        %add3A_1346 = arith.addi %add3A_1345, %mul3A_1344 : i32
        %get3A_1347 = arith.index_cast %add3A_1346 : i32 to index
        %get3A_1348 = tpu.vector_load %arg18[%get3A_1347] {strides = array<i32>} : memref<2560xf32, #tpu.memory_space<vmem>>, vector<16xf32>,
        %eq3A_1349 = arith.constant 1.000000e+30 : f32
        %eq3A_1350 = vector.broadcast %eq3A_1349 : f32 to vector<16xf32>
        %eq3A_1351 = arith.cmpf oeq, %get3A_1348, %eq3A_1350 : vector<16xf32>
        %select_n3A_1352 = arith.select %eq3A_1351, %select_n3A_1342, %get3A_1348 : vector<16xi1>, vector<16xf32>
        %mul3A_1353 = arith.constant 16 : i32
        %mul3A_1354 = arith.muli %scan3A_1201, %mul3A_1353 : i32
        %add3A_1355 = arith.constant 2400 : i32
        %add3A_1356 = arith.addi %add3A_1355, %mul3A_1354 : i32
        %get3A_1357 = arith.index_cast %add3A_1356 : i32 to index
        %get3A_1358 = tpu.vector_load %arg18[%get3A_1357] {strides = array<i32>} : memref<2560xf32, #tpu.memory_space<vmem>>, vector<16xf32>,
        %eq3A_1359 = arith.constant 1.000000e+30 : f32
        %eq3A_1360 = vector.broadcast %eq3A_1359 : f32 to vector<16xf32>
        %eq3A_1361 = arith.cmpf oeq, %get3A_1358, %eq3A_1360 : vector<16xf32>
        %select_n3A_1362 = arith.select %eq3A_1361, %select_n3A_1352, %get3A_1358 : vector<16xi1>, vector<16xf32>
        %mul3A_1363 = arith.constant 16 : i32
        %mul3A_1364 = arith.muli %scan3A_1201, %mul3A_1363 : i32
        %add3A_1365 = vector.broadcast %mul3A_1364 : i32 to vector<16xi32>
        %add3A_1366 = arith.addi %add3A_1365, %iota3A : vector<16xi32>
        %mul3A_1367 = arith.constant 40 : i32
        %mul3A_1368 = arith.muli %scan3A_720, %mul3A_1367 : i32
        %shift_right_arithmetic3A_1369 = arith.constant 2 : i32
        %shift_right_arithmetic3A_1370 = vector.broadcast %shift_right_arithmetic3A_1369 : i32 to vector<16xi32>
        %shift_right_arithmetic3A_1371 = arith.shrsi %add3A_1366, %shift_right_arithmetic3A_1370 : vector<16xi32>
        %add3A_1372 = vector.broadcast %mul3A_1368 : i32 to vector<16xi32>
        %add3A_1373 = arith.addi %add3A_1372, %shift_right_arithmetic3A_1371 : vector<16xi32>
        %mul3A_1374 = arith.constant 8 : i32
        %mul3A_1375 = vector.broadcast %mul3A_1374 : i32 to vector<16xi32>
        %mul3A_1376 = arith.muli %add3A_1373, %mul3A_1375 : vector<16xi32>
        %add3A_1377 = arith.constant 0 : i32
        %add3A_1378 = vector.broadcast %add3A_1377 : i32 to vector<16xi32>
        %add3A_1379 = arith.addi %mul3A_1376, %add3A_1378 : vector<16xi32>
        %and3A_1380 = arith.constant 3 : i32
        %and3A_1381 = vector.broadcast %and3A_1380 : i32 to vector<16xi32>
        %and3A_1382 = arith.andi %add3A_1366, %and3A_1381 : vector<16xi32>
        %add3A_1383 = arith.addi %add3A_1379, %and3A_1382 : vector<16xi32>
        tpu.vector_store_idx %arg16[%add3A_1383], %select_n3A_1362 : memref<5120xf32, #tpu.memory_space<vmem>>[vector<16xi32>], vector<16xf32>,
      }
      %scan3A_1185 = arith.constant 10 : i32
      %mul3A_1186 = arith.constant 2 : i32
      %mul3A_1187 = arith.muli %arg1, %mul3A_1186 : i32
      %add3A_1188 = arith.constant 1 : i32
      %add3A_1189 = arith.addi %mul3A_1187, %add3A_1188 : i32
      %mul3A_1190 = arith.constant 16 : i32
      %mul3A_1191 = arith.muli %add3A_1189, %mul3A_1190 : i32
      %mul3A_1192 = arith.constant 160 : i32
      %mul3A_1193 = arith.muli %mul3A_1191, %mul3A_1192 : i32
      "tpu.region"() ({
        %run_scoped3A = tpu.sem_alloc : memref<!tpu.dma_semaphore, #tpu.memory_space<semaphore_mem>>
        %dma_start3A_1201 = tpu.memref_slice %arg32[%mul3A_1193] : memref<81920xf32, #tpu.memory_space<vmem_shared>> -> memref<2560xf32, #tpu.memory_space<vmem_shared>>
        %dma_start3A_1202 = tpu.memref_slice %arg32[%mul3A_1193] : memref<81920xf32, #tpu.memory_space<vmem_shared>> -> memref<2560xf32, #tpu.memory_space<vmem_shared>>
        tpu.enqueue_dma source(%dma_start3A_1202 : memref<2560xf32, #tpu.memory_space<vmem_shared>>) target(%arg18 : memref<2560xf32, #tpu.memory_space<vmem>>) target_semaphore(%run_scoped3A : memref<!tpu.dma_semaphore, #tpu.memory_space<semaphore_mem>>)
        %dma_wait3A_1203 = tpu.memref_slice %arg32[%mul3A_1193] : memref<81920xf32, #tpu.memory_space<vmem_shared>> -> memref<2560xf32, #tpu.memory_space<vmem_shared>>
        %dma_wait3A_1204 = tpu.memref_slice %arg32[%mul3A_1193] : memref<81920xf32, #tpu.memory_space<vmem_shared>> -> memref<2560xf32, #tpu.memory_space<vmem_shared>>
        tpu.wait_dma2 semaphore(%run_scoped3A : memref<!tpu.dma_semaphore, #tpu.memory_space<semaphore_mem>>) src(%dma_wait3A_1204 : memref<2560xf32, #tpu.memory_space<vmem_shared>>) dst(%arg18 : memref<2560xf32, #tpu.memory_space<vmem>>)
        tpu.yield
      }) : () -> ()
      %scan3A_1194 = arith.constant 0 : i32
      %scan3A_1195 = arith.constant 0 : i32
      %scan3A_1196 = arith.constant 10 : i32
      %scan3A_1197 = arith.addi %scan3A_1195, %scan3A_1196 : i32
      %scan3A_1198 = arith.constant 1 : i32
      scf.for %scan3A_1201 = %scan3A_1195 to %scan3A_1197 step %scan3A_1198  : i32 {
        %broadcast_in_dim3A = arith.constant 1.000000e+30 : f32
        %broadcast_in_dim3A_1202 = vector.broadcast %broadcast_in_dim3A : f32 to vector<16xf32>
        %mul3A_1203 = arith.constant 16 : i32
        %mul3A_1204 = arith.muli %scan3A_1201, %mul3A_1203 : i32
        %add3A_1205 = arith.constant 0 : i32
        %add3A_1206 = arith.addi %add3A_1205, %mul3A_1204 : i32
        %get3A_1207 = arith.index_cast %add3A_1206 : i32 to index
        %get3A_1208 = tpu.vector_load %arg18[%get3A_1207] {strides = array<i32>} : memref<2560xf32, #tpu.memory_space<vmem>>, vector<16xf32>,
        %eq3A_1209 = arith.constant 1.000000e+30 : f32
        %eq3A_1210 = vector.broadcast %eq3A_1209 : f32 to vector<16xf32>
        %eq3A_1211 = arith.cmpf oeq, %get3A_1208, %eq3A_1210 : vector<16xf32>
        %select_n3A_1212 = arith.select %eq3A_1211, %broadcast_in_dim3A_1202, %get3A_1208 : vector<16xi1>, vector<16xf32>
        %mul3A_1213 = arith.constant 16 : i32
        %mul3A_1214 = arith.muli %scan3A_1201, %mul3A_1213 : i32
        %add3A_1215 = arith.constant 160 : i32
        %add3A_1216 = arith.addi %add3A_1215, %mul3A_1214 : i32
        %get3A_1217 = arith.index_cast %add3A_1216 : i32 to index
        %get3A_1218 = tpu.vector_load %arg18[%get3A_1217] {strides = array<i32>} : memref<2560xf32, #tpu.memory_space<vmem>>, vector<16xf32>,
        %eq3A_1219 = arith.constant 1.000000e+30 : f32
        %eq3A_1220 = vector.broadcast %eq3A_1219 : f32 to vector<16xf32>
        %eq3A_1221 = arith.cmpf oeq, %get3A_1218, %eq3A_1220 : vector<16xf32>
        %select_n3A_1222 = arith.select %eq3A_1221, %select_n3A_1212, %get3A_1218 : vector<16xi1>, vector<16xf32>
        %mul3A_1223 = arith.constant 16 : i32
        %mul3A_1224 = arith.muli %scan3A_1201, %mul3A_1223 : i32
        %add3A_1225 = arith.constant 320 : i32
        %add3A_1226 = arith.addi %add3A_1225, %mul3A_1224 : i32
        %get3A_1227 = arith.index_cast %add3A_1226 : i32 to index
        %get3A_1228 = tpu.vector_load %arg18[%get3A_1227] {strides = array<i32>} : memref<2560xf32, #tpu.memory_space<vmem>>, vector<16xf32>,
        %eq3A_1229 = arith.constant 1.000000e+30 : f32
        %eq3A_1230 = vector.broadcast %eq3A_1229 : f32 to vector<16xf32>
        %eq3A_1231 = arith.cmpf oeq, %get3A_1228, %eq3A_1230 : vector<16xf32>
        %select_n3A_1232 = arith.select %eq3A_1231, %select_n3A_1222, %get3A_1228 : vector<16xi1>, vector<16xf32>
        %mul3A_1233 = arith.constant 16 : i32
        %mul3A_1234 = arith.muli %scan3A_1201, %mul3A_1233 : i32
        %add3A_1235 = arith.constant 480 : i32
        %add3A_1236 = arith.addi %add3A_1235, %mul3A_1234 : i32
        %get3A_1237 = arith.index_cast %add3A_1236 : i32 to index
        %get3A_1238 = tpu.vector_load %arg18[%get3A_1237] {strides = array<i32>} : memref<2560xf32, #tpu.memory_space<vmem>>, vector<16xf32>,
        %eq3A_1239 = arith.constant 1.000000e+30 : f32
        %eq3A_1240 = vector.broadcast %eq3A_1239 : f32 to vector<16xf32>
        %eq3A_1241 = arith.cmpf oeq, %get3A_1238, %eq3A_1240 : vector<16xf32>
        %select_n3A_1242 = arith.select %eq3A_1241, %select_n3A_1232, %get3A_1238 : vector<16xi1>, vector<16xf32>
        %mul3A_1243 = arith.constant 16 : i32
        %mul3A_1244 = arith.muli %scan3A_1201, %mul3A_1243 : i32
        %add3A_1245 = arith.constant 640 : i32
        %add3A_1246 = arith.addi %add3A_1245, %mul3A_1244 : i32
        %get3A_1247 = arith.index_cast %add3A_1246 : i32 to index
        %get3A_1248 = tpu.vector_load %arg18[%get3A_1247] {strides = array<i32>} : memref<2560xf32, #tpu.memory_space<vmem>>, vector<16xf32>,
        %eq3A_1249 = arith.constant 1.000000e+30 : f32
        %eq3A_1250 = vector.broadcast %eq3A_1249 : f32 to vector<16xf32>
        %eq3A_1251 = arith.cmpf oeq, %get3A_1248, %eq3A_1250 : vector<16xf32>
        %select_n3A_1252 = arith.select %eq3A_1251, %select_n3A_1242, %get3A_1248 : vector<16xi1>, vector<16xf32>
        %mul3A_1253 = arith.constant 16 : i32
        %mul3A_1254 = arith.muli %scan3A_1201, %mul3A_1253 : i32
        %add3A_1255 = arith.constant 800 : i32
        %add3A_1256 = arith.addi %add3A_1255, %mul3A_1254 : i32
        %get3A_1257 = arith.index_cast %add3A_1256 : i32 to index
        %get3A_1258 = tpu.vector_load %arg18[%get3A_1257] {strides = array<i32>} : memref<2560xf32, #tpu.memory_space<vmem>>, vector<16xf32>,
        %eq3A_1259 = arith.constant 1.000000e+30 : f32
        %eq3A_1260 = vector.broadcast %eq3A_1259 : f32 to vector<16xf32>
        %eq3A_1261 = arith.cmpf oeq, %get3A_1258, %eq3A_1260 : vector<16xf32>
        %select_n3A_1262 = arith.select %eq3A_1261, %select_n3A_1252, %get3A_1258 : vector<16xi1>, vector<16xf32>
        %mul3A_1263 = arith.constant 16 : i32
        %mul3A_1264 = arith.muli %scan3A_1201, %mul3A_1263 : i32
        %add3A_1265 = arith.constant 960 : i32
        %add3A_1266 = arith.addi %add3A_1265, %mul3A_1264 : i32
        %get3A_1267 = arith.index_cast %add3A_1266 : i32 to index
        %get3A_1268 = tpu.vector_load %arg18[%get3A_1267] {strides = array<i32>} : memref<2560xf32, #tpu.memory_space<vmem>>, vector<16xf32>,
        %eq3A_1269 = arith.constant 1.000000e+30 : f32
        %eq3A_1270 = vector.broadcast %eq3A_1269 : f32 to vector<16xf32>
        %eq3A_1271 = arith.cmpf oeq, %get3A_1268, %eq3A_1270 : vector<16xf32>
        %select_n3A_1272 = arith.select %eq3A_1271, %select_n3A_1262, %get3A_1268 : vector<16xi1>, vector<16xf32>
        %mul3A_1273 = arith.constant 16 : i32
        %mul3A_1274 = arith.muli %scan3A_1201, %mul3A_1273 : i32
        %add3A_1275 = arith.constant 1120 : i32
        %add3A_1276 = arith.addi %add3A_1275, %mul3A_1274 : i32
        %get3A_1277 = arith.index_cast %add3A_1276 : i32 to index
        %get3A_1278 = tpu.vector_load %arg18[%get3A_1277] {strides = array<i32>} : memref<2560xf32, #tpu.memory_space<vmem>>, vector<16xf32>,
        %eq3A_1279 = arith.constant 1.000000e+30 : f32
        %eq3A_1280 = vector.broadcast %eq3A_1279 : f32 to vector<16xf32>
        %eq3A_1281 = arith.cmpf oeq, %get3A_1278, %eq3A_1280 : vector<16xf32>
        %select_n3A_1282 = arith.select %eq3A_1281, %select_n3A_1272, %get3A_1278 : vector<16xi1>, vector<16xf32>
        %mul3A_1283 = arith.constant 16 : i32
        %mul3A_1284 = arith.muli %scan3A_1201, %mul3A_1283 : i32
        %add3A_1285 = arith.constant 1280 : i32
        %add3A_1286 = arith.addi %add3A_1285, %mul3A_1284 : i32
        %get3A_1287 = arith.index_cast %add3A_1286 : i32 to index
        %get3A_1288 = tpu.vector_load %arg18[%get3A_1287] {strides = array<i32>} : memref<2560xf32, #tpu.memory_space<vmem>>, vector<16xf32>,
        %eq3A_1289 = arith.constant 1.000000e+30 : f32
        %eq3A_1290 = vector.broadcast %eq3A_1289 : f32 to vector<16xf32>
        %eq3A_1291 = arith.cmpf oeq, %get3A_1288, %eq3A_1290 : vector<16xf32>
        %select_n3A_1292 = arith.select %eq3A_1291, %select_n3A_1282, %get3A_1288 : vector<16xi1>, vector<16xf32>
        %mul3A_1293 = arith.constant 16 : i32
        %mul3A_1294 = arith.muli %scan3A_1201, %mul3A_1293 : i32
        %add3A_1295 = arith.constant 1440 : i32
        %add3A_1296 = arith.addi %add3A_1295, %mul3A_1294 : i32
        %get3A_1297 = arith.index_cast %add3A_1296 : i32 to index
        %get3A_1298 = tpu.vector_load %arg18[%get3A_1297] {strides = array<i32>} : memref<2560xf32, #tpu.memory_space<vmem>>, vector<16xf32>,
        %eq3A_1299 = arith.constant 1.000000e+30 : f32
        %eq3A_1300 = vector.broadcast %eq3A_1299 : f32 to vector<16xf32>
        %eq3A_1301 = arith.cmpf oeq, %get3A_1298, %eq3A_1300 : vector<16xf32>
        %select_n3A_1302 = arith.select %eq3A_1301, %select_n3A_1292, %get3A_1298 : vector<16xi1>, vector<16xf32>
        %mul3A_1303 = arith.constant 16 : i32
        %mul3A_1304 = arith.muli %scan3A_1201, %mul3A_1303 : i32
        %add3A_1305 = arith.constant 1600 : i32
        %add3A_1306 = arith.addi %add3A_1305, %mul3A_1304 : i32
        %get3A_1307 = arith.index_cast %add3A_1306 : i32 to index
        %get3A_1308 = tpu.vector_load %arg18[%get3A_1307] {strides = array<i32>} : memref<2560xf32, #tpu.memory_space<vmem>>, vector<16xf32>,
        %eq3A_1309 = arith.constant 1.000000e+30 : f32
        %eq3A_1310 = vector.broadcast %eq3A_1309 : f32 to vector<16xf32>
        %eq3A_1311 = arith.cmpf oeq, %get3A_1308, %eq3A_1310 : vector<16xf32>
        %select_n3A_1312 = arith.select %eq3A_1311, %select_n3A_1302, %get3A_1308 : vector<16xi1>, vector<16xf32>
        %mul3A_1313 = arith.constant 16 : i32
        %mul3A_1314 = arith.muli %scan3A_1201, %mul3A_1313 : i32
        %add3A_1315 = arith.constant 1760 : i32
        %add3A_1316 = arith.addi %add3A_1315, %mul3A_1314 : i32
        %get3A_1317 = arith.index_cast %add3A_1316 : i32 to index
        %get3A_1318 = tpu.vector_load %arg18[%get3A_1317] {strides = array<i32>} : memref<2560xf32, #tpu.memory_space<vmem>>, vector<16xf32>,
        %eq3A_1319 = arith.constant 1.000000e+30 : f32
        %eq3A_1320 = vector.broadcast %eq3A_1319 : f32 to vector<16xf32>
        %eq3A_1321 = arith.cmpf oeq, %get3A_1318, %eq3A_1320 : vector<16xf32>
        %select_n3A_1322 = arith.select %eq3A_1321, %select_n3A_1312, %get3A_1318 : vector<16xi1>, vector<16xf32>
        %mul3A_1323 = arith.constant 16 : i32
        %mul3A_1324 = arith.muli %scan3A_1201, %mul3A_1323 : i32
        %add3A_1325 = arith.constant 1920 : i32
        %add3A_1326 = arith.addi %add3A_1325, %mul3A_1324 : i32
        %get3A_1327 = arith.index_cast %add3A_1326 : i32 to index
        %get3A_1328 = tpu.vector_load %arg18[%get3A_1327] {strides = array<i32>} : memref<2560xf32, #tpu.memory_space<vmem>>, vector<16xf32>,
        %eq3A_1329 = arith.constant 1.000000e+30 : f32
        %eq3A_1330 = vector.broadcast %eq3A_1329 : f32 to vector<16xf32>
        %eq3A_1331 = arith.cmpf oeq, %get3A_1328, %eq3A_1330 : vector<16xf32>
        %select_n3A_1332 = arith.select %eq3A_1331, %select_n3A_1322, %get3A_1328 : vector<16xi1>, vector<16xf32>
        %mul3A_1333 = arith.constant 16 : i32
        %mul3A_1334 = arith.muli %scan3A_1201, %mul3A_1333 : i32
        %add3A_1335 = arith.constant 2080 : i32
        %add3A_1336 = arith.addi %add3A_1335, %mul3A_1334 : i32
        %get3A_1337 = arith.index_cast %add3A_1336 : i32 to index
        %get3A_1338 = tpu.vector_load %arg18[%get3A_1337] {strides = array<i32>} : memref<2560xf32, #tpu.memory_space<vmem>>, vector<16xf32>,
        %eq3A_1339 = arith.constant 1.000000e+30 : f32
        %eq3A_1340 = vector.broadcast %eq3A_1339 : f32 to vector<16xf32>
        %eq3A_1341 = arith.cmpf oeq, %get3A_1338, %eq3A_1340 : vector<16xf32>
        %select_n3A_1342 = arith.select %eq3A_1341, %select_n3A_1332, %get3A_1338 : vector<16xi1>, vector<16xf32>
        %mul3A_1343 = arith.constant 16 : i32
        %mul3A_1344 = arith.muli %scan3A_1201, %mul3A_1343 : i32
        %add3A_1345 = arith.constant 2240 : i32
        %add3A_1346 = arith.addi %add3A_1345, %mul3A_1344 : i32
        %get3A_1347 = arith.index_cast %add3A_1346 : i32 to index
        %get3A_1348 = tpu.vector_load %arg18[%get3A_1347] {strides = array<i32>} : memref<2560xf32, #tpu.memory_space<vmem>>, vector<16xf32>,
        %eq3A_1349 = arith.constant 1.000000e+30 : f32
        %eq3A_1350 = vector.broadcast %eq3A_1349 : f32 to vector<16xf32>
        %eq3A_1351 = arith.cmpf oeq, %get3A_1348, %eq3A_1350 : vector<16xf32>
        %select_n3A_1352 = arith.select %eq3A_1351, %select_n3A_1342, %get3A_1348 : vector<16xi1>, vector<16xf32>
        %mul3A_1353 = arith.constant 16 : i32
        %mul3A_1354 = arith.muli %scan3A_1201, %mul3A_1353 : i32
        %add3A_1355 = arith.constant 2400 : i32
        %add3A_1356 = arith.addi %add3A_1355, %mul3A_1354 : i32
        %get3A_1357 = arith.index_cast %add3A_1356 : i32 to index
        %get3A_1358 = tpu.vector_load %arg18[%get3A_1357] {strides = array<i32>} : memref<2560xf32, #tpu.memory_space<vmem>>, vector<16xf32>,
        %eq3A_1359 = arith.constant 1.000000e+30 : f32
        %eq3A_1360 = vector.broadcast %eq3A_1359 : f32 to vector<16xf32>
        %eq3A_1361 = arith.cmpf oeq, %get3A_1358, %eq3A_1360 : vector<16xf32>
        %select_n3A_1362 = arith.select %eq3A_1361, %select_n3A_1352, %get3A_1358 : vector<16xi1>, vector<16xf32>
        %mul3A_1363 = arith.constant 16 : i32
        %mul3A_1364 = arith.muli %scan3A_1201, %mul3A_1363 : i32
        %add3A_1365 = vector.broadcast %mul3A_1364 : i32 to vector<16xi32>
        %add3A_1366 = arith.addi %add3A_1365, %iota3A : vector<16xi32>
        %mul3A_1367 = arith.constant 40 : i32
        %mul3A_1368 = arith.muli %scan3A_720, %mul3A_1367 : i32
        %shift_right_arithmetic3A_1369 = arith.constant 2 : i32
        %shift_right_arithmetic3A_1370 = vector.broadcast %shift_right_arithmetic3A_1369 : i32 to vector<16xi32>
        %shift_right_arithmetic3A_1371 = arith.shrsi %add3A_1366, %shift_right_arithmetic3A_1370 : vector<16xi32>
        %add3A_1372 = vector.broadcast %mul3A_1368 : i32 to vector<16xi32>
        %add3A_1373 = arith.addi %add3A_1372, %shift_right_arithmetic3A_1371 : vector<16xi32>
        %mul3A_1374 = arith.constant 8 : i32
        %mul3A_1375 = vector.broadcast %mul3A_1374 : i32 to vector<16xi32>
        %mul3A_1376 = arith.muli %add3A_1373, %mul3A_1375 : vector<16xi32>
        %add3A_1377 = arith.constant 4 : i32
        %add3A_1378 = vector.broadcast %add3A_1377 : i32 to vector<16xi32>
        %add3A_1379 = arith.addi %mul3A_1376, %add3A_1378 : vector<16xi32>
        %and3A_1380 = arith.constant 3 : i32
        %and3A_1381 = vector.broadcast %and3A_1380 : i32 to vector<16xi32>
        %and3A_1382 = arith.andi %add3A_1366, %and3A_1381 : vector<16xi32>
        %add3A_1383 = arith.addi %add3A_1379, %and3A_1382 : vector<16xi32>
        tpu.vector_store_idx %arg16[%add3A_1383], %select_n3A_1362 : memref<5120xf32, #tpu.memory_space<vmem>>[vector<16xi32>], vector<16xf32>,
      }
      %scan3A_1199 = arith.constant 10 : i32
      %barrier3A_1200 = arith.constant 0 : index
      tpu.barrier barrier_id(%barrier3A_1200)
    }
    %scan3A_709 = arith.constant 16 : i32
    %eq3A_710 = arith.constant 0 : i32
    %eq3A_711 = arith.cmpi eq, %arg0, %eq3A_710 : i32
    %convert_element_type3A_712 = arith.extui %eq3A_711 : i1 to i32
    %cond3A_713 = arith.constant 0 : i32
    %cond3A_714 = arith.cmpi ne, %convert_element_type3A_712, %cond3A_713 : i32
    scf.if %cond3A_714 {
      %mul3A_720 = arith.constant 40 : i32
      %mul3A_721 = arith.muli %arg1, %mul3A_720 : i32
      %add3A_722 = arith.constant 0 : i32
      %add3A_723 = arith.addi %add3A_722, %mul3A_721 : i32
      %mul3A_724 = arith.constant 8 : i32
      %mul3A_725 = arith.muli %add3A_723, %mul3A_724 : i32
      %dma_start3A_726 = arith.constant 0 : i32
      %dma_start3A_727 = tpu.memref_slice %arg16[%dma_start3A_726] : memref<5120xf32, #tpu.memory_space<vmem>> -> memref<320xf32, #tpu.memory_space<vmem>>
      %dma_start3A_728 = tpu.memref_slice %arg9[%mul3A_725] : memref<81920xf32, #tpu.memory_space<hbm>> -> memref<320xf32, #tpu.memory_space<hbm>>
      %dma_start3A_729 = tpu.memref_slice %arg9[%mul3A_725] : memref<81920xf32, #tpu.memory_space<hbm>> -> memref<320xf32, #tpu.memory_space<hbm>>
      %dma_start3A_730 = arith.constant 0 : i32
      %dma_start3A_731 = tpu.memref_slice %arg16[%dma_start3A_730] : memref<5120xf32, #tpu.memory_space<vmem>> -> memref<320xf32, #tpu.memory_space<vmem>>
      tpu.enqueue_dma source(%dma_start3A_731 : memref<320xf32, #tpu.memory_space<vmem>>) target(%dma_start3A_729 : memref<320xf32, #tpu.memory_space<hbm>>) target_semaphore(%arg33 : memref<!tpu.dma_semaphore, #tpu.memory_space<semaphore_mem>>)
      %mul3A_732 = arith.constant 40 : i32
      %mul3A_733 = arith.muli %arg1, %mul3A_732 : i32
      %add3A_734 = arith.constant 640 : i32
      %add3A_735 = arith.addi %add3A_734, %mul3A_733 : i32
      %mul3A_736 = arith.constant 8 : i32
      %mul3A_737 = arith.muli %add3A_735, %mul3A_736 : i32
      %dma_start3A_738 = arith.constant 320 : i32
      %dma_start3A_739 = tpu.memref_slice %arg16[%dma_start3A_738] : memref<5120xf32, #tpu.memory_space<vmem>> -> memref<320xf32, #tpu.memory_space<vmem>>
      %dma_start3A_740 = tpu.memref_slice %arg9[%mul3A_737] : memref<81920xf32, #tpu.memory_space<hbm>> -> memref<320xf32, #tpu.memory_space<hbm>>
      %dma_start3A_741 = tpu.memref_slice %arg9[%mul3A_737] : memref<81920xf32, #tpu.memory_space<hbm>> -> memref<320xf32, #tpu.memory_space<hbm>>
      %dma_start3A_742 = arith.constant 320 : i32
      %dma_start3A_743 = tpu.memref_slice %arg16[%dma_start3A_742] : memref<5120xf32, #tpu.memory_space<vmem>> -> memref<320xf32, #tpu.memory_space<vmem>>
      tpu.enqueue_dma source(%dma_start3A_743 : memref<320xf32, #tpu.memory_space<vmem>>) target(%dma_start3A_741 : memref<320xf32, #tpu.memory_space<hbm>>) target_semaphore(%arg33 : memref<!tpu.dma_semaphore, #tpu.memory_space<semaphore_mem>>)
      %mul3A_744 = arith.constant 40 : i32
      %mul3A_745 = arith.muli %arg1, %mul3A_744 : i32
      %add3A_746 = arith.constant 1280 : i32
      %add3A_747 = arith.addi %add3A_746, %mul3A_745 : i32
      %mul3A_748 = arith.constant 8 : i32
      %mul3A_749 = arith.muli %add3A_747, %mul3A_748 : i32
      %dma_start3A_750 = arith.constant 640 : i32
      %dma_start3A_751 = tpu.memref_slice %arg16[%dma_start3A_750] : memref<5120xf32, #tpu.memory_space<vmem>> -> memref<320xf32, #tpu.memory_space<vmem>>
      %dma_start3A_752 = tpu.memref_slice %arg9[%mul3A_749] : memref<81920xf32, #tpu.memory_space<hbm>> -> memref<320xf32, #tpu.memory_space<hbm>>
      %dma_start3A_753 = tpu.memref_slice %arg9[%mul3A_749] : memref<81920xf32, #tpu.memory_space<hbm>> -> memref<320xf32, #tpu.memory_space<hbm>>
      %dma_start3A_754 = arith.constant 640 : i32
      %dma_start3A_755 = tpu.memref_slice %arg16[%dma_start3A_754] : memref<5120xf32, #tpu.memory_space<vmem>> -> memref<320xf32, #tpu.memory_space<vmem>>
      tpu.enqueue_dma source(%dma_start3A_755 : memref<320xf32, #tpu.memory_space<vmem>>) target(%dma_start3A_753 : memref<320xf32, #tpu.memory_space<hbm>>) target_semaphore(%arg33 : memref<!tpu.dma_semaphore, #tpu.memory_space<semaphore_mem>>)
      %mul3A_756 = arith.constant 40 : i32
      %mul3A_757 = arith.muli %arg1, %mul3A_756 : i32
      %add3A_758 = arith.constant 1920 : i32
      %add3A_759 = arith.addi %add3A_758, %mul3A_757 : i32
      %mul3A_760 = arith.constant 8 : i32
      %mul3A_761 = arith.muli %add3A_759, %mul3A_760 : i32
      %dma_start3A_762 = arith.constant 960 : i32
      %dma_start3A_763 = tpu.memref_slice %arg16[%dma_start3A_762] : memref<5120xf32, #tpu.memory_space<vmem>> -> memref<320xf32, #tpu.memory_space<vmem>>
      %dma_start3A_764 = tpu.memref_slice %arg9[%mul3A_761] : memref<81920xf32, #tpu.memory_space<hbm>> -> memref<320xf32, #tpu.memory_space<hbm>>
      %dma_start3A_765 = tpu.memref_slice %arg9[%mul3A_761] : memref<81920xf32, #tpu.memory_space<hbm>> -> memref<320xf32, #tpu.memory_space<hbm>>
      %dma_start3A_766 = arith.constant 960 : i32
      %dma_start3A_767 = tpu.memref_slice %arg16[%dma_start3A_766] : memref<5120xf32, #tpu.memory_space<vmem>> -> memref<320xf32, #tpu.memory_space<vmem>>
      tpu.enqueue_dma source(%dma_start3A_767 : memref<320xf32, #tpu.memory_space<vmem>>) target(%dma_start3A_765 : memref<320xf32, #tpu.memory_space<hbm>>) target_semaphore(%arg33 : memref<!tpu.dma_semaphore, #tpu.memory_space<semaphore_mem>>)
      %mul3A_768 = arith.constant 40 : i32
      %mul3A_769 = arith.muli %arg1, %mul3A_768 : i32
      %add3A_770 = arith.constant 2560 : i32
      %add3A_771 = arith.addi %add3A_770, %mul3A_769 : i32
      %mul3A_772 = arith.constant 8 : i32
      %mul3A_773 = arith.muli %add3A_771, %mul3A_772 : i32
      %dma_start3A_774 = arith.constant 1280 : i32
      %dma_start3A_775 = tpu.memref_slice %arg16[%dma_start3A_774] : memref<5120xf32, #tpu.memory_space<vmem>> -> memref<320xf32, #tpu.memory_space<vmem>>
      %dma_start3A_776 = tpu.memref_slice %arg9[%mul3A_773] : memref<81920xf32, #tpu.memory_space<hbm>> -> memref<320xf32, #tpu.memory_space<hbm>>
      %dma_start3A_777 = tpu.memref_slice %arg9[%mul3A_773] : memref<81920xf32, #tpu.memory_space<hbm>> -> memref<320xf32, #tpu.memory_space<hbm>>
      %dma_start3A_778 = arith.constant 1280 : i32
      %dma_start3A_779 = tpu.memref_slice %arg16[%dma_start3A_778] : memref<5120xf32, #tpu.memory_space<vmem>> -> memref<320xf32, #tpu.memory_space<vmem>>
      tpu.enqueue_dma source(%dma_start3A_779 : memref<320xf32, #tpu.memory_space<vmem>>) target(%dma_start3A_777 : memref<320xf32, #tpu.memory_space<hbm>>) target_semaphore(%arg33 : memref<!tpu.dma_semaphore, #tpu.memory_space<semaphore_mem>>)
      %mul3A_780 = arith.constant 40 : i32
      %mul3A_781 = arith.muli %arg1, %mul3A_780 : i32
      %add3A_782 = arith.constant 3200 : i32
      %add3A_783 = arith.addi %add3A_782, %mul3A_781 : i32
      %mul3A_784 = arith.constant 8 : i32
      %mul3A_785 = arith.muli %add3A_783, %mul3A_784 : i32
      %dma_start3A_786 = arith.constant 1600 : i32
      %dma_start3A_787 = tpu.memref_slice %arg16[%dma_start3A_786] : memref<5120xf32, #tpu.memory_space<vmem>> -> memref<320xf32, #tpu.memory_space<vmem>>
      %dma_start3A_788 = tpu.memref_slice %arg9[%mul3A_785] : memref<81920xf32, #tpu.memory_space<hbm>> -> memref<320xf32, #tpu.memory_space<hbm>>
      %dma_start3A_789 = tpu.memref_slice %arg9[%mul3A_785] : memref<81920xf32, #tpu.memory_space<hbm>> -> memref<320xf32, #tpu.memory_space<hbm>>
      %dma_start3A_790 = arith.constant 1600 : i32
      %dma_start3A_791 = tpu.memref_slice %arg16[%dma_start3A_790] : memref<5120xf32, #tpu.memory_space<vmem>> -> memref<320xf32, #tpu.memory_space<vmem>>
      tpu.enqueue_dma source(%dma_start3A_791 : memref<320xf32, #tpu.memory_space<vmem>>) target(%dma_start3A_789 : memref<320xf32, #tpu.memory_space<hbm>>) target_semaphore(%arg33 : memref<!tpu.dma_semaphore, #tpu.memory_space<semaphore_mem>>)
      %mul3A_792 = arith.constant 40 : i32
      %mul3A_793 = arith.muli %arg1, %mul3A_792 : i32
      %add3A_794 = arith.constant 3840 : i32
      %add3A_795 = arith.addi %add3A_794, %mul3A_793 : i32
      %mul3A_796 = arith.constant 8 : i32
      %mul3A_797 = arith.muli %add3A_795, %mul3A_796 : i32
      %dma_start3A_798 = arith.constant 1920 : i32
      %dma_start3A_799 = tpu.memref_slice %arg16[%dma_start3A_798] : memref<5120xf32, #tpu.memory_space<vmem>> -> memref<320xf32, #tpu.memory_space<vmem>>
      %dma_start3A_800 = tpu.memref_slice %arg9[%mul3A_797] : memref<81920xf32, #tpu.memory_space<hbm>> -> memref<320xf32, #tpu.memory_space<hbm>>
      %dma_start3A_801 = tpu.memref_slice %arg9[%mul3A_797] : memref<81920xf32, #tpu.memory_space<hbm>> -> memref<320xf32, #tpu.memory_space<hbm>>
      %dma_start3A_802 = arith.constant 1920 : i32
      %dma_start3A_803 = tpu.memref_slice %arg16[%dma_start3A_802] : memref<5120xf32, #tpu.memory_space<vmem>> -> memref<320xf32, #tpu.memory_space<vmem>>
      tpu.enqueue_dma source(%dma_start3A_803 : memref<320xf32, #tpu.memory_space<vmem>>) target(%dma_start3A_801 : memref<320xf32, #tpu.memory_space<hbm>>) target_semaphore(%arg33 : memref<!tpu.dma_semaphore, #tpu.memory_space<semaphore_mem>>)
      %mul3A_804 = arith.constant 40 : i32
      %mul3A_805 = arith.muli %arg1, %mul3A_804 : i32
      %add3A_806 = arith.constant 4480 : i32
      %add3A_807 = arith.addi %add3A_806, %mul3A_805 : i32
      %mul3A_808 = arith.constant 8 : i32
      %mul3A_809 = arith.muli %add3A_807, %mul3A_808 : i32
      %dma_start3A_810 = arith.constant 2240 : i32
      %dma_start3A_811 = tpu.memref_slice %arg16[%dma_start3A_810] : memref<5120xf32, #tpu.memory_space<vmem>> -> memref<320xf32, #tpu.memory_space<vmem>>
      %dma_start3A_812 = tpu.memref_slice %arg9[%mul3A_809] : memref<81920xf32, #tpu.memory_space<hbm>> -> memref<320xf32, #tpu.memory_space<hbm>>
      %dma_start3A_813 = tpu.memref_slice %arg9[%mul3A_809] : memref<81920xf32, #tpu.memory_space<hbm>> -> memref<320xf32, #tpu.memory_space<hbm>>
      %dma_start3A_814 = arith.constant 2240 : i32
      %dma_start3A_815 = tpu.memref_slice %arg16[%dma_start3A_814] : memref<5120xf32, #tpu.memory_space<vmem>> -> memref<320xf32, #tpu.memory_space<vmem>>
      tpu.enqueue_dma source(%dma_start3A_815 : memref<320xf32, #tpu.memory_space<vmem>>) target(%dma_start3A_813 : memref<320xf32, #tpu.memory_space<hbm>>) target_semaphore(%arg33 : memref<!tpu.dma_semaphore, #tpu.memory_space<semaphore_mem>>)
      %mul3A_816 = arith.constant 40 : i32
      %mul3A_817 = arith.muli %arg1, %mul3A_816 : i32
      %add3A_818 = arith.constant 5120 : i32
      %add3A_819 = arith.addi %add3A_818, %mul3A_817 : i32
      %mul3A_820 = arith.constant 8 : i32
      %mul3A_821 = arith.muli %add3A_819, %mul3A_820 : i32
      %dma_start3A_822 = arith.constant 2560 : i32
      %dma_start3A_823 = tpu.memref_slice %arg16[%dma_start3A_822] : memref<5120xf32, #tpu.memory_space<vmem>> -> memref<320xf32, #tpu.memory_space<vmem>>
      %dma_start3A_824 = tpu.memref_slice %arg9[%mul3A_821] : memref<81920xf32, #tpu.memory_space<hbm>> -> memref<320xf32, #tpu.memory_space<hbm>>
      %dma_start3A_825 = tpu.memref_slice %arg9[%mul3A_821] : memref<81920xf32, #tpu.memory_space<hbm>> -> memref<320xf32, #tpu.memory_space<hbm>>
      %dma_start3A_826 = arith.constant 2560 : i32
      %dma_start3A_827 = tpu.memref_slice %arg16[%dma_start3A_826] : memref<5120xf32, #tpu.memory_space<vmem>> -> memref<320xf32, #tpu.memory_space<vmem>>
      tpu.enqueue_dma source(%dma_start3A_827 : memref<320xf32, #tpu.memory_space<vmem>>) target(%dma_start3A_825 : memref<320xf32, #tpu.memory_space<hbm>>) target_semaphore(%arg33 : memref<!tpu.dma_semaphore, #tpu.memory_space<semaphore_mem>>)
      %mul3A_828 = arith.constant 40 : i32
      %mul3A_829 = arith.muli %arg1, %mul3A_828 : i32
      %add3A_830 = arith.constant 5760 : i32
      %add3A_831 = arith.addi %add3A_830, %mul3A_829 : i32
      %mul3A_832 = arith.constant 8 : i32
      %mul3A_833 = arith.muli %add3A_831, %mul3A_832 : i32
      %dma_start3A_834 = arith.constant 2880 : i32
      %dma_start3A_835 = tpu.memref_slice %arg16[%dma_start3A_834] : memref<5120xf32, #tpu.memory_space<vmem>> -> memref<320xf32, #tpu.memory_space<vmem>>
      %dma_start3A_836 = tpu.memref_slice %arg9[%mul3A_833] : memref<81920xf32, #tpu.memory_space<hbm>> -> memref<320xf32, #tpu.memory_space<hbm>>
      %dma_start3A_837 = tpu.memref_slice %arg9[%mul3A_833] : memref<81920xf32, #tpu.memory_space<hbm>> -> memref<320xf32, #tpu.memory_space<hbm>>
      %dma_start3A_838 = arith.constant 2880 : i32
      %dma_start3A_839 = tpu.memref_slice %arg16[%dma_start3A_838] : memref<5120xf32, #tpu.memory_space<vmem>> -> memref<320xf32, #tpu.memory_space<vmem>>
      tpu.enqueue_dma source(%dma_start3A_839 : memref<320xf32, #tpu.memory_space<vmem>>) target(%dma_start3A_837 : memref<320xf32, #tpu.memory_space<hbm>>) target_semaphore(%arg33 : memref<!tpu.dma_semaphore, #tpu.memory_space<semaphore_mem>>)
      %mul3A_840 = arith.constant 40 : i32
      %mul3A_841 = arith.muli %arg1, %mul3A_840 : i32
      %add3A_842 = arith.constant 6400 : i32
      %add3A_843 = arith.addi %add3A_842, %mul3A_841 : i32
      %mul3A_844 = arith.constant 8 : i32
      %mul3A_845 = arith.muli %add3A_843, %mul3A_844 : i32
      %dma_start3A_846 = arith.constant 3200 : i32
      %dma_start3A_847 = tpu.memref_slice %arg16[%dma_start3A_846] : memref<5120xf32, #tpu.memory_space<vmem>> -> memref<320xf32, #tpu.memory_space<vmem>>
      %dma_start3A_848 = tpu.memref_slice %arg9[%mul3A_845] : memref<81920xf32, #tpu.memory_space<hbm>> -> memref<320xf32, #tpu.memory_space<hbm>>
      %dma_start3A_849 = tpu.memref_slice %arg9[%mul3A_845] : memref<81920xf32, #tpu.memory_space<hbm>> -> memref<320xf32, #tpu.memory_space<hbm>>
      %dma_start3A_850 = arith.constant 3200 : i32
      %dma_start3A_851 = tpu.memref_slice %arg16[%dma_start3A_850] : memref<5120xf32, #tpu.memory_space<vmem>> -> memref<320xf32, #tpu.memory_space<vmem>>
      tpu.enqueue_dma source(%dma_start3A_851 : memref<320xf32, #tpu.memory_space<vmem>>) target(%dma_start3A_849 : memref<320xf32, #tpu.memory_space<hbm>>) target_semaphore(%arg33 : memref<!tpu.dma_semaphore, #tpu.memory_space<semaphore_mem>>)
      %mul3A_852 = arith.constant 40 : i32
      %mul3A_853 = arith.muli %arg1, %mul3A_852 : i32
      %add3A_854 = arith.constant 7040 : i32
      %add3A_855 = arith.addi %add3A_854, %mul3A_853 : i32
      %mul3A_856 = arith.constant 8 : i32
      %mul3A_857 = arith.muli %add3A_855, %mul3A_856 : i32
      %dma_start3A_858 = arith.constant 3520 : i32
      %dma_start3A_859 = tpu.memref_slice %arg16[%dma_start3A_858] : memref<5120xf32, #tpu.memory_space<vmem>> -> memref<320xf32, #tpu.memory_space<vmem>>
      %dma_start3A_860 = tpu.memref_slice %arg9[%mul3A_857] : memref<81920xf32, #tpu.memory_space<hbm>> -> memref<320xf32, #tpu.memory_space<hbm>>
      %dma_start3A_861 = tpu.memref_slice %arg9[%mul3A_857] : memref<81920xf32, #tpu.memory_space<hbm>> -> memref<320xf32, #tpu.memory_space<hbm>>
      %dma_start3A_862 = arith.constant 3520 : i32
      %dma_start3A_863 = tpu.memref_slice %arg16[%dma_start3A_862] : memref<5120xf32, #tpu.memory_space<vmem>> -> memref<320xf32, #tpu.memory_space<vmem>>
      tpu.enqueue_dma source(%dma_start3A_863 : memref<320xf32, #tpu.memory_space<vmem>>) target(%dma_start3A_861 : memref<320xf32, #tpu.memory_space<hbm>>) target_semaphore(%arg33 : memref<!tpu.dma_semaphore, #tpu.memory_space<semaphore_mem>>)
      %mul3A_864 = arith.constant 40 : i32
      %mul3A_865 = arith.muli %arg1, %mul3A_864 : i32
      %add3A_866 = arith.constant 7680 : i32
      %add3A_867 = arith.addi %add3A_866, %mul3A_865 : i32
      %mul3A_868 = arith.constant 8 : i32
      %mul3A_869 = arith.muli %add3A_867, %mul3A_868 : i32
      %dma_start3A_870 = arith.constant 3840 : i32
      %dma_start3A_871 = tpu.memref_slice %arg16[%dma_start3A_870] : memref<5120xf32, #tpu.memory_space<vmem>> -> memref<320xf32, #tpu.memory_space<vmem>>
      %dma_start3A_872 = tpu.memref_slice %arg9[%mul3A_869] : memref<81920xf32, #tpu.memory_space<hbm>> -> memref<320xf32, #tpu.memory_space<hbm>>
      %dma_start3A_873 = tpu.memref_slice %arg9[%mul3A_869] : memref<81920xf32, #tpu.memory_space<hbm>> -> memref<320xf32, #tpu.memory_space<hbm>>
      %dma_start3A_874 = arith.constant 3840 : i32
      %dma_start3A_875 = tpu.memref_slice %arg16[%dma_start3A_874] : memref<5120xf32, #tpu.memory_space<vmem>> -> memref<320xf32, #tpu.memory_space<vmem>>
      tpu.enqueue_dma source(%dma_start3A_875 : memref<320xf32, #tpu.memory_space<vmem>>) target(%dma_start3A_873 : memref<320xf32, #tpu.memory_space<hbm>>) target_semaphore(%arg33 : memref<!tpu.dma_semaphore, #tpu.memory_space<semaphore_mem>>)
      %mul3A_876 = arith.constant 40 : i32
      %mul3A_877 = arith.muli %arg1, %mul3A_876 : i32
      %add3A_878 = arith.constant 8320 : i32
      %add3A_879 = arith.addi %add3A_878, %mul3A_877 : i32
      %mul3A_880 = arith.constant 8 : i32
      %mul3A_881 = arith.muli %add3A_879, %mul3A_880 : i32
      %dma_start3A_882 = arith.constant 4160 : i32
      %dma_start3A_883 = tpu.memref_slice %arg16[%dma_start3A_882] : memref<5120xf32, #tpu.memory_space<vmem>> -> memref<320xf32, #tpu.memory_space<vmem>>
      %dma_start3A_884 = tpu.memref_slice %arg9[%mul3A_881] : memref<81920xf32, #tpu.memory_space<hbm>> -> memref<320xf32, #tpu.memory_space<hbm>>
      %dma_start3A_885 = tpu.memref_slice %arg9[%mul3A_881] : memref<81920xf32, #tpu.memory_space<hbm>> -> memref<320xf32, #tpu.memory_space<hbm>>
      %dma_start3A_886 = arith.constant 4160 : i32
      %dma_start3A_887 = tpu.memref_slice %arg16[%dma_start3A_886] : memref<5120xf32, #tpu.memory_space<vmem>> -> memref<320xf32, #tpu.memory_space<vmem>>
      tpu.enqueue_dma source(%dma_start3A_887 : memref<320xf32, #tpu.memory_space<vmem>>) target(%dma_start3A_885 : memref<320xf32, #tpu.memory_space<hbm>>) target_semaphore(%arg33 : memref<!tpu.dma_semaphore, #tpu.memory_space<semaphore_mem>>)
      %mul3A_888 = arith.constant 40 : i32
      %mul3A_889 = arith.muli %arg1, %mul3A_888 : i32
      %add3A_890 = arith.constant 8960 : i32
      %add3A_891 = arith.addi %add3A_890, %mul3A_889 : i32
      %mul3A_892 = arith.constant 8 : i32
      %mul3A_893 = arith.muli %add3A_891, %mul3A_892 : i32
      %dma_start3A_894 = arith.constant 4480 : i32
      %dma_start3A_895 = tpu.memref_slice %arg16[%dma_start3A_894] : memref<5120xf32, #tpu.memory_space<vmem>> -> memref<320xf32, #tpu.memory_space<vmem>>
      %dma_start3A_896 = tpu.memref_slice %arg9[%mul3A_893] : memref<81920xf32, #tpu.memory_space<hbm>> -> memref<320xf32, #tpu.memory_space<hbm>>
      %dma_start3A_897 = tpu.memref_slice %arg9[%mul3A_893] : memref<81920xf32, #tpu.memory_space<hbm>> -> memref<320xf32, #tpu.memory_space<hbm>>
      %dma_start3A_898 = arith.constant 4480 : i32
      %dma_start3A_899 = tpu.memref_slice %arg16[%dma_start3A_898] : memref<5120xf32, #tpu.memory_space<vmem>> -> memref<320xf32, #tpu.memory_space<vmem>>
      tpu.enqueue_dma source(%dma_start3A_899 : memref<320xf32, #tpu.memory_space<vmem>>) target(%dma_start3A_897 : memref<320xf32, #tpu.memory_space<hbm>>) target_semaphore(%arg33 : memref<!tpu.dma_semaphore, #tpu.memory_space<semaphore_mem>>)
      %mul3A_900 = arith.constant 40 : i32
      %mul3A_901 = arith.muli %arg1, %mul3A_900 : i32
      %add3A_902 = arith.constant 9600 : i32
      %add3A_903 = arith.addi %add3A_902, %mul3A_901 : i32
      %mul3A_904 = arith.constant 8 : i32
      %mul3A_905 = arith.muli %add3A_903, %mul3A_904 : i32
      %dma_start3A_906 = arith.constant 4800 : i32
      %dma_start3A_907 = tpu.memref_slice %arg16[%dma_start3A_906] : memref<5120xf32, #tpu.memory_space<vmem>> -> memref<320xf32, #tpu.memory_space<vmem>>
      %dma_start3A_908 = tpu.memref_slice %arg9[%mul3A_905] : memref<81920xf32, #tpu.memory_space<hbm>> -> memref<320xf32, #tpu.memory_space<hbm>>
      %dma_start3A_909 = tpu.memref_slice %arg9[%mul3A_905] : memref<81920xf32, #tpu.memory_space<hbm>> -> memref<320xf32, #tpu.memory_space<hbm>>
      %dma_start3A_910 = arith.constant 4800 : i32
      %dma_start3A_911 = tpu.memref_slice %arg16[%dma_start3A_910] : memref<5120xf32, #tpu.memory_space<vmem>> -> memref<320xf32, #tpu.memory_space<vmem>>
      tpu.enqueue_dma source(%dma_start3A_911 : memref<320xf32, #tpu.memory_space<vmem>>) target(%dma_start3A_909 : memref<320xf32, #tpu.memory_space<hbm>>) target_semaphore(%arg33 : memref<!tpu.dma_semaphore, #tpu.memory_space<semaphore_mem>>)
      %dma_wait3A_912 = arith.constant 0 : i32
      %dma_wait3A_913 = tpu.memref_slice %arg16[%dma_wait3A_912] : memref<5120xf32, #tpu.memory_space<vmem>> -> memref<320xf32, #tpu.memory_space<vmem>>
      %dma_wait3A_914 = tpu.memref_slice %arg9[%mul3A_725] : memref<81920xf32, #tpu.memory_space<hbm>> -> memref<320xf32, #tpu.memory_space<hbm>>
      %dma_wait3A_915 = tpu.memref_slice %arg9[%mul3A_725] : memref<81920xf32, #tpu.memory_space<hbm>> -> memref<320xf32, #tpu.memory_space<hbm>>
      %dma_wait3A_916 = arith.constant 0 : i32
      %dma_wait3A_917 = tpu.memref_slice %arg16[%dma_wait3A_916] : memref<5120xf32, #tpu.memory_space<vmem>> -> memref<320xf32, #tpu.memory_space<vmem>>
      tpu.wait_dma2 semaphore(%arg33 : memref<!tpu.dma_semaphore, #tpu.memory_space<semaphore_mem>>) src(%dma_wait3A_917 : memref<320xf32, #tpu.memory_space<vmem>>) dst(%dma_wait3A_915 : memref<320xf32, #tpu.memory_space<hbm>>)
      %dma_wait3A_918 = arith.constant 320 : i32
      %dma_wait3A_919 = tpu.memref_slice %arg16[%dma_wait3A_918] : memref<5120xf32, #tpu.memory_space<vmem>> -> memref<320xf32, #tpu.memory_space<vmem>>
      %dma_wait3A_920 = tpu.memref_slice %arg9[%mul3A_737] : memref<81920xf32, #tpu.memory_space<hbm>> -> memref<320xf32, #tpu.memory_space<hbm>>
      %dma_wait3A_921 = tpu.memref_slice %arg9[%mul3A_737] : memref<81920xf32, #tpu.memory_space<hbm>> -> memref<320xf32, #tpu.memory_space<hbm>>
      %dma_wait3A_922 = arith.constant 320 : i32
      %dma_wait3A_923 = tpu.memref_slice %arg16[%dma_wait3A_922] : memref<5120xf32, #tpu.memory_space<vmem>> -> memref<320xf32, #tpu.memory_space<vmem>>
      tpu.wait_dma2 semaphore(%arg33 : memref<!tpu.dma_semaphore, #tpu.memory_space<semaphore_mem>>) src(%dma_wait3A_923 : memref<320xf32, #tpu.memory_space<vmem>>) dst(%dma_wait3A_921 : memref<320xf32, #tpu.memory_space<hbm>>)
      %dma_wait3A_924 = arith.constant 640 : i32
      %dma_wait3A_925 = tpu.memref_slice %arg16[%dma_wait3A_924] : memref<5120xf32, #tpu.memory_space<vmem>> -> memref<320xf32, #tpu.memory_space<vmem>>
      %dma_wait3A_926 = tpu.memref_slice %arg9[%mul3A_749] : memref<81920xf32, #tpu.memory_space<hbm>> -> memref<320xf32, #tpu.memory_space<hbm>>
      %dma_wait3A_927 = tpu.memref_slice %arg9[%mul3A_749] : memref<81920xf32, #tpu.memory_space<hbm>> -> memref<320xf32, #tpu.memory_space<hbm>>
      %dma_wait3A_928 = arith.constant 640 : i32
      %dma_wait3A_929 = tpu.memref_slice %arg16[%dma_wait3A_928] : memref<5120xf32, #tpu.memory_space<vmem>> -> memref<320xf32, #tpu.memory_space<vmem>>
      tpu.wait_dma2 semaphore(%arg33 : memref<!tpu.dma_semaphore, #tpu.memory_space<semaphore_mem>>) src(%dma_wait3A_929 : memref<320xf32, #tpu.memory_space<vmem>>) dst(%dma_wait3A_927 : memref<320xf32, #tpu.memory_space<hbm>>)
      %dma_wait3A_930 = arith.constant 960 : i32
      %dma_wait3A_931 = tpu.memref_slice %arg16[%dma_wait3A_930] : memref<5120xf32, #tpu.memory_space<vmem>> -> memref<320xf32, #tpu.memory_space<vmem>>
      %dma_wait3A_932 = tpu.memref_slice %arg9[%mul3A_761] : memref<81920xf32, #tpu.memory_space<hbm>> -> memref<320xf32, #tpu.memory_space<hbm>>
      %dma_wait3A_933 = tpu.memref_slice %arg9[%mul3A_761] : memref<81920xf32, #tpu.memory_space<hbm>> -> memref<320xf32, #tpu.memory_space<hbm>>
      %dma_wait3A_934 = arith.constant 960 : i32
      %dma_wait3A_935 = tpu.memref_slice %arg16[%dma_wait3A_934] : memref<5120xf32, #tpu.memory_space<vmem>> -> memref<320xf32, #tpu.memory_space<vmem>>
      tpu.wait_dma2 semaphore(%arg33 : memref<!tpu.dma_semaphore, #tpu.memory_space<semaphore_mem>>) src(%dma_wait3A_935 : memref<320xf32, #tpu.memory_space<vmem>>) dst(%dma_wait3A_933 : memref<320xf32, #tpu.memory_space<hbm>>)
      %dma_wait3A_936 = arith.constant 1280 : i32
      %dma_wait3A_937 = tpu.memref_slice %arg16[%dma_wait3A_936] : memref<5120xf32, #tpu.memory_space<vmem>> -> memref<320xf32, #tpu.memory_space<vmem>>
      %dma_wait3A_938 = tpu.memref_slice %arg9[%mul3A_773] : memref<81920xf32, #tpu.memory_space<hbm>> -> memref<320xf32, #tpu.memory_space<hbm>>
      %dma_wait3A_939 = tpu.memref_slice %arg9[%mul3A_773] : memref<81920xf32, #tpu.memory_space<hbm>> -> memref<320xf32, #tpu.memory_space<hbm>>
      %dma_wait3A_940 = arith.constant 1280 : i32
      %dma_wait3A_941 = tpu.memref_slice %arg16[%dma_wait3A_940] : memref<5120xf32, #tpu.memory_space<vmem>> -> memref<320xf32, #tpu.memory_space<vmem>>
      tpu.wait_dma2 semaphore(%arg33 : memref<!tpu.dma_semaphore, #tpu.memory_space<semaphore_mem>>) src(%dma_wait3A_941 : memref<320xf32, #tpu.memory_space<vmem>>) dst(%dma_wait3A_939 : memref<320xf32, #tpu.memory_space<hbm>>)
      %dma_wait3A_942 = arith.constant 1600 : i32
      %dma_wait3A_943 = tpu.memref_slice %arg16[%dma_wait3A_942] : memref<5120xf32, #tpu.memory_space<vmem>> -> memref<320xf32, #tpu.memory_space<vmem>>
      %dma_wait3A_944 = tpu.memref_slice %arg9[%mul3A_785] : memref<81920xf32, #tpu.memory_space<hbm>> -> memref<320xf32, #tpu.memory_space<hbm>>
      %dma_wait3A_945 = tpu.memref_slice %arg9[%mul3A_785] : memref<81920xf32, #tpu.memory_space<hbm>> -> memref<320xf32, #tpu.memory_space<hbm>>
      %dma_wait3A_946 = arith.constant 1600 : i32
      %dma_wait3A_947 = tpu.memref_slice %arg16[%dma_wait3A_946] : memref<5120xf32, #tpu.memory_space<vmem>> -> memref<320xf32, #tpu.memory_space<vmem>>
      tpu.wait_dma2 semaphore(%arg33 : memref<!tpu.dma_semaphore, #tpu.memory_space<semaphore_mem>>) src(%dma_wait3A_947 : memref<320xf32, #tpu.memory_space<vmem>>) dst(%dma_wait3A_945 : memref<320xf32, #tpu.memory_space<hbm>>)
      %dma_wait3A_948 = arith.constant 1920 : i32
      %dma_wait3A_949 = tpu.memref_slice %arg16[%dma_wait3A_948] : memref<5120xf32, #tpu.memory_space<vmem>> -> memref<320xf32, #tpu.memory_space<vmem>>
      %dma_wait3A_950 = tpu.memref_slice %arg9[%mul3A_797] : memref<81920xf32, #tpu.memory_space<hbm>> -> memref<320xf32, #tpu.memory_space<hbm>>
      %dma_wait3A_951 = tpu.memref_slice %arg9[%mul3A_797] : memref<81920xf32, #tpu.memory_space<hbm>> -> memref<320xf32, #tpu.memory_space<hbm>>
      %dma_wait3A_952 = arith.constant 1920 : i32
      %dma_wait3A_953 = tpu.memref_slice %arg16[%dma_wait3A_952] : memref<5120xf32, #tpu.memory_space<vmem>> -> memref<320xf32, #tpu.memory_space<vmem>>
      tpu.wait_dma2 semaphore(%arg33 : memref<!tpu.dma_semaphore, #tpu.memory_space<semaphore_mem>>) src(%dma_wait3A_953 : memref<320xf32, #tpu.memory_space<vmem>>) dst(%dma_wait3A_951 : memref<320xf32, #tpu.memory_space<hbm>>)
      %dma_wait3A_954 = arith.constant 2240 : i32
      %dma_wait3A_955 = tpu.memref_slice %arg16[%dma_wait3A_954] : memref<5120xf32, #tpu.memory_space<vmem>> -> memref<320xf32, #tpu.memory_space<vmem>>
      %dma_wait3A_956 = tpu.memref_slice %arg9[%mul3A_809] : memref<81920xf32, #tpu.memory_space<hbm>> -> memref<320xf32, #tpu.memory_space<hbm>>
      %dma_wait3A_957 = tpu.memref_slice %arg9[%mul3A_809] : memref<81920xf32, #tpu.memory_space<hbm>> -> memref<320xf32, #tpu.memory_space<hbm>>
      %dma_wait3A_958 = arith.constant 2240 : i32
      %dma_wait3A_959 = tpu.memref_slice %arg16[%dma_wait3A_958] : memref<5120xf32, #tpu.memory_space<vmem>> -> memref<320xf32, #tpu.memory_space<vmem>>
      tpu.wait_dma2 semaphore(%arg33 : memref<!tpu.dma_semaphore, #tpu.memory_space<semaphore_mem>>) src(%dma_wait3A_959 : memref<320xf32, #tpu.memory_space<vmem>>) dst(%dma_wait3A_957 : memref<320xf32, #tpu.memory_space<hbm>>)
      %dma_wait3A_960 = arith.constant 2560 : i32
      %dma_wait3A_961 = tpu.memref_slice %arg16[%dma_wait3A_960] : memref<5120xf32, #tpu.memory_space<vmem>> -> memref<320xf32, #tpu.memory_space<vmem>>
      %dma_wait3A_962 = tpu.memref_slice %arg9[%mul3A_821] : memref<81920xf32, #tpu.memory_space<hbm>> -> memref<320xf32, #tpu.memory_space<hbm>>
      %dma_wait3A_963 = tpu.memref_slice %arg9[%mul3A_821] : memref<81920xf32, #tpu.memory_space<hbm>> -> memref<320xf32, #tpu.memory_space<hbm>>
      %dma_wait3A_964 = arith.constant 2560 : i32
      %dma_wait3A_965 = tpu.memref_slice %arg16[%dma_wait3A_964] : memref<5120xf32, #tpu.memory_space<vmem>> -> memref<320xf32, #tpu.memory_space<vmem>>
      tpu.wait_dma2 semaphore(%arg33 : memref<!tpu.dma_semaphore, #tpu.memory_space<semaphore_mem>>) src(%dma_wait3A_965 : memref<320xf32, #tpu.memory_space<vmem>>) dst(%dma_wait3A_963 : memref<320xf32, #tpu.memory_space<hbm>>)
      %dma_wait3A_966 = arith.constant 2880 : i32
      %dma_wait3A_967 = tpu.memref_slice %arg16[%dma_wait3A_966] : memref<5120xf32, #tpu.memory_space<vmem>> -> memref<320xf32, #tpu.memory_space<vmem>>
      %dma_wait3A_968 = tpu.memref_slice %arg9[%mul3A_833] : memref<81920xf32, #tpu.memory_space<hbm>> -> memref<320xf32, #tpu.memory_space<hbm>>
      %dma_wait3A_969 = tpu.memref_slice %arg9[%mul3A_833] : memref<81920xf32, #tpu.memory_space<hbm>> -> memref<320xf32, #tpu.memory_space<hbm>>
      %dma_wait3A_970 = arith.constant 2880 : i32
      %dma_wait3A_971 = tpu.memref_slice %arg16[%dma_wait3A_970] : memref<5120xf32, #tpu.memory_space<vmem>> -> memref<320xf32, #tpu.memory_space<vmem>>
      tpu.wait_dma2 semaphore(%arg33 : memref<!tpu.dma_semaphore, #tpu.memory_space<semaphore_mem>>) src(%dma_wait3A_971 : memref<320xf32, #tpu.memory_space<vmem>>) dst(%dma_wait3A_969 : memref<320xf32, #tpu.memory_space<hbm>>)
      %dma_wait3A_972 = arith.constant 3200 : i32
      %dma_wait3A_973 = tpu.memref_slice %arg16[%dma_wait3A_972] : memref<5120xf32, #tpu.memory_space<vmem>> -> memref<320xf32, #tpu.memory_space<vmem>>
      %dma_wait3A_974 = tpu.memref_slice %arg9[%mul3A_845] : memref<81920xf32, #tpu.memory_space<hbm>> -> memref<320xf32, #tpu.memory_space<hbm>>
      %dma_wait3A_975 = tpu.memref_slice %arg9[%mul3A_845] : memref<81920xf32, #tpu.memory_space<hbm>> -> memref<320xf32, #tpu.memory_space<hbm>>
      %dma_wait3A_976 = arith.constant 3200 : i32
      %dma_wait3A_977 = tpu.memref_slice %arg16[%dma_wait3A_976] : memref<5120xf32, #tpu.memory_space<vmem>> -> memref<320xf32, #tpu.memory_space<vmem>>
      tpu.wait_dma2 semaphore(%arg33 : memref<!tpu.dma_semaphore, #tpu.memory_space<semaphore_mem>>) src(%dma_wait3A_977 : memref<320xf32, #tpu.memory_space<vmem>>) dst(%dma_wait3A_975 : memref<320xf32, #tpu.memory_space<hbm>>)
      %dma_wait3A_978 = arith.constant 3520 : i32
      %dma_wait3A_979 = tpu.memref_slice %arg16[%dma_wait3A_978] : memref<5120xf32, #tpu.memory_space<vmem>> -> memref<320xf32, #tpu.memory_space<vmem>>
      %dma_wait3A_980 = tpu.memref_slice %arg9[%mul3A_857] : memref<81920xf32, #tpu.memory_space<hbm>> -> memref<320xf32, #tpu.memory_space<hbm>>
      %dma_wait3A_981 = tpu.memref_slice %arg9[%mul3A_857] : memref<81920xf32, #tpu.memory_space<hbm>> -> memref<320xf32, #tpu.memory_space<hbm>>
      %dma_wait3A_982 = arith.constant 3520 : i32
      %dma_wait3A_983 = tpu.memref_slice %arg16[%dma_wait3A_982] : memref<5120xf32, #tpu.memory_space<vmem>> -> memref<320xf32, #tpu.memory_space<vmem>>
      tpu.wait_dma2 semaphore(%arg33 : memref<!tpu.dma_semaphore, #tpu.memory_space<semaphore_mem>>) src(%dma_wait3A_983 : memref<320xf32, #tpu.memory_space<vmem>>) dst(%dma_wait3A_981 : memref<320xf32, #tpu.memory_space<hbm>>)
      %dma_wait3A_984 = arith.constant 3840 : i32
      %dma_wait3A_985 = tpu.memref_slice %arg16[%dma_wait3A_984] : memref<5120xf32, #tpu.memory_space<vmem>> -> memref<320xf32, #tpu.memory_space<vmem>>
      %dma_wait3A_986 = tpu.memref_slice %arg9[%mul3A_869] : memref<81920xf32, #tpu.memory_space<hbm>> -> memref<320xf32, #tpu.memory_space<hbm>>
      %dma_wait3A_987 = tpu.memref_slice %arg9[%mul3A_869] : memref<81920xf32, #tpu.memory_space<hbm>> -> memref<320xf32, #tpu.memory_space<hbm>>
      %dma_wait3A_988 = arith.constant 3840 : i32
      %dma_wait3A_989 = tpu.memref_slice %arg16[%dma_wait3A_988] : memref<5120xf32, #tpu.memory_space<vmem>> -> memref<320xf32, #tpu.memory_space<vmem>>
      tpu.wait_dma2 semaphore(%arg33 : memref<!tpu.dma_semaphore, #tpu.memory_space<semaphore_mem>>) src(%dma_wait3A_989 : memref<320xf32, #tpu.memory_space<vmem>>) dst(%dma_wait3A_987 : memref<320xf32, #tpu.memory_space<hbm>>)
      %dma_wait3A_990 = arith.constant 4160 : i32
      %dma_wait3A_991 = tpu.memref_slice %arg16[%dma_wait3A_990] : memref<5120xf32, #tpu.memory_space<vmem>> -> memref<320xf32, #tpu.memory_space<vmem>>
      %dma_wait3A_992 = tpu.memref_slice %arg9[%mul3A_881] : memref<81920xf32, #tpu.memory_space<hbm>> -> memref<320xf32, #tpu.memory_space<hbm>>
      %dma_wait3A_993 = tpu.memref_slice %arg9[%mul3A_881] : memref<81920xf32, #tpu.memory_space<hbm>> -> memref<320xf32, #tpu.memory_space<hbm>>
      %dma_wait3A_994 = arith.constant 4160 : i32
      %dma_wait3A_995 = tpu.memref_slice %arg16[%dma_wait3A_994] : memref<5120xf32, #tpu.memory_space<vmem>> -> memref<320xf32, #tpu.memory_space<vmem>>
      tpu.wait_dma2 semaphore(%arg33 : memref<!tpu.dma_semaphore, #tpu.memory_space<semaphore_mem>>) src(%dma_wait3A_995 : memref<320xf32, #tpu.memory_space<vmem>>) dst(%dma_wait3A_993 : memref<320xf32, #tpu.memory_space<hbm>>)
      %dma_wait3A_996 = arith.constant 4480 : i32
      %dma_wait3A_997 = tpu.memref_slice %arg16[%dma_wait3A_996] : memref<5120xf32, #tpu.memory_space<vmem>> -> memref<320xf32, #tpu.memory_space<vmem>>
      %dma_wait3A_998 = tpu.memref_slice %arg9[%mul3A_893] : memref<81920xf32, #tpu.memory_space<hbm>> -> memref<320xf32, #tpu.memory_space<hbm>>
      %dma_wait3A_999 = tpu.memref_slice %arg9[%mul3A_893] : memref<81920xf32, #tpu.memory_space<hbm>> -> memref<320xf32, #tpu.memory_space<hbm>>
      %dma_wait3A_1000 = arith.constant 4480 : i32
      %dma_wait3A_1001 = tpu.memref_slice %arg16[%dma_wait3A_1000] : memref<5120xf32, #tpu.memory_space<vmem>> -> memref<320xf32, #tpu.memory_space<vmem>>
      tpu.wait_dma2 semaphore(%arg33 : memref<!tpu.dma_semaphore, #tpu.memory_space<semaphore_mem>>) src(%dma_wait3A_1001 : memref<320xf32, #tpu.memory_space<vmem>>) dst(%dma_wait3A_999 : memref<320xf32, #tpu.memory_space<hbm>>)
      %dma_wait3A_1002 = arith.constant 4800 : i32
      %dma_wait3A_1003 = tpu.memref_slice %arg16[%dma_wait3A_1002] : memref<5120xf32, #tpu.memory_space<vmem>> -> memref<320xf32, #tpu.memory_space<vmem>>
      %dma_wait3A_1004 = tpu.memref_slice %arg9[%mul3A_905] : memref<81920xf32, #tpu.memory_space<hbm>> -> memref<320xf32, #tpu.memory_space<hbm>>
      %dma_wait3A_1005 = tpu.memref_slice %arg9[%mul3A_905] : memref<81920xf32, #tpu.memory_space<hbm>> -> memref<320xf32, #tpu.memory_space<hbm>>
      %dma_wait3A_1006 = arith.constant 4800 : i32
      %dma_wait3A_1007 = tpu.memref_slice %arg16[%dma_wait3A_1006] : memref<5120xf32, #tpu.memory_space<vmem>> -> memref<320xf32, #tpu.memory_space<vmem>>
      tpu.wait_dma2 semaphore(%arg33 : memref<!tpu.dma_semaphore, #tpu.memory_space<semaphore_mem>>) src(%dma_wait3A_1007 : memref<320xf32, #tpu.memory_space<vmem>>) dst(%dma_wait3A_1005 : memref<320xf32, #tpu.memory_space<hbm>>)
    } else {
    }
    %eq3A_715 = arith.constant 1 : i32
    %eq3A_716 = arith.cmpi eq, %arg0, %eq3A_715 : i32
    %convert_element_type3A_717 = arith.extui %eq3A_716 : i1 to i32
    %cond3A_718 = arith.constant 0 : i32
    %cond3A_719 = arith.cmpi ne, %convert_element_type3A_717, %cond3A_718 : i32
    scf.if %cond3A_719 {
      %mul3A_720 = arith.constant 40 : i32
      %mul3A_721 = arith.muli %arg1, %mul3A_720 : i32
      %add3A_722 = arith.constant 0 : i32
      %add3A_723 = arith.addi %add3A_722, %mul3A_721 : i32
      %mul3A_724 = arith.constant 8 : i32
      %mul3A_725 = arith.muli %add3A_723, %mul3A_724 : i32
      %dma_start3A_726 = arith.constant 0 : i32
      %dma_start3A_727 = tpu.memref_slice %arg16[%dma_start3A_726] : memref<5120xf32, #tpu.memory_space<vmem>> -> memref<320xf32, #tpu.memory_space<vmem>>
      %dma_start3A_728 = tpu.memref_slice %arg10[%mul3A_725] : memref<81920xf32, #tpu.memory_space<hbm>> -> memref<320xf32, #tpu.memory_space<hbm>>
      %dma_start3A_729 = tpu.memref_slice %arg10[%mul3A_725] : memref<81920xf32, #tpu.memory_space<hbm>> -> memref<320xf32, #tpu.memory_space<hbm>>
      %dma_start3A_730 = arith.constant 0 : i32
      %dma_start3A_731 = tpu.memref_slice %arg16[%dma_start3A_730] : memref<5120xf32, #tpu.memory_space<vmem>> -> memref<320xf32, #tpu.memory_space<vmem>>
      tpu.enqueue_dma source(%dma_start3A_731 : memref<320xf32, #tpu.memory_space<vmem>>) target(%dma_start3A_729 : memref<320xf32, #tpu.memory_space<hbm>>) target_semaphore(%arg33 : memref<!tpu.dma_semaphore, #tpu.memory_space<semaphore_mem>>)
      %mul3A_732 = arith.constant 40 : i32
      %mul3A_733 = arith.muli %arg1, %mul3A_732 : i32
      %add3A_734 = arith.constant 640 : i32
      %add3A_735 = arith.addi %add3A_734, %mul3A_733 : i32
      %mul3A_736 = arith.constant 8 : i32
      %mul3A_737 = arith.muli %add3A_735, %mul3A_736 : i32
      %dma_start3A_738 = arith.constant 320 : i32
      %dma_start3A_739 = tpu.memref_slice %arg16[%dma_start3A_738] : memref<5120xf32, #tpu.memory_space<vmem>> -> memref<320xf32, #tpu.memory_space<vmem>>
      %dma_start3A_740 = tpu.memref_slice %arg10[%mul3A_737] : memref<81920xf32, #tpu.memory_space<hbm>> -> memref<320xf32, #tpu.memory_space<hbm>>
      %dma_start3A_741 = tpu.memref_slice %arg10[%mul3A_737] : memref<81920xf32, #tpu.memory_space<hbm>> -> memref<320xf32, #tpu.memory_space<hbm>>
      %dma_start3A_742 = arith.constant 320 : i32
      %dma_start3A_743 = tpu.memref_slice %arg16[%dma_start3A_742] : memref<5120xf32, #tpu.memory_space<vmem>> -> memref<320xf32, #tpu.memory_space<vmem>>
      tpu.enqueue_dma source(%dma_start3A_743 : memref<320xf32, #tpu.memory_space<vmem>>) target(%dma_start3A_741 : memref<320xf32, #tpu.memory_space<hbm>>) target_semaphore(%arg33 : memref<!tpu.dma_semaphore, #tpu.memory_space<semaphore_mem>>)
      %mul3A_744 = arith.constant 40 : i32
      %mul3A_745 = arith.muli %arg1, %mul3A_744 : i32
      %add3A_746 = arith.constant 1280 : i32
      %add3A_747 = arith.addi %add3A_746, %mul3A_745 : i32
      %mul3A_748 = arith.constant 8 : i32
      %mul3A_749 = arith.muli %add3A_747, %mul3A_748 : i32
      %dma_start3A_750 = arith.constant 640 : i32
      %dma_start3A_751 = tpu.memref_slice %arg16[%dma_start3A_750] : memref<5120xf32, #tpu.memory_space<vmem>> -> memref<320xf32, #tpu.memory_space<vmem>>
      %dma_start3A_752 = tpu.memref_slice %arg10[%mul3A_749] : memref<81920xf32, #tpu.memory_space<hbm>> -> memref<320xf32, #tpu.memory_space<hbm>>
      %dma_start3A_753 = tpu.memref_slice %arg10[%mul3A_749] : memref<81920xf32, #tpu.memory_space<hbm>> -> memref<320xf32, #tpu.memory_space<hbm>>
      %dma_start3A_754 = arith.constant 640 : i32
      %dma_start3A_755 = tpu.memref_slice %arg16[%dma_start3A_754] : memref<5120xf32, #tpu.memory_space<vmem>> -> memref<320xf32, #tpu.memory_space<vmem>>
      tpu.enqueue_dma source(%dma_start3A_755 : memref<320xf32, #tpu.memory_space<vmem>>) target(%dma_start3A_753 : memref<320xf32, #tpu.memory_space<hbm>>) target_semaphore(%arg33 : memref<!tpu.dma_semaphore, #tpu.memory_space<semaphore_mem>>)
      %mul3A_756 = arith.constant 40 : i32
      %mul3A_757 = arith.muli %arg1, %mul3A_756 : i32
      %add3A_758 = arith.constant 1920 : i32
      %add3A_759 = arith.addi %add3A_758, %mul3A_757 : i32
      %mul3A_760 = arith.constant 8 : i32
      %mul3A_761 = arith.muli %add3A_759, %mul3A_760 : i32
      %dma_start3A_762 = arith.constant 960 : i32
      %dma_start3A_763 = tpu.memref_slice %arg16[%dma_start3A_762] : memref<5120xf32, #tpu.memory_space<vmem>> -> memref<320xf32, #tpu.memory_space<vmem>>
      %dma_start3A_764 = tpu.memref_slice %arg10[%mul3A_761] : memref<81920xf32, #tpu.memory_space<hbm>> -> memref<320xf32, #tpu.memory_space<hbm>>
      %dma_start3A_765 = tpu.memref_slice %arg10[%mul3A_761] : memref<81920xf32, #tpu.memory_space<hbm>> -> memref<320xf32, #tpu.memory_space<hbm>>
      %dma_start3A_766 = arith.constant 960 : i32
      %dma_start3A_767 = tpu.memref_slice %arg16[%dma_start3A_766] : memref<5120xf32, #tpu.memory_space<vmem>> -> memref<320xf32, #tpu.memory_space<vmem>>
      tpu.enqueue_dma source(%dma_start3A_767 : memref<320xf32, #tpu.memory_space<vmem>>) target(%dma_start3A_765 : memref<320xf32, #tpu.memory_space<hbm>>) target_semaphore(%arg33 : memref<!tpu.dma_semaphore, #tpu.memory_space<semaphore_mem>>)
      %mul3A_768 = arith.constant 40 : i32
      %mul3A_769 = arith.muli %arg1, %mul3A_768 : i32
      %add3A_770 = arith.constant 2560 : i32
      %add3A_771 = arith.addi %add3A_770, %mul3A_769 : i32
      %mul3A_772 = arith.constant 8 : i32
      %mul3A_773 = arith.muli %add3A_771, %mul3A_772 : i32
      %dma_start3A_774 = arith.constant 1280 : i32
      %dma_start3A_775 = tpu.memref_slice %arg16[%dma_start3A_774] : memref<5120xf32, #tpu.memory_space<vmem>> -> memref<320xf32, #tpu.memory_space<vmem>>
      %dma_start3A_776 = tpu.memref_slice %arg10[%mul3A_773] : memref<81920xf32, #tpu.memory_space<hbm>> -> memref<320xf32, #tpu.memory_space<hbm>>
      %dma_start3A_777 = tpu.memref_slice %arg10[%mul3A_773] : memref<81920xf32, #tpu.memory_space<hbm>> -> memref<320xf32, #tpu.memory_space<hbm>>
      %dma_start3A_778 = arith.constant 1280 : i32
      %dma_start3A_779 = tpu.memref_slice %arg16[%dma_start3A_778] : memref<5120xf32, #tpu.memory_space<vmem>> -> memref<320xf32, #tpu.memory_space<vmem>>
      tpu.enqueue_dma source(%dma_start3A_779 : memref<320xf32, #tpu.memory_space<vmem>>) target(%dma_start3A_777 : memref<320xf32, #tpu.memory_space<hbm>>) target_semaphore(%arg33 : memref<!tpu.dma_semaphore, #tpu.memory_space<semaphore_mem>>)
      %mul3A_780 = arith.constant 40 : i32
      %mul3A_781 = arith.muli %arg1, %mul3A_780 : i32
      %add3A_782 = arith.constant 3200 : i32
      %add3A_783 = arith.addi %add3A_782, %mul3A_781 : i32
      %mul3A_784 = arith.constant 8 : i32
      %mul3A_785 = arith.muli %add3A_783, %mul3A_784 : i32
      %dma_start3A_786 = arith.constant 1600 : i32
      %dma_start3A_787 = tpu.memref_slice %arg16[%dma_start3A_786] : memref<5120xf32, #tpu.memory_space<vmem>> -> memref<320xf32, #tpu.memory_space<vmem>>
      %dma_start3A_788 = tpu.memref_slice %arg10[%mul3A_785] : memref<81920xf32, #tpu.memory_space<hbm>> -> memref<320xf32, #tpu.memory_space<hbm>>
      %dma_start3A_789 = tpu.memref_slice %arg10[%mul3A_785] : memref<81920xf32, #tpu.memory_space<hbm>> -> memref<320xf32, #tpu.memory_space<hbm>>
      %dma_start3A_790 = arith.constant 1600 : i32
      %dma_start3A_791 = tpu.memref_slice %arg16[%dma_start3A_790] : memref<5120xf32, #tpu.memory_space<vmem>> -> memref<320xf32, #tpu.memory_space<vmem>>
      tpu.enqueue_dma source(%dma_start3A_791 : memref<320xf32, #tpu.memory_space<vmem>>) target(%dma_start3A_789 : memref<320xf32, #tpu.memory_space<hbm>>) target_semaphore(%arg33 : memref<!tpu.dma_semaphore, #tpu.memory_space<semaphore_mem>>)
      %mul3A_792 = arith.constant 40 : i32
      %mul3A_793 = arith.muli %arg1, %mul3A_792 : i32
      %add3A_794 = arith.constant 3840 : i32
      %add3A_795 = arith.addi %add3A_794, %mul3A_793 : i32
      %mul3A_796 = arith.constant 8 : i32
      %mul3A_797 = arith.muli %add3A_795, %mul3A_796 : i32
      %dma_start3A_798 = arith.constant 1920 : i32
      %dma_start3A_799 = tpu.memref_slice %arg16[%dma_start3A_798] : memref<5120xf32, #tpu.memory_space<vmem>> -> memref<320xf32, #tpu.memory_space<vmem>>
      %dma_start3A_800 = tpu.memref_slice %arg10[%mul3A_797] : memref<81920xf32, #tpu.memory_space<hbm>> -> memref<320xf32, #tpu.memory_space<hbm>>
      %dma_start3A_801 = tpu.memref_slice %arg10[%mul3A_797] : memref<81920xf32, #tpu.memory_space<hbm>> -> memref<320xf32, #tpu.memory_space<hbm>>
      %dma_start3A_802 = arith.constant 1920 : i32
      %dma_start3A_803 = tpu.memref_slice %arg16[%dma_start3A_802] : memref<5120xf32, #tpu.memory_space<vmem>> -> memref<320xf32, #tpu.memory_space<vmem>>
      tpu.enqueue_dma source(%dma_start3A_803 : memref<320xf32, #tpu.memory_space<vmem>>) target(%dma_start3A_801 : memref<320xf32, #tpu.memory_space<hbm>>) target_semaphore(%arg33 : memref<!tpu.dma_semaphore, #tpu.memory_space<semaphore_mem>>)
      %mul3A_804 = arith.constant 40 : i32
      %mul3A_805 = arith.muli %arg1, %mul3A_804 : i32
      %add3A_806 = arith.constant 4480 : i32
      %add3A_807 = arith.addi %add3A_806, %mul3A_805 : i32
      %mul3A_808 = arith.constant 8 : i32
      %mul3A_809 = arith.muli %add3A_807, %mul3A_808 : i32
      %dma_start3A_810 = arith.constant 2240 : i32
      %dma_start3A_811 = tpu.memref_slice %arg16[%dma_start3A_810] : memref<5120xf32, #tpu.memory_space<vmem>> -> memref<320xf32, #tpu.memory_space<vmem>>
      %dma_start3A_812 = tpu.memref_slice %arg10[%mul3A_809] : memref<81920xf32, #tpu.memory_space<hbm>> -> memref<320xf32, #tpu.memory_space<hbm>>
      %dma_start3A_813 = tpu.memref_slice %arg10[%mul3A_809] : memref<81920xf32, #tpu.memory_space<hbm>> -> memref<320xf32, #tpu.memory_space<hbm>>
      %dma_start3A_814 = arith.constant 2240 : i32
      %dma_start3A_815 = tpu.memref_slice %arg16[%dma_start3A_814] : memref<5120xf32, #tpu.memory_space<vmem>> -> memref<320xf32, #tpu.memory_space<vmem>>
      tpu.enqueue_dma source(%dma_start3A_815 : memref<320xf32, #tpu.memory_space<vmem>>) target(%dma_start3A_813 : memref<320xf32, #tpu.memory_space<hbm>>) target_semaphore(%arg33 : memref<!tpu.dma_semaphore, #tpu.memory_space<semaphore_mem>>)
      %mul3A_816 = arith.constant 40 : i32
      %mul3A_817 = arith.muli %arg1, %mul3A_816 : i32
      %add3A_818 = arith.constant 5120 : i32
      %add3A_819 = arith.addi %add3A_818, %mul3A_817 : i32
      %mul3A_820 = arith.constant 8 : i32
      %mul3A_821 = arith.muli %add3A_819, %mul3A_820 : i32
      %dma_start3A_822 = arith.constant 2560 : i32
      %dma_start3A_823 = tpu.memref_slice %arg16[%dma_start3A_822] : memref<5120xf32, #tpu.memory_space<vmem>> -> memref<320xf32, #tpu.memory_space<vmem>>
      %dma_start3A_824 = tpu.memref_slice %arg10[%mul3A_821] : memref<81920xf32, #tpu.memory_space<hbm>> -> memref<320xf32, #tpu.memory_space<hbm>>
      %dma_start3A_825 = tpu.memref_slice %arg10[%mul3A_821] : memref<81920xf32, #tpu.memory_space<hbm>> -> memref<320xf32, #tpu.memory_space<hbm>>
      %dma_start3A_826 = arith.constant 2560 : i32
      %dma_start3A_827 = tpu.memref_slice %arg16[%dma_start3A_826] : memref<5120xf32, #tpu.memory_space<vmem>> -> memref<320xf32, #tpu.memory_space<vmem>>
      tpu.enqueue_dma source(%dma_start3A_827 : memref<320xf32, #tpu.memory_space<vmem>>) target(%dma_start3A_825 : memref<320xf32, #tpu.memory_space<hbm>>) target_semaphore(%arg33 : memref<!tpu.dma_semaphore, #tpu.memory_space<semaphore_mem>>)
      %mul3A_828 = arith.constant 40 : i32
      %mul3A_829 = arith.muli %arg1, %mul3A_828 : i32
      %add3A_830 = arith.constant 5760 : i32
      %add3A_831 = arith.addi %add3A_830, %mul3A_829 : i32
      %mul3A_832 = arith.constant 8 : i32
      %mul3A_833 = arith.muli %add3A_831, %mul3A_832 : i32
      %dma_start3A_834 = arith.constant 2880 : i32
      %dma_start3A_835 = tpu.memref_slice %arg16[%dma_start3A_834] : memref<5120xf32, #tpu.memory_space<vmem>> -> memref<320xf32, #tpu.memory_space<vmem>>
      %dma_start3A_836 = tpu.memref_slice %arg10[%mul3A_833] : memref<81920xf32, #tpu.memory_space<hbm>> -> memref<320xf32, #tpu.memory_space<hbm>>
      %dma_start3A_837 = tpu.memref_slice %arg10[%mul3A_833] : memref<81920xf32, #tpu.memory_space<hbm>> -> memref<320xf32, #tpu.memory_space<hbm>>
      %dma_start3A_838 = arith.constant 2880 : i32
      %dma_start3A_839 = tpu.memref_slice %arg16[%dma_start3A_838] : memref<5120xf32, #tpu.memory_space<vmem>> -> memref<320xf32, #tpu.memory_space<vmem>>
      tpu.enqueue_dma source(%dma_start3A_839 : memref<320xf32, #tpu.memory_space<vmem>>) target(%dma_start3A_837 : memref<320xf32, #tpu.memory_space<hbm>>) target_semaphore(%arg33 : memref<!tpu.dma_semaphore, #tpu.memory_space<semaphore_mem>>)
      %mul3A_840 = arith.constant 40 : i32
      %mul3A_841 = arith.muli %arg1, %mul3A_840 : i32
      %add3A_842 = arith.constant 6400 : i32
      %add3A_843 = arith.addi %add3A_842, %mul3A_841 : i32
      %mul3A_844 = arith.constant 8 : i32
      %mul3A_845 = arith.muli %add3A_843, %mul3A_844 : i32
      %dma_start3A_846 = arith.constant 3200 : i32
      %dma_start3A_847 = tpu.memref_slice %arg16[%dma_start3A_846] : memref<5120xf32, #tpu.memory_space<vmem>> -> memref<320xf32, #tpu.memory_space<vmem>>
      %dma_start3A_848 = tpu.memref_slice %arg10[%mul3A_845] : memref<81920xf32, #tpu.memory_space<hbm>> -> memref<320xf32, #tpu.memory_space<hbm>>
      %dma_start3A_849 = tpu.memref_slice %arg10[%mul3A_845] : memref<81920xf32, #tpu.memory_space<hbm>> -> memref<320xf32, #tpu.memory_space<hbm>>
      %dma_start3A_850 = arith.constant 3200 : i32
      %dma_start3A_851 = tpu.memref_slice %arg16[%dma_start3A_850] : memref<5120xf32, #tpu.memory_space<vmem>> -> memref<320xf32, #tpu.memory_space<vmem>>
      tpu.enqueue_dma source(%dma_start3A_851 : memref<320xf32, #tpu.memory_space<vmem>>) target(%dma_start3A_849 : memref<320xf32, #tpu.memory_space<hbm>>) target_semaphore(%arg33 : memref<!tpu.dma_semaphore, #tpu.memory_space<semaphore_mem>>)
      %mul3A_852 = arith.constant 40 : i32
      %mul3A_853 = arith.muli %arg1, %mul3A_852 : i32
      %add3A_854 = arith.constant 7040 : i32
      %add3A_855 = arith.addi %add3A_854, %mul3A_853 : i32
      %mul3A_856 = arith.constant 8 : i32
      %mul3A_857 = arith.muli %add3A_855, %mul3A_856 : i32
      %dma_start3A_858 = arith.constant 3520 : i32
      %dma_start3A_859 = tpu.memref_slice %arg16[%dma_start3A_858] : memref<5120xf32, #tpu.memory_space<vmem>> -> memref<320xf32, #tpu.memory_space<vmem>>
      %dma_start3A_860 = tpu.memref_slice %arg10[%mul3A_857] : memref<81920xf32, #tpu.memory_space<hbm>> -> memref<320xf32, #tpu.memory_space<hbm>>
      %dma_start3A_861 = tpu.memref_slice %arg10[%mul3A_857] : memref<81920xf32, #tpu.memory_space<hbm>> -> memref<320xf32, #tpu.memory_space<hbm>>
      %dma_start3A_862 = arith.constant 3520 : i32
      %dma_start3A_863 = tpu.memref_slice %arg16[%dma_start3A_862] : memref<5120xf32, #tpu.memory_space<vmem>> -> memref<320xf32, #tpu.memory_space<vmem>>
      tpu.enqueue_dma source(%dma_start3A_863 : memref<320xf32, #tpu.memory_space<vmem>>) target(%dma_start3A_861 : memref<320xf32, #tpu.memory_space<hbm>>) target_semaphore(%arg33 : memref<!tpu.dma_semaphore, #tpu.memory_space<semaphore_mem>>)
      %mul3A_864 = arith.constant 40 : i32
      %mul3A_865 = arith.muli %arg1, %mul3A_864 : i32
      %add3A_866 = arith.constant 7680 : i32
      %add3A_867 = arith.addi %add3A_866, %mul3A_865 : i32
      %mul3A_868 = arith.constant 8 : i32
      %mul3A_869 = arith.muli %add3A_867, %mul3A_868 : i32
      %dma_start3A_870 = arith.constant 3840 : i32
      %dma_start3A_871 = tpu.memref_slice %arg16[%dma_start3A_870] : memref<5120xf32, #tpu.memory_space<vmem>> -> memref<320xf32, #tpu.memory_space<vmem>>
      %dma_start3A_872 = tpu.memref_slice %arg10[%mul3A_869] : memref<81920xf32, #tpu.memory_space<hbm>> -> memref<320xf32, #tpu.memory_space<hbm>>
      %dma_start3A_873 = tpu.memref_slice %arg10[%mul3A_869] : memref<81920xf32, #tpu.memory_space<hbm>> -> memref<320xf32, #tpu.memory_space<hbm>>
      %dma_start3A_874 = arith.constant 3840 : i32
      %dma_start3A_875 = tpu.memref_slice %arg16[%dma_start3A_874] : memref<5120xf32, #tpu.memory_space<vmem>> -> memref<320xf32, #tpu.memory_space<vmem>>
      tpu.enqueue_dma source(%dma_start3A_875 : memref<320xf32, #tpu.memory_space<vmem>>) target(%dma_start3A_873 : memref<320xf32, #tpu.memory_space<hbm>>) target_semaphore(%arg33 : memref<!tpu.dma_semaphore, #tpu.memory_space<semaphore_mem>>)
      %mul3A_876 = arith.constant 40 : i32
      %mul3A_877 = arith.muli %arg1, %mul3A_876 : i32
      %add3A_878 = arith.constant 8320 : i32
      %add3A_879 = arith.addi %add3A_878, %mul3A_877 : i32
      %mul3A_880 = arith.constant 8 : i32
      %mul3A_881 = arith.muli %add3A_879, %mul3A_880 : i32
      %dma_start3A_882 = arith.constant 4160 : i32
      %dma_start3A_883 = tpu.memref_slice %arg16[%dma_start3A_882] : memref<5120xf32, #tpu.memory_space<vmem>> -> memref<320xf32, #tpu.memory_space<vmem>>
      %dma_start3A_884 = tpu.memref_slice %arg10[%mul3A_881] : memref<81920xf32, #tpu.memory_space<hbm>> -> memref<320xf32, #tpu.memory_space<hbm>>
      %dma_start3A_885 = tpu.memref_slice %arg10[%mul3A_881] : memref<81920xf32, #tpu.memory_space<hbm>> -> memref<320xf32, #tpu.memory_space<hbm>>
      %dma_start3A_886 = arith.constant 4160 : i32
      %dma_start3A_887 = tpu.memref_slice %arg16[%dma_start3A_886] : memref<5120xf32, #tpu.memory_space<vmem>> -> memref<320xf32, #tpu.memory_space<vmem>>
      tpu.enqueue_dma source(%dma_start3A_887 : memref<320xf32, #tpu.memory_space<vmem>>) target(%dma_start3A_885 : memref<320xf32, #tpu.memory_space<hbm>>) target_semaphore(%arg33 : memref<!tpu.dma_semaphore, #tpu.memory_space<semaphore_mem>>)
      %mul3A_888 = arith.constant 40 : i32
      %mul3A_889 = arith.muli %arg1, %mul3A_888 : i32
      %add3A_890 = arith.constant 8960 : i32
      %add3A_891 = arith.addi %add3A_890, %mul3A_889 : i32
      %mul3A_892 = arith.constant 8 : i32
      %mul3A_893 = arith.muli %add3A_891, %mul3A_892 : i32
      %dma_start3A_894 = arith.constant 4480 : i32
      %dma_start3A_895 = tpu.memref_slice %arg16[%dma_start3A_894] : memref<5120xf32, #tpu.memory_space<vmem>> -> memref<320xf32, #tpu.memory_space<vmem>>
      %dma_start3A_896 = tpu.memref_slice %arg10[%mul3A_893] : memref<81920xf32, #tpu.memory_space<hbm>> -> memref<320xf32, #tpu.memory_space<hbm>>
      %dma_start3A_897 = tpu.memref_slice %arg10[%mul3A_893] : memref<81920xf32, #tpu.memory_space<hbm>> -> memref<320xf32, #tpu.memory_space<hbm>>
      %dma_start3A_898 = arith.constant 4480 : i32
      %dma_start3A_899 = tpu.memref_slice %arg16[%dma_start3A_898] : memref<5120xf32, #tpu.memory_space<vmem>> -> memref<320xf32, #tpu.memory_space<vmem>>
      tpu.enqueue_dma source(%dma_start3A_899 : memref<320xf32, #tpu.memory_space<vmem>>) target(%dma_start3A_897 : memref<320xf32, #tpu.memory_space<hbm>>) target_semaphore(%arg33 : memref<!tpu.dma_semaphore, #tpu.memory_space<semaphore_mem>>)
      %mul3A_900 = arith.constant 40 : i32
      %mul3A_901 = arith.muli %arg1, %mul3A_900 : i32
      %add3A_902 = arith.constant 9600 : i32
      %add3A_903 = arith.addi %add3A_902, %mul3A_901 : i32
      %mul3A_904 = arith.constant 8 : i32
      %mul3A_905 = arith.muli %add3A_903, %mul3A_904 : i32
      %dma_start3A_906 = arith.constant 4800 : i32
      %dma_start3A_907 = tpu.memref_slice %arg16[%dma_start3A_906] : memref<5120xf32, #tpu.memory_space<vmem>> -> memref<320xf32, #tpu.memory_space<vmem>>
      %dma_start3A_908 = tpu.memref_slice %arg10[%mul3A_905] : memref<81920xf32, #tpu.memory_space<hbm>> -> memref<320xf32, #tpu.memory_space<hbm>>
      %dma_start3A_909 = tpu.memref_slice %arg10[%mul3A_905] : memref<81920xf32, #tpu.memory_space<hbm>> -> memref<320xf32, #tpu.memory_space<hbm>>
      %dma_start3A_910 = arith.constant 4800 : i32
      %dma_start3A_911 = tpu.memref_slice %arg16[%dma_start3A_910] : memref<5120xf32, #tpu.memory_space<vmem>> -> memref<320xf32, #tpu.memory_space<vmem>>
      tpu.enqueue_dma source(%dma_start3A_911 : memref<320xf32, #tpu.memory_space<vmem>>) target(%dma_start3A_909 : memref<320xf32, #tpu.memory_space<hbm>>) target_semaphore(%arg33 : memref<!tpu.dma_semaphore, #tpu.memory_space<semaphore_mem>>)
      %dma_wait3A_912 = arith.constant 0 : i32
      %dma_wait3A_913 = tpu.memref_slice %arg16[%dma_wait3A_912] : memref<5120xf32, #tpu.memory_space<vmem>> -> memref<320xf32, #tpu.memory_space<vmem>>
      %dma_wait3A_914 = tpu.memref_slice %arg10[%mul3A_725] : memref<81920xf32, #tpu.memory_space<hbm>> -> memref<320xf32, #tpu.memory_space<hbm>>
      %dma_wait3A_915 = tpu.memref_slice %arg10[%mul3A_725] : memref<81920xf32, #tpu.memory_space<hbm>> -> memref<320xf32, #tpu.memory_space<hbm>>
      %dma_wait3A_916 = arith.constant 0 : i32
      %dma_wait3A_917 = tpu.memref_slice %arg16[%dma_wait3A_916] : memref<5120xf32, #tpu.memory_space<vmem>> -> memref<320xf32, #tpu.memory_space<vmem>>
      tpu.wait_dma2 semaphore(%arg33 : memref<!tpu.dma_semaphore, #tpu.memory_space<semaphore_mem>>) src(%dma_wait3A_917 : memref<320xf32, #tpu.memory_space<vmem>>) dst(%dma_wait3A_915 : memref<320xf32, #tpu.memory_space<hbm>>)
      %dma_wait3A_918 = arith.constant 320 : i32
      %dma_wait3A_919 = tpu.memref_slice %arg16[%dma_wait3A_918] : memref<5120xf32, #tpu.memory_space<vmem>> -> memref<320xf32, #tpu.memory_space<vmem>>
      %dma_wait3A_920 = tpu.memref_slice %arg10[%mul3A_737] : memref<81920xf32, #tpu.memory_space<hbm>> -> memref<320xf32, #tpu.memory_space<hbm>>
      %dma_wait3A_921 = tpu.memref_slice %arg10[%mul3A_737] : memref<81920xf32, #tpu.memory_space<hbm>> -> memref<320xf32, #tpu.memory_space<hbm>>
      %dma_wait3A_922 = arith.constant 320 : i32
      %dma_wait3A_923 = tpu.memref_slice %arg16[%dma_wait3A_922] : memref<5120xf32, #tpu.memory_space<vmem>> -> memref<320xf32, #tpu.memory_space<vmem>>
      tpu.wait_dma2 semaphore(%arg33 : memref<!tpu.dma_semaphore, #tpu.memory_space<semaphore_mem>>) src(%dma_wait3A_923 : memref<320xf32, #tpu.memory_space<vmem>>) dst(%dma_wait3A_921 : memref<320xf32, #tpu.memory_space<hbm>>)
      %dma_wait3A_924 = arith.constant 640 : i32
      %dma_wait3A_925 = tpu.memref_slice %arg16[%dma_wait3A_924] : memref<5120xf32, #tpu.memory_space<vmem>> -> memref<320xf32, #tpu.memory_space<vmem>>
      %dma_wait3A_926 = tpu.memref_slice %arg10[%mul3A_749] : memref<81920xf32, #tpu.memory_space<hbm>> -> memref<320xf32, #tpu.memory_space<hbm>>
      %dma_wait3A_927 = tpu.memref_slice %arg10[%mul3A_749] : memref<81920xf32, #tpu.memory_space<hbm>> -> memref<320xf32, #tpu.memory_space<hbm>>
      %dma_wait3A_928 = arith.constant 640 : i32
      %dma_wait3A_929 = tpu.memref_slice %arg16[%dma_wait3A_928] : memref<5120xf32, #tpu.memory_space<vmem>> -> memref<320xf32, #tpu.memory_space<vmem>>
      tpu.wait_dma2 semaphore(%arg33 : memref<!tpu.dma_semaphore, #tpu.memory_space<semaphore_mem>>) src(%dma_wait3A_929 : memref<320xf32, #tpu.memory_space<vmem>>) dst(%dma_wait3A_927 : memref<320xf32, #tpu.memory_space<hbm>>)
      %dma_wait3A_930 = arith.constant 960 : i32
      %dma_wait3A_931 = tpu.memref_slice %arg16[%dma_wait3A_930] : memref<5120xf32, #tpu.memory_space<vmem>> -> memref<320xf32, #tpu.memory_space<vmem>>
      %dma_wait3A_932 = tpu.memref_slice %arg10[%mul3A_761] : memref<81920xf32, #tpu.memory_space<hbm>> -> memref<320xf32, #tpu.memory_space<hbm>>
      %dma_wait3A_933 = tpu.memref_slice %arg10[%mul3A_761] : memref<81920xf32, #tpu.memory_space<hbm>> -> memref<320xf32, #tpu.memory_space<hbm>>
      %dma_wait3A_934 = arith.constant 960 : i32
      %dma_wait3A_935 = tpu.memref_slice %arg16[%dma_wait3A_934] : memref<5120xf32, #tpu.memory_space<vmem>> -> memref<320xf32, #tpu.memory_space<vmem>>
      tpu.wait_dma2 semaphore(%arg33 : memref<!tpu.dma_semaphore, #tpu.memory_space<semaphore_mem>>) src(%dma_wait3A_935 : memref<320xf32, #tpu.memory_space<vmem>>) dst(%dma_wait3A_933 : memref<320xf32, #tpu.memory_space<hbm>>)
      %dma_wait3A_936 = arith.constant 1280 : i32
      %dma_wait3A_937 = tpu.memref_slice %arg16[%dma_wait3A_936] : memref<5120xf32, #tpu.memory_space<vmem>> -> memref<320xf32, #tpu.memory_space<vmem>>
      %dma_wait3A_938 = tpu.memref_slice %arg10[%mul3A_773] : memref<81920xf32, #tpu.memory_space<hbm>> -> memref<320xf32, #tpu.memory_space<hbm>>
      %dma_wait3A_939 = tpu.memref_slice %arg10[%mul3A_773] : memref<81920xf32, #tpu.memory_space<hbm>> -> memref<320xf32, #tpu.memory_space<hbm>>
      %dma_wait3A_940 = arith.constant 1280 : i32
      %dma_wait3A_941 = tpu.memref_slice %arg16[%dma_wait3A_940] : memref<5120xf32, #tpu.memory_space<vmem>> -> memref<320xf32, #tpu.memory_space<vmem>>
      tpu.wait_dma2 semaphore(%arg33 : memref<!tpu.dma_semaphore, #tpu.memory_space<semaphore_mem>>) src(%dma_wait3A_941 : memref<320xf32, #tpu.memory_space<vmem>>) dst(%dma_wait3A_939 : memref<320xf32, #tpu.memory_space<hbm>>)
      %dma_wait3A_942 = arith.constant 1600 : i32
      %dma_wait3A_943 = tpu.memref_slice %arg16[%dma_wait3A_942] : memref<5120xf32, #tpu.memory_space<vmem>> -> memref<320xf32, #tpu.memory_space<vmem>>
      %dma_wait3A_944 = tpu.memref_slice %arg10[%mul3A_785] : memref<81920xf32, #tpu.memory_space<hbm>> -> memref<320xf32, #tpu.memory_space<hbm>>
      %dma_wait3A_945 = tpu.memref_slice %arg10[%mul3A_785] : memref<81920xf32, #tpu.memory_space<hbm>> -> memref<320xf32, #tpu.memory_space<hbm>>
      %dma_wait3A_946 = arith.constant 1600 : i32
      %dma_wait3A_947 = tpu.memref_slice %arg16[%dma_wait3A_946] : memref<5120xf32, #tpu.memory_space<vmem>> -> memref<320xf32, #tpu.memory_space<vmem>>
      tpu.wait_dma2 semaphore(%arg33 : memref<!tpu.dma_semaphore, #tpu.memory_space<semaphore_mem>>) src(%dma_wait3A_947 : memref<320xf32, #tpu.memory_space<vmem>>) dst(%dma_wait3A_945 : memref<320xf32, #tpu.memory_space<hbm>>)
      %dma_wait3A_948 = arith.constant 1920 : i32
      %dma_wait3A_949 = tpu.memref_slice %arg16[%dma_wait3A_948] : memref<5120xf32, #tpu.memory_space<vmem>> -> memref<320xf32, #tpu.memory_space<vmem>>
      %dma_wait3A_950 = tpu.memref_slice %arg10[%mul3A_797] : memref<81920xf32, #tpu.memory_space<hbm>> -> memref<320xf32, #tpu.memory_space<hbm>>
      %dma_wait3A_951 = tpu.memref_slice %arg10[%mul3A_797] : memref<81920xf32, #tpu.memory_space<hbm>> -> memref<320xf32, #tpu.memory_space<hbm>>
      %dma_wait3A_952 = arith.constant 1920 : i32
      %dma_wait3A_953 = tpu.memref_slice %arg16[%dma_wait3A_952] : memref<5120xf32, #tpu.memory_space<vmem>> -> memref<320xf32, #tpu.memory_space<vmem>>
      tpu.wait_dma2 semaphore(%arg33 : memref<!tpu.dma_semaphore, #tpu.memory_space<semaphore_mem>>) src(%dma_wait3A_953 : memref<320xf32, #tpu.memory_space<vmem>>) dst(%dma_wait3A_951 : memref<320xf32, #tpu.memory_space<hbm>>)
      %dma_wait3A_954 = arith.constant 2240 : i32
      %dma_wait3A_955 = tpu.memref_slice %arg16[%dma_wait3A_954] : memref<5120xf32, #tpu.memory_space<vmem>> -> memref<320xf32, #tpu.memory_space<vmem>>
      %dma_wait3A_956 = tpu.memref_slice %arg10[%mul3A_809] : memref<81920xf32, #tpu.memory_space<hbm>> -> memref<320xf32, #tpu.memory_space<hbm>>
      %dma_wait3A_957 = tpu.memref_slice %arg10[%mul3A_809] : memref<81920xf32, #tpu.memory_space<hbm>> -> memref<320xf32, #tpu.memory_space<hbm>>
      %dma_wait3A_958 = arith.constant 2240 : i32
      %dma_wait3A_959 = tpu.memref_slice %arg16[%dma_wait3A_958] : memref<5120xf32, #tpu.memory_space<vmem>> -> memref<320xf32, #tpu.memory_space<vmem>>
      tpu.wait_dma2 semaphore(%arg33 : memref<!tpu.dma_semaphore, #tpu.memory_space<semaphore_mem>>) src(%dma_wait3A_959 : memref<320xf32, #tpu.memory_space<vmem>>) dst(%dma_wait3A_957 : memref<320xf32, #tpu.memory_space<hbm>>)
      %dma_wait3A_960 = arith.constant 2560 : i32
      %dma_wait3A_961 = tpu.memref_slice %arg16[%dma_wait3A_960] : memref<5120xf32, #tpu.memory_space<vmem>> -> memref<320xf32, #tpu.memory_space<vmem>>
      %dma_wait3A_962 = tpu.memref_slice %arg10[%mul3A_821] : memref<81920xf32, #tpu.memory_space<hbm>> -> memref<320xf32, #tpu.memory_space<hbm>>
      %dma_wait3A_963 = tpu.memref_slice %arg10[%mul3A_821] : memref<81920xf32, #tpu.memory_space<hbm>> -> memref<320xf32, #tpu.memory_space<hbm>>
      %dma_wait3A_964 = arith.constant 2560 : i32
      %dma_wait3A_965 = tpu.memref_slice %arg16[%dma_wait3A_964] : memref<5120xf32, #tpu.memory_space<vmem>> -> memref<320xf32, #tpu.memory_space<vmem>>
      tpu.wait_dma2 semaphore(%arg33 : memref<!tpu.dma_semaphore, #tpu.memory_space<semaphore_mem>>) src(%dma_wait3A_965 : memref<320xf32, #tpu.memory_space<vmem>>) dst(%dma_wait3A_963 : memref<320xf32, #tpu.memory_space<hbm>>)
      %dma_wait3A_966 = arith.constant 2880 : i32
      %dma_wait3A_967 = tpu.memref_slice %arg16[%dma_wait3A_966] : memref<5120xf32, #tpu.memory_space<vmem>> -> memref<320xf32, #tpu.memory_space<vmem>>
      %dma_wait3A_968 = tpu.memref_slice %arg10[%mul3A_833] : memref<81920xf32, #tpu.memory_space<hbm>> -> memref<320xf32, #tpu.memory_space<hbm>>
      %dma_wait3A_969 = tpu.memref_slice %arg10[%mul3A_833] : memref<81920xf32, #tpu.memory_space<hbm>> -> memref<320xf32, #tpu.memory_space<hbm>>
      %dma_wait3A_970 = arith.constant 2880 : i32
      %dma_wait3A_971 = tpu.memref_slice %arg16[%dma_wait3A_970] : memref<5120xf32, #tpu.memory_space<vmem>> -> memref<320xf32, #tpu.memory_space<vmem>>
      tpu.wait_dma2 semaphore(%arg33 : memref<!tpu.dma_semaphore, #tpu.memory_space<semaphore_mem>>) src(%dma_wait3A_971 : memref<320xf32, #tpu.memory_space<vmem>>) dst(%dma_wait3A_969 : memref<320xf32, #tpu.memory_space<hbm>>)
      %dma_wait3A_972 = arith.constant 3200 : i32
      %dma_wait3A_973 = tpu.memref_slice %arg16[%dma_wait3A_972] : memref<5120xf32, #tpu.memory_space<vmem>> -> memref<320xf32, #tpu.memory_space<vmem>>
      %dma_wait3A_974 = tpu.memref_slice %arg10[%mul3A_845] : memref<81920xf32, #tpu.memory_space<hbm>> -> memref<320xf32, #tpu.memory_space<hbm>>
      %dma_wait3A_975 = tpu.memref_slice %arg10[%mul3A_845] : memref<81920xf32, #tpu.memory_space<hbm>> -> memref<320xf32, #tpu.memory_space<hbm>>
      %dma_wait3A_976 = arith.constant 3200 : i32
      %dma_wait3A_977 = tpu.memref_slice %arg16[%dma_wait3A_976] : memref<5120xf32, #tpu.memory_space<vmem>> -> memref<320xf32, #tpu.memory_space<vmem>>
      tpu.wait_dma2 semaphore(%arg33 : memref<!tpu.dma_semaphore, #tpu.memory_space<semaphore_mem>>) src(%dma_wait3A_977 : memref<320xf32, #tpu.memory_space<vmem>>) dst(%dma_wait3A_975 : memref<320xf32, #tpu.memory_space<hbm>>)
      %dma_wait3A_978 = arith.constant 3520 : i32
      %dma_wait3A_979 = tpu.memref_slice %arg16[%dma_wait3A_978] : memref<5120xf32, #tpu.memory_space<vmem>> -> memref<320xf32, #tpu.memory_space<vmem>>
      %dma_wait3A_980 = tpu.memref_slice %arg10[%mul3A_857] : memref<81920xf32, #tpu.memory_space<hbm>> -> memref<320xf32, #tpu.memory_space<hbm>>
      %dma_wait3A_981 = tpu.memref_slice %arg10[%mul3A_857] : memref<81920xf32, #tpu.memory_space<hbm>> -> memref<320xf32, #tpu.memory_space<hbm>>
      %dma_wait3A_982 = arith.constant 3520 : i32
      %dma_wait3A_983 = tpu.memref_slice %arg16[%dma_wait3A_982] : memref<5120xf32, #tpu.memory_space<vmem>> -> memref<320xf32, #tpu.memory_space<vmem>>
      tpu.wait_dma2 semaphore(%arg33 : memref<!tpu.dma_semaphore, #tpu.memory_space<semaphore_mem>>) src(%dma_wait3A_983 : memref<320xf32, #tpu.memory_space<vmem>>) dst(%dma_wait3A_981 : memref<320xf32, #tpu.memory_space<hbm>>)
      %dma_wait3A_984 = arith.constant 3840 : i32
      %dma_wait3A_985 = tpu.memref_slice %arg16[%dma_wait3A_984] : memref<5120xf32, #tpu.memory_space<vmem>> -> memref<320xf32, #tpu.memory_space<vmem>>
      %dma_wait3A_986 = tpu.memref_slice %arg10[%mul3A_869] : memref<81920xf32, #tpu.memory_space<hbm>> -> memref<320xf32, #tpu.memory_space<hbm>>
      %dma_wait3A_987 = tpu.memref_slice %arg10[%mul3A_869] : memref<81920xf32, #tpu.memory_space<hbm>> -> memref<320xf32, #tpu.memory_space<hbm>>
      %dma_wait3A_988 = arith.constant 3840 : i32
      %dma_wait3A_989 = tpu.memref_slice %arg16[%dma_wait3A_988] : memref<5120xf32, #tpu.memory_space<vmem>> -> memref<320xf32, #tpu.memory_space<vmem>>
      tpu.wait_dma2 semaphore(%arg33 : memref<!tpu.dma_semaphore, #tpu.memory_space<semaphore_mem>>) src(%dma_wait3A_989 : memref<320xf32, #tpu.memory_space<vmem>>) dst(%dma_wait3A_987 : memref<320xf32, #tpu.memory_space<hbm>>)
      %dma_wait3A_990 = arith.constant 4160 : i32
      %dma_wait3A_991 = tpu.memref_slice %arg16[%dma_wait3A_990] : memref<5120xf32, #tpu.memory_space<vmem>> -> memref<320xf32, #tpu.memory_space<vmem>>
      %dma_wait3A_992 = tpu.memref_slice %arg10[%mul3A_881] : memref<81920xf32, #tpu.memory_space<hbm>> -> memref<320xf32, #tpu.memory_space<hbm>>
      %dma_wait3A_993 = tpu.memref_slice %arg10[%mul3A_881] : memref<81920xf32, #tpu.memory_space<hbm>> -> memref<320xf32, #tpu.memory_space<hbm>>
      %dma_wait3A_994 = arith.constant 4160 : i32
      %dma_wait3A_995 = tpu.memref_slice %arg16[%dma_wait3A_994] : memref<5120xf32, #tpu.memory_space<vmem>> -> memref<320xf32, #tpu.memory_space<vmem>>
      tpu.wait_dma2 semaphore(%arg33 : memref<!tpu.dma_semaphore, #tpu.memory_space<semaphore_mem>>) src(%dma_wait3A_995 : memref<320xf32, #tpu.memory_space<vmem>>) dst(%dma_wait3A_993 : memref<320xf32, #tpu.memory_space<hbm>>)
      %dma_wait3A_996 = arith.constant 4480 : i32
      %dma_wait3A_997 = tpu.memref_slice %arg16[%dma_wait3A_996] : memref<5120xf32, #tpu.memory_space<vmem>> -> memref<320xf32, #tpu.memory_space<vmem>>
      %dma_wait3A_998 = tpu.memref_slice %arg10[%mul3A_893] : memref<81920xf32, #tpu.memory_space<hbm>> -> memref<320xf32, #tpu.memory_space<hbm>>
      %dma_wait3A_999 = tpu.memref_slice %arg10[%mul3A_893] : memref<81920xf32, #tpu.memory_space<hbm>> -> memref<320xf32, #tpu.memory_space<hbm>>
      %dma_wait3A_1000 = arith.constant 4480 : i32
      %dma_wait3A_1001 = tpu.memref_slice %arg16[%dma_wait3A_1000] : memref<5120xf32, #tpu.memory_space<vmem>> -> memref<320xf32, #tpu.memory_space<vmem>>
      tpu.wait_dma2 semaphore(%arg33 : memref<!tpu.dma_semaphore, #tpu.memory_space<semaphore_mem>>) src(%dma_wait3A_1001 : memref<320xf32, #tpu.memory_space<vmem>>) dst(%dma_wait3A_999 : memref<320xf32, #tpu.memory_space<hbm>>)
      %dma_wait3A_1002 = arith.constant 4800 : i32
      %dma_wait3A_1003 = tpu.memref_slice %arg16[%dma_wait3A_1002] : memref<5120xf32, #tpu.memory_space<vmem>> -> memref<320xf32, #tpu.memory_space<vmem>>
      %dma_wait3A_1004 = tpu.memref_slice %arg10[%mul3A_905] : memref<81920xf32, #tpu.memory_space<hbm>> -> memref<320xf32, #tpu.memory_space<hbm>>
      %dma_wait3A_1005 = tpu.memref_slice %arg10[%mul3A_905] : memref<81920xf32, #tpu.memory_space<hbm>> -> memref<320xf32, #tpu.memory_space<hbm>>
      %dma_wait3A_1006 = arith.constant 4800 : i32
      %dma_wait3A_1007 = tpu.memref_slice %arg16[%dma_wait3A_1006] : memref<5120xf32, #tpu.memory_space<vmem>> -> memref<320xf32, #tpu.memory_space<vmem>>
      tpu.wait_dma2 semaphore(%arg33 : memref<!tpu.dma_semaphore, #tpu.memory_space<semaphore_mem>>) src(%dma_wait3A_1007 : memref<320xf32, #tpu.memory_space<vmem>>) dst(%dma_wait3A_1005 : memref<320xf32, #tpu.memory_space<hbm>>)
    } else {
    }
    return
  }
}

module attributes {stable_mosaic.version = 14 : i64} {
  func.func @body(%arg0: i32, %arg1: memref<1000x128xf32, #tpu.memory_space<vmem>>, %arg2: memref<1000x8xf32, #tpu.memory_space<vmem>>, %arg3: memref<1000x8xf32, #tpu.memory_space<vmem>>, %arg4: memref<1x16xf32, #tpu.memory_space<vmem>>, %arg5: memref<1000x128xf32, #tpu.memory_space<vmem>>) attributes {dimension_semantics = [#tpu.dimension_semantics<arbitrary>], iteration_bounds = array<i64: 10>, scalar_prefetch = 0 : i64, scratch_operands = 0 : i64, tpu.core_type = #tpu.core_type<tc>, window_params = [{transform_indices = @transform_0, window_bounds = array<i64: 1000, 128>}, {transform_indices = @transform_1, window_bounds = array<i64: 1000, 8>}, {transform_indices = @transform_2, window_bounds = array<i64: 1000, 8>}, {pipeline_mode = #tpu.pipeline_mode<synchronous>, transform_indices = @transform_3, window_bounds = array<i64: 1, 16>}, {transform_indices = @transform_4, window_bounds = array<i64: 1000, 128>}]} {
    %get3A = arith.constant 0 : index
    %get3A_0 = arith.constant 0 : index
    %get3A_1 = vector.load %arg1[%get3A, %get3A_0] : memref<1000x128xf32, #tpu.memory_space<vmem>>, vector<1000x128xf32>
    %slice3A = vector.extract_strided_slice %get3A_1 {offsets = [0, 0], sizes = [1000, 16], strides = [1, 1]} : vector<1000x128xf32> to vector<1000x16xf32>
    %iota3A = tpu.iota {dimensions = array<i32: 0>} : vector<16x16xi32>
    %iota3A_2 = tpu.iota {dimensions = array<i32: 1>} : vector<16x16xi32>
    %xor3A = arith.constant 1 : i32
    %xor3A_3 = vector.broadcast %xor3A : i32 to vector<16x16xi32>
    %xor3A_4 = arith.xori %iota3A, %xor3A_3 : vector<16x16xi32>
    %eq3A = arith.cmpi eq, %iota3A_2, %xor3A_4 : vector<16x16xi32>
    %convert_element_type3A = arith.extui %eq3A : vector<16x16xi1> to vector<16x16xi32>
    %convert_element_type3A_5 = arith.sitofp %convert_element_type3A : vector<16x16xi32> to vector<16x16xf32>
    %dot_general3A = arith.constant dense<0.000000e+00> : vector<1000x16xf32>
    %dot_general3A_6 = tpu.matmul %slice3A, %convert_element_type3A_5, %dot_general3A {dimension_numbers = #tpu.dot_dimension_numbers<[1], [0], [0], [1], [0, 0, 1, 1], [], []>, transpose_lhs_hint = false} : vector<1000x16xf32>, vector<16x16xf32>, vector<1000x16xf32> -> vector<1000x16xf32>
    %iota3A_7 = tpu.iota {dimensions = array<i32: 1>} : vector<1x16xi32>
    %and3A = arith.constant 1 : i32
    %and3A_8 = vector.broadcast %and3A : i32 to vector<1x16xi32>
    %and3A_9 = arith.andi %iota3A_7, %and3A_8 : vector<1x16xi32>
    %mul3A = arith.constant 2 : i32
    %mul3A_10 = vector.broadcast %mul3A : i32 to vector<1x16xi32>
    %mul3A_11 = arith.muli %mul3A_10, %and3A_9 : vector<1x16xi32>
    %sub3A = arith.constant 1 : i32
    %sub3A_12 = vector.broadcast %sub3A : i32 to vector<1x16xi32>
    %sub3A_13 = arith.subi %mul3A_11, %sub3A_12 : vector<1x16xi32>
    %convert_element_type3A_14 = arith.sitofp %sub3A_13 : vector<1x16xi32> to vector<1x16xf32>
    %add3A = arith.addf %slice3A, %dot_general3A_6 : vector<1000x16xf32>
    %mul3A_15 = vector.broadcast %convert_element_type3A_14 : vector<1x16xf32> to vector<1000x16xf32>
    %mul3A_16 = arith.mulf %mul3A_15, %add3A : vector<1000x16xf32>
    %neg3A = arith.constant 0.000000e+00 : f32
    %neg3A_17 = vector.broadcast %neg3A : f32 to vector<1000x16xf32>
    %neg3A_18 = arith.subf %neg3A_17, %mul3A_16 : vector<1000x16xf32>
    %exp3A = math.exp %neg3A_18 : vector<1000x16xf32>
    %add3A_19 = arith.constant 1.000000e+00 : f32
    %add3A_20 = vector.broadcast %add3A_19 : f32 to vector<1000x16xf32>
    %add3A_21 = arith.addf %add3A_20, %exp3A : vector<1000x16xf32>
    %div3A = arith.constant 1.000000e+00 : f32
    %div3A_22 = vector.broadcast %div3A : f32 to vector<1000x16xf32>
    %div3A_23 = arith.divf %div3A_22, %add3A_21 : vector<1000x16xf32>
    %get3A_24 = arith.constant 0 : index
    %get3A_25 = arith.constant 0 : index
    %get3A_26 = vector.load %arg4[%get3A_24, %get3A_25] : memref<1x16xf32, #tpu.memory_space<vmem>>, vector<1x16xf32>
    %mul3A_27 = vector.broadcast %get3A_26 : vector<1x16xf32> to vector<1000x16xf32>
    %mul3A_28 = arith.mulf %mul3A_27, %div3A_23 : vector<1000x16xf32>
    %add3A_29 = arith.addf %slice3A, %mul3A_28 : vector<1000x16xf32>
    %get3A_30 = arith.constant 0 : index
    %get3A_31 = arith.constant 0 : index
    %get3A_32 = vector.load %arg2[%get3A_30, %get3A_31] : memref<1000x8xf32, #tpu.memory_space<vmem>>, vector<1000x8xf32>
    %get3A_33 = arith.constant 0 : index
    %get3A_34 = arith.constant 0 : index
    %get3A_35 = vector.load %arg3[%get3A_33, %get3A_34] : memref<1000x8xf32, #tpu.memory_space<vmem>>, vector<1000x8xf32>
    %slice3A_36 = vector.extract_strided_slice %get3A_32 {offsets = [0, 0], sizes = [1000, 4], strides = [1, 1]} : vector<1000x8xf32> to vector<1000x4xf32>
    %slice3A_37 = vector.extract_strided_slice %get3A_35 {offsets = [0, 0], sizes = [1000, 4], strides = [1, 1]} : vector<1000x8xf32> to vector<1000x4xf32>
    %eq3A_38 = arith.constant 1.000000e+30 : f32
    %eq3A_39 = vector.broadcast %eq3A_38 : f32 to vector<1000x4xf32>
    %eq3A_40 = arith.cmpf oeq, %slice3A_37, %eq3A_39 : vector<1000x4xf32>
    %select_n3A = arith.select %eq3A_40, %slice3A_36, %slice3A_37 : vector<1000x4xi1>, vector<1000x4xf32>
    %eq3A_41 = arith.constant 1.000000e+30 : f32
    %eq3A_42 = vector.broadcast %eq3A_41 : f32 to vector<1000x4xf32>
    %eq3A_43 = arith.cmpf oeq, %select_n3A, %eq3A_42 : vector<1000x4xf32>
    %jit3A = arith.constant 0.000000e+00 : f32
    %broadcast_in_dim3A = vector.broadcast %jit3A : f32 to vector<1000x4xf32>
    %select_n3A_44 = arith.select %eq3A_43, %broadcast_in_dim3A, %select_n3A : vector<1000x4xi1>, vector<1000x4xf32>
    %slice3A_45 = vector.extract_strided_slice %get3A_32 {offsets = [0, 4], sizes = [1000, 4], strides = [1, 1]} : vector<1000x8xf32> to vector<1000x4xf32>
    %slice3A_46 = vector.extract_strided_slice %get3A_35 {offsets = [0, 4], sizes = [1000, 4], strides = [1, 1]} : vector<1000x8xf32> to vector<1000x4xf32>
    %eq3A_47 = arith.constant 1.000000e+30 : f32
    %eq3A_48 = vector.broadcast %eq3A_47 : f32 to vector<1000x4xf32>
    %eq3A_49 = arith.cmpf oeq, %slice3A_46, %eq3A_48 : vector<1000x4xf32>
    %select_n3A_50 = arith.select %eq3A_49, %slice3A_45, %slice3A_46 : vector<1000x4xi1>, vector<1000x4xf32>
    %eq3A_51 = arith.constant 1.000000e+30 : f32
    %eq3A_52 = vector.broadcast %eq3A_51 : f32 to vector<1000x4xf32>
    %eq3A_53 = arith.cmpf oeq, %select_n3A_50, %eq3A_52 : vector<1000x4xf32>
    %jit3A_54 = arith.constant 0.000000e+00 : f32
    %broadcast_in_dim3A_55 = vector.broadcast %jit3A_54 : f32 to vector<1000x4xf32>
    %select_n3A_56 = arith.select %eq3A_53, %broadcast_in_dim3A_55, %select_n3A_50 : vector<1000x4xi1>, vector<1000x4xf32>
    %add3A_57 = arith.addf %select_n3A_44, %select_n3A_56 : vector<1000x4xf32>
    %slice3A_58 = vector.extract_strided_slice %add3A_29 {offsets = [0, 0], sizes = [1000, 4], strides = [1, 1]} : vector<1000x16xf32> to vector<1000x4xf32>
    %add3A_59 = arith.addf %slice3A_58, %add3A_57 : vector<1000x4xf32>
    %slice3A_60 = vector.extract_strided_slice %add3A_29 {offsets = [0, 4], sizes = [1000, 12], strides = [1, 1]} : vector<1000x16xf32> to vector<1000x12xf32>
    %concatenate3A = tpu.concatenate %add3A_59, %slice3A_60 in 1 : vector<1000x4xf32>, vector<1000x12xf32> -> vector<1000x16xf32>
    %slice3A_61 = vector.extract_strided_slice %get3A_1 {offsets = [0, 16], sizes = [1000, 112], strides = [1, 1]} : vector<1000x128xf32> to vector<1000x112xf32>
    %concatenate3A_62 = tpu.concatenate %concatenate3A, %slice3A_61 in 1 : vector<1000x16xf32>, vector<1000x112xf32> -> vector<1000x128xf32>
    %swap3A = arith.constant 0 : index
    %swap3A_63 = arith.constant 0 : index
    %swap3A_64 = vector.load %arg5[%swap3A, %swap3A_63] : memref<1000x128xf32, #tpu.memory_space<vmem>>, vector<1000x128xf32>
    tpu.vector_store %arg5[%swap3A, %swap3A_63], %concatenate3A_62 {strides = array<i32>} : memref<1000x128xf32, #tpu.memory_space<vmem>>, vector<1000x128xf32>,
    return
  }
  func.func @transform_0(%arg0: i32) -> (i32, i32) {
    %c0_i32 = arith.constant 0 : i32
    %c0_i32_0 = arith.constant 0 : i32
    return %arg0, %c0_i32 : i32, i32
  }
  func.func @transform_1(%arg0: i32) -> (i32, i32) {
    %c0_i32 = arith.constant 0 : i32
    %c0_i32_0 = arith.constant 0 : i32
    return %arg0, %c0_i32 : i32, i32
  }
  func.func @transform_2(%arg0: i32) -> (i32, i32) {
    %c0_i32 = arith.constant 0 : i32
    %c0_i32_0 = arith.constant 0 : i32
    return %arg0, %c0_i32 : i32, i32
  }
  func.func @transform_3(%arg0: i32) -> (i32, i32) {
    %c0_i32 = arith.constant 0 : i32
    %c0_i32_0 = arith.constant 0 : i32
    %c0_i32_1 = arith.constant 0 : i32
    return %c0_i32, %c0_i32_0 : i32, i32
  }
  func.func @transform_4(%arg0: i32) -> (i32, i32) {
    %c0_i32 = arith.constant 0 : i32
    %c0_i32_0 = arith.constant 0 : i32
    return %arg0, %c0_i32 : i32, i32
  }
}

</mosaic_0001>

<sc_bundles>
// kernel: kernel.4.cloned.1.call-start
scs
__scs_entry_jumppad:
0x0: {  	(pc) =	sbr.rel $0x88, $3  }
0x1: {  	(tag) =	ssettag $0x0;
	lr =	simm.s32 $0x1  }
0x2: {  	[smem:$0x3F9B] =	sst lr;
	_ =	strace $0xD0000000  }
0x3: {  	_ = 	snop  }
0x4: {  	_ = 	snop  }
0x5: {  	_ = 	snop  }
0x6: {  	_ = 	snop  }
0x7: {  	_ = 	snop  }
__scs_overlays_trampoline_lowered:
0x8: {  	[smem:$0x3FAA] =	sst s0  }
0x9: {  	[smem:$0x3FAB] =	sst s1  }
0xa: {  	[smem:$0x3FAC] =	sst s2  }
0xb: {  	[smem:$0x3FAD] =	sst s3  }
0xc: {  	[smem:$0x3FAE] =	sst s4  }
0xd: {  	[smem:$0x3FAF] =	sst s5  }
0xe: {  	[smem:$0x3FB0] =	sst s6  }
0xf: {  	[smem:$0x3FB1] =	sst s7  }
0x10: {  	[smem:$0x3FB2] =	sst s8  }
0x11: {  	[smem:$0x3FB3] =	sst s9;
	s0 =	simm.s32 @!p0 $0x0  }
0x12: {  	s1 =	sld [smem:$0x3F99];
	s0 =	simm.s32 @p0 $0x1  }
0x13: {  	[smem:$0x3FB4] =	sst s0;
	s0 =	simm.s32 @!p1 $0x0  }
0x14: {  	s2 =	sld [smem:$0x3F98];
	s0 =	simm.s32 @p1 $0x1  }
0x15: {  	[smem:$0x3FB5] =	sst s0;
	s0 =	simm.s32 @!p2 $0x0  }
0x16: {  	s3 =	sld [smem:$0x3FDB];
	s0 =	simm.s32 @p2 $0x1  }
0x17: {  	s4 =	simm.s32 $0x1BF5;
	[smem:$0x3FB7] =	sst s0  }
0x18: {  	s0 =	sld [smem:$0x3F9A];
	_ =	swait.ge [sflag:s4], $0x0  }
0x19: {  	s7 =	sld [smem:$0x3F9B]  }
0x1a: {  	s8 =	sadd.s32 $0xFFFFE003, lr  }
0x1b: {  	s9 =	sadd.s32 $0xFFFFFEF7, lr;
	s5 =	simm.s32 $0xFFFFFFFF;
	p2 =	slt.u32 s8, $0xFFFFF086  }
0x1c: {  	p1 =	slt.u32 s9, $0xF7A;
	s5 =	simm.s32 @!p2 $0x0  }
0x1d: {  	s5 =	simm.s32 @p1 $0x1;
	p0 =	seq.s32 s7, s2  }
0x1e: {  	s7 =	smul.u32 @!p0 $0xF7A, s2;
	p2 =	seq.s32 @!p0 s5, $0x0  }
0x1f: {  	s9 =	smul.u32 $0xF7A, s1;
	s8 =	simm.s32 @!p0 $0x1BF5;
	p2 =	por !p2, p0  }
0x20: {  	[sflag:s8] =	ssyncset.s32 @!p0 $0xFFFFF086;
	s6 =	sadd.s32 @!p0 s3, s7;
	s7 =	simm.s32 @!p0 $0x108  }
0x21: {  	s3 =	sadd.s32 s3, s9;
	s6 =	sadd.s32 @!p0 $0x88, s6;
	s7 =	simm.s32 @p2 $0x1082  }
0x22: {  	[simem:s7], [sflag:s8] =	dma.local @!p0 [hbm:s6], $0xF7A  }
0x23: {  	s9 =	sor.u32 $0xD0000000, s2;
	s6 =	simm.s32 $0x108;
	_ =	swait.ge @!p0 [sflag:s8], $0x0  }
0x24: {  	s3 =	sadd.s32 $0x88, s3;
	s6 =	simm.s32 @!p1 $0x1082;
	[sflag:s4] =	ssyncset.s32 $0xFFFFF086  }
0x25: {  	[simem:s6], [sflag:s4] =	dma.local [hbm:s3], $0xF7A  }
0x26: {  	[smem:$0x3F9B] =	sst s1;
	(tag) =	ssettag s2;
	_ =	strace s9  }
0x27: {  	s1 =	sld [smem:$0x3FAB]  }
0x28: {  	s2 =	sld [smem:$0x3FAC]  }
0x29: {  	s4 =	sld [smem:$0x3FAE]  }
0x2a: {  	p0 =	seq.s32 s5, $0x0;
	s5 =	sld [smem:$0x3FAF]  }
0x2b: {  	s6 =	sld [smem:$0x3FB0]  }
0x2c: {  	s7 =	sld [smem:$0x3FB1]  }
0x2d: {  	s3 =	simm.s32 $0x108;
	s8 =	sld [smem:$0x3FB2]  }
0x2e: {  	s3 =	simm.s32 @!p0 $0x1082;
	s9 =	sld [smem:$0x3FB3]  }
0x2f: {  	lr =	sadd.s32 s0, s3;
	s0 =	sld [smem:$0x3FAA]  }
0x30: {  	s3 =	sld [smem:$0x3FAD]  }
0x31: {  	[smem:$0x3FB6] =	sst s10  }
0x32: {  	s10 =	sld [smem:$0x3FB4];
	_ =	sdelay $0x3  }
0x33: {  	p0 =	seq.s32 s10, $0x1;
	s10 =	sld [smem:$0x3FB6];
	_ =	sdelay $0x3  }
0x34: {  	[smem:$0x3FB6] =	sst s10  }
0x35: {  	s10 =	sld [smem:$0x3FB5];
	_ =	sdelay $0x3  }
0x36: {  	p1 =	seq.s32 s10, $0x1;
	s10 =	sld [smem:$0x3FB6];
	_ =	sdelay $0x3  }
0x37: {  	[smem:$0x3FB6] =	sst s10  }
0x38: {  	s10 =	sld [smem:$0x3FB7]  }
0x39: {  	_ = 	snop;
	(pc) =	sbr.ind lr, $3  }
0x3a: {  	_ = 	snop  }
0x3b: {  	_ = 	snop  }
0x3c: {  	p2 =	seq.s32 s10, $0x1;
	s10 =	sld [smem:$0x3FB6]  }
0x3d: {  	_ =	shalt  }
0x3e: {  	_ =	shalt  }
0x3f: {  	_ =	shalt  }
0x40: {  	_ =	shalt  }
0x41: {  	_ =	shalt  }
0x42: {  	_ =	shalt  }
0x43: {  	_ =	shalt  }
0x44: {  	_ =	shalt  }
0x45: {  	_ =	shalt  }
0x46: {  	_ =	shalt  }
0x47: {  	_ =	shalt  }
0x48: {  	_ =	shalt  }
0x49: {  	_ =	shalt  }
0x4a: {  	_ =	shalt  }
0x4b: {  	_ =	shalt  }
0x4c: {  	_ =	shalt  }
0x4d: {  	_ =	shalt  }
0x4e: {  	_ =	shalt  }
0x4f: {  	_ =	shalt  }
0x50: {  	_ =	shalt  }
0x51: {  	_ =	shalt  }
0x52: {  	_ =	shalt  }
0x53: {  	_ =	shalt  }
0x54: {  	_ =	shalt  }
0x55: {  	_ =	shalt  }
0x56: {  	_ =	shalt  }
0x57: {  	_ =	shalt  }
0x58: {  	_ =	shalt  }
0x59: {  	_ =	shalt  }
0x5a: {  	_ =	shalt  }
0x5b: {  	_ =	shalt  }
0x5c: {  	_ =	shalt  }
0x5d: {  	_ =	shalt  }
0x5e: {  	_ =	shalt  }
0x5f: {  	_ =	shalt  }
0x60: {  	_ =	shalt  }
0x61: {  	_ =	shalt  }
0x62: {  	_ =	shalt  }
0x63: {  	_ =	shalt  }
0x64: {  	_ =	shalt  }
0x65: {  	_ =	shalt  }
0x66: {  	_ =	shalt  }
0x67: {  	_ =	shalt  }
0x68: {  	_ =	shalt  }
0x69: {  	_ =	shalt  }
0x6a: {  	_ =	shalt  }
0x6b: {  	_ =	shalt  }
0x6c: {  	_ =	shalt  }
0x6d: {  	_ =	shalt  }
0x6e: {  	_ =	shalt  }
0x6f: {  	_ =	shalt  }
0x70: {  	_ =	shalt  }
0x71: {  	_ =	shalt  }
0x72: {  	_ =	shalt  }
0x73: {  	_ =	shalt  }
0x74: {  	_ =	shalt  }
0x75: {  	_ =	shalt  }
0x76: {  	_ =	shalt  }
0x77: {  	_ =	shalt  }
0x78: {  	_ =	shalt  }
0x79: {  	_ =	shalt  }
0x7a: {  	_ =	shalt  }
0x7b: {  	_ =	shalt  }
0x7c: {  	_ =	shalt  }
0x7d: {  	_ =	shalt  }
0x7e: {  	_ =	shalt  }
0x7f: {  	_ =	shalt  }
0x80: {  	_ =	shalt  }
0x81: {  	_ =	shalt  }
0x82: {  	_ =	shalt  }
0x83: {  	_ =	shalt  }
0x84: {  	_ =	shalt  }
0x85: {  	_ =	shalt  }
0x86: {  	_ =	shalt  }
0x87: {  	_ =	shalt  }
.Lfunc_end0:
.L_simem_size_0:
called_computation_lowered:
.L_overlay_start_0:
0x88: {  	s2 =	sld [smem:$0x3FD9]  }
0x89: {  	s3 =	sld [smem:$0x3FFE];
	_ =	sdelay $0x1  }
0x8a: {  	s1 =	srdreg.scid  }
0x8b: {  	s0 =	sand.u32 $0x1, s1  }
0x8c: {  	s14 =	sshll.u32 s0, $0xA;
	s2 =	sadd.s32 s3, s2  }
0x8d: {  	s2 =	sadd.s32 s2, s14  }
0x8e: {  	[smem:$0x3FC2] =	sst s2  }
0x8f: {  	_ = 	snop  }
0x90: {  	s2 =	sld [smem:$0x3FD0];
	_ =	sdelay $0x2  }
0x91: {  	s4 =	simm.s32 $0xA;
	s5 =	simm.s32 $0x10;
	s15 =	sld [smem:$0x3FC6]  }
0x92: {  	[smem:s5], [sflag:s4] =	dma.local [hbm:s2], $0x1  }
0x93: {  	_ =	swait.eq [sflag:s4], $0x1  }
0x94: {  	[sflag:s4] =	ssyncset.done $0x0  }
0x95: {  	s16 =	sld [smem:$0x10];
	[sflag:s4] =	ssyncadd.s32 $0xFFFFFFFF  }
0x96: {  	s17 =	sld [smem:$0x11];
	(tm) =	ssettm $0x1  }
0x97: {  	s18 =	sld [smem:$0x3FFB];
	_ =	sdelay $0x3  }
0x98: {  	_ =	strace s18  }
0x99: {  	s5 =	sld [smem:$0x3FFC];
	_ =	sdelay $0x3  }
0x9a: {  	_ =	strace s5  }
0x9b: {  	s5 =	sld [smem:$0x3FFD];
	_ =	sdelay $0x3  }
0x9c: {  	_ =	strace s5  }
0x9d: {  	_ =	strace $0x8FFFFFFF  }
0x9e: {  	s19 =	sld [smem:$0x3FDB];
	_ =	sdelay $0x1  }
0x9f: {  	s6 =	simm.s32 $_scs_section_size  }
0xa0: {  	s7 =	simm.s32 $_size__tile_overlayer_lowered;
	s8 =	simm.s32 $_tile_overlayer_lowered  }
0xa1: {  	s22 =	simm.s32 $0x1BFF;
	s21 =	sshll.u32 s8, $0x1;
	s5 =	sadd.s32 s6, s19  }
0xa2: {  	s9 =	simm.s32 $0x0;
	s20 =	sshll.u32 s7, $0x1;
	s7 =	sadd.s32 s21, s5  }
0xa3: {  	[timem:s9], [sflag:s22] =	dma.local [hbm:s7], s20  }
0xa4: {  	_ =	swait.ge [sflag:s22], s20  }
0xa5: {  	s6 =	ssub.s32 $0x0, s20;
	[sflag:s22] =	ssyncset.done $0x0  }
0xa6: {  	[sflag:s22] =	ssyncadd.s32 s6;
	_ =	sdelay $0x1  }
0xa7: {  	s23 =	simm.s32 $0x1B8B  }
0xa8: {  	_ =	swait.ge [sflag:s23], $0x1  }
0xa9: {  	[sflag:s23] =	ssyncset.done $0x0  }
0xaa: {  	s25 =	simm.s32 $0x1B8E;
	s24 =	sld [smem:$0x3FFE];
	[sflag:s23] =	ssyncadd.s32 $0xFFFFFFFF  }
0xab: {  	s26 =	simm.s32 $execute0_lowered;
	[smem:$0x3FD2] =	sst s25  }
0xac: {  	s7 =	sshll.u32 s26, $0x1;
	_ =	strace $0x80000046;
	[dreg:$0x1] =	wrdreg $0xFFFFFFFF  }
0xad: {  	s28 =	simm.s32 $_size_execute0_lowered;
	s5 =	sadd.s32 s5, s7;
	[dreg:$0x0] =	wrdreg $0x0  }
0xae: {  	s7 =	sshll.u32 s28, $0x1;
	[dreg:$0x2] =	wrdreg s5  }
0xaf: {  	[dreg:$0x3] =	wrdreg s7  }
0xb0: {  	[dreg:$0x4] =	wrdreg $0xC0  }
0xb1: {  	_ =	task [dreg:s9], $0x5FFFF  }
0xb2: {  	[dreg:$0x1] =	wrdreg $0xFFFFFFFF  }
0xb3: {  	[dreg:$0x0] =	wrdreg $0x60  }
0xb4: {  	[dreg:$0x2] =	wrdreg s24  }
0xb5: {  	[dreg:$0x3] =	wrdreg s15  }
0xb6: {  	[dreg:$0x4] =	wrdreg s17  }
0xb7: {  	[dreg:$0x5] =	wrdreg s16  }
0xb8: {  	[dreg:$0x6] =	wrdreg $0x1DC000  }
0xb9: {  	[dreg:$0x7] =	wrdreg $0x1E1000  }
0xba: {  	[dreg:$0x8] =	wrdreg $0x9  }
0xbb: {  	_ =	task.clear_ibuf [dreg:s9], $0x9FFFF;
	_ =	strace $0x90000046  }
0xbc: {  	s29 =	simm.s32 $0x9;
	_ =	strace $0x80000048  }
0xbd: {  	_ =	swait.ge [sflag:s29], $0x1  }
0xbe: {  	[sflag:s29] =	ssyncadd.s32 $0xFFFFFFFF  }
0xbf: {  	_ =	strace $0x90000048  }
0xc0: {  	_ =	sfence  }
0xc1: {  	s30 =	sld [smem:$0x0];
	_ =	sdelay $0x2  }
0xc2: {  	s31 =	sshll.u32 s1, $0xD;
	s1 =	sshrl.u32 s1, $0x2  }
0xc3: {  	s3 =	sand.u32 $0x4000, s31;
	s1 =	sadd.s32 s1, s30  }
0xc4: {  	s0 =	sor.u32 s3, s0;
	s1 =	sshll.u32 s1, $0x11  }
0xc5: {  	s0 =	sor.u32 s1, s0  }
0xc6: {  	s0 =	sadd.s32 $0x8F2B, s0  }
0xc7: {  	[sflag:s0] =	ssyncadd.remote.s32 $0x1  }
0xc8: {  	_ =	sfence.sel $0xFFFF  }
0xc9: {  	[dreg:$0x0] =	wrdreg $0xFFFFFFFF;
	(pc) =	sbr.abs _section_cstart, $3  }
0xca: {  	[dreg:$0x1] =	wrdreg $0xFFFFFFFF  }
0xcb: {  	_ =	task.clear_ibuf [dreg:s9], $0x2FFFF;
	_ =	strace $0x9FFFFFFF  }
0xcc: {  	(tm) =	ssettm $0x7FFFFFFF  }
0xcd: {  	_ =	shalt  }
tec
execute0_lowered:
.L_overlay_start_1:
0x0: {  	(tag) =	ssettag $0x1  }
0x1: {  	s0 =	rddreg [dreg:$0x0]  }
0x2: {  	s2 =	rddreg [dreg:$0x1]  }
0x3: {  	s8 =	rddreg [dreg:$0x2]  }
0x4: {  	s3 =	rddreg [dreg:$0x3]  }
0x5: {  	s13 =	rddreg [dreg:$0x4]  }
0x6: {  	s14 =	rddreg [dreg:$0x5];
	s6 =	simm.s32 $0x0;
	s4 =	srdreg.scid  }
0x7: {  	s5 =	stileid.u32;
	[smem:$0x7FF] =	sst s6;
	s1 =	sadd.s32 $0x1000, s0  }
0x8: {  	s15 =	sadd.s32 $0xB000, s0;
	s16 =	sadd.s32 $0x6000, s0;
	s4 =	sand.u32 $0x1, s4  }
0x9: {  	s10 =	sadd.s32 $0xE00, s0;
	s11 =	smul.u32 $0x1388, s5;
	s12 =	sadd.s32 $0xC00, s0  }
0xa: {  	s21 =	smul.u32 $0x1400, s5;
	_ =	strace $0x80000047;
	[dreg:$0x9] =	wrdreg s10  }
0xb: {  	p0 =	seq.s32 s5, $0xF;
	s22 =	smul.u32 $0x280, s5;
	[dreg:$0xa] =	wrdreg s12  }
0xc: {  	s30 =	smul.u32 $0x500, s5;
	s7 =	ssub.s32 $0x2, s4;
	[dreg:$0x7] =	wrdreg s15  }
0xd: {  	s9 =	smul.u32 $0x13880, s4;
	[dreg:$0x8] =	wrdreg s16;
	s20 =	sshrl.u32 s7, $0x1  }
0xe: {  	s10 =	sshrl.u32 s21, $0x2;
	s12 =	sshrl.u32 s22, $0x2;
	s7 =	ssub.s32 s7, s20  }
0xf: {  	s17 =	sadd.s32 s11, s9;
	s9 =	simm.s32 $0x50;
	s10 =	sadd.s32 s10, s13  }
0x10: {  	s11 =	sshrl.u32 s17, $0x3;
	s9 =	simm.s32 @!p0 $0x140;
	[dreg:$0xc] =	wrdreg s10  }
0x11: {  	p0 =	seq.s32 s4, $0x1;
	s19 =	smax.u32 s7, $0x1;
	[dreg:$0xb] =	wrdreg s17  }
0x12: {  	s10 =	simm.s32 $0x12800;
	s23 =	sadd.s32 s15, s11;
	[dreg:$0x1a] =	wrdreg s19  }
0x13: {  	s25 =	sadd.s32 s16, s11;
	s10 =	simm.s32 @!p0 $0x10000;
	[dreg:$0xd] =	wrdreg s23  }
0x14: {  	s2 =	sadd.s32 s2, s11;
	[dreg:$0xe] =	wrdreg s25;
	s0 =	sadd.s32 s10, s0  }
0x15: {  	[dreg:$0x10] =	wrdreg s2;
	s10 =	sadd.s32 s1, s30;
	s2 =	sadd.s32 s8, s11  }
0x16: {  	s8 =	sadd.s32 s12, s14;
	s12 =	sshll.u32 s9, $0x1;
	[dreg:$0x11] =	wrdreg s10  }
0x17: {  	s26 =	smul.u32 $0x28, s5;
	[smem:$0x7D8] =	sst s12  }
0x18: {  	s24 =	smul.u32 $0x140, s5;
	[dreg:$0x13] =	wrdreg s2  }
0x19: {  	s11 =	sadd.s32 s3, s11;
	s13 =	sadd.s32 s0, s26;
	[dreg:$0x18] =	wrdreg s8  }
0x1a: {  	s15 =	sadd.s32 $0x5078, s11;
	[dreg:$0xf] =	wrdreg s13  }
0x1b: {  	s4 =	sshrl.u32 s24, $0x3;
	s16 =	sadd.s32 $0x9E98, s11;
	[dreg:$0x15] =	wrdreg s15  }
0x1c: {  	s31 =	sadd.s32 s22, s9;
	s19 =	sadd.s32 $0x2800, s8;
	[dreg:$0x16] =	wrdreg s16  }
0x1d: {  	s0 =	sadd.s32 s4, s0;
	s9 =	sadd.s32 $0xAA00, s8;
	[smem:$0x7DE] =	sst s19  }
0x1e: {  	s4 =	sshll.u32 s31, $0x1;
	s12 =	sadd.s32 $0xBE00, s8;
	[smem:$0x7EB] =	sst s9  }
0x1f: {  	s1 =	sadd.s32 s1, s4;
	[smem:$0x7ED] =	sst s12  }
0x20: {  	s13 =	sadd.s32 $0x258, s11;
	[dreg:$0x12] =	wrdreg s1  }
0x21: {  	s20 =	sadd.s32 $0x280, s0;
	[dreg:$0x14] =	wrdreg s13  }
0x22: {  	s21 =	sadd.s32 $0x500, s0;
	[dreg:$0x1b] =	wrdreg s20  }
0x23: {  	s22 =	sadd.s32 $0x780, s0;
	[dreg:$0x1c] =	wrdreg s21  }
0x24: {  	s23 =	sadd.s32 $0xA00, s0;
	[dreg:$0x1d] =	wrdreg s22  }
0x25: {  	s24 =	sadd.s32 $0xC80, s0;
	[dreg:$0x1e] =	wrdreg s23  }
0x26: {  	s25 =	sadd.s32 $0xF00, s0;
	[dreg:$0x1f] =	wrdreg s24  }
0x27: {  	s26 =	sadd.s32 $0x1180, s0;
	[smem:$0x7CE] =	sst s25  }
0x28: {  	s30 =	sadd.s32 $0x1400, s0;
	[smem:$0x7CF] =	sst s26  }
0x29: {  	p0 =	sne.s32 s5, $0x0;
	s31 =	sadd.s32 $0x1680, s0;
	[smem:$0x7D0] =	sst s30  }
0x2a: {  	s5 =	smul.u32 $0x5000, s5;
	s3 =	sadd.s32 $0x1900, s0;
	[smem:$0x7D1] =	sst s31  }
0x2b: {  	s4 =	sadd.s32 $0x1B80, s0;
	[smem:$0x7D2] =	sst s3  }
0x2c: {  	s18 =	sshrl.u32 s5, $0x2;
	s5 =	sadd.s32 $0x1E00, s0;
	[smem:$0x7D3] =	sst s4  }
0x2d: {  	s7 =	sadd.s32 $0x2080, s0;
	[smem:$0x7D4] =	sst s5  }
0x2e: {  	s10 =	sadd.s32 s18, s14;
	s14 =	sadd.s32 $0x9C40, s2;
	[smem:$0x7D5] =	sst s7  }
0x2f: {  	s15 =	sadd.s32 $0xEA60, s2;
	[smem:$0x7DA] =	sst s14  }
0x30: {  	s16 =	sadd.s32 $0xC8, s17;
	[smem:$0x7DB] =	sst s15  }
0x31: {  	s18 =	sadd.s32 $0x190, s17;
	[smem:$0x7DC] =	sst s16  }
0x32: {  	s17 =	sadd.s32 $0xF000, s8;
	[smem:$0x7DD] =	sst s18  }
0x33: {  	s19 =	sadd.s32 $0x10400, s8;
	[smem:$0x7F2] =	sst s17  }
0x34: {  	[smem:$0x7F4] =	sst s19  }
0x35: {  	s1 =	sadd.s32 $0xECB8, s11;
	[dreg:$0x19] =	wrdreg s10  }
0x36: {  	s11 =	sadd.s32 $0x2300, s0;
	[dreg:$0x17] =	wrdreg s1  }
0x37: {  	s0 =	sadd.s32 $0x2580, s0;
	[smem:$0x7D6] =	sst s11  }
0x38: {  	s13 =	sadd.s32 $0x4E20, s2;
	[smem:$0x7D7] =	sst s0  }
0x39: {  	s20 =	sadd.s32 $0x3200, s8;
	[smem:$0x7D9] =	sst s13  }
0x3a: {  	s21 =	sadd.s32 $0x3C00, s8;
	[smem:$0x7DF] =	sst s20  }
0x3b: {  	s22 =	sadd.s32 $0x4600, s8;
	[smem:$0x7E0] =	sst s21  }
0x3c: {  	s23 =	sadd.s32 $0x5000, s8;
	[smem:$0x7E1] =	sst s22  }
0x3d: {  	s25 =	sadd.s32 $0x5A00, s8;
	[smem:$0x7E2] =	sst s23  }
0x3e: {  	s26 =	sadd.s32 $0x6400, s8;
	[smem:$0x7E3] =	sst s25  }
0x3f: {  	s2 =	sadd.s32 $0x7800, s8;
	[smem:$0x7E4] =	sst s26  }
0x40: {  	s3 =	sadd.s32 $0x8200, s8;
	[smem:$0x7E6] =	sst s2  }
0x41: {  	s4 =	sadd.s32 $0x8C00, s8;
	[smem:$0x7E7] =	sst s3  }
0x42: {  	s5 =	sadd.s32 $0x9600, s8;
	[smem:$0x7E8] =	sst s4  }
0x43: {  	v0 =	vimm.s32 $0xEFCDAB89;
	s7 =	sadd.s32 $0xA000, s8;
	[smem:$0x7E9] =	sst s5  }
0x44: {  	v1 =	vimm.s32 $0x67452301;
	v2 =	vimm.f32 $-1.000000000e+00;
	vm0 =	vcmask $0x300;
	s14 =	sadd.s32 $0xD200, s8;
	[smem:$0x7EA] =	sst s7  }
0x45: {  	vm2 =	vcmask $0xB08;
	vm3 =	vcmask $0x1310;
	vm1 =	vcmask $0x1B18;
	s15 =	sadd.s32 $0xDC00, s8;
	[smem:$0x7EF] =	sst s14  }
0x46: {  	v0 =	vunpack.c.l.s4.s8 v0;
	v2 =	vsel vm0, $0x3F800000, v2;
	v1 =	vunpack.c.l.s4.s8 v1;
	s16 =	sadd.s32 $0xE600, s8;
	[smem:$0x7F0] =	sst s15  }
0x47: {  	v3 =	vimm.s32 $0x25B;
	vm4 =	vcmask $0x2320;
	v2 =	vsel vm2, $0x3F800000, v2;
	s18 =	sadd.s32 $0xFA00, s8;
	[smem:$0x7F1] =	sst s16  }
0x48: {  	v0 =	vunpack.c.0.s8.s32 v0;
	v2 =	vsel vm3, $0x3F800000, v2;
	v1 =	vunpack.c.0.s8.s32 v1;
	s24 =	sadd.s32 $0xA00, s8;
	[smem:$0x7F3] =	sst s18  }
0x49: {  	vm5 =	vcmask $0x704;
	v3 =	vsel vm0, $0x0, v3;
	v2 =	vsel vm1, $0x3F800000, v2;
	s30 =	sadd.s32 $0x1400, s8;
	[smem:$0x7FB] =	sst s24  }
0x4a: {  	v0 =	vcombine.low v1, v0;
	v1 =	vsel vm4, $0x3F800000, v2;
	v2 =	vsel vm5, $0xC8, v3;
	s31 =	sadd.s32 $0x1E00, s8;
	[smem:$0x7FC] =	sst s30  }
0x4b: {  	vm13 =	vcmask $0x2B28;
	vm6 =	vcmask $0xF0C;
	s28 =	simm.s32 $0x3;
	v2 =	vsel vm2, $0x190, v2;
	s1 =	sadd.s32 $0x6E00, s8;
	[smem:$0x7FD] =	sst s31  }
0x4c: {  	vm7 =	vcmask $0x3330;
	s29 =	simm.s32 $0x1D780;
	vm0 =	vmor vm0, vm2;
	v2 =	vsel vm6, $0x258, v2;
	s11 =	sadd.s32 $0xB400, s8;
	[smem:$0x7E5] =	sst s1  }
0x4d: {  	vm8 =	vcmask $0x1714;
	vm0 =	vmor vm0, vm3;
	v2 =	vsel vm3, $0x1, v2;
	s12 =	simm.s32 $0x4;
	s13 =	sadd.s32 $0xC800, s8;
	[smem:$0x7EC] =	sst s11  }
0x4e: {  	vm14 =	vcmask $0x3B38;
	vm0 =	vmor vm0, vm1;
	v2 =	vsel vm8, $0xC9, v2;
	s17 =	simm.s32 $0xF000;
	s20 =	sadd.s32 $0x10E00, s8;
	[smem:$0x7EE] =	sst s13  }
0x4f: {  	vm15 =	vcmask $0x1F1C;
	vm0 =	vmor vm0, vm4;
	s19 =	simm.s32 $0x1CA00;
	v3 =	vsel vm1, $0x191, v2;
	s21 =	sadd.s32 $0x11800, s8;
	[smem:$0x7F5] =	sst s20  }
0x50: {  	vm0 =	vmor vm0, vm13;
	v1 =	vsel vm13, $0x3F800000, v1;
	s22 =	sadd.s32 $0x12200, s8;
	s23 =	sadd.s32 $0x12C00, s8;
	v3 =	vsel vm15, $0x259, v3;
	[smem:$0x7F6] =	sst s21  }
0x51: {  	vm2 =	vcmask $0x2724;
	vm0 =	vmor vm0, vm7;
	s25 =	sadd.s32 $0x13600, s8;
	s26 =	sadd.s32 $0xA00, s10;
	[smem:$0x7F7] =	sst s22;
	v4 =	vsel vm4, $0x2, v3  }
0x52: {  	v0 =	vand.u32 $0xF, v0;
	v1 =	vsel vm7, $0x3F800000, v1;
	s14 =	simm.s32 $0x1B800;
	s15 =	simm.s32 $0x1A400;
	[smem:$0x7F8] =	sst s23;
	v4 =	vsel vm2, $0xCA, v4  }
0x53: {  	vm0 =	vmor vm0, vm14;
	vm1 =	vcmask $0x2F2C;
	s16 =	simm.s32 $0x5000;
	s18 =	simm.s32 $0x1;
	[smem:$0x7F9] =	sst s25;
	v5 =	vsel vm13, $0x192, v4  }
0x54: {  	v1 =	vsel vm14, $0x3F800000, v1;
	v2 =	vimm.f32 $1.000000020e+30;
	s5 =	simm.s32 $0x1D200;
	s2 =	simm.s32 $0x0;
	[smem:$0x7FA] =	sst s26;
	v5 =	vsel vm1, $0x25A, v5  }
0x55: {  	s13 =	simm.s32 $0x19000;
	s21 =	simm.s32 $0x1C700;
	s22 =	simm.s32 $0x1C800;
	v3 =	vlaneseq.u32;
	vm1 =	vcmask $0x3734;
	v6 =	vsel vm7, $0x3, v5  }
0x56: {  	s23 =	simm.s32 $0x1C900;
	s20 =	simm.s32 $0x1D100;
	s1 =	simm.s32 $0x1D300;
	v8 =	vand.u32 $0x3, v3;
	v4 =	vshrl.u32 v3, $0x1;
	v7 =	vsel vm1, $0xCB, v6  }
0x57: {  	s11 =	simm.s32 $0x1D400;
	s25 =	simm.s32 $0x2;
	s26 =	simm.s32 $0x1CD80;
	v5 =	vshrl.u32 v3, $0x2;
	v6 =	vand.u32 $0x1, v4;
	v7 =	vsel vm14, $0x193, v7  }
.LBB2_1:
0x58: {  	[smem:$0x7CD] =	sst s2  }
0x59: {  	s0 =	rddreg [dreg:$0x9];
	s10 =	simm.s32 $0x1DB00  }
0x5a: {  	[tilespmem:s10], [sflag:$0x4] =	stream.linear.gather [hbm4b:s0+s6], $0x80, $0x38;
	[tilespmem:$0x1F500] =	vst v63  }
0x5b: {  	_ =	swait.ge [sflag:s12], $0x80  }
0x5c: {  	[sflag:s12] =	ssyncset.done $0x0  }
0x5d: {  	s30 =	simm.s32 $0x1DB80;
	s24 =	rddreg [dreg:$0xa];
	[sflag:s12] =	ssyncadd.s32 $0xFFFFFF80  }
0x5e: {  	[tilespmem:s30], [sflag:$0x4] =	stream.linear.gather [hbm4b:s24+s6], $0x80, $0x38;
	[tilespmem:$0x1F500] =	vst v63  }
0x5f: {  	_ =	swait.ge [sflag:s12], $0x80  }
0x60: {  	[sflag:s12] =	ssyncset.done $0x0  }
0x61: {  	v10 =	vor.u32 s6, v0;
	s31 =	rddreg [dreg:$0x11];
	[sflag:s12] =	ssyncadd.s32 $0xFFFFFF80  }
0x62: {  	v9 =	vld [tilespmem:$0x1DB00];
	[tilespmem:s13], [sflag:$0x4] =	stream.linear.gather [hbm4b:s31+s6], $0x1400, $0x38  }
0x63: {  	_ =	swait.ge [sflag:s12], $0x1400  }
0x64: {  	[sflag:s12] =	ssyncset.done $0x0  }
0x65: {  	[sflag:s12] =	ssyncadd.s32 $0xFFFFEC00  }
0x66: {  	v13 =	vld.idx.msk [tilespmem:v10+s13+$0x0], $0xffff  }
0x67: {  	v12 =	vld [tilespmem:s13+$0x0];
	_ =	sdelay $0x4  }
0x68: {  	v10 =	vadd.f32 v13, v12;
	_ =	sdelay $0x1  }
0x69: {  	v10 =	vmul.f32 v1, v10;
	_ =	sdelay $0x1  }
0x6a: {  	v10 =	vadd.f32 $0.0e+00, v10;
	_ =	sdelay $0x1  }
0x6b: {  	v10 =	vmul.f32 $1.442695020e+00, v10;
	_ =	sdelay $0x1  }
0x6c: {  	(erf) = vpow2.f32 v10;
	_ =	sdelay $0x8  }
0x6d: {  	v10 =	vpop (erf)  }
0x6e: {  	v10 =	vadd.f32 $1.000000000e+00, v10;
	_ =	sdelay $0x1  }
0x6f: {  	(erf) = vrcp.f32 v10;
	_ =	sdelay $0x8  }
0x70: {  	v10 =	vpop (erf)  }
0x71: {  	v11 =	vsub.f32 $1.000000000e+00, v10;
	_ =	sdelay $0x1  }
0x72: {  	v14 =	vmul.f32 v10, v9;
	v15 =	vmul.f32 v11, v9  }
0x73: {  	s7 =	simm.s32 $0x10;
	v10 =	vadd.s32 s6, v4  }
0x74: {  	s9 =	simm.s32 $0x4;
	s4 =	simm.s32 $0x19000;
	s0 =	simm.s32 $0x2;
	v11 =	vor.u32 s7, v0;
	v12 =	vadd.f32 v14, v12;
	v13 =	vsub.f32 v13, v15  }
.LBB2_2:
0x75: {  	p1 =	sne.s32 s9, $0x27E  }
0x76: {  	v12 =	vshrl.u32 v12, $0x10;
	v13 =	vand.u32 $0xFFFF0000, v13  }
0x77: {  	v12 =	vor.u32 v12, v13  }
0x78: {  	[tilespmem:v10+s14+$0x0] =	vst.idx.msk vm0, v12  }
0x79: {  	s4 =	sadd.s32 $0x10, s4;
	v13 =	vld.idx.msk [tilespmem:v11+s13+$0x0], $0xffff  }
0x7a: {  	v12 =	vld [tilespmem:s4+$0x0];
	_ =	sdelay $0x4  }
0x7b: {  	v10 =	vadd.f32 v13, v12;
	_ =	sdelay $0x1  }
0x7c: {  	v10 =	vmul.f32 v1, v10;
	_ =	sdelay $0x1  }
0x7d: {  	v10 =	vadd.f32 $0.0e+00, v10;
	_ =	sdelay $0x1  }
0x7e: {  	v10 =	vmul.f32 $1.442695020e+00, v10;
	_ =	sdelay $0x1  }
0x7f: {  	(erf) = vpow2.f32 v10;
	_ =	sdelay $0x8  }
0x80: {  	v10 =	vpop (erf)  }
0x81: {  	v10 =	vadd.f32 $1.000000000e+00, v10;
	_ =	sdelay $0x1  }
0x82: {  	(erf) = vrcp.f32 v10;
	_ =	sdelay $0x8  }
0x83: {  	v10 =	vpop (erf)  }
.Ltmp0:
0x84: {  	v11 =	vsub.f32 $1.000000000e+00, v10;
	(pc) =	sbr.rel @p1 .LBB2_2-.Ltmp0, $4  }
0x85: {  	_ = 	snop  }
0x86: {  	v14 =	vmul.f32 v10, v9;
	v15 =	vmul.f32 v11, v9  }
0x87: {  	s7 =	sadd.s32 $0x10, s7;
	v10 =	vadd.s32 s0, v4;
	s0 =	smov.u32 s9  }
0x88: {  	s9 =	sadd.s32 $0x2, s9;
	v11 =	vor.u32 s7, v0;
	v12 =	vadd.f32 v14, v12;
	v13 =	vsub.f32 v13, v15  }
0x89: {  	_ =	sdelay $0x2  }
0x8a: {  	v12 =	vshrl.u32 v12, $0x10;
	v13 =	vand.u32 $0xFFFF0000, v13  }
0x8b: {  	v12 =	vor.u32 v12, v13  }
0x8c: {  	[tilespmem:v10+s14+$0x0] =	vst.idx.msk vm0, v12  }
0x8d: {  	s4 =	sadd.s32 $0x10, s4;
	v10 =	vld.idx.msk [tilespmem:v11+s13+$0x0], $0xffff  }
0x8e: {  	v11 =	vld [tilespmem:s4+$0x0];
	_ =	sdelay $0x4  }
0x8f: {  	v12 =	vadd.f32 v10, v11;
	_ =	sdelay $0x1  }
0x90: {  	v12 =	vmul.f32 v1, v12;
	_ =	sdelay $0x1  }
0x91: {  	v12 =	vadd.f32 $0.0e+00, v12;
	_ =	sdelay $0x1  }
0x92: {  	v12 =	vmul.f32 $1.442695020e+00, v12;
	_ =	sdelay $0x1  }
0x93: {  	(erf) = vpow2.f32 v12;
	_ =	sdelay $0x8  }
0x94: {  	v12 =	vpop (erf)  }
0x95: {  	v12 =	vadd.f32 $1.000000000e+00, v12;
	_ =	sdelay $0x1  }
0x96: {  	(erf) = vrcp.f32 v12;
	_ =	sdelay $0x8  }
0x97: {  	v12 =	vpop (erf)  }
0x98: {  	v13 =	vsub.f32 $1.000000000e+00, v12;
	_ =	sdelay $0x1  }
0x99: {  	v12 =	vmul.f32 v12, v9;
	v13 =	vmul.f32 v13, v9  }
0x9a: {  	v14 =	vadd.s32 s0, v4  }
0x9b: {  	v11 =	vadd.f32 v12, v11;
	v10 =	vsub.f32 v10, v13;
	_ =	sdelay $0x1  }
0x9c: {  	v11 =	vshrl.u32 v11, $0x10;
	v10 =	vand.u32 $0xFFFF0000, v10  }
0x9d: {  	s24 =	simm.s32 $0x0;
	v10 =	vor.u32 v11, v10  }
0x9e: {  	s0 =	simm.s32 $0x19000;
	s2 =	rddreg [dreg:$0x12];
	[tilespmem:v14+s14+$0x0] =	vst.idx.msk vm0, v10;
	v10 =	vor.u32 s24, v0  }
0x9f: {  	[tilespmem:s0], [sflag:$0x4] =	stream.linear.gather [hbm4b:s2+s24], $0x1400, $0x38;
	[tilespmem:$0x1F500] =	vst v63  }
0xa0: {  	_ =	swait.ge [sflag:s12], $0x1400  }
0xa1: {  	[sflag:s12] =	ssyncset.done $0x0  }
0xa2: {  	[sflag:s12] =	ssyncadd.s32 $0xFFFFEC00  }
0xa3: {  	v13 =	vld.idx.msk [tilespmem:v10+s13+$0x0], $0xffff  }
0xa4: {  	v12 =	vld [tilespmem:s0+$0x0];
	_ =	sdelay $0x4  }
0xa5: {  	v10 =	vadd.f32 v13, v12;
	_ =	sdelay $0x1  }
0xa6: {  	v10 =	vmul.f32 v1, v10;
	_ =	sdelay $0x1  }
0xa7: {  	v10 =	vadd.f32 $0.0e+00, v10;
	_ =	sdelay $0x1  }
0xa8: {  	v10 =	vmul.f32 $1.442695020e+00, v10;
	_ =	sdelay $0x1  }
0xa9: {  	(erf) = vpow2.f32 v10;
	_ =	sdelay $0x8  }
0xaa: {  	v10 =	vpop (erf)  }
0xab: {  	v10 =	vadd.f32 $1.000000000e+00, v10;
	_ =	sdelay $0x1  }
0xac: {  	(erf) = vrcp.f32 v10;
	_ =	sdelay $0x8  }
0xad: {  	v10 =	vpop (erf)  }
0xae: {  	s31 =	sld [smem:$0x7D8];
	v11 =	vsub.f32 $1.000000000e+00, v10;
	_ =	sdelay $0x1  }
0xaf: {  	v14 =	vmul.f32 v10, v9;
	v15 =	vmul.f32 v11, v9  }
0xb0: {  	s30 =	simm.s32 $0x10;
	v10 =	vadd.s32 s31, v4  }
0xb1: {  	s7 =	simm.s32 $0x20;
	s4 =	smov.u32 s31;
	v11 =	vor.u32 s30, v0;
	v12 =	vadd.f32 v14, v12;
	v13 =	vsub.f32 v13, v15  }
.LBB2_4:
0xb2: {  	p1 =	sne.s32 s7, $0x13F0  }
0xb3: {  	v12 =	vshrl.u32 v12, $0x10;
	v13 =	vand.u32 $0xFFFF0000, v13  }
0xb4: {  	v12 =	vor.u32 v12, v13  }
0xb5: {  	[tilespmem:v10+s14+$0x0] =	vst.idx.msk vm0, v12  }
0xb6: {  	s0 =	sadd.s32 $0x10, s0;
	v13 =	vld.idx.msk [tilespmem:v11+s13+$0x0], $0xffff  }
0xb7: {  	v12 =	vld [tilespmem:s0+$0x0];
	_ =	sdelay $0x4  }
0xb8: {  	v10 =	vadd.f32 v13, v12;
	_ =	sdelay $0x1  }
0xb9: {  	v10 =	vmul.f32 v1, v10;
	_ =	sdelay $0x1  }
0xba: {  	v10 =	vadd.f32 $0.0e+00, v10;
	_ =	sdelay $0x1  }
0xbb: {  	v10 =	vmul.f32 $1.442695020e+00, v10;
	_ =	sdelay $0x1  }
0xbc: {  	(erf) = vpow2.f32 v10;
	_ =	sdelay $0x8  }
0xbd: {  	v10 =	vpop (erf)  }
0xbe: {  	v10 =	vadd.f32 $1.000000000e+00, v10;
	_ =	sdelay $0x1  }
0xbf: {  	(erf) = vrcp.f32 v10;
	_ =	sdelay $0x8  }
0xc0: {  	v10 =	vpop (erf)  }
.Ltmp1:
0xc1: {  	v11 =	vsub.f32 $1.000000000e+00, v10;
	(pc) =	sbr.rel @p1 .LBB2_4-.Ltmp1, $4  }
0xc2: {  	_ = 	snop  }
0xc3: {  	s4 =	sadd.s32 $0x2, s4;
	v14 =	vmul.f32 v10, v9;
	v15 =	vmul.f32 v11, v9  }
0xc4: {  	v10 =	vadd.s32 s4, v4  }
0xc5: {  	v11 =	vor.u32 s7, v0;
	s7 =	sadd.s32 $0x10, s7;
	v12 =	vadd.f32 v14, v12;
	v13 =	vsub.f32 v13, v15  }
0xc6: {  	_ =	sdelay $0x2  }
0xc7: {  	v12 =	vshrl.u32 v12, $0x10;
	v13 =	vand.u32 $0xFFFF0000, v13  }
0xc8: {  	v12 =	vor.u32 v12, v13  }
0xc9: {  	[tilespmem:v10+s14+$0x0] =	vst.idx.msk vm0, v12  }
0xca: {  	s0 =	sadd.s32 $0x10, s0;
	v10 =	vld.idx.msk [tilespmem:v11+s13+$0x0], $0xffff  }
0xcb: {  	v11 =	vld [tilespmem:s0+$0x0];
	_ =	sdelay $0x4  }
0xcc: {  	v61 =	vadd.f32 v10, v11;
	_ =	sdelay $0x1  }
0xcd: {  	v12 =	vmul.f32 v1, v61;
	_ =	sdelay $0x1  }
0xce: {  	v12 =	vadd.f32 $0.0e+00, v12;
	_ =	sdelay $0x1  }
0xcf: {  	v12 =	vmul.f32 $1.442695020e+00, v12;
	_ =	sdelay $0x1  }
0xd0: {  	(erf) = vpow2.f32 v12;
	_ =	sdelay $0x8  }
0xd1: {  	v12 =	vpop (erf)  }
0xd2: {  	v12 =	vadd.f32 $1.000000000e+00, v12;
	_ =	sdelay $0x1  }
0xd3: {  	(erf) = vrcp.f32 v12;
	_ =	sdelay $0x8  }
0xd4: {  	v12 =	vpop (erf)  }
0xd5: {  	v62 =	vsub.f32 $1.000000000e+00, v12;
	_ =	sdelay $0x1  }
0xd6: {  	s30 =	sadd.s32 $0x2, s4;
	v12 =	vmul.f32 v12, v9;
	v9 =	vmul.f32 v62, v9  }
0xd7: {  	v63 =	vadd.s32 s30, v4  }
0xd8: {  	v11 =	vadd.f32 v12, v11;
	v9 =	vsub.f32 v10, v9;
	_ =	sdelay $0x1  }
0xd9: {  	v10 =	vshrl.u32 v11, $0x10;
	v9 =	vand.u32 $0xFFFF0000, v9  }
0xda: {  	v9 =	vor.u32 v10, v9  }
.Ltmp2:
0xdb: {  	s31 =	rddreg [dreg:$0xc];
	[tilespmem:v63+s14+$0x0] =	vst.idx.msk vm0, v9;
	(pc) =	sbr.rel @p0 .LBB2_9-.Ltmp2, $4  }
0xdc: {  	[spmem:s31] =	stream.linear.scatter [tilespmem:s14], [sflag:$0x4], $0x500, $0x38;
	[tilespmem:$0x1F500] =	vst v63  }
0xdd: {  	_ =	swait.ge [sflag:s12], $0x500  }
0xde: {  	[sflag:s12] =	ssyncset.done $0x0  }
0xdf: {  	[sflag:s12] =	ssyncadd.s32 $0xFFFFFB00  }
0xe0: {  	s0 =	simm.s32 $0x40;
	s4 =	simm.s32 $0x0  }
.LBB2_7:
0xe1: {  	p1 =	sne.s32 s0, $0x27C0;
	[tilespmem:s4+$0x1A400] =	vst v2;
	s4 =	smov.u32 s0;
	s0 =	sadd.s32 $0x40, s0  }
.Ltmp3:
0xe2: {  	(pc) =	sbr.rel @p1 .LBB2_7-.Ltmp3, $2  }
0xe3: {  	_ =	sdelay $0x2  }
0xe4: {  	s4 =	sshra.s32 s4, $0x2  }
0xe5: {  	[tilespmem:s4+$0x1A400] =	vst v2;
	s0 =	rddreg [dreg:$0x5]  }
0xe6: {  	[spmem:s0] =	stream.linear.scatter [tilespmem:s15], [sflag:$0x4], $0xA00, $0x38;
	[tilespmem:$0x1F500] =	vst v63  }
0xe7: {  	_ =	swait.ge [sflag:s12], $0xA00  }
0xe8: {  	[sflag:s12] =	ssyncset.done $0x0  }
0xe9: {  	[sflag:s12] =	ssyncadd.s32 $0xFFFFF600  }
.LBB2_9:
0xea: {  	[bflag:$0x0] =	sbarrier.arrive $0xFFFF  }
0xeb: {  	s31 =	simm.s32 $0x0;
	s0 =	rddreg [dreg:$0x4]  }
0xec: {  	[tilespmem:s31], [sflag:$0x4] =	stream.linear.gather [spmem:s0], $0x5000, $0x38;
	[tilespmem:$0x1F500] =	vst v63  }
0xed: {  	_ =	swait.ge [sflag:s12], $0x5000  }
0xee: {  	[sflag:s12] =	ssyncset.done $0x0  }
0xef: {  	[sflag:s12] =	ssyncadd.s32 $0xFFFFB000  }
0xf0: {  	s0 =	rddreg [dreg:$0x5]  }
0xf1: {  	[tilespmem:s16], [sflag:$0x1] =	stream.linear.gather [spmem:s0], $0xA00, $0x38;
	[tilespmem:$0x1F500] =	vst v63  }
0xf2: {  	_ = 	snop  }
0xf3: {  	[tilespmem:s17], [sflag:$0x1] =	stream.linear.gather [spmem:s0], $0xA00, $0x38;
	[tilespmem:$0x1F500] =	vst v63  }
0xf4: {  	s2 =	simm.s32 $0x5A00  }
0xf5: {  	[tilespmem:s2], [sflag:$0x1] =	stream.linear.gather [spmem:s0], $0xA00, $0x38;
	[tilespmem:$0x1F500] =	vst v63  }
0xf6: {  	s7 =	simm.s32 $0xFA00  }
0xf7: {  	[tilespmem:s7], [sflag:$0x1] =	stream.linear.gather [spmem:s0], $0xA00, $0x38;
	[tilespmem:$0x1F500] =	vst v63  }
0xf8: {  	s8 =	simm.s32 $0x6400  }
0xf9: {  	[tilespmem:s8], [sflag:$0x1] =	stream.linear.gather [spmem:s0], $0xA00, $0x38;
	[tilespmem:$0x1F500] =	vst v63  }
0xfa: {  	s9 =	simm.s32 $0x10400  }
0xfb: {  	[tilespmem:s9], [sflag:$0x1] =	stream.linear.gather [spmem:s0], $0xA00, $0x38;
	[tilespmem:$0x1F500] =	vst v63  }
0xfc: {  	s10 =	simm.s32 $0x6E00  }
0xfd: {  	[tilespmem:s10], [sflag:$0x1] =	stream.linear.gather [spmem:s0], $0xA00, $0x38;
	[tilespmem:$0x1F500] =	vst v63  }
0xfe: {  	s24 =	simm.s32 $0x10E00  }
0xff: {  	[tilespmem:s24], [sflag:$0x1] =	stream.linear.gather [spmem:s0], $0xA00, $0x38;
	[tilespmem:$0x1F500] =	vst v63  }
0x100: {  	s30 =	simm.s32 $0x7800  }
0x101: {  	[tilespmem:s30], [sflag:$0x1] =	stream.linear.gather [spmem:s0], $0xA00, $0x38;
	[tilespmem:$0x1F500] =	vst v63  }
0x102: {  	s3 =	simm.s32 $0x11800  }
0x103: {  	[tilespmem:s3], [sflag:$0x1] =	stream.linear.gather [spmem:s0], $0xA00, $0x38;
	[tilespmem:$0x1F500] =	vst v63  }
0x104: {  	s4 =	simm.s32 $0x8200  }
0x105: {  	[tilespmem:s4], [sflag:$0x1] =	stream.linear.gather [spmem:s0], $0xA00, $0x38;
	[tilespmem:$0x1F500] =	vst v63  }
0x106: {  	s7 =	simm.s32 $0x12200  }
0x107: {  	[tilespmem:s7], [sflag:$0x1] =	stream.linear.gather [spmem:s0], $0xA00, $0x38;
	[tilespmem:$0x1F500] =	vst v63  }
0x108: {  	s8 =	simm.s32 $0x8C00  }
0x109: {  	[tilespmem:s8], [sflag:$0x1] =	stream.linear.gather [spmem:s0], $0xA00, $0x38;
	[tilespmem:$0x1F500] =	vst v63  }
0x10a: {  	s9 =	simm.s32 $0x12C00  }
0x10b: {  	[tilespmem:s9], [sflag:$0x1] =	stream.linear.gather [spmem:s0], $0xA00, $0x38;
	[tilespmem:$0x1F500] =	vst v63  }
0x10c: {  	s10 =	simm.s32 $0x9600  }
0x10d: {  	[tilespmem:s10], [sflag:$0x1] =	stream.linear.gather [spmem:s0], $0xA00, $0x38;
	[tilespmem:$0x1F500] =	vst v63  }
0x10e: {  	s24 =	simm.s32 $0x13600  }
0x10f: {  	[tilespmem:s24], [sflag:$0x1] =	stream.linear.gather [spmem:s0], $0xA00, $0x38;
	[tilespmem:$0x1F500] =	vst v63  }
0x110: {  	s30 =	simm.s32 $0xA000  }
0x111: {  	[tilespmem:s30], [sflag:$0x1] =	stream.linear.gather [spmem:s0], $0xA00, $0x38;
	[tilespmem:$0x1F500] =	vst v63  }
0x112: {  	s3 =	simm.s32 $0x14000  }
0x113: {  	[tilespmem:s3], [sflag:$0x1] =	stream.linear.gather [spmem:s0], $0xA00, $0x38;
	[tilespmem:$0x1F500] =	vst v63  }
0x114: {  	s4 =	simm.s32 $0xAA00  }
0x115: {  	[tilespmem:s4], [sflag:$0x1] =	stream.linear.gather [spmem:s0], $0xA00, $0x38;
	[tilespmem:$0x1F500] =	vst v63  }
0x116: {  	s7 =	simm.s32 $0x14A00  }
0x117: {  	[tilespmem:s7], [sflag:$0x1] =	stream.linear.gather [spmem:s0], $0xA00, $0x38;
	[tilespmem:$0x1F500] =	vst v63  }
0x118: {  	s8 =	simm.s32 $0xB400  }
0x119: {  	[tilespmem:s8], [sflag:$0x1] =	stream.linear.gather [spmem:s0], $0xA00, $0x38;
	[tilespmem:$0x1F500] =	vst v63  }
0x11a: {  	s9 =	simm.s32 $0x15400  }
0x11b: {  	[tilespmem:s9], [sflag:$0x1] =	stream.linear.gather [spmem:s0], $0xA00, $0x38;
	[tilespmem:$0x1F500] =	vst v63  }
0x11c: {  	s10 =	simm.s32 $0xBE00  }
0x11d: {  	[tilespmem:s10], [sflag:$0x1] =	stream.linear.gather [spmem:s0], $0xA00, $0x38;
	[tilespmem:$0x1F500] =	vst v63  }
0x11e: {  	s24 =	simm.s32 $0x15E00  }
0x11f: {  	[tilespmem:s24], [sflag:$0x1] =	stream.linear.gather [spmem:s0], $0xA00, $0x38;
	[tilespmem:$0x1F500] =	vst v63  }
0x120: {  	s30 =	simm.s32 $0xC800  }
0x121: {  	[tilespmem:s30], [sflag:$0x1] =	stream.linear.gather [spmem:s0], $0xA00, $0x38;
	[tilespmem:$0x1F500] =	vst v63  }
0x122: {  	s3 =	simm.s32 $0x16800  }
0x123: {  	[tilespmem:s3], [sflag:$0x1] =	stream.linear.gather [spmem:s0], $0xA00, $0x38;
	[tilespmem:$0x1F500] =	vst v63  }
0x124: {  	s4 =	simm.s32 $0xD200  }
0x125: {  	[tilespmem:s4], [sflag:$0x1] =	stream.linear.gather [spmem:s0], $0xA00, $0x38;
	[tilespmem:$0x1F500] =	vst v63  }
0x126: {  	s7 =	simm.s32 $0x17200  }
0x127: {  	[tilespmem:s7], [sflag:$0x1] =	stream.linear.gather [spmem:s0], $0xA00, $0x38;
	[tilespmem:$0x1F500] =	vst v63  }
0x128: {  	s8 =	simm.s32 $0xDC00  }
0x129: {  	[tilespmem:s8], [sflag:$0x1] =	stream.linear.gather [spmem:s0], $0xA00, $0x38;
	[tilespmem:$0x1F500] =	vst v63  }
0x12a: {  	s9 =	simm.s32 $0x17C00  }
0x12b: {  	[tilespmem:s9], [sflag:$0x1] =	stream.linear.gather [spmem:s0], $0xA00, $0x38;
	[tilespmem:$0x1F500] =	vst v63  }
0x12c: {  	s10 =	simm.s32 $0xE600  }
0x12d: {  	[tilespmem:s10], [sflag:$0x1] =	stream.linear.gather [spmem:s0], $0xA00, $0x38;
	[tilespmem:$0x1F500] =	vst v63  }
0x12e: {  	s24 =	simm.s32 $0x18600  }
0x12f: {  	[tilespmem:s24], [sflag:$0x1] =	stream.linear.gather [spmem:s0], $0xA00, $0x38;
	[tilespmem:$0x1F500] =	vst v63  }
0x130: {  	_ =	swait.ge [sflag:s18], $0xA00  }
0x131: {  	[sflag:s18] =	ssyncset.done $0x0  }
0x132: {  	[sflag:s18] =	ssyncadd.s32 $0xFFFFF600  }
0x133: {  	_ =	swait.ge [sflag:s18], $0xA00  }
0x134: {  	[sflag:s18] =	ssyncset.done $0x0  }
0x135: {  	[sflag:s18] =	ssyncadd.s32 $0xFFFFF600  }
0x136: {  	_ =	swait.ge [sflag:s18], $0xA00  }
0x137: {  	[sflag:s18] =	ssyncset.done $0x0  }
0x138: {  	[sflag:s18] =	ssyncadd.s32 $0xFFFFF600  }
0x139: {  	_ =	swait.ge [sflag:s18], $0xA00  }
0x13a: {  	[sflag:s18] =	ssyncset.done $0x0  }
0x13b: {  	[sflag:s18] =	ssyncadd.s32 $0xFFFFF600  }
0x13c: {  	_ =	swait.ge [sflag:s18], $0xA00  }
0x13d: {  	[sflag:s18] =	ssyncset.done $0x0  }
0x13e: {  	[sflag:s18] =	ssyncadd.s32 $0xFFFFF600  }
0x13f: {  	_ =	swait.ge [sflag:s18], $0xA00  }
0x140: {  	[sflag:s18] =	ssyncset.done $0x0  }
0x141: {  	[sflag:s18] =	ssyncadd.s32 $0xFFFFF600  }
0x142: {  	_ =	swait.ge [sflag:s18], $0xA00  }
0x143: {  	[sflag:s18] =	ssyncset.done $0x0  }
0x144: {  	[sflag:s18] =	ssyncadd.s32 $0xFFFFF600  }
0x145: {  	_ =	swait.ge [sflag:s18], $0xA00  }
0x146: {  	[sflag:s18] =	ssyncset.done $0x0  }
0x147: {  	[sflag:s18] =	ssyncadd.s32 $0xFFFFF600  }
0x148: {  	_ =	swait.ge [sflag:s18], $0xA00  }
0x149: {  	[sflag:s18] =	ssyncset.done $0x0  }
0x14a: {  	[sflag:s18] =	ssyncadd.s32 $0xFFFFF600  }
0x14b: {  	_ =	swait.ge [sflag:s18], $0xA00  }
0x14c: {  	[sflag:s18] =	ssyncset.done $0x0  }
0x14d: {  	[sflag:s18] =	ssyncadd.s32 $0xFFFFF600  }
0x14e: {  	_ =	swait.ge [sflag:s18], $0xA00  }
0x14f: {  	[sflag:s18] =	ssyncset.done $0x0  }
0x150: {  	[sflag:s18] =	ssyncadd.s32 $0xFFFFF600  }
0x151: {  	_ =	swait.ge [sflag:s18], $0xA00  }
0x152: {  	[sflag:s18] =	ssyncset.done $0x0  }
0x153: {  	[sflag:s18] =	ssyncadd.s32 $0xFFFFF600  }
0x154: {  	_ =	swait.ge [sflag:s18], $0xA00  }
0x155: {  	[sflag:s18] =	ssyncset.done $0x0  }
0x156: {  	[sflag:s18] =	ssyncadd.s32 $0xFFFFF600  }
0x157: {  	_ =	swait.ge [sflag:s18], $0xA00  }
0x158: {  	[sflag:s18] =	ssyncset.done $0x0  }
0x159: {  	[sflag:s18] =	ssyncadd.s32 $0xFFFFF600  }
0x15a: {  	_ =	swait.ge [sflag:s18], $0xA00  }
0x15b: {  	[sflag:s18] =	ssyncset.done $0x0  }
0x15c: {  	[sflag:s18] =	ssyncadd.s32 $0xFFFFF600  }
0x15d: {  	_ =	swait.ge [sflag:s18], $0xA00  }
0x15e: {  	[sflag:s18] =	ssyncset.done $0x0  }
0x15f: {  	[sflag:s18] =	ssyncadd.s32 $0xFFFFF600  }
0x160: {  	_ =	swait.ge [sflag:s18], $0xA00  }
0x161: {  	[sflag:s18] =	ssyncset.done $0x0  }
0x162: {  	[sflag:s18] =	ssyncadd.s32 $0xFFFFF600  }
0x163: {  	_ =	swait.ge [sflag:s18], $0xA00  }
0x164: {  	[sflag:s18] =	ssyncset.done $0x0  }
0x165: {  	[sflag:s18] =	ssyncadd.s32 $0xFFFFF600  }
0x166: {  	_ =	swait.ge [sflag:s18], $0xA00  }
0x167: {  	[sflag:s18] =	ssyncset.done $0x0  }
0x168: {  	[sflag:s18] =	ssyncadd.s32 $0xFFFFF600  }
0x169: {  	_ =	swait.ge [sflag:s18], $0xA00  }
0x16a: {  	[sflag:s18] =	ssyncset.done $0x0  }
0x16b: {  	[sflag:s18] =	ssyncadd.s32 $0xFFFFF600  }
0x16c: {  	_ =	swait.ge [sflag:s18], $0xA00  }
0x16d: {  	[sflag:s18] =	ssyncset.done $0x0  }
0x16e: {  	[sflag:s18] =	ssyncadd.s32 $0xFFFFF600  }
0x16f: {  	_ =	swait.ge [sflag:s18], $0xA00  }
0x170: {  	[sflag:s18] =	ssyncset.done $0x0  }
0x171: {  	[sflag:s18] =	ssyncadd.s32 $0xFFFFF600  }
0x172: {  	_ =	swait.ge [sflag:s18], $0xA00  }
0x173: {  	[sflag:s18] =	ssyncset.done $0x0  }
0x174: {  	[sflag:s18] =	ssyncadd.s32 $0xFFFFF600  }
0x175: {  	_ =	swait.ge [sflag:s18], $0xA00  }
0x176: {  	[sflag:s18] =	ssyncset.done $0x0  }
0x177: {  	[sflag:s18] =	ssyncadd.s32 $0xFFFFF600  }
0x178: {  	_ =	swait.ge [sflag:s18], $0xA00  }
0x179: {  	[sflag:s18] =	ssyncset.done $0x0  }
0x17a: {  	[sflag:s18] =	ssyncadd.s32 $0xFFFFF600  }
0x17b: {  	_ =	swait.ge [sflag:s18], $0xA00  }
0x17c: {  	[sflag:s18] =	ssyncset.done $0x0  }
0x17d: {  	[sflag:s18] =	ssyncadd.s32 $0xFFFFF600  }
0x17e: {  	_ =	swait.ge [sflag:s18], $0xA00  }
0x17f: {  	[sflag:s18] =	ssyncset.done $0x0  }
0x180: {  	[sflag:s18] =	ssyncadd.s32 $0xFFFFF600  }
0x181: {  	_ =	swait.ge [sflag:s18], $0xA00  }
0x182: {  	[sflag:s18] =	ssyncset.done $0x0  }
0x183: {  	[sflag:s18] =	ssyncadd.s32 $0xFFFFF600  }
0x184: {  	_ =	swait.ge [sflag:s18], $0xA00  }
0x185: {  	[sflag:s18] =	ssyncset.done $0x0  }
0x186: {  	[sflag:s18] =	ssyncadd.s32 $0xFFFFF600  }
0x187: {  	_ =	swait.ge [sflag:s18], $0xA00  }
0x188: {  	[sflag:s18] =	ssyncset.done $0x0  }
0x189: {  	[sflag:s18] =	ssyncadd.s32 $0xFFFFF600  }
0x18a: {  	_ =	swait.ge [sflag:s18], $0xA00  }
0x18b: {  	[sflag:s18] =	ssyncset.done $0x0  }
0x18c: {  	[sflag:s18] =	ssyncadd.s32 $0xFFFFF600  }
0x18d: {  	_ =	swait.ge [sflag:s18], $0xA00  }
0x18e: {  	[sflag:s18] =	ssyncset.done $0x0;
	s30 =	rddreg [dreg:$0xd]  }
0x18f: {  	s2 =	rddreg [dreg:$0xe];
	[sflag:s18] =	ssyncadd.s32 $0xFFFFF600  }
0x190: {  	v9 =	vld [tilespmem:$0x1DB80];
	[tilespmem:s21], [sflag:$0x2] =	stream.linear.gather [hbm4b:s30+s31], $0xC8, $0x38  }
0x191: {  	s3 =	rddreg [dreg:$0x10]  }
0x192: {  	[tilespmem:s22], [sflag:$0x2] =	stream.linear.gather [hbm4b:s2+s31], $0xC8, $0x38;
	[tilespmem:$0x1F500] =	vst v63  }
0x193: {  	s4 =	rddreg [dreg:$0x13]  }
0x194: {  	[tilespmem:s23], [sflag:$0x2] =	stream.linear.gather [hbm4b:s3+s31], $0xC8, $0x38;
	[tilespmem:$0x1F500] =	vst v63  }
0x195: {  	s7 =	sld [smem:$0x7D9]  }
0x196: {  	[tilespmem:s19], [sflag:$0x2] =	stream.linear.gather [hbm4b:s4+s31], $0xC8, $0x38;
	[tilespmem:$0x1F500] =	vst v63  }
0x197: {  	s8 =	simm.s32 $0x1CAC8;
	s9 =	sld [smem:$0x7DA]  }
0x198: {  	[tilespmem:s8], [sflag:$0x2] =	stream.linear.gather [hbm4b:s7+s31], $0xC8, $0x38;
	[tilespmem:$0x1F500] =	vst v63  }
0x199: {  	s10 =	simm.s32 $0x1CB90;
	s24 =	sld [smem:$0x7DB]  }
0x19a: {  	[tilespmem:s10], [sflag:$0x2] =	stream.linear.gather [hbm4b:s9+s31], $0xC8, $0x38;
	[tilespmem:$0x1F500] =	vst v63  }
0x19b: {  	s0 =	simm.s32 $0x0;
	s30 =	simm.s32 $0x1CC58  }
0x19c: {  	[tilespmem:s30], [sflag:$0x2] =	stream.linear.gather [hbm4b:s24+s31], $0xC8, $0x38;
	[tilespmem:$0x1F500] =	vst v63  }
.LBB2_10:
0x19d: {  	s2 =	sld [smem:$0x7DC]  }
0x19e: {  	s30 =	smul.u32 $0x190, s0;
	_ =	sdelay $0x1  }
0x19f: {  	s4 =	sadd.s32 s30, s2  }
0x1a0: {  	s3 =	rddreg [dreg:$0x7];
	s4 =	sshrl.u32 s4, $0x3  }
0x1a1: {  	s7 =	sadd.s32 s3, s4  }
0x1a2: {  	[tilespmem:s20], [sflag:$0x3] =	stream.linear.gather [hbm4b:s7+s31], $0xC8, $0x38;
	[tilespmem:$0x1F500] =	vst v63  }
0x1a3: {  	s7 =	rddreg [dreg:$0x8]  }
0x1a4: {  	s9 =	rddreg [dreg:$0x1];
	s8 =	sadd.s32 s7, s4  }
0x1a5: {  	[tilespmem:s5], [sflag:$0x3] =	stream.linear.gather [hbm4b:s8+s31], $0xC8, $0x38;
	[tilespmem:$0x1F500] =	vst v63  }
0x1a6: {  	s2 =	rddreg [dreg:$0x2];
	s10 =	sadd.s32 s9, s4  }
0x1a7: {  	[tilespmem:s1], [sflag:$0x3] =	stream.linear.gather [hbm4b:s10+s31], $0xC8, $0x38;
	[tilespmem:$0x1F500] =	vst v63  }
0x1a8: {  	s24 =	sadd.s32 s2, s4;
	s9 =	sadd.s32 $0x4E20, s4  }
0x1a9: {  	[tilespmem:s11], [sflag:$0x3] =	stream.linear.gather [hbm4b:s24+s31], $0xC8, $0x38;
	[tilespmem:$0x1F500] =	vst v63  }
0x1aa: {  	s3 =	sadd.s32 s2, s9;
	s8 =	simm.s32 $0x1D4C8;
	s10 =	sadd.s32 $0x9C40, s4  }
0x1ab: {  	[tilespmem:s8], [sflag:$0x3] =	stream.linear.gather [hbm4b:s3+s31], $0xC8, $0x38;
	[tilespmem:$0x1F500] =	vst v63  }
0x1ac: {  	s24 =	simm.s32 $0x1D590;
	s8 =	sadd.s32 s2, s10  }
0x1ad: {  	[tilespmem:s24], [sflag:$0x3] =	stream.linear.gather [hbm4b:s8+s31], $0xC8, $0x38;
	[tilespmem:$0x1F500] =	vst v63  }
0x1ae: {  	s24 =	sadd.s32 $0xEA60, s4  }
0x1af: {  	s3 =	simm.s32 $0x1D658;
	s2 =	sadd.s32 s2, s24  }
0x1b0: {  	[tilespmem:s3], [sflag:$0x3] =	stream.linear.gather [hbm4b:s2+s31], $0xC8, $0x38;
	[tilespmem:$0x1F500] =	vst v63  }
0x1b1: {  	_ =	swait.ge [sflag:s25], $0xC8  }
0x1b2: {  	[sflag:s25] =	ssyncset.done $0x0  }
0x1b3: {  	[sflag:s25] =	ssyncadd.s32 $0xFFFFFF38  }
0x1b4: {  	_ =	swait.ge [sflag:s25], $0xC8  }
0x1b5: {  	[sflag:s25] =	ssyncset.done $0x0  }
0x1b6: {  	[sflag:s25] =	ssyncadd.s32 $0xFFFFFF38  }
0x1b7: {  	_ =	swait.ge [sflag:s25], $0xC8  }
0x1b8: {  	[sflag:s25] =	ssyncset.done $0x0  }
0x1b9: {  	[sflag:s25] =	ssyncadd.s32 $0xFFFFFF38  }
0x1ba: {  	_ =	swait.ge [sflag:s25], $0xC8  }
0x1bb: {  	[sflag:s25] =	ssyncset.done $0x0  }
0x1bc: {  	[sflag:s25] =	ssyncadd.s32 $0xFFFFFF38  }
0x1bd: {  	_ =	swait.ge [sflag:s25], $0xC8  }
0x1be: {  	[sflag:s25] =	ssyncset.done $0x0  }
0x1bf: {  	[sflag:s25] =	ssyncadd.s32 $0xFFFFFF38  }
0x1c0: {  	_ =	swait.ge [sflag:s25], $0xC8  }
0x1c1: {  	v10 =	vor.u32 s31, v5;
	[sflag:s25] =	ssyncset.done $0x0  }
0x1c2: {  	[sflag:s25] =	ssyncadd.s32 $0xFFFFFF38  }
0x1c3: {  	_ =	swait.ge [sflag:s25], $0xC8  }
0x1c4: {  	[sflag:s25] =	ssyncset.done $0x0  }
0x1c5: {  	[sflag:s25] =	ssyncadd.s32 $0xFFFFFF38  }
0x1c6: {  	v11 =	vld.idx.msk [tilespmem:v10+s21+$0x0], $0xffff;
	_ =	sdelay $0x2  }
0x1c7: {  	v12 =	vld.idx.msk [tilespmem:v10+s22+$0x0], $0xffff;
	_ =	sdelay $0x1  }
0x1c8: {  	v13 =	vshll.u32 v11, $0x1  }
0x1c9: {  	v13 =	vor.u32 v6, v13;
	_ =	sdelay $0x1  }
0x1ca: {  	v14 =	vshll.u32 v12, $0x1  }
0x1cb: {  	v14 =	vor.u32 v6, v14  }
0x1cc: {  	v15 =	vadd.s32 s31, v7  }
0x1cd: {  	v13 =	vld.idx.msk [tilespmem:v13+s6+$0x0], $0xffff;
	_ =	sdelay $0x2  }
0x1ce: {  	v14 =	vld.idx.msk [tilespmem:v14+s6+$0x0], $0xffff  }
0x1cf: {  	v16 =	vld.idx.msk [tilespmem:v15+s19+$0x0], $0xffff  }
0x1d0: {  	v17 =	vshll.u32 v13, $0x10;
	v13 =	vand.u32 $0xFFFF0000, v13  }
0x1d1: {  	v13 =	vsel vm0, v17, v13  }
0x1d2: {  	v13 =	vsub.f32 $0.0e+00, v13  }
0x1d3: {  	v58 =	vshll.u32 v14, $0x10;
	v14 =	vand.u32 $0xFFFF0000, v14  }
0x1d4: {  	v14 =	vsel vm0, v58, v14;
	v59 =	vmax.f32 v13, v16  }
0x1d5: {  	v17 =	vmax.f32 v59, v14  }
0x1d6: {  	v13 =	vsub.f32 v13, v17  }
0x1d7: {  	v18 =	vsub.f32 v16, v17  }
0x1d8: {  	v13 =	vmul.f32 $1.442695020e+00, v13  }
0x1d9: {  	v14 =	vsub.f32 v14, v17;
	v18 =	vmul.f32 $1.442695020e+00, v18  }
0x1da: {  	(erf) = vpow2.f32 v13  }
0x1db: {  	v13 =	vmul.f32 $1.442695020e+00, v14;
	(erf) = vpow2.f32 v18;
	_ =	sdelay $0x1  }
0x1dc: {  	(erf) = vpow2.f32 v13;
	_ =	sdelay $0x5  }
0x1dd: {  	v13 =	vpop (erf)  }
0x1de: {  	v14 =	vpop (erf)  }
0x1df: {  	v60 =	vadd.f32 v14, v13  }
0x1e0: {  	v61 =	vpop (erf)  }
0x1e1: {  	v17 =	vadd.f32 v60, v61;
	_ =	sdelay $0x1  }
0x1e2: {  	(erf) = vrcp.f32 v17;
	_ =	sdelay $0x2  }
0x1e3: {  	v10 =	vld.idx.msk [tilespmem:v10+s23+$0x0], $0xffff;
	_ =	sdelay $0x4  }
0x1e4: {  	v10 =	vmul.f32 v10, v9  }
0x1e5: {  	v17 =	vpop (erf)  }
0x1e6: {  	v10 =	vmul.f32 v17, v10  }
0x1e7: {  	v11 =	vshll.u32 v11, $0x2  }
0x1e8: {  	v62 =	vor.u32 v8, v11;
	v11 =	vsub.f32 $0.0e+00, v10;
	_ =	sdelay $0x1  }
0x1e9: {  	v14 =	vmul.f32 v10, v14;
	v63 =	vmul.f32 v11, v13;
	v11 =	vshll.u32 v12, $0x2  }
0x1ea: {  	s8 =	simm.s32 $0x4;
	v13 =	vor.u32 v8, v11  }
0x1eb: {  	v14 =	vadd.f32 v14, v16;
	v11 =	vor.u32 s8, v5;
	_ =	sdelay $0x1  }
0x1ec: {  	v12 =	vmul.f32 v10, v61;
	v10 =	vadd.s32 s8, v7;
	[tilespmem:v15+s26+$0x0] =	vst.idx.msk $0xffff, v14  }
0x1ed: {  	s7 =	simm.s32 $0x8;
	[tilespmem:v62+s16+$0x0] =	vst.idx.msk $0xffff, v63  }
.LBB2_11:
0x1ee: {  	p1 =	sne.s32 s7, $0xC4;
	[tilespmem:v13+s17+$0x0] =	vst.idx.msk $0xffff, v12  }
0x1ef: {  	v12 =	vld.idx.msk [tilespmem:v11+s21+$0x0], $0xffff  }
0x1f0: {  	v13 =	vld.idx.msk [tilespmem:v11+s22+$0x0], $0xffff  }
0x1f1: {  	v14 =	vld.idx.msk [tilespmem:v10+s19+$0x0], $0xffff  }
0x1f2: {  	v11 =	vld.idx.msk [tilespmem:v11+s23+$0x0], $0xffff;
	_ =	sdelay $0x2  }
0x1f3: {  	v15 =	vshll.u32 v12, $0x1  }
0x1f4: {  	v15 =	vor.u32 v6, v15;
	v16 =	vshll.u32 v13, $0x2;
	_ =	sdelay $0x1  }
0x1f5: {  	v13 =	vshll.u32 v13, $0x1  }
0x1f6: {  	v13 =	vor.u32 v6, v13;
	_ =	sdelay $0x1  }
0x1f7: {  	v15 =	vld.idx.msk [tilespmem:v15+s6+$0x0], $0xffff;
	_ =	sdelay $0x2  }
0x1f8: {  	v13 =	vld.idx.msk [tilespmem:v13+s6+$0x0], $0xffff;
	_ =	sdelay $0x2  }
0x1f9: {  	v17 =	vshll.u32 v15, $0x10;
	v15 =	vand.u32 $0xFFFF0000, v15  }
0x1fa: {  	v15 =	vsel vm0, v17, v15  }
0x1fb: {  	v15 =	vsub.f32 $0.0e+00, v15  }
0x1fc: {  	v17 =	vshll.u32 v13, $0x10;
	v13 =	vand.u32 $0xFFFF0000, v13  }
0x1fd: {  	v13 =	vsel vm0, v17, v13;
	v17 =	vmax.f32 v15, v14  }
0x1fe: {  	v17 =	vmax.f32 v17, v13  }
0x1ff: {  	v15 =	vsub.f32 v15, v17  }
0x200: {  	v18 =	vsub.f32 v14, v17  }
0x201: {  	v15 =	vmul.f32 $1.442695020e+00, v15  }
0x202: {  	v13 =	vsub.f32 v13, v17;
	v18 =	vmul.f32 $1.442695020e+00, v18  }
0x203: {  	(erf) = vpow2.f32 v15  }
0x204: {  	v13 =	vmul.f32 $1.442695020e+00, v13;
	(erf) = vpow2.f32 v18;
	_ =	sdelay $0x1  }
0x205: {  	(erf) = vpow2.f32 v13;
	_ =	sdelay $0x5  }
0x206: {  	v15 =	vpop (erf)  }
0x207: {  	v13 =	vpop (erf)  }
0x208: {  	v17 =	vadd.f32 v13, v15  }
0x209: {  	v18 =	vpop (erf)  }
0x20a: {  	v17 =	vadd.f32 v17, v18;
	_ =	sdelay $0x1  }
0x20b: {  	(erf) = vrcp.f32 v17;
	_ =	sdelay $0x7  }
0x20c: {  	v11 =	vmul.f32 v11, v9  }
0x20d: {  	v17 =	vpop (erf)  }
0x20e: {  	v11 =	vmul.f32 v17, v11  }
0x20f: {  	v12 =	vshll.u32 v12, $0x2  }
0x210: {  	v19 =	vor.u32 v8, v12;
	v17 =	vmul.f32 v11, v13;
	v12 =	vmul.f32 v11, v18  }
.Ltmp4:
0x211: {  	v18 =	vsub.f32 $0.0e+00, v11;
	v13 =	vor.u32 v8, v16;
	(pc) =	sbr.rel @p1 .LBB2_11-.Ltmp4, $4  }
0x212: {  	v11 =	vor.u32 s7, v5;
	v14 =	vadd.f32 v17, v14  }
0x213: {  	v15 =	vmul.f32 v18, v15  }
0x214: {  	[tilespmem:v10+s26+$0x0] =	vst.idx.msk $0xffff, v14;
	v10 =	vadd.s32 s7, v7  }
0x215: {  	s7 =	sadd.s32 $0x4, s7;
	[tilespmem:v19+s16+$0x0] =	vst.idx.msk $0xffff, v15  }
0x216: {  	_ =	sdelay $0x3  }
0x217: {  	[tilespmem:v13+s17+$0x0] =	vst.idx.msk $0xffff, v12  }
0x218: {  	v12 =	vld.idx.msk [tilespmem:v11+s21+$0x0], $0xffff;
	_ =	sdelay $0x2  }
0x219: {  	v13 =	vld.idx.msk [tilespmem:v11+s22+$0x0], $0xffff;
	_ =	sdelay $0x1  }
0x21a: {  	v14 =	vshll.u32 v12, $0x1  }
0x21b: {  	v14 =	vor.u32 v6, v14;
	_ =	sdelay $0x1  }
0x21c: {  	v15 =	vshll.u32 v13, $0x1  }
0x21d: {  	v15 =	vor.u32 v6, v15;
	_ =	sdelay $0x1  }
0x21e: {  	v14 =	vld.idx.msk [tilespmem:v14+s6+$0x0], $0xffff;
	_ =	sdelay $0x2  }
0x21f: {  	v15 =	vld.idx.msk [tilespmem:v15+s6+$0x0], $0xffff  }
0x220: {  	v16 =	vld.idx.msk [tilespmem:v10+s19+$0x0], $0xffff  }
0x221: {  	v17 =	vshll.u32 v14, $0x10;
	v14 =	vand.u32 $0xFFFF0000, v14  }
0x222: {  	v14 =	vsel vm0, v17, v14  }
0x223: {  	v14 =	vsub.f32 $0.0e+00, v14  }
0x224: {  	v51 =	vshll.u32 v15, $0x10;
	v15 =	vand.u32 $0xFFFF0000, v15  }
0x225: {  	v15 =	vsel vm0, v51, v15;
	v52 =	vmax.f32 v14, v16  }
0x226: {  	v17 =	vmax.f32 v52, v15  }
0x227: {  	v14 =	vsub.f32 v14, v17  }
0x228: {  	v18 =	vsub.f32 v16, v17  }
0x229: {  	v14 =	vmul.f32 $1.442695020e+00, v14  }
0x22a: {  	v15 =	vsub.f32 v15, v17;
	v18 =	vmul.f32 $1.442695020e+00, v18  }
0x22b: {  	(erf) = vpow2.f32 v14  }
0x22c: {  	v14 =	vmul.f32 $1.442695020e+00, v15;
	(erf) = vpow2.f32 v18;
	_ =	sdelay $0x1  }
0x22d: {  	(erf) = vpow2.f32 v14;
	_ =	sdelay $0x5  }
0x22e: {  	v14 =	vpop (erf)  }
0x22f: {  	v15 =	vpop (erf)  }
0x230: {  	v53 =	vadd.f32 v15, v14  }
0x231: {  	v54 =	vpop (erf)  }
0x232: {  	v17 =	vadd.f32 v53, v54;
	_ =	sdelay $0x1  }
0x233: {  	(erf) = vrcp.f32 v17;
	_ =	sdelay $0x2  }
0x234: {  	v11 =	vld.idx.msk [tilespmem:v11+s23+$0x0], $0xffff;
	_ =	sdelay $0x4  }
0x235: {  	v11 =	vmul.f32 v11, v9  }
0x236: {  	v17 =	vpop (erf)  }
0x237: {  	v11 =	vmul.f32 v17, v11  }
0x238: {  	v12 =	vshll.u32 v12, $0x2  }
0x239: {  	v13 =	vshll.u32 v13, $0x2;
	v12 =	vor.u32 v8, v12;
	v15 =	vmul.f32 v11, v15  }
0x23a: {  	v13 =	vor.u32 v8, v13;
	v17 =	vsub.f32 $0.0e+00, v11  }
0x23b: {  	v15 =	vadd.f32 v15, v16  }
0x23c: {  	s2 =	rddreg [dreg:$0xb];
	v14 =	vmul.f32 v17, v14  }
0x23d: {  	s7 =	sadd.s32 s2, s30;
	v11 =	vmul.f32 v11, v54;
	[tilespmem:v10+s26+$0x0] =	vst.idx.msk $0xffff, v15  }
0x23e: {  	s8 =	rddreg [dreg:$0x3];
	s7 =	sshrl.u32 s7, $0x3;
	[tilespmem:v12+s16+$0x0] =	vst.idx.msk $0xffff, v14  }
0x23f: {  	s8 =	sadd.s32 s8, s7;
	s7 =	simm.s32 $0x0;
	[tilespmem:v13+s17+$0x0] =	vst.idx.msk $0xffff, v11  }
0x240: {  	[hbm4b:s8+s7] =	stream.linear.scatter [tilespmem:s26], [sflag:$0x2], $0xC8, $0x38;
	[tilespmem:$0x1F500] =	vst v63  }
0x241: {  	s3 =	simm.s32 $0x1CE48;
	s2 =	sadd.s32 $0x4E20, s8  }
0x242: {  	[hbm4b:s2+s7] =	stream.linear.scatter [tilespmem:s3], [sflag:$0x2], $0xC8, $0x38;
	[tilespmem:$0x1F500] =	vst v63  }
0x243: {  	s2 =	sadd.s32 $0x9C40, s8;
	s3 =	simm.s32 $0x1CF10  }
0x244: {  	[hbm4b:s2+s7] =	stream.linear.scatter [tilespmem:s3], [sflag:$0x2], $0xC8, $0x38;
	[tilespmem:$0x1F500] =	vst v63  }
0x245: {  	s3 =	sadd.s32 $0xEA60, s8;
	s8 =	simm.s32 $0x1CFD8  }
0x246: {  	[hbm4b:s3+s7] =	stream.linear.scatter [tilespmem:s8], [sflag:$0x2], $0xC8, $0x38;
	[tilespmem:$0x1F500] =	vst v63  }
0x247: {  	_ =	swait.ge [sflag:s25], $0xC8  }
0x248: {  	[sflag:s25] =	ssyncset.done $0x0  }
0x249: {  	[sflag:s25] =	ssyncadd.s32 $0xFFFFFF38  }
0x24a: {  	_ =	swait.ge [sflag:s25], $0xC8  }
0x24b: {  	[sflag:s25] =	ssyncset.done $0x0  }
0x24c: {  	[sflag:s25] =	ssyncadd.s32 $0xFFFFFF38  }
0x24d: {  	_ =	swait.ge [sflag:s25], $0xC8  }
0x24e: {  	[sflag:s25] =	ssyncset.done $0x0  }
0x24f: {  	[sflag:s25] =	ssyncadd.s32 $0xFFFFFF38  }
0x250: {  	_ =	swait.ge [sflag:s25], $0xC8  }
0x251: {  	s8 =	sld [smem:$0x7DD];
	_ =	sdelay $0x2  }
0x252: {  	s2 =	sadd.s32 s30, s8  }
0x253: {  	[sflag:s25] =	ssyncset.done $0x0;
	s3 =	rddreg [dreg:$0x7];
	s2 =	sshrl.u32 s2, $0x3  }
0x254: {  	[sflag:s25] =	ssyncadd.s32 $0xFFFFFF38;
	s30 =	rddreg [dreg:$0x8];
	s8 =	sadd.s32 s3, s2  }
0x255: {  	[tilespmem:s21], [sflag:$0x2] =	stream.linear.gather [hbm4b:s8+s7], $0xC8, $0x38;
	[tilespmem:$0x1F500] =	vst v63  }
0x256: {  	s3 =	rddreg [dreg:$0x1];
	s8 =	sadd.s32 s30, s2  }
0x257: {  	[tilespmem:s22], [sflag:$0x2] =	stream.linear.gather [hbm4b:s8+s7], $0xC8, $0x38;
	[tilespmem:$0x1F500] =	vst v63  }
0x258: {  	s30 =	rddreg [dreg:$0x2];
	s8 =	sadd.s32 s3, s2  }
0x259: {  	[tilespmem:s23], [sflag:$0x2] =	stream.linear.gather [hbm4b:s8+s7], $0xC8, $0x38;
	[tilespmem:$0x1F500] =	vst v63  }
0x25a: {  	s2 =	sadd.s32 s30, s2  }
0x25b: {  	[tilespmem:s19], [sflag:$0x2] =	stream.linear.gather [hbm4b:s2+s7], $0xC8, $0x38;
	[tilespmem:$0x1F500] =	vst v63  }
0x25c: {  	s3 =	simm.s32 $0x1CAC8;
	s8 =	sadd.s32 $0x4E20, s2  }
0x25d: {  	[tilespmem:s3], [sflag:$0x2] =	stream.linear.gather [hbm4b:s8+s7], $0xC8, $0x38;
	[tilespmem:$0x1F500] =	vst v63  }
0x25e: {  	s8 =	sadd.s32 $0x9C40, s2;
	s3 =	simm.s32 $0x1CB90  }
0x25f: {  	[tilespmem:s3], [sflag:$0x2] =	stream.linear.gather [hbm4b:s8+s7], $0xC8, $0x38;
	[tilespmem:$0x1F500] =	vst v63  }
0x260: {  	s2 =	sadd.s32 $0xEA60, s2;
	s3 =	simm.s32 $0x1CC58  }
0x261: {  	[tilespmem:s3], [sflag:$0x2] =	stream.linear.gather [hbm4b:s2+s7], $0xC8, $0x38;
	[tilespmem:$0x1F500] =	vst v63  }
0x262: {  	_ =	swait.ge [sflag:s28], $0xC8  }
0x263: {  	[sflag:s28] =	ssyncset.done $0x0  }
0x264: {  	[sflag:s28] =	ssyncadd.s32 $0xFFFFFF38  }
0x265: {  	_ =	swait.ge [sflag:s28], $0xC8  }
0x266: {  	[sflag:s28] =	ssyncset.done $0x0  }
0x267: {  	[sflag:s28] =	ssyncadd.s32 $0xFFFFFF38  }
0x268: {  	_ =	swait.ge [sflag:s28], $0xC8  }
0x269: {  	[sflag:s28] =	ssyncset.done $0x0  }
0x26a: {  	[sflag:s28] =	ssyncadd.s32 $0xFFFFFF38  }
0x26b: {  	_ =	swait.ge [sflag:s28], $0xC8  }
0x26c: {  	[sflag:s28] =	ssyncset.done $0x0  }
0x26d: {  	[sflag:s28] =	ssyncadd.s32 $0xFFFFFF38  }
0x26e: {  	_ =	swait.ge [sflag:s28], $0xC8  }
0x26f: {  	[sflag:s28] =	ssyncset.done $0x0  }
0x270: {  	[sflag:s28] =	ssyncadd.s32 $0xFFFFFF38  }
0x271: {  	_ =	swait.ge [sflag:s28], $0xC8  }
0x272: {  	v10 =	vor.u32 s7, v5;
	[sflag:s28] =	ssyncset.done $0x0  }
0x273: {  	[sflag:s28] =	ssyncadd.s32 $0xFFFFFF38  }
0x274: {  	_ =	swait.ge [sflag:s28], $0xC8  }
0x275: {  	[sflag:s28] =	ssyncset.done $0x0  }
0x276: {  	[sflag:s28] =	ssyncadd.s32 $0xFFFFFF38  }
0x277: {  	v11 =	vld.idx.msk [tilespmem:v10+s20+$0x0], $0xffff;
	_ =	sdelay $0x2  }
0x278: {  	v12 =	vld.idx.msk [tilespmem:v10+s5+$0x0], $0xffff;
	_ =	sdelay $0x1  }
0x279: {  	v13 =	vshll.u32 v11, $0x1  }
0x27a: {  	v13 =	vor.u32 v6, v13;
	_ =	sdelay $0x1  }
0x27b: {  	v14 =	vshll.u32 v12, $0x1  }
0x27c: {  	v14 =	vor.u32 v6, v14  }
0x27d: {  	v15 =	vadd.s32 s7, v7  }
0x27e: {  	v13 =	vld.idx.msk [tilespmem:v13+s6+$0x0], $0xffff;
	_ =	sdelay $0x2  }
0x27f: {  	v14 =	vld.idx.msk [tilespmem:v14+s6+$0x0], $0xffff  }
0x280: {  	v55 =	vld.idx.msk [tilespmem:v15+s11+$0x0], $0xffff  }
0x281: {  	v56 =	vshll.u32 v13, $0x10;
	v13 =	vand.u32 $0xFFFF0000, v13  }
0x282: {  	v13 =	vsel vm0, v56, v13  }
0x283: {  	v13 =	vsub.f32 $0.0e+00, v13  }
0x284: {  	v57 =	vshll.u32 v14, $0x10;
	v14 =	vand.u32 $0xFFFF0000, v14  }
0x285: {  	v14 =	vsel vm0, v57, v14;
	v58 =	vmax.f32 v13, v55  }
0x286: {  	v17 =	vmax.f32 v58, v14  }
0x287: {  	v13 =	vsub.f32 v13, v17  }
0x288: {  	v59 =	vsub.f32 v55, v17  }
0x289: {  	v13 =	vmul.f32 $1.442695020e+00, v13  }
0x28a: {  	v14 =	vsub.f32 v14, v17;
	v18 =	vmul.f32 $1.442695020e+00, v59  }
0x28b: {  	(erf) = vpow2.f32 v13  }
0x28c: {  	v13 =	vmul.f32 $1.442695020e+00, v14;
	(erf) = vpow2.f32 v18;
	_ =	sdelay $0x1  }
0x28d: {  	(erf) = vpow2.f32 v13;
	_ =	sdelay $0x5  }
0x28e: {  	v13 =	vpop (erf)  }
0x28f: {  	v14 =	vpop (erf)  }
0x290: {  	v60 =	vadd.f32 v14, v13  }
0x291: {  	v61 =	vpop (erf)  }
0x292: {  	v17 =	vadd.f32 v60, v61;
	_ =	sdelay $0x1  }
0x293: {  	(erf) = vrcp.f32 v17;
	_ =	sdelay $0x2  }
0x294: {  	v10 =	vld.idx.msk [tilespmem:v10+s1+$0x0], $0xffff;
	_ =	sdelay $0x4  }
0x295: {  	v10 =	vmul.f32 v10, v9  }
0x296: {  	v17 =	vpop (erf)  }
0x297: {  	v10 =	vmul.f32 v17, v10  }
0x298: {  	v11 =	vshll.u32 v11, $0x2  }
0x299: {  	v62 =	vor.u32 v8, v11;
	v11 =	vsub.f32 $0.0e+00, v10;
	_ =	sdelay $0x1  }
0x29a: {  	v14 =	vmul.f32 v10, v14;
	v63 =	vmul.f32 v11, v13;
	v11 =	vshll.u32 v12, $0x2  }
0x29b: {  	s30 =	simm.s32 $0x4;
	v13 =	vor.u32 v8, v11  }
0x29c: {  	v14 =	vadd.f32 v14, v55;
	v11 =	vor.u32 s30, v5;
	_ =	sdelay $0x1  }
0x29d: {  	v12 =	vmul.f32 v10, v61;
	v10 =	vadd.s32 s30, v7;
	[tilespmem:v15+s29+$0x0] =	vst.idx.msk $0xffff, v14  }
0x29e: {  	s7 =	simm.s32 $0x8;
	[tilespmem:v62+s16+$0x0] =	vst.idx.msk $0xffff, v63  }
.LBB2_13:
0x29f: {  	p1 =	sne.s32 s7, $0xC4;
	[tilespmem:v13+s17+$0x0] =	vst.idx.msk $0xffff, v12  }
0x2a0: {  	v12 =	vld.idx.msk [tilespmem:v11+s20+$0x0], $0xffff  }
0x2a1: {  	v13 =	vld.idx.msk [tilespmem:v11+s5+$0x0], $0xffff  }
0x2a2: {  	v14 =	vld.idx.msk [tilespmem:v10+s11+$0x0], $0xffff  }
0x2a3: {  	v11 =	vld.idx.msk [tilespmem:v11+s1+$0x0], $0xffff;
	_ =	sdelay $0x2  }
0x2a4: {  	v15 =	vshll.u32 v12, $0x1  }
0x2a5: {  	v15 =	vor.u32 v6, v15;
	v16 =	vshll.u32 v13, $0x2;
	_ =	sdelay $0x1  }
0x2a6: {  	v13 =	vshll.u32 v13, $0x1  }
0x2a7: {  	v13 =	vor.u32 v6, v13;
	_ =	sdelay $0x1  }
0x2a8: {  	v15 =	vld.idx.msk [tilespmem:v15+s6+$0x0], $0xffff;
	_ =	sdelay $0x2  }
0x2a9: {  	v13 =	vld.idx.msk [tilespmem:v13+s6+$0x0], $0xffff;
	_ =	sdelay $0x2  }
0x2aa: {  	v17 =	vshll.u32 v15, $0x10;
	v15 =	vand.u32 $0xFFFF0000, v15  }
0x2ab: {  	v15 =	vsel vm0, v17, v15  }
0x2ac: {  	v15 =	vsub.f32 $0.0e+00, v15  }
0x2ad: {  	v17 =	vshll.u32 v13, $0x10;
	v13 =	vand.u32 $0xFFFF0000, v13  }
0x2ae: {  	v13 =	vsel vm0, v17, v13;
	v17 =	vmax.f32 v15, v14  }
0x2af: {  	v17 =	vmax.f32 v17, v13  }
0x2b0: {  	v15 =	vsub.f32 v15, v17  }
0x2b1: {  	v18 =	vsub.f32 v14, v17  }
0x2b2: {  	v15 =	vmul.f32 $1.442695020e+00, v15  }
0x2b3: {  	v13 =	vsub.f32 v13, v17;
	v18 =	vmul.f32 $1.442695020e+00, v18  }
0x2b4: {  	(erf) = vpow2.f32 v15  }
0x2b5: {  	v13 =	vmul.f32 $1.442695020e+00, v13;
	(erf) = vpow2.f32 v18;
	_ =	sdelay $0x1  }
0x2b6: {  	(erf) = vpow2.f32 v13;
	_ =	sdelay $0x5  }
0x2b7: {  	v15 =	vpop (erf)  }
0x2b8: {  	v13 =	vpop (erf)  }
0x2b9: {  	v17 =	vadd.f32 v13, v15  }
0x2ba: {  	v18 =	vpop (erf)  }
0x2bb: {  	v17 =	vadd.f32 v17, v18;
	_ =	sdelay $0x1  }
0x2bc: {  	(erf) = vrcp.f32 v17;
	_ =	sdelay $0x7  }
0x2bd: {  	v11 =	vmul.f32 v11, v9  }
0x2be: {  	v17 =	vpop (erf)  }
0x2bf: {  	v11 =	vmul.f32 v17, v11  }
0x2c0: {  	v12 =	vshll.u32 v12, $0x2  }
0x2c1: {  	v19 =	vor.u32 v8, v12;
	v17 =	vmul.f32 v11, v13;
	v12 =	vmul.f32 v11, v18  }
.Ltmp5:
0x2c2: {  	v18 =	vsub.f32 $0.0e+00, v11;
	v13 =	vor.u32 v8, v16;
	(pc) =	sbr.rel @p1 .LBB2_13-.Ltmp5, $4  }
0x2c3: {  	v11 =	vor.u32 s7, v5;
	v14 =	vadd.f32 v17, v14  }
0x2c4: {  	v15 =	vmul.f32 v18, v15  }
0x2c5: {  	[tilespmem:v10+s29+$0x0] =	vst.idx.msk $0xffff, v14;
	v10 =	vadd.s32 s7, v7  }
0x2c6: {  	s7 =	sadd.s32 $0x4, s7;
	[tilespmem:v19+s16+$0x0] =	vst.idx.msk $0xffff, v15  }
0x2c7: {  	_ =	sdelay $0x3  }
0x2c8: {  	[tilespmem:v13+s17+$0x0] =	vst.idx.msk $0xffff, v12  }
0x2c9: {  	v12 =	vld.idx.msk [tilespmem:v11+s20+$0x0], $0xffff;
	_ =	sdelay $0x2  }
0x2ca: {  	v13 =	vld.idx.msk [tilespmem:v11+s5+$0x0], $0xffff;
	_ =	sdelay $0x1  }
0x2cb: {  	v14 =	vshll.u32 v12, $0x1  }
0x2cc: {  	v14 =	vor.u32 v6, v14;
	_ =	sdelay $0x1  }
0x2cd: {  	v15 =	vshll.u32 v13, $0x1  }
0x2ce: {  	v15 =	vor.u32 v6, v15;
	_ =	sdelay $0x1  }
0x2cf: {  	v14 =	vld.idx.msk [tilespmem:v14+s6+$0x0], $0xffff;
	_ =	sdelay $0x2  }
0x2d0: {  	v15 =	vld.idx.msk [tilespmem:v15+s6+$0x0], $0xffff  }
0x2d1: {  	v16 =	vld.idx.msk [tilespmem:v10+s11+$0x0], $0xffff  }
0x2d2: {  	v17 =	vshll.u32 v14, $0x10;
	v14 =	vand.u32 $0xFFFF0000, v14  }
0x2d3: {  	v14 =	vsel vm0, v17, v14  }
0x2d4: {  	v14 =	vsub.f32 $0.0e+00, v14  }
0x2d5: {  	v57 =	vshll.u32 v15, $0x10;
	v15 =	vand.u32 $0xFFFF0000, v15  }
0x2d6: {  	v15 =	vsel vm0, v57, v15;
	v58 =	vmax.f32 v14, v16  }
0x2d7: {  	v17 =	vmax.f32 v58, v15  }
0x2d8: {  	v14 =	vsub.f32 v14, v17  }
0x2d9: {  	v18 =	vsub.f32 v16, v17  }
0x2da: {  	v14 =	vmul.f32 $1.442695020e+00, v14  }
0x2db: {  	v15 =	vsub.f32 v15, v17;
	v18 =	vmul.f32 $1.442695020e+00, v18  }
0x2dc: {  	(erf) = vpow2.f32 v14  }
0x2dd: {  	v59 =	vmul.f32 $1.442695020e+00, v15;
	(erf) = vpow2.f32 v18;
	_ =	sdelay $0x1  }
0x2de: {  	(erf) = vpow2.f32 v59;
	_ =	sdelay $0x5  }
0x2df: {  	v60 =	vpop (erf)  }
0x2e0: {  	v61 =	vpop (erf)  }
0x2e1: {  	v62 =	vadd.f32 v61, v60  }
0x2e2: {  	v63 =	vpop (erf)  }
0x2e3: {  	v17 =	vadd.f32 v62, v63;
	_ =	sdelay $0x1  }
0x2e4: {  	(erf) = vrcp.f32 v17;
	_ =	sdelay $0x2  }
0x2e5: {  	v11 =	vld.idx.msk [tilespmem:v11+s1+$0x0], $0xffff;
	_ =	sdelay $0x4  }
0x2e6: {  	v11 =	vmul.f32 v11, v9  }
0x2e7: {  	v17 =	vpop (erf)  }
0x2e8: {  	v11 =	vmul.f32 v17, v11  }
0x2e9: {  	v12 =	vshll.u32 v12, $0x2  }
0x2ea: {  	v13 =	vshll.u32 v13, $0x2;
	v12 =	vor.u32 v8, v12;
	v15 =	vmul.f32 v11, v61  }
0x2eb: {  	v13 =	vor.u32 v8, v13;
	v17 =	vsub.f32 $0.0e+00, v11  }
0x2ec: {  	v15 =	vadd.f32 v15, v16  }
0x2ed: {  	v14 =	vmul.f32 v17, v60  }
0x2ee: {  	v11 =	vmul.f32 v11, v63;
	[tilespmem:v10+s29+$0x0] =	vst.idx.msk $0xffff, v15  }
0x2ef: {  	s3 =	rddreg [dreg:$0x3];
	[tilespmem:v12+s16+$0x0] =	vst.idx.msk $0xffff, v14  }
0x2f0: {  	s2 =	sadd.s32 s3, s4;
	[tilespmem:v13+s17+$0x0] =	vst.idx.msk $0xffff, v11  }
0x2f1: {  	[hbm4b:s2+s6] =	stream.linear.scatter [tilespmem:s29], [sflag:$0x3], $0xC8, $0x38;
	[tilespmem:$0x1F500] =	vst v63  }
0x2f2: {  	s8 =	simm.s32 $0x1D848;
	s7 =	sadd.s32 s3, s9  }
0x2f3: {  	[hbm4b:s7+s6] =	stream.linear.scatter [tilespmem:s8], [sflag:$0x3], $0xC8, $0x38;
	[tilespmem:$0x1F500] =	vst v63  }
0x2f4: {  	s9 =	sadd.s32 s3, s10;
	s10 =	simm.s32 $0x1D910  }
0x2f5: {  	[hbm4b:s9+s6] =	stream.linear.scatter [tilespmem:s10], [sflag:$0x3], $0xC8, $0x38;
	[tilespmem:$0x1F500] =	vst v63  }
0x2f6: {  	s30 =	simm.s32 $0x1D9D8;
	s24 =	sadd.s32 s3, s24  }
0x2f7: {  	[hbm4b:s24+s6] =	stream.linear.scatter [tilespmem:s30], [sflag:$0x3], $0xC8, $0x38;
	[tilespmem:$0x1F500] =	vst v63  }
0x2f8: {  	_ =	swait.ge [sflag:s28], $0xC8  }
0x2f9: {  	[sflag:s28] =	ssyncset.done $0x0  }
0x2fa: {  	[sflag:s28] =	ssyncadd.s32 $0xFFFFFF38  }
0x2fb: {  	_ =	swait.ge [sflag:s28], $0xC8  }
0x2fc: {  	[sflag:s28] =	ssyncset.done $0x0  }
0x2fd: {  	s0 =	sadd.s32 $0x1, s0;
	[sflag:s28] =	ssyncadd.s32 $0xFFFFFF38  }
0x2fe: {  	p1 =	sne.s32 s0, $0xC;
	_ =	swait.ge [sflag:s28], $0xC8  }
.Ltmp6:
0x2ff: {  	[sflag:s28] =	ssyncset.done $0x0;
	(pc) =	sbr.rel @p1 .LBB2_10-.Ltmp6, $4  }
0x300: {  	[sflag:s28] =	ssyncadd.s32 $0xFFFFFF38  }
0x301: {  	_ =	swait.ge [sflag:s28], $0xC8  }
0x302: {  	[sflag:s28] =	ssyncset.done $0x0  }
0x303: {  	[sflag:s28] =	ssyncadd.s32 $0xFFFFFF38  }
0x304: {  	_ =	swait.ge [sflag:s25], $0xC8  }
0x305: {  	[sflag:s25] =	ssyncset.done $0x0  }
0x306: {  	[sflag:s25] =	ssyncadd.s32 $0xFFFFFF38  }
0x307: {  	_ =	swait.ge [sflag:s25], $0xC8  }
0x308: {  	[sflag:s25] =	ssyncset.done $0x0  }
0x309: {  	[sflag:s25] =	ssyncadd.s32 $0xFFFFFF38  }
0x30a: {  	_ =	swait.ge [sflag:s25], $0xC8  }
0x30b: {  	[sflag:s25] =	ssyncset.done $0x0  }
0x30c: {  	[sflag:s25] =	ssyncadd.s32 $0xFFFFFF38  }
0x30d: {  	_ =	swait.ge [sflag:s25], $0xC8  }
0x30e: {  	[sflag:s25] =	ssyncset.done $0x0  }
0x30f: {  	[sflag:s25] =	ssyncadd.s32 $0xFFFFFF38  }
0x310: {  	_ =	swait.ge [sflag:s25], $0xC8  }
0x311: {  	[sflag:s25] =	ssyncset.done $0x0  }
0x312: {  	[sflag:s25] =	ssyncadd.s32 $0xFFFFFF38  }
0x313: {  	s0 =	simm.s32 $0x0;
	_ =	swait.ge [sflag:s25], $0xC8  }
0x314: {  	v10 =	vor.u32 s0, v5;
	[sflag:s25] =	ssyncset.done $0x0  }
0x315: {  	[sflag:s25] =	ssyncadd.s32 $0xFFFFFF38  }
0x316: {  	_ =	swait.ge [sflag:s25], $0xC8  }
0x317: {  	[sflag:s25] =	ssyncset.done $0x0  }
0x318: {  	[sflag:s25] =	ssyncadd.s32 $0xFFFFFF38  }
0x319: {  	v11 =	vld.idx.msk [tilespmem:v10+s21+$0x0], $0xffff;
	_ =	sdelay $0x2  }
0x31a: {  	v12 =	vld.idx.msk [tilespmem:v10+s22+$0x0], $0xffff;
	_ =	sdelay $0x1  }
0x31b: {  	v13 =	vshll.u32 v11, $0x1  }
0x31c: {  	v13 =	vor.u32 v6, v13;
	_ =	sdelay $0x1  }
0x31d: {  	v14 =	vshll.u32 v12, $0x1  }
0x31e: {  	v14 =	vor.u32 v6, v14  }
0x31f: {  	v15 =	vadd.s32 s0, v7  }
0x320: {  	v13 =	vld.idx.msk [tilespmem:v13+s6+$0x0], $0xffff;
	_ =	sdelay $0x2  }
0x321: {  	v14 =	vld.idx.msk [tilespmem:v14+s6+$0x0], $0xffff  }
0x322: {  	v16 =	vld.idx.msk [tilespmem:v15+s19+$0x0], $0xffff  }
0x323: {  	v17 =	vshll.u32 v13, $0x10;
	v13 =	vand.u32 $0xFFFF0000, v13  }
0x324: {  	v13 =	vsel vm0, v17, v13  }
0x325: {  	v13 =	vsub.f32 $0.0e+00, v13  }
0x326: {  	v58 =	vshll.u32 v14, $0x10;
	v14 =	vand.u32 $0xFFFF0000, v14  }
0x327: {  	v14 =	vsel vm0, v58, v14;
	v59 =	vmax.f32 v13, v16  }
0x328: {  	v17 =	vmax.f32 v59, v14  }
0x329: {  	v13 =	vsub.f32 v13, v17  }
0x32a: {  	v18 =	vsub.f32 v16, v17  }
0x32b: {  	v13 =	vmul.f32 $1.442695020e+00, v13  }
0x32c: {  	v14 =	vsub.f32 v14, v17;
	v18 =	vmul.f32 $1.442695020e+00, v18  }
0x32d: {  	(erf) = vpow2.f32 v13  }
0x32e: {  	v13 =	vmul.f32 $1.442695020e+00, v14;
	(erf) = vpow2.f32 v18;
	_ =	sdelay $0x1  }
0x32f: {  	(erf) = vpow2.f32 v13;
	_ =	sdelay $0x5  }
0x330: {  	v13 =	vpop (erf)  }
0x331: {  	v14 =	vpop (erf)  }
0x332: {  	v60 =	vadd.f32 v14, v13  }
0x333: {  	v61 =	vpop (erf)  }
0x334: {  	v17 =	vadd.f32 v60, v61;
	_ =	sdelay $0x1  }
0x335: {  	(erf) = vrcp.f32 v17;
	_ =	sdelay $0x2  }
0x336: {  	v10 =	vld.idx.msk [tilespmem:v10+s23+$0x0], $0xffff;
	_ =	sdelay $0x4  }
0x337: {  	v10 =	vmul.f32 v10, v9  }
0x338: {  	v17 =	vpop (erf)  }
0x339: {  	v10 =	vmul.f32 v17, v10  }
0x33a: {  	v11 =	vshll.u32 v11, $0x2  }
0x33b: {  	v62 =	vor.u32 v8, v11;
	v11 =	vsub.f32 $0.0e+00, v10;
	_ =	sdelay $0x1  }
0x33c: {  	v14 =	vmul.f32 v10, v14;
	v63 =	vmul.f32 v11, v13;
	v11 =	vshll.u32 v12, $0x2  }
0x33d: {  	s31 =	simm.s32 $0x4;
	v13 =	vor.u32 v8, v11  }
0x33e: {  	v14 =	vadd.f32 v14, v16;
	v11 =	vor.u32 s31, v5;
	_ =	sdelay $0x1  }
0x33f: {  	v12 =	vmul.f32 v10, v61;
	v10 =	vadd.s32 s31, v7;
	[tilespmem:v15+s26+$0x0] =	vst.idx.msk $0xffff, v14  }
0x340: {  	s0 =	simm.s32 $0x8;
	[tilespmem:v62+s16+$0x0] =	vst.idx.msk $0xffff, v63  }
.LBB2_16:
0x341: {  	p1 =	sne.s32 s0, $0xC4;
	[tilespmem:v13+s17+$0x0] =	vst.idx.msk $0xffff, v12  }
0x342: {  	v12 =	vld.idx.msk [tilespmem:v11+s21+$0x0], $0xffff  }
0x343: {  	v13 =	vld.idx.msk [tilespmem:v11+s22+$0x0], $0xffff  }
0x344: {  	v14 =	vld.idx.msk [tilespmem:v10+s19+$0x0], $0xffff  }
0x345: {  	v11 =	vld.idx.msk [tilespmem:v11+s23+$0x0], $0xffff;
	_ =	sdelay $0x2  }
0x346: {  	v15 =	vshll.u32 v12, $0x1  }
0x347: {  	v15 =	vor.u32 v6, v15;
	v16 =	vshll.u32 v13, $0x2;
	_ =	sdelay $0x1  }
0x348: {  	v13 =	vshll.u32 v13, $0x1  }
0x349: {  	v13 =	vor.u32 v6, v13;
	_ =	sdelay $0x1  }
0x34a: {  	v15 =	vld.idx.msk [tilespmem:v15+s6+$0x0], $0xffff;
	_ =	sdelay $0x2  }
0x34b: {  	v13 =	vld.idx.msk [tilespmem:v13+s6+$0x0], $0xffff;
	_ =	sdelay $0x2  }
0x34c: {  	v17 =	vshll.u32 v15, $0x10;
	v15 =	vand.u32 $0xFFFF0000, v15  }
0x34d: {  	v15 =	vsel vm0, v17, v15  }
0x34e: {  	v15 =	vsub.f32 $0.0e+00, v15  }
0x34f: {  	v17 =	vshll.u32 v13, $0x10;
	v13 =	vand.u32 $0xFFFF0000, v13  }
0x350: {  	v13 =	vsel vm0, v17, v13;
	v17 =	vmax.f32 v15, v14  }
0x351: {  	v17 =	vmax.f32 v17, v13  }
0x352: {  	v15 =	vsub.f32 v15, v17  }
0x353: {  	v18 =	vsub.f32 v14, v17  }
0x354: {  	v15 =	vmul.f32 $1.442695020e+00, v15  }
0x355: {  	v13 =	vsub.f32 v13, v17;
	v18 =	vmul.f32 $1.442695020e+00, v18  }
0x356: {  	(erf) = vpow2.f32 v15  }
0x357: {  	v13 =	vmul.f32 $1.442695020e+00, v13;
	(erf) = vpow2.f32 v18;
	_ =	sdelay $0x1  }
0x358: {  	(erf) = vpow2.f32 v13;
	_ =	sdelay $0x5  }
0x359: {  	v15 =	vpop (erf)  }
0x35a: {  	v13 =	vpop (erf)  }
0x35b: {  	v17 =	vadd.f32 v13, v15  }
0x35c: {  	v18 =	vpop (erf)  }
0x35d: {  	v17 =	vadd.f32 v17, v18;
	_ =	sdelay $0x1  }
0x35e: {  	(erf) = vrcp.f32 v17;
	_ =	sdelay $0x7  }
0x35f: {  	v11 =	vmul.f32 v11, v9  }
0x360: {  	v17 =	vpop (erf)  }
0x361: {  	v11 =	vmul.f32 v17, v11  }
0x362: {  	v12 =	vshll.u32 v12, $0x2  }
0x363: {  	v19 =	vor.u32 v8, v12;
	v17 =	vmul.f32 v11, v13;
	v12 =	vmul.f32 v11, v18  }
.Ltmp7:
0x364: {  	v18 =	vsub.f32 $0.0e+00, v11;
	v13 =	vor.u32 v8, v16;
	(pc) =	sbr.rel @p1 .LBB2_16-.Ltmp7, $4  }
0x365: {  	v11 =	vor.u32 s0, v5;
	v14 =	vadd.f32 v17, v14  }
0x366: {  	v15 =	vmul.f32 v18, v15  }
0x367: {  	[tilespmem:v10+s26+$0x0] =	vst.idx.msk $0xffff, v14;
	v10 =	vadd.s32 s0, v7  }
0x368: {  	s0 =	sadd.s32 $0x4, s0;
	[tilespmem:v19+s16+$0x0] =	vst.idx.msk $0xffff, v15  }
0x369: {  	_ =	sdelay $0x3  }
0x36a: {  	[tilespmem:v13+s17+$0x0] =	vst.idx.msk $0xffff, v12  }
0x36b: {  	v12 =	vld.idx.msk [tilespmem:v11+s21+$0x0], $0xffff;
	_ =	sdelay $0x2  }
0x36c: {  	v13 =	vld.idx.msk [tilespmem:v11+s22+$0x0], $0xffff;
	_ =	sdelay $0x1  }
0x36d: {  	v14 =	vshll.u32 v12, $0x1  }
0x36e: {  	v14 =	vor.u32 v6, v14;
	_ =	sdelay $0x1  }
0x36f: {  	v15 =	vshll.u32 v13, $0x1  }
0x370: {  	v15 =	vor.u32 v6, v15;
	_ =	sdelay $0x1  }
0x371: {  	v14 =	vld.idx.msk [tilespmem:v14+s6+$0x0], $0xffff;
	_ =	sdelay $0x2  }
0x372: {  	v15 =	vld.idx.msk [tilespmem:v15+s6+$0x0], $0xffff  }
0x373: {  	v16 =	vld.idx.msk [tilespmem:v10+s19+$0x0], $0xffff  }
0x374: {  	v17 =	vshll.u32 v14, $0x10;
	v14 =	vand.u32 $0xFFFF0000, v14  }
0x375: {  	v14 =	vsel vm0, v17, v14  }
0x376: {  	v14 =	vsub.f32 $0.0e+00, v14  }
0x377: {  	v54 =	vshll.u32 v15, $0x10;
	v15 =	vand.u32 $0xFFFF0000, v15  }
0x378: {  	v15 =	vsel vm0, v54, v15;
	v55 =	vmax.f32 v14, v16  }
0x379: {  	v17 =	vmax.f32 v55, v15  }
0x37a: {  	v14 =	vsub.f32 v14, v17  }
0x37b: {  	v18 =	vsub.f32 v16, v17  }
0x37c: {  	v14 =	vmul.f32 $1.442695020e+00, v14  }
0x37d: {  	v15 =	vsub.f32 v15, v17;
	v18 =	vmul.f32 $1.442695020e+00, v18  }
0x37e: {  	(erf) = vpow2.f32 v14  }
0x37f: {  	v56 =	vmul.f32 $1.442695020e+00, v15;
	(erf) = vpow2.f32 v18;
	_ =	sdelay $0x1  }
0x380: {  	(erf) = vpow2.f32 v56;
	_ =	sdelay $0x5  }
0x381: {  	v57 =	vpop (erf)  }
0x382: {  	v58 =	vpop (erf)  }
0x383: {  	v59 =	vadd.f32 v58, v57  }
0x384: {  	v60 =	vpop (erf)  }
0x385: {  	v17 =	vadd.f32 v59, v60;
	_ =	sdelay $0x1  }
0x386: {  	(erf) = vrcp.f32 v17;
	_ =	sdelay $0x2  }
0x387: {  	v11 =	vld.idx.msk [tilespmem:v11+s23+$0x0], $0xffff;
	_ =	sdelay $0x4  }
0x388: {  	v9 =	vmul.f32 v11, v9  }
0x389: {  	v11 =	vpop (erf)  }
0x38a: {  	v9 =	vmul.f32 v11, v9  }
0x38b: {  	v11 =	vshll.u32 v12, $0x2  }
0x38c: {  	v61 =	vshll.u32 v13, $0x2;
	v11 =	vor.u32 v8, v11;
	v62 =	vmul.f32 v9, v58  }
0x38d: {  	v12 =	vor.u32 v8, v61;
	v63 =	vsub.f32 $0.0e+00, v9  }
0x38e: {  	v13 =	vadd.f32 v62, v16  }
0x38f: {  	v14 =	vmul.f32 v63, v57  }
0x390: {  	v9 =	vmul.f32 v9, v60;
	[tilespmem:v10+s26+$0x0] =	vst.idx.msk $0xffff, v13  }
0x391: {  	[tilespmem:v11+s16+$0x0] =	vst.idx.msk $0xffff, v14  }
0x392: {  	s0 =	simm.s32 $0x0;
	s2 =	rddreg [dreg:$0x14];
	[tilespmem:v12+s17+$0x0] =	vst.idx.msk $0xffff, v9  }
0x393: {  	[hbm4b:s2+s0] =	stream.linear.scatter [tilespmem:s26], [sflag:$0x2], $0xC8, $0x38;
	[tilespmem:$0x1F500] =	vst v63  }
0x394: {  	s7 =	rddreg [dreg:$0x15];
	s3 =	simm.s32 $0x1CE48  }
0x395: {  	[hbm4b:s7+s0] =	stream.linear.scatter [tilespmem:s3], [sflag:$0x2], $0xC8, $0x38;
	[tilespmem:$0x1F500] =	vst v63  }
0x396: {  	s8 =	rddreg [dreg:$0x16];
	s9 =	simm.s32 $0x1CF10  }
0x397: {  	[hbm4b:s8+s0] =	stream.linear.scatter [tilespmem:s9], [sflag:$0x2], $0xC8, $0x38;
	[tilespmem:$0x1F500] =	vst v63  }
0x398: {  	s10 =	rddreg [dreg:$0x17];
	s24 =	simm.s32 $0x1CFD8  }
0x399: {  	[hbm4b:s10+s0] =	stream.linear.scatter [tilespmem:s24], [sflag:$0x2], $0xC8, $0x38;
	[tilespmem:$0x1F500] =	vst v63  }
0x39a: {  	_ =	swait.ge [sflag:s25], $0xC8  }
0x39b: {  	[sflag:s25] =	ssyncset.done $0x0  }
0x39c: {  	[sflag:s25] =	ssyncadd.s32 $0xFFFFFF38  }
0x39d: {  	_ =	swait.ge [sflag:s25], $0xC8  }
0x39e: {  	[sflag:s25] =	ssyncset.done $0x0  }
0x39f: {  	[sflag:s25] =	ssyncadd.s32 $0xFFFFFF38  }
0x3a0: {  	_ =	swait.ge [sflag:s25], $0xC8  }
0x3a1: {  	[sflag:s25] =	ssyncset.done $0x0  }
0x3a2: {  	[sflag:s25] =	ssyncadd.s32 $0xFFFFFF38  }
0x3a3: {  	_ =	swait.ge [sflag:s25], $0xC8  }
0x3a4: {  	s8 =	rddreg [dreg:$0x18]  }
0x3a5: {  	s10 =	rddreg [dreg:$0x19]  }
0x3a6: {  	s24 =	sld [smem:$0x7FB]  }
0x3a7: {  	[sflag:s25] =	ssyncset.done $0x0;
	s30 =	sld [smem:$0x7FC]  }
0x3a8: {  	s3 =	simm.s32 $0x1BD00;
	s31 =	sld [smem:$0x7FD];
	[sflag:s25] =	ssyncadd.s32 $0xFFFFFF38  }
.LBB2_18:
0x3a9: {  	s4 =	smul.u32 $0xA00, s0;
	_ =	sdelay $0x1  }
0x3aa: {  	s2 =	sadd.s32 $0x5000, s4  }
0x3ab: {  	[spmem:s8] =	stream.linear.scatter [tilespmem:s2], [sflag:$0x1], $0xA0, $0x38;
	[tilespmem:$0x1F500] =	vst v63  }
0x3ac: {  	s7 =	sadd.s32 $0xF000, s4  }
0x3ad: {  	[spmem:s24] =	stream.linear.scatter [tilespmem:s7], [sflag:$0x1], $0xA0, $0x38;
	[tilespmem:$0x1F500] =	vst v63  }
0x3ae: {  	s9 =	sadd.s32 $0x50A0, s4  }
0x3af: {  	[spmem:s30] =	stream.linear.scatter [tilespmem:s9], [sflag:$0x1], $0xA0, $0x38;
	[tilespmem:$0x1F500] =	vst v63  }
0x3b0: {  	s7 =	sadd.s32 $0xF0A0, s4  }
0x3b1: {  	[spmem:s31] =	stream.linear.scatter [tilespmem:s7], [sflag:$0x1], $0xA0, $0x38;
	[tilespmem:$0x1F500] =	vst v63  }
0x3b2: {  	s7 =	sld [smem:$0x7DE];
	_ =	sdelay $0x1  }
0x3b3: {  	s9 =	sadd.s32 $0x5140, s4  }
0x3b4: {  	[spmem:s7] =	stream.linear.scatter [tilespmem:s9], [sflag:$0x1], $0xA0, $0x38;
	[tilespmem:$0x1F500] =	vst v63  }
0x3b5: {  	s9 =	sld [smem:$0x7DF];
	_ =	sdelay $0x1  }
0x3b6: {  	s7 =	sadd.s32 $0xF140, s4  }
0x3b7: {  	[spmem:s9] =	stream.linear.scatter [tilespmem:s7], [sflag:$0x1], $0xA0, $0x38;
	[tilespmem:$0x1F500] =	vst v63  }
0x3b8: {  	s9 =	sld [smem:$0x7E0];
	_ =	sdelay $0x1  }
0x3b9: {  	s7 =	sadd.s32 $0x51E0, s4  }
0x3ba: {  	[spmem:s9] =	stream.linear.scatter [tilespmem:s7], [sflag:$0x1], $0xA0, $0x38;
	[tilespmem:$0x1F500] =	vst v63  }
0x3bb: {  	s9 =	sld [smem:$0x7E1];
	_ =	sdelay $0x1  }
0x3bc: {  	s7 =	sadd.s32 $0xF1E0, s4  }
0x3bd: {  	[spmem:s9] =	stream.linear.scatter [tilespmem:s7], [sflag:$0x1], $0xA0, $0x38;
	[tilespmem:$0x1F500] =	vst v63  }
0x3be: {  	s9 =	sld [smem:$0x7E2];
	_ =	sdelay $0x1  }
0x3bf: {  	s7 =	sadd.s32 $0x5280, s4  }
0x3c0: {  	[spmem:s9] =	stream.linear.scatter [tilespmem:s7], [sflag:$0x1], $0xA0, $0x38;
	[tilespmem:$0x1F500] =	vst v63  }
0x3c1: {  	s9 =	sld [smem:$0x7E3];
	_ =	sdelay $0x1  }
0x3c2: {  	s7 =	sadd.s32 $0xF280, s4  }
0x3c3: {  	[spmem:s9] =	stream.linear.scatter [tilespmem:s7], [sflag:$0x1], $0xA0, $0x38;
	[tilespmem:$0x1F500] =	vst v63  }
0x3c4: {  	s9 =	sld [smem:$0x7E4];
	_ =	sdelay $0x1  }
0x3c5: {  	s7 =	sadd.s32 $0x5320, s4  }
0x3c6: {  	[spmem:s9] =	stream.linear.scatter [tilespmem:s7], [sflag:$0x1], $0xA0, $0x38;
	[tilespmem:$0x1F500] =	vst v63  }
0x3c7: {  	s9 =	sld [smem:$0x7E5];
	_ =	sdelay $0x1  }
0x3c8: {  	s7 =	sadd.s32 $0xF320, s4  }
0x3c9: {  	[spmem:s9] =	stream.linear.scatter [tilespmem:s7], [sflag:$0x1], $0xA0, $0x38;
	[tilespmem:$0x1F500] =	vst v63  }
0x3ca: {  	s9 =	sld [smem:$0x7E6];
	_ =	sdelay $0x1  }
0x3cb: {  	s7 =	sadd.s32 $0x53C0, s4  }
0x3cc: {  	[spmem:s9] =	stream.linear.scatter [tilespmem:s7], [sflag:$0x1], $0xA0, $0x38;
	[tilespmem:$0x1F500] =	vst v63  }
0x3cd: {  	s9 =	sld [smem:$0x7E7];
	_ =	sdelay $0x1  }
0x3ce: {  	s7 =	sadd.s32 $0xF3C0, s4  }
0x3cf: {  	[spmem:s9] =	stream.linear.scatter [tilespmem:s7], [sflag:$0x1], $0xA0, $0x38;
	[tilespmem:$0x1F500] =	vst v63  }
0x3d0: {  	s9 =	sld [smem:$0x7E8];
	_ =	sdelay $0x1  }
0x3d1: {  	s7 =	sadd.s32 $0x5460, s4  }
0x3d2: {  	[spmem:s9] =	stream.linear.scatter [tilespmem:s7], [sflag:$0x1], $0xA0, $0x38;
	[tilespmem:$0x1F500] =	vst v63  }
0x3d3: {  	s9 =	sld [smem:$0x7E9];
	_ =	sdelay $0x1  }
0x3d4: {  	s7 =	sadd.s32 $0xF460, s4  }
0x3d5: {  	[spmem:s9] =	stream.linear.scatter [tilespmem:s7], [sflag:$0x1], $0xA0, $0x38;
	[tilespmem:$0x1F500] =	vst v63  }
0x3d6: {  	s9 =	sld [smem:$0x7EA];
	_ =	sdelay $0x1  }
0x3d7: {  	s7 =	sadd.s32 $0x5500, s4  }
0x3d8: {  	[spmem:s9] =	stream.linear.scatter [tilespmem:s7], [sflag:$0x1], $0xA0, $0x38;
	[tilespmem:$0x1F500] =	vst v63  }
0x3d9: {  	s9 =	sld [smem:$0x7EB];
	_ =	sdelay $0x1  }
0x3da: {  	s7 =	sadd.s32 $0xF500, s4  }
0x3db: {  	[spmem:s9] =	stream.linear.scatter [tilespmem:s7], [sflag:$0x1], $0xA0, $0x38;
	[tilespmem:$0x1F500] =	vst v63  }
0x3dc: {  	s9 =	sld [smem:$0x7EC];
	_ =	sdelay $0x1  }
0x3dd: {  	s7 =	sadd.s32 $0x55A0, s4  }
0x3de: {  	[spmem:s9] =	stream.linear.scatter [tilespmem:s7], [sflag:$0x1], $0xA0, $0x38;
	[tilespmem:$0x1F500] =	vst v63  }
0x3df: {  	s9 =	sld [smem:$0x7ED];
	_ =	sdelay $0x1  }
0x3e0: {  	s7 =	sadd.s32 $0xF5A0, s4  }
0x3e1: {  	[spmem:s9] =	stream.linear.scatter [tilespmem:s7], [sflag:$0x1], $0xA0, $0x38;
	[tilespmem:$0x1F500] =	vst v63  }
0x3e2: {  	s9 =	sld [smem:$0x7EE];
	_ =	sdelay $0x1  }
0x3e3: {  	s7 =	sadd.s32 $0x5640, s4  }
0x3e4: {  	[spmem:s9] =	stream.linear.scatter [tilespmem:s7], [sflag:$0x1], $0xA0, $0x38;
	[tilespmem:$0x1F500] =	vst v63  }
0x3e5: {  	s9 =	sld [smem:$0x7EF];
	_ =	sdelay $0x1  }
0x3e6: {  	s7 =	sadd.s32 $0xF640, s4  }
0x3e7: {  	[spmem:s9] =	stream.linear.scatter [tilespmem:s7], [sflag:$0x1], $0xA0, $0x38;
	[tilespmem:$0x1F500] =	vst v63  }
0x3e8: {  	s9 =	sld [smem:$0x7F0];
	_ =	sdelay $0x1  }
0x3e9: {  	s7 =	sadd.s32 $0x56E0, s4  }
0x3ea: {  	[spmem:s9] =	stream.linear.scatter [tilespmem:s7], [sflag:$0x1], $0xA0, $0x38;
	[tilespmem:$0x1F500] =	vst v63  }
0x3eb: {  	s9 =	sld [smem:$0x7F1];
	_ =	sdelay $0x1  }
0x3ec: {  	s7 =	sadd.s32 $0xF6E0, s4  }
0x3ed: {  	[spmem:s9] =	stream.linear.scatter [tilespmem:s7], [sflag:$0x1], $0xA0, $0x38;
	[tilespmem:$0x1F500] =	vst v63  }
0x3ee: {  	s9 =	sld [smem:$0x7F2];
	_ =	sdelay $0x1  }
0x3ef: {  	s7 =	sadd.s32 $0x5780, s4  }
0x3f0: {  	[spmem:s9] =	stream.linear.scatter [tilespmem:s7], [sflag:$0x1], $0xA0, $0x38;
	[tilespmem:$0x1F500] =	vst v63  }
0x3f1: {  	s9 =	sld [smem:$0x7F3];
	_ =	sdelay $0x1  }
0x3f2: {  	s7 =	sadd.s32 $0xF780, s4  }
0x3f3: {  	[spmem:s9] =	stream.linear.scatter [tilespmem:s7], [sflag:$0x1], $0xA0, $0x38;
	[tilespmem:$0x1F500] =	vst v63  }
0x3f4: {  	s9 =	sld [smem:$0x7F4];
	_ =	sdelay $0x1  }
0x3f5: {  	s7 =	sadd.s32 $0x5820, s4  }
0x3f6: {  	[spmem:s9] =	stream.linear.scatter [tilespmem:s7], [sflag:$0x1], $0xA0, $0x38;
	[tilespmem:$0x1F500] =	vst v63  }
0x3f7: {  	s9 =	sld [smem:$0x7F5];
	_ =	sdelay $0x1  }
0x3f8: {  	s7 =	sadd.s32 $0xF820, s4  }
0x3f9: {  	[spmem:s9] =	stream.linear.scatter [tilespmem:s7], [sflag:$0x1], $0xA0, $0x38;
	[tilespmem:$0x1F500] =	vst v63  }
0x3fa: {  	s9 =	sld [smem:$0x7F6];
	_ =	sdelay $0x1  }
0x3fb: {  	s7 =	sadd.s32 $0x58C0, s4  }
0x3fc: {  	[spmem:s9] =	stream.linear.scatter [tilespmem:s7], [sflag:$0x1], $0xA0, $0x38;
	[tilespmem:$0x1F500] =	vst v63  }
0x3fd: {  	s9 =	sld [smem:$0x7F7];
	_ =	sdelay $0x1  }
0x3fe: {  	s7 =	sadd.s32 $0xF8C0, s4  }
0x3ff: {  	[spmem:s9] =	stream.linear.scatter [tilespmem:s7], [sflag:$0x1], $0xA0, $0x38;
	[tilespmem:$0x1F500] =	vst v63  }
0x400: {  	s9 =	sld [smem:$0x7F8];
	_ =	sdelay $0x1  }
0x401: {  	s7 =	sadd.s32 $0x5960, s4  }
0x402: {  	[spmem:s9] =	stream.linear.scatter [tilespmem:s7], [sflag:$0x1], $0xA0, $0x38;
	[tilespmem:$0x1F500] =	vst v63  }
0x403: {  	s7 =	sld [smem:$0x7F9];
	_ =	sdelay $0x1  }
0x404: {  	s4 =	sadd.s32 $0xF960, s4  }
0x405: {  	[spmem:s7] =	stream.linear.scatter [tilespmem:s4], [sflag:$0x1], $0xA0, $0x38;
	[tilespmem:$0x1F500] =	vst v63  }
0x406: {  	_ =	swait.ge [sflag:s18], $0xA0  }
0x407: {  	[sflag:s18] =	ssyncset.done $0x0  }
0x408: {  	[sflag:s18] =	ssyncadd.s32 $0xFFFFFF60  }
0x409: {  	_ =	swait.ge [sflag:s18], $0xA0  }
0x40a: {  	[sflag:s18] =	ssyncset.done $0x0  }
0x40b: {  	[sflag:s18] =	ssyncadd.s32 $0xFFFFFF60  }
0x40c: {  	_ =	swait.ge [sflag:s18], $0xA0  }
0x40d: {  	[sflag:s18] =	ssyncset.done $0x0  }
0x40e: {  	[sflag:s18] =	ssyncadd.s32 $0xFFFFFF60  }
0x40f: {  	_ =	swait.ge [sflag:s18], $0xA0  }
0x410: {  	[sflag:s18] =	ssyncset.done $0x0  }
0x411: {  	[sflag:s18] =	ssyncadd.s32 $0xFFFFFF60  }
0x412: {  	_ =	swait.ge [sflag:s18], $0xA0  }
0x413: {  	[sflag:s18] =	ssyncset.done $0x0  }
0x414: {  	[sflag:s18] =	ssyncadd.s32 $0xFFFFFF60  }
0x415: {  	_ =	swait.ge [sflag:s18], $0xA0  }
0x416: {  	[sflag:s18] =	ssyncset.done $0x0  }
0x417: {  	[sflag:s18] =	ssyncadd.s32 $0xFFFFFF60  }
0x418: {  	_ =	swait.ge [sflag:s18], $0xA0  }
0x419: {  	[sflag:s18] =	ssyncset.done $0x0  }
0x41a: {  	[sflag:s18] =	ssyncadd.s32 $0xFFFFFF60  }
0x41b: {  	_ =	swait.ge [sflag:s18], $0xA0  }
0x41c: {  	[sflag:s18] =	ssyncset.done $0x0  }
0x41d: {  	[sflag:s18] =	ssyncadd.s32 $0xFFFFFF60  }
0x41e: {  	_ =	swait.ge [sflag:s18], $0xA0  }
0x41f: {  	[sflag:s18] =	ssyncset.done $0x0  }
0x420: {  	[sflag:s18] =	ssyncadd.s32 $0xFFFFFF60  }
0x421: {  	_ =	swait.ge [sflag:s18], $0xA0  }
0x422: {  	[sflag:s18] =	ssyncset.done $0x0  }
0x423: {  	[sflag:s18] =	ssyncadd.s32 $0xFFFFFF60  }
0x424: {  	_ =	swait.ge [sflag:s18], $0xA0  }
0x425: {  	[sflag:s18] =	ssyncset.done $0x0  }
0x426: {  	[sflag:s18] =	ssyncadd.s32 $0xFFFFFF60  }
0x427: {  	_ =	swait.ge [sflag:s18], $0xA0  }
0x428: {  	[sflag:s18] =	ssyncset.done $0x0  }
0x429: {  	[sflag:s18] =	ssyncadd.s32 $0xFFFFFF60  }
0x42a: {  	_ =	swait.ge [sflag:s18], $0xA0  }
0x42b: {  	[sflag:s18] =	ssyncset.done $0x0  }
0x42c: {  	[sflag:s18] =	ssyncadd.s32 $0xFFFFFF60  }
0x42d: {  	_ =	swait.ge [sflag:s18], $0xA0  }
0x42e: {  	[sflag:s18] =	ssyncset.done $0x0  }
0x42f: {  	[sflag:s18] =	ssyncadd.s32 $0xFFFFFF60  }
0x430: {  	_ =	swait.ge [sflag:s18], $0xA0  }
0x431: {  	[sflag:s18] =	ssyncset.done $0x0  }
0x432: {  	[sflag:s18] =	ssyncadd.s32 $0xFFFFFF60  }
0x433: {  	_ =	swait.ge [sflag:s18], $0xA0  }
0x434: {  	[sflag:s18] =	ssyncset.done $0x0  }
0x435: {  	[sflag:s18] =	ssyncadd.s32 $0xFFFFFF60  }
0x436: {  	_ =	swait.ge [sflag:s18], $0xA0  }
0x437: {  	[sflag:s18] =	ssyncset.done $0x0  }
0x438: {  	[sflag:s18] =	ssyncadd.s32 $0xFFFFFF60  }
0x439: {  	_ =	swait.ge [sflag:s18], $0xA0  }
0x43a: {  	[sflag:s18] =	ssyncset.done $0x0  }
0x43b: {  	[sflag:s18] =	ssyncadd.s32 $0xFFFFFF60  }
0x43c: {  	_ =	swait.ge [sflag:s18], $0xA0  }
0x43d: {  	[sflag:s18] =	ssyncset.done $0x0  }
0x43e: {  	[sflag:s18] =	ssyncadd.s32 $0xFFFFFF60  }
0x43f: {  	_ =	swait.ge [sflag:s18], $0xA0  }
0x440: {  	[sflag:s18] =	ssyncset.done $0x0  }
0x441: {  	[sflag:s18] =	ssyncadd.s32 $0xFFFFFF60  }
0x442: {  	_ =	swait.ge [sflag:s18], $0xA0  }
0x443: {  	[sflag:s18] =	ssyncset.done $0x0  }
0x444: {  	[sflag:s18] =	ssyncadd.s32 $0xFFFFFF60  }
0x445: {  	_ =	swait.ge [sflag:s18], $0xA0  }
0x446: {  	[sflag:s18] =	ssyncset.done $0x0  }
0x447: {  	[sflag:s18] =	ssyncadd.s32 $0xFFFFFF60  }
0x448: {  	_ =	swait.ge [sflag:s18], $0xA0  }
0x449: {  	[sflag:s18] =	ssyncset.done $0x0  }
0x44a: {  	[sflag:s18] =	ssyncadd.s32 $0xFFFFFF60  }
0x44b: {  	_ =	swait.ge [sflag:s18], $0xA0  }
0x44c: {  	[sflag:s18] =	ssyncset.done $0x0  }
0x44d: {  	[sflag:s18] =	ssyncadd.s32 $0xFFFFFF60  }
0x44e: {  	_ =	swait.ge [sflag:s18], $0xA0  }
0x44f: {  	[sflag:s18] =	ssyncset.done $0x0  }
0x450: {  	[sflag:s18] =	ssyncadd.s32 $0xFFFFFF60  }
0x451: {  	_ =	swait.ge [sflag:s18], $0xA0  }
0x452: {  	[sflag:s18] =	ssyncset.done $0x0  }
0x453: {  	[sflag:s18] =	ssyncadd.s32 $0xFFFFFF60  }
0x454: {  	_ =	swait.ge [sflag:s18], $0xA0  }
0x455: {  	[sflag:s18] =	ssyncset.done $0x0  }
0x456: {  	[sflag:s18] =	ssyncadd.s32 $0xFFFFFF60  }
0x457: {  	_ =	swait.ge [sflag:s18], $0xA0  }
0x458: {  	[sflag:s18] =	ssyncset.done $0x0  }
0x459: {  	[sflag:s18] =	ssyncadd.s32 $0xFFFFFF60  }
0x45a: {  	_ =	swait.ge [sflag:s18], $0xA0  }
0x45b: {  	[sflag:s18] =	ssyncset.done $0x0  }
0x45c: {  	[sflag:s18] =	ssyncadd.s32 $0xFFFFFF60  }
0x45d: {  	_ =	swait.ge [sflag:s18], $0xA0  }
0x45e: {  	[sflag:s18] =	ssyncset.done $0x0  }
0x45f: {  	[sflag:s18] =	ssyncadd.s32 $0xFFFFFF60  }
0x460: {  	_ =	swait.ge [sflag:s18], $0xA0  }
0x461: {  	[sflag:s18] =	ssyncset.done $0x0  }
0x462: {  	[sflag:s18] =	ssyncadd.s32 $0xFFFFFF60  }
0x463: {  	_ =	swait.ge [sflag:s18], $0xA0  }
0x464: {  	[sflag:s18] =	ssyncset.done $0x0  }
0x465: {  	[sflag:s18] =	ssyncadd.s32 $0xFFFFFF60  }
0x466: {  	[bflag:$0x0] =	sbarrier.arrive $0xFFFF  }
0x467: {  	[tilespmem:s3], [sflag:$0x4] =	stream.linear.gather [spmem:s10], $0xA00, $0x38;
	[tilespmem:$0x1F500] =	vst v63  }
0x468: {  	_ =	swait.ge [sflag:s12], $0xA00  }
0x469: {  	[sflag:s12] =	ssyncset.done $0x0  }
0x46a: {  	s9 =	smul.u32 $0x28, s0;
	s4 =	simm.s32 $0x1C2A0;
	[sflag:s12] =	ssyncadd.s32 $0xFFFFF600  }
0x46b: {  	v10 =	vld [tilespmem:s4+$0xFFFFFA60]  }
0x46c: {  	v9 =	vmov s9;
	s9 =	simm.s32 $0x10;
	s7 =	simm.s32 $0x0;
	v11 =	vld [tilespmem:s4+$0xFFFFFB00]  }
.LBB2_19:
0x46d: {  	p1 =	sne.s32 s9, $0x90;
	v12 =	vld [tilespmem:s4+$0xFFFFFBA0]  }
0x46e: {  	s2 =	sand.u32 $0xF0, s7;
	v13 =	vld [tilespmem:s4+$0xFFFFFC40]  }
0x46f: {  	v14 =	vld [tilespmem:s2+$0x1BF80]  }
0x470: {  	v15 =	vld [tilespmem:s4+$0xFFFFFD80]  }
0x471: {  	vm1 =	veq.f32 v11, $1.000000020e+30;
	v16 =	vld [tilespmem:s4+$0xFFFFFE20]  }
0x472: {  	v10 =	vsel vm1, v10, v11;
	vm1 =	veq.f32 v12, $1.000000020e+30;
	v11 =	vld [tilespmem:s4+$0xFFFFFEC0]  }
0x473: {  	v10 =	vsel vm1, v10, v12;
	vm1 =	veq.f32 v13, $1.000000020e+30;
	v12 =	vld [tilespmem:s2+$0x1C200]  }
0x474: {  	v10 =	vsel vm1, v10, v13;
	vm1 =	veq.f32 v14, $1.000000020e+30;
	v13 =	vld [tilespmem:s4+$0x0]  }
0x475: {  	v10 =	vsel vm1, v10, v14;
	vm1 =	veq.f32 v15, $1.000000020e+30;
	v14 =	vld [tilespmem:s4+$0xA0]  }
0x476: {  	v10 =	vsel vm1, v10, v15;
	vm1 =	veq.f32 v16, $1.000000020e+30;
	v15 =	vld [tilespmem:s4+$0x140]  }
0x477: {  	v10 =	vsel vm1, v10, v16;
	vm1 =	veq.f32 v11, $1.000000020e+30;
	v16 =	vld [tilespmem:s2+$0x1C480]  }
0x478: {  	v17 =	vor.u32 s7, v3;
	s7 =	smov.u32 s9;
	v10 =	vsel vm1, v10, v11;
	vm1 =	veq.f32 v12, $1.000000020e+30;
	v11 =	vld [tilespmem:s4+$0x280]  }
0x479: {  	v17 =	vshrl.u32 v17, $0x2;
	v10 =	vsel vm1, v10, v12;
	vm1 =	veq.f32 v13, $1.000000020e+30;
	v12 =	vld [tilespmem:s4+$0x320]  }
0x47a: {  	v17 =	vadd.s32 v9, v17;
	v10 =	vsel vm1, v10, v13;
	vm1 =	veq.f32 v14, $1.000000020e+30;
	v13 =	vld [tilespmem:s4+$0x3C0]  }
0x47b: {  	v10 =	vsel vm1, v10, v14;
	vm1 =	veq.f32 v15, $1.000000020e+30;
	v14 =	vshll.u32 v17, $0x3  }
0x47c: {  	v10 =	vsel vm1, v10, v15;
	vm1 =	veq.f32 v16, $1.000000020e+30;
	v14 =	vor.u32 v8, v14  }
0x47d: {  	v10 =	vsel vm1, v10, v16;
	vm1 =	veq.f32 v11, $1.000000020e+30  }
0x47e: {  	v10 =	vsel vm1, v10, v11;
	vm1 =	veq.f32 v12, $1.000000020e+30  }
.Ltmp8:
0x47f: {  	v10 =	vsel vm1, v10, v12;
	vm1 =	veq.f32 v13, $1.000000020e+30;
	(pc) =	sbr.rel @p1 .LBB2_19-.Ltmp8, $4  }
0x480: {  	v10 =	vsel vm1, v10, v13  }
0x481: {  	s4 =	sadd.s32 $0x10, s4;
	[tilespmem:v14+s15+$0x0] =	vst.idx.msk $0xffff, v10  }
0x482: {  	v10 =	vld [tilespmem:s4+$0xFFFFFA60]  }
0x483: {  	s9 =	sadd.s32 $0x10, s9;
	v11 =	vld [tilespmem:s4+$0xFFFFFB00]  }
0x484: {  	v12 =	vld [tilespmem:s4+$0xFFFFFBA0]  }
0x485: {  	v13 =	vld [tilespmem:s4+$0xFFFFFC40];
	s2 =	sand.u32 $0xF0, s7  }
0x486: {  	v14 =	vld [tilespmem:s2+$0x1BF80]  }
0x487: {  	v15 =	vld [tilespmem:s4+$0xFFFFFD80]  }
0x488: {  	v16 =	vld [tilespmem:s4+$0xFFFFFE20];
	vm1 =	veq.f32 v11, $1.000000020e+30  }
0x489: {  	v10 =	vsel vm1, v10, v11;
	vm1 =	veq.f32 v12, $1.000000020e+30;
	v11 =	vld [tilespmem:s4+$0xFFFFFEC0]  }
0x48a: {  	v10 =	vsel vm1, v10, v12;
	vm1 =	veq.f32 v13, $1.000000020e+30;
	v12 =	vld [tilespmem:s2+$0x1C200]  }
0x48b: {  	v10 =	vsel vm1, v10, v13;
	vm1 =	veq.f32 v14, $1.000000020e+30;
	v13 =	vld [tilespmem:s4+$0x0]  }
0x48c: {  	v10 =	vsel vm1, v10, v14;
	vm1 =	veq.f32 v15, $1.000000020e+30;
	v14 =	vld [tilespmem:s4+$0xA0]  }
0x48d: {  	v10 =	vsel vm1, v10, v15;
	vm1 =	veq.f32 v16, $1.000000020e+30;
	v15 =	vld [tilespmem:s4+$0x140]  }
0x48e: {  	v63 =	vld [tilespmem:s2+$0x1C480];
	v10 =	vsel vm1, v10, v16;
	vm1 =	veq.f32 v11, $1.000000020e+30  }
0x48f: {  	v17 =	vor.u32 s7, v3;
	v10 =	vsel vm1, v10, v11;
	vm1 =	veq.f32 v12, $1.000000020e+30;
	v11 =	vld [tilespmem:s4+$0x280]  }
0x490: {  	v17 =	vshrl.u32 v17, $0x2;
	v10 =	vsel vm1, v10, v12;
	vm1 =	veq.f32 v13, $1.000000020e+30;
	v12 =	vld [tilespmem:s4+$0x320]  }
0x491: {  	v17 =	vadd.s32 v9, v17;
	v10 =	vsel vm1, v10, v13;
	vm1 =	veq.f32 v14, $1.000000020e+30;
	v13 =	vld [tilespmem:s4+$0x3C0]  }
0x492: {  	v10 =	vsel vm1, v10, v14;
	vm1 =	veq.f32 v15, $1.000000020e+30;
	v14 =	vshll.u32 v17, $0x3  }
0x493: {  	v10 =	vsel vm1, v10, v15;
	vm1 =	veq.f32 v63, $1.000000020e+30;
	v14 =	vor.u32 v8, v14  }
0x494: {  	v10 =	vsel vm1, v10, v63;
	vm1 =	veq.f32 v11, $1.000000020e+30  }
0x495: {  	v10 =	vsel vm1, v10, v11;
	vm1 =	veq.f32 v12, $1.000000020e+30  }
0x496: {  	s9 =	sld [smem:$0x7FA];
	v10 =	vsel vm1, v10, v12;
	vm1 =	veq.f32 v13, $1.000000020e+30  }
0x497: {  	v10 =	vsel vm1, v10, v13  }
0x498: {  	[tilespmem:v14+s15+$0x0] =	vst.idx.msk $0xffff, v10  }
0x499: {  	[tilespmem:s3], [sflag:$0x4] =	stream.linear.gather [spmem:s9], $0xA00, $0x38;
	[tilespmem:$0x1F500] =	vst v63  }
0x49a: {  	_ =	swait.ge [sflag:s12], $0xA00  }
0x49b: {  	[sflag:s12] =	ssyncset.done $0x0  }
0x49c: {  	s4 =	simm.s32 $0x1C2A0;
	[sflag:s12] =	ssyncadd.s32 $0xFFFFF600  }
0x49d: {  	v11 =	vld [tilespmem:s4+$0xFFFFFA60]  }
0x49e: {  	s7 =	simm.s32 $0x0;
	s9 =	simm.s32 $0x10;
	v12 =	vld [tilespmem:s4+$0xFFFFFB00]  }
.LBB2_21:
0x49f: {  	p1 =	sne.s32 s9, $0x90;
	v10 =	vld [tilespmem:s4+$0xFFFFFBA0]  }
0x4a0: {  	s2 =	sand.u32 $0xF0, s7;
	v13 =	vld [tilespmem:s4+$0xFFFFFC40]  }
0x4a1: {  	v14 =	vld [tilespmem:s2+$0x1BF80]  }
0x4a2: {  	v15 =	vld [tilespmem:s4+$0xFFFFFD80]  }
0x4a3: {  	vm1 =	veq.f32 v12, $1.000000020e+30;
	v16 =	vld [tilespmem:s4+$0xFFFFFE20]  }
0x4a4: {  	v11 =	vsel vm1, v11, v12;
	vm1 =	veq.f32 v10, $1.000000020e+30;
	v12 =	vld [tilespmem:s4+$0xFFFFFEC0]  }
0x4a5: {  	v10 =	vsel vm1, v11, v10;
	vm1 =	veq.f32 v13, $1.000000020e+30;
	v11 =	vld [tilespmem:s2+$0x1C200]  }
0x4a6: {  	v10 =	vsel vm1, v10, v13;
	vm1 =	veq.f32 v14, $1.000000020e+30;
	v13 =	vld [tilespmem:s4+$0x0]  }
0x4a7: {  	v10 =	vsel vm1, v10, v14;
	vm1 =	veq.f32 v15, $1.000000020e+30;
	v14 =	vld [tilespmem:s4+$0xA0]  }
0x4a8: {  	v10 =	vsel vm1, v10, v15;
	vm1 =	veq.f32 v16, $1.000000020e+30;
	v15 =	vld [tilespmem:s4+$0x140]  }
0x4a9: {  	v16 =	vsel vm1, v10, v16;
	vm1 =	veq.f32 v12, $1.000000020e+30;
	v17 =	vld [tilespmem:s2+$0x1C480];
	v10 =	vor.u32 $0x4, v8  }
0x4aa: {  	v18 =	vor.u32 s7, v3;
	s7 =	smov.u32 s9;
	v12 =	vsel vm1, v16, v12;
	vm1 =	veq.f32 v11, $1.000000020e+30;
	v16 =	vld [tilespmem:s4+$0x280]  }
0x4ab: {  	v18 =	vshrl.u32 v18, $0x2;
	v11 =	vsel vm1, v12, v11;
	vm1 =	veq.f32 v13, $1.000000020e+30;
	v12 =	vld [tilespmem:s4+$0x320]  }
0x4ac: {  	v18 =	vadd.s32 v9, v18;
	v11 =	vsel vm1, v11, v13;
	vm1 =	veq.f32 v14, $1.000000020e+30;
	v13 =	vld [tilespmem:s4+$0x3C0]  }
0x4ad: {  	v11 =	vsel vm1, v11, v14;
	vm1 =	veq.f32 v15, $1.000000020e+30;
	v14 =	vshll.u32 v18, $0x3  }
0x4ae: {  	v11 =	vsel vm1, v11, v15;
	vm1 =	veq.f32 v17, $1.000000020e+30;
	v14 =	vor.u32 v10, v14  }
0x4af: {  	v11 =	vsel vm1, v11, v17;
	vm1 =	veq.f32 v16, $1.000000020e+30  }
0x4b0: {  	v11 =	vsel vm1, v11, v16;
	vm1 =	veq.f32 v12, $1.000000020e+30  }
.Ltmp9:
0x4b1: {  	v11 =	vsel vm1, v11, v12;
	vm1 =	veq.f32 v13, $1.000000020e+30;
	(pc) =	sbr.rel @p1 .LBB2_21-.Ltmp9, $4  }
0x4b2: {  	v11 =	vsel vm1, v11, v13  }
0x4b3: {  	s4 =	sadd.s32 $0x10, s4;
	[tilespmem:v14+s15+$0x0] =	vst.idx.msk $0xffff, v11  }
0x4b4: {  	v11 =	vld [tilespmem:s4+$0xFFFFFA60]  }
0x4b5: {  	s9 =	sadd.s32 $0x10, s9;
	v12 =	vld [tilespmem:s4+$0xFFFFFB00]  }
0x4b6: {  	v13 =	vld [tilespmem:s4+$0xFFFFFBA0]  }
0x4b7: {  	v14 =	vld [tilespmem:s4+$0xFFFFFC40];
	s2 =	sand.u32 $0xF0, s7  }
0x4b8: {  	v15 =	vld [tilespmem:s2+$0x1BF80]  }
0x4b9: {  	v16 =	vld [tilespmem:s4+$0xFFFFFD80]  }
0x4ba: {  	v17 =	vld [tilespmem:s4+$0xFFFFFE20];
	vm1 =	veq.f32 v12, $1.000000020e+30  }
0x4bb: {  	v55 =	vld [tilespmem:s4+$0xFFFFFEC0];
	v11 =	vsel vm1, v11, v12;
	vm1 =	veq.f32 v13, $1.000000020e+30  }
0x4bc: {  	v56 =	vld [tilespmem:s2+$0x1C200];
	v11 =	vsel vm1, v11, v13;
	vm1 =	veq.f32 v14, $1.000000020e+30  }
0x4bd: {  	v57 =	vld [tilespmem:s4+$0x0];
	v11 =	vsel vm1, v11, v14;
	vm1 =	veq.f32 v15, $1.000000020e+30  }
0x4be: {  	v58 =	vld [tilespmem:s4+$0xA0];
	v11 =	vsel vm1, v11, v15;
	vm1 =	veq.f32 v16, $1.000000020e+30  }
0x4bf: {  	v59 =	vld [tilespmem:s4+$0x140];
	v11 =	vsel vm1, v11, v16;
	vm1 =	veq.f32 v17, $1.000000020e+30  }
0x4c0: {  	v60 =	vld [tilespmem:s2+$0x1C480];
	v11 =	vsel vm1, v11, v17;
	vm1 =	veq.f32 v55, $1.000000020e+30  }
0x4c1: {  	v61 =	vld [tilespmem:s4+$0x280];
	v18 =	vor.u32 s7, v3;
	v11 =	vsel vm1, v11, v55;
	vm1 =	veq.f32 v56, $1.000000020e+30  }
0x4c2: {  	v62 =	vld [tilespmem:s4+$0x320];
	v18 =	vshrl.u32 v18, $0x2;
	v11 =	vsel vm1, v11, v56;
	vm1 =	veq.f32 v57, $1.000000020e+30  }
0x4c3: {  	v63 =	vld [tilespmem:s4+$0x3C0];
	v9 =	vadd.s32 v9, v18;
	v11 =	vsel vm1, v11, v57;
	vm1 =	veq.f32 v58, $1.000000020e+30  }
0x4c4: {  	v9 =	vshll.u32 v9, $0x3;
	v11 =	vsel vm1, v11, v58;
	vm1 =	veq.f32 v59, $1.000000020e+30  }
0x4c5: {  	v9 =	vor.u32 v10, v9;
	v11 =	vsel vm1, v11, v59;
	vm1 =	veq.f32 v60, $1.000000020e+30  }
0x4c6: {  	s0 =	sadd.s32 $0x1, s0;
	v10 =	vsel vm1, v11, v60;
	vm1 =	veq.f32 v61, $1.000000020e+30  }
0x4c7: {  	p1 =	sne.s32 s0, $0x10;
	v10 =	vsel vm1, v10, v61;
	vm1 =	veq.f32 v62, $1.000000020e+30  }
.Ltmp10:
0x4c8: {  	v10 =	vsel vm1, v10, v62;
	vm1 =	veq.f32 v63, $1.000000020e+30;
	(pc) =	sbr.rel @p1 .LBB2_18-.Ltmp10, $3  }
0x4c9: {  	v10 =	vsel vm1, v10, v63  }
0x4ca: {  	[tilespmem:v9+s15+$0x0] =	vst.idx.msk $0xffff, v10  }
0x4cb: {  	[bflag:$0x0] =	sbarrier.arrive $0xFFFF;
	_ =	sdelay $0x1  }
0x4cc: {  	s0 =	rddreg [dreg:$0xf]  }
0x4cd: {  	s31 =	rddreg [dreg:$0x1b]  }
0x4ce: {  	[hbm4b:s0+s6] =	stream.linear.scatter [tilespmem:s15], [sflag:$0x1], $0x140, $0x38;
	[tilespmem:$0x1F500] =	vst v63  }
0x4cf: {  	s2 =	simm.s32 $0x1A540;
	s4 =	rddreg [dreg:$0x1d]  }
0x4d0: {  	[hbm4b:s31+s6] =	stream.linear.scatter [tilespmem:s2], [sflag:$0x1], $0x140, $0x38;
	[tilespmem:$0x1F500] =	vst v63  }
0x4d1: {  	s3 =	simm.s32 $0x1A680;
	s2 =	rddreg [dreg:$0x1c]  }
0x4d2: {  	[hbm4b:s2+s6] =	stream.linear.scatter [tilespmem:s3], [sflag:$0x1], $0x140, $0x38;
	[tilespmem:$0x1F500] =	vst v63  }
0x4d3: {  	s7 =	simm.s32 $0x1A7C0;
	s8 =	rddreg [dreg:$0x1e]  }
0x4d4: {  	[hbm4b:s4+s6] =	stream.linear.scatter [tilespmem:s7], [sflag:$0x1], $0x140, $0x38;
	[tilespmem:$0x1F500] =	vst v63  }
0x4d5: {  	s9 =	simm.s32 $0x1A900;
	s10 =	rddreg [dreg:$0x1f]  }
0x4d6: {  	[hbm4b:s8+s6] =	stream.linear.scatter [tilespmem:s9], [sflag:$0x1], $0x140, $0x38;
	[tilespmem:$0x1F500] =	vst v63  }
0x4d7: {  	s24 =	simm.s32 $0x1AA40;
	s30 =	sld [smem:$0x7CE]  }
0x4d8: {  	[hbm4b:s10+s6] =	stream.linear.scatter [tilespmem:s24], [sflag:$0x1], $0x140, $0x38;
	[tilespmem:$0x1F500] =	vst v63  }
0x4d9: {  	s31 =	simm.s32 $0x1AB80;
	s2 =	sld [smem:$0x7CF]  }
0x4da: {  	[hbm4b:s30+s6] =	stream.linear.scatter [tilespmem:s31], [sflag:$0x1], $0x140, $0x38;
	[tilespmem:$0x1F500] =	vst v63  }
0x4db: {  	s3 =	simm.s32 $0x1ACC0;
	s4 =	sld [smem:$0x7D0]  }
0x4dc: {  	[hbm4b:s2+s6] =	stream.linear.scatter [tilespmem:s3], [sflag:$0x1], $0x140, $0x38;
	[tilespmem:$0x1F500] =	vst v63  }
0x4dd: {  	s7 =	simm.s32 $0x1AE00;
	s8 =	sld [smem:$0x7D1]  }
0x4de: {  	[hbm4b:s4+s6] =	stream.linear.scatter [tilespmem:s7], [sflag:$0x1], $0x140, $0x38;
	[tilespmem:$0x1F500] =	vst v63  }
0x4df: {  	s9 =	simm.s32 $0x1AF40;
	s10 =	sld [smem:$0x7D2]  }
0x4e0: {  	[hbm4b:s8+s6] =	stream.linear.scatter [tilespmem:s9], [sflag:$0x1], $0x140, $0x38;
	[tilespmem:$0x1F500] =	vst v63  }
0x4e1: {  	s24 =	simm.s32 $0x1B080;
	s30 =	sld [smem:$0x7D3]  }
0x4e2: {  	[hbm4b:s10+s6] =	stream.linear.scatter [tilespmem:s24], [sflag:$0x1], $0x140, $0x38;
	[tilespmem:$0x1F500] =	vst v63  }
0x4e3: {  	s31 =	simm.s32 $0x1B1C0;
	s2 =	sld [smem:$0x7D4]  }
0x4e4: {  	[hbm4b:s30+s6] =	stream.linear.scatter [tilespmem:s31], [sflag:$0x1], $0x140, $0x38;
	[tilespmem:$0x1F500] =	vst v63  }
0x4e5: {  	s3 =	simm.s32 $0x1B300;
	s4 =	sld [smem:$0x7D5]  }
0x4e6: {  	[hbm4b:s2+s6] =	stream.linear.scatter [tilespmem:s3], [sflag:$0x1], $0x140, $0x38;
	[tilespmem:$0x1F500] =	vst v63  }
0x4e7: {  	s7 =	simm.s32 $0x1B440;
	s8 =	sld [smem:$0x7D6]  }
0x4e8: {  	[hbm4b:s4+s6] =	stream.linear.scatter [tilespmem:s7], [sflag:$0x1], $0x140, $0x38;
	[tilespmem:$0x1F500] =	vst v63  }
0x4e9: {  	s9 =	simm.s32 $0x1B580;
	s10 =	sld [smem:$0x7D7]  }
0x4ea: {  	[hbm4b:s8+s6] =	stream.linear.scatter [tilespmem:s9], [sflag:$0x1], $0x140, $0x38;
	[tilespmem:$0x1F500] =	vst v63  }
0x4eb: {  	s24 =	simm.s32 $0x1B6C0  }
0x4ec: {  	[hbm4b:s10+s6] =	stream.linear.scatter [tilespmem:s24], [sflag:$0x1], $0x140, $0x38;
	[tilespmem:$0x1F500] =	vst v63  }
0x4ed: {  	_ =	swait.ge [sflag:s18], $0x140  }
0x4ee: {  	[sflag:s18] =	ssyncset.done $0x0  }
0x4ef: {  	[sflag:s18] =	ssyncadd.s32 $0xFFFFFEC0  }
0x4f0: {  	_ =	swait.ge [sflag:s18], $0x140  }
0x4f1: {  	[sflag:s18] =	ssyncset.done $0x0  }
0x4f2: {  	[sflag:s18] =	ssyncadd.s32 $0xFFFFFEC0  }
0x4f3: {  	_ =	swait.ge [sflag:s18], $0x140  }
0x4f4: {  	[sflag:s18] =	ssyncset.done $0x0  }
0x4f5: {  	[sflag:s18] =	ssyncadd.s32 $0xFFFFFEC0  }
0x4f6: {  	_ =	swait.ge [sflag:s18], $0x140  }
0x4f7: {  	[sflag:s18] =	ssyncset.done $0x0  }
0x4f8: {  	[sflag:s18] =	ssyncadd.s32 $0xFFFFFEC0  }
0x4f9: {  	_ =	swait.ge [sflag:s18], $0x140  }
0x4fa: {  	[sflag:s18] =	ssyncset.done $0x0  }
0x4fb: {  	[sflag:s18] =	ssyncadd.s32 $0xFFFFFEC0  }
0x4fc: {  	_ =	swait.ge [sflag:s18], $0x140  }
0x4fd: {  	[sflag:s18] =	ssyncset.done $0x0  }
0x4fe: {  	[sflag:s18] =	ssyncadd.s32 $0xFFFFFEC0  }
0x4ff: {  	_ =	swait.ge [sflag:s18], $0x140  }
0x500: {  	[sflag:s18] =	ssyncset.done $0x0  }
0x501: {  	[sflag:s18] =	ssyncadd.s32 $0xFFFFFEC0  }
0x502: {  	_ =	swait.ge [sflag:s18], $0x140  }
0x503: {  	[sflag:s18] =	ssyncset.done $0x0  }
0x504: {  	[sflag:s18] =	ssyncadd.s32 $0xFFFFFEC0  }
0x505: {  	_ =	swait.ge [sflag:s18], $0x140  }
0x506: {  	[sflag:s18] =	ssyncset.done $0x0  }
0x507: {  	[sflag:s18] =	ssyncadd.s32 $0xFFFFFEC0  }
0x508: {  	_ =	swait.ge [sflag:s18], $0x140  }
0x509: {  	[sflag:s18] =	ssyncset.done $0x0  }
0x50a: {  	[sflag:s18] =	ssyncadd.s32 $0xFFFFFEC0  }
0x50b: {  	_ =	swait.ge [sflag:s18], $0x140  }
0x50c: {  	[sflag:s18] =	ssyncset.done $0x0  }
0x50d: {  	[sflag:s18] =	ssyncadd.s32 $0xFFFFFEC0  }
0x50e: {  	_ =	swait.ge [sflag:s18], $0x140  }
0x50f: {  	[sflag:s18] =	ssyncset.done $0x0  }
0x510: {  	[sflag:s18] =	ssyncadd.s32 $0xFFFFFEC0  }
0x511: {  	_ =	swait.ge [sflag:s18], $0x140  }
0x512: {  	[sflag:s18] =	ssyncset.done $0x0  }
0x513: {  	[sflag:s18] =	ssyncadd.s32 $0xFFFFFEC0  }
0x514: {  	_ =	swait.ge [sflag:s18], $0x140  }
0x515: {  	[sflag:s18] =	ssyncset.done $0x0  }
0x516: {  	[sflag:s18] =	ssyncadd.s32 $0xFFFFFEC0  }
0x517: {  	_ =	swait.ge [sflag:s18], $0x140  }
0x518: {  	[sflag:s18] =	ssyncset.done $0x0  }
0x519: {  	[sflag:s18] =	ssyncadd.s32 $0xFFFFFEC0  }
0x51a: {  	_ =	swait.ge [sflag:s18], $0x140  }
0x51b: {  	s30 =	sld [smem:$0x7CD];
	_ =	sdelay $0x2  }
0x51c: {  	s31 =	rddreg [dreg:$0x1a];
	s2 =	sadd.s32 $0x1, s30  }
0x51d: {  	p1 =	sne.s32 s2, s31  }
.Ltmp11:
0x51e: {  	_ = 	snop;
	(pc) =	sbr.rel @p1 .LBB2_1-.Ltmp11, $3  }
0x51f: {  	_ =	sdelay $0x1  }
0x520: {  	[sflag:s18] =	ssyncset.done $0x0  }
0x521: {  	[sflag:s18] =	ssyncadd.s32 $0xFFFFFEC0  }
0x522: {  	_ =	sfence.sel $0x180000  }
0x523: {  	[bflag:$0x0] =	sbarrier.arrive $0xFFFF  }
0x524: {  	_ =	strace $0x90000047  }
0x525: {  	[bflag:$0x2] =	sbarrier.arrive $0xFFFF  }
0x526: {  	s0 =	rddreg [dreg:$0x6]  }
0x527: {  	s0 =	sadd.s32 @!p0 $0x100000, s0  }
0x528: {  	[sflag:s0] =	ssyncadd.tile.s32 @!p0 $0x1;
	_ =	shalt  }
.Lfunc_end2:
_tile_overlayer_lowered:
.L_overlay_start_2:
0x529: {  	(tag) =	ssettag $0x2  }
0x52a: {  	s0 =	rddreg [dreg:$0x0];
	s2 =	stileid.u32  }
0x52b: {  	s1 =	rddreg [dreg:$0x1];
	p0 =	sne.s32 s2, $0x0  }
0x52c: {  	s3 =	rddreg [dreg:$0x2];
	[bflag:$0x3] =	sbarrier.arrive $0xFFFF;
	s2 =	simm.s32 @!p0 $0x1C04  }
0x52d: {  	[timem:s3], [sflag:s2] =	dma.local @!p0 [hbm:s0], s1  }
0x52e: {  	s0 =	simm.s32 @!p0 $0x4  }
0x52f: {  	_ =	swait.ge @!p0 [sflag:s0], s1  }
0x530: {  	s1 =	ssub.s32 @!p0 $0x0, s1;
	[sflag:s0] =	ssyncset.done @!p0 $0x0  }
0x531: {  	[sflag:s0] =	ssyncadd.s32 @!p0 s1  }
0x532: {  	[bflag:$0x3] =	sbarrier.arrive $0xFFFF  }
0x533: {  	_ =	shalt  }

</sc_bundles>
